<compile_context>
chip_gen: v7x
topology: tpu7x:2x2x1
jax: 0.10.2.dev20260603
libtpu: 0.0.44.dev20260713+nightly
codegen_flags: <defaults>
</compile_context>

<pallas_src>
import functools

import jax
import jax.numpy as jnp
from jax import lax
from jax.experimental import pallas as pl
from jax.experimental.pallas import tpu as pltpu
from jax.experimental.pallas import tpu_sc as plsc

H = 128
N = 10000
E = 320000
EL = 100000

NC = 2
NS = 16
NW = NC * NS

EPW = E // NW
CH = 80
NCH = EPW // CH

ZR = 80
NZCH = N // ZR
NZIT = (NZCH + NS - 1) // NS

ELP = 102400
ELW = ELP // NW

_MESH = plsc.VectorSubcoreMesh(
    core_axis_name="c", subcore_axis_name="s", num_cores=NC, num_subcores=NS)


def _make_agg(d):

  def body(src2, dst2, x_r, out_r, srcv, dstv, rows_a, rows_b, acc,
           sem_a, sem_b):
    c = lax.axis_index("c")
    s = lax.axis_index("s")
    z16 = jnp.zeros((16,), jnp.float32)

    def gstart(j, buf, sem):
      return pltpu.async_copy(x_r.at[srcv.at[pl.ds(j * CH, CH)]], buf, sem)

    def gwait(j, buf, sem):
      pltpu.make_async_copy(x_r.at[srcv.at[pl.ds(j * CH, CH)]], buf,
                            sem).wait()

    def zrow(r, carry):
      for j in range(d // 16):
        rows_a[r, pl.ds(j * 16, 16)] = z16
      return carry

    lax.fori_loop(0, ZR, zrow, 0)

    def zchunk(k, carry):
      base = jnp.minimum((s + NS * k) * ZR, N - ZR)
      pltpu.sync_copy(rows_a.at[pl.ds(0, ZR)], acc.at[pl.ds(base, ZR)])
      return carry

    lax.fori_loop(0, NZIT, zchunk, 0)
    plsc.subcore_barrier()

    for r in range(2):
      pltpu.sync_copy(src2.at[c, r, s], srcv)
      pltpu.sync_copy(dst2.at[c, r, s], dstv)

      gstart(0, rows_a, sem_a)

      def pair(t, carry):
        j0 = 2 * t
        gstart(j0 + 1, rows_b, sem_b)
        gwait(j0, rows_a, sem_a)
        pltpu.sync_copy(rows_a, acc.at[dstv.at[j0]], add=True)
        gstart(j0 + 2, rows_a, sem_a)
        gwait(j0 + 1, rows_b, sem_b)
        pltpu.sync_copy(rows_b, acc.at[dstv.at[j0 + 1]], add=True)
        return carry

      lax.fori_loop(0, NCH // 2, pair, 0)
      gwait(NCH - 1, rows_a, sem_a)
      pltpu.sync_copy(rows_a, acc.at[dstv.at[NCH - 1]], add=True)

    plsc.subcore_barrier()

    def wchunk(t, carry):
      base = jnp.minimum((s + NS * t) * ZR, N - ZR)
      pltpu.sync_copy(acc.at[pl.ds(base, ZR)], out_r.at[c, pl.ds(base, ZR)])
      return carry

    lax.fori_loop(0, NZIT, wchunk, 0)

  return functools.partial(
      pl.kernel,
      out_type=jax.ShapeDtypeStruct((2, N, d), jnp.float32),
      mesh=_MESH,
      scratch_types=[
          pltpu.VMEM((EPW,), jnp.int32),
          pltpu.VMEM((NCH, CH), jnp.int32),
          pltpu.VMEM((CH, d), jnp.float32),
          pltpu.VMEM((CH, d), jnp.float32),
          pltpu.VMEM_SHARED((N, d), jnp.float32),
          pltpu.SemaphoreType.DMA,
          pltpu.SemaphoreType.DMA,
      ],
  )(body)


_agg128 = _make_agg(H)


def _sc_label_gather(rc2, eli2):

  def body(rc_r, eli_r, out_r, rcv, rpv, ic, ip, oc, op):
    c = lax.axis_index("c")
    s = lax.axis_index("s")
    wid = s * NC + c
    base = wid * ELW
    pltpu.sync_copy(rc_r.at[0], rcv)
    pltpu.sync_copy(rc_r.at[1], rpv)
    pltpu.sync_copy(eli_r.at[0, pl.ds(base, ELW)], ic)
    pltpu.sync_copy(eli_r.at[1, pl.ds(base, ELW)], ip)

    def gat(j, carry):
      o = j * 16
      oc[pl.ds(o, 16)] = plsc.load_gather(rcv, [ic[pl.ds(o, 16)]])
      op[pl.ds(o, 16)] = plsc.load_gather(rpv, [ip[pl.ds(o, 16)]])
      return carry

    lax.fori_loop(0, ELW // 16, gat, 0)
    pltpu.sync_copy(oc, out_r.at[0, pl.ds(base, ELW)])
    pltpu.sync_copy(op, out_r.at[1, pl.ds(base, ELW)])

  return pl.kernel(
      body,
      out_type=jax.ShapeDtypeStruct((2, ELP), jnp.float32),
      mesh=_MESH,
      compiler_params=pltpu.CompilerParams(needs_layout_passes=False),
      scratch_types=[
          pltpu.VMEM((N,), jnp.float32),
          pltpu.VMEM((N,), jnp.float32),
          pltpu.VMEM((ELW,), jnp.int32),
          pltpu.VMEM((ELW,), jnp.int32),
          pltpu.VMEM((ELW,), jnp.float32),
          pltpu.VMEM((ELW,), jnp.float32),
      ],
  )(rc2, eli2)


_BLK = 1000
_NBLK = N // _BLK


def _make_dense(din, act):

  def body(eps_r, x_r, agg_r, wa_r, ba_r, wb_r, bb_r, rw_r, rb_r, z_r, p_r):
    x = x_r[0]
    u = x * eps_r[0] + agg_r[0]
    t1 = act(jnp.dot(u, wa_r[0], preferred_element_type=jnp.float32)
             + ba_r[0, 0])
    z = (jnp.dot(t1, wb_r[0], preferred_element_type=jnp.float32) + bb_r[0, 0]
         + jnp.dot(x, rw_r[0], preferred_element_type=jnp.float32)
         + rb_r[0, 0])
    z_r[0] = z
    p_r[0, 0, 0:1, :] = jnp.sum(z, axis=0, keepdims=True)
    p_r[0, 0, 1:2, :] = jnp.sum(z * z, axis=0, keepdims=True)

  tsel = lambda g: g // _NBLK
  bsel = lambda g: g % _NBLK
  return pl.pallas_call(
      body,
      grid=(2 * _NBLK,),
      in_specs=[
          pl.BlockSpec((1, 1, 1), lambda g: (tsel(g), 0, 0)),
          pl.BlockSpec((1, _BLK, din), lambda g: (tsel(g), bsel(g), 0)),
          pl.BlockSpec((1, _BLK, din), lambda g: (tsel(g), bsel(g), 0)),
          pl.BlockSpec((1, din, H), lambda g: (tsel(g), 0, 0)),
          pl.BlockSpec((1, 1, H), lambda g: (tsel(g), 0, 0)),
          pl.BlockSpec((1, H, H), lambda g: (tsel(g), 0, 0)),
          pl.BlockSpec((1, 1, H), lambda g: (tsel(g), 0, 0)),
          pl.BlockSpec((1, din, H), lambda g: (tsel(g), 0, 0)),
          pl.BlockSpec((1, 1, H), lambda g: (tsel(g), 0, 0)),
      ],
      out_specs=[
          pl.BlockSpec((1, _BLK, H), lambda g: (tsel(g), bsel(g), 0)),
          pl.BlockSpec((1, 1, 2, H), lambda g: (tsel(g), bsel(g), 0, 0)),
      ],
      out_shape=[
          jax.ShapeDtypeStruct((2, N, H), jnp.float32),
          jax.ShapeDtypeStruct((2, _NBLK, 2, H), jnp.float32),
      ],
  )


def _leaky(x):
  return jnp.where(x > 0, x, 0.01 * x)


_dense_l1 = _make_dense(H, _leaky)
_dense_relu = _make_dense(H, lambda x: jnp.maximum(x, 0.0))


def _bn_body(z_r, p_r, g_r, b_r, x_r):
  ps = jnp.sum(p_r[0], axis=0)
  m = ps[0:1, :] * (1.0 / N)
  v = ps[1:2, :] * (1.0 / N) - m * m
  inv = lax.rsqrt(v + 1e-5)
  x_r[0] = (z_r[0] - m) * inv * g_r[0, 0] + b_r[0, 0]


_bn_apply = pl.pallas_call(
    _bn_body,
    grid=(2 * _NBLK,),
    in_specs=[
        pl.BlockSpec((1, _BLK, H), lambda g: (g // _NBLK, g % _NBLK, 0)),
        pl.BlockSpec((1, _NBLK, 2, H), lambda g: (g // _NBLK, 0, 0, 0)),
        pl.BlockSpec((1, 1, H), lambda g: (g // _NBLK, 0, 0)),
        pl.BlockSpec((1, 1, H), lambda g: (g // _NBLK, 0, 0)),
    ],
    out_specs=pl.BlockSpec((1, _BLK, H), lambda g: (g // _NBLK, g % _NBLK, 0)),
    out_shape=jax.ShapeDtypeStruct((2, N, H), jnp.float32),
)


def _rm_body(z_r, p_r, g_r, b_r, r_r):
  ps = jnp.sum(p_r[0], axis=0)
  m = ps[0] * (1.0 / N)
  v = ps[1] * (1.0 / N) - m * m
  inv = lax.rsqrt(v + 1e-5)
  w = g_r[0, 0] * inv * (1.0 / H)
  c0 = jnp.sum(b_r[0, 0]) * (1.0 / H) - jnp.sum(m * w)
  r = jnp.sum(z_r[0] * w, axis=1)
  r_r[0, 0] = r + c0


_rowmean = pl.pallas_call(
    _rm_body,
    grid=(2,),
    in_specs=[
        pl.BlockSpec((1, N, H), lambda g: (g, 0, 0)),
        pl.BlockSpec((1, _NBLK, 2, H), lambda g: (g, 0, 0, 0)),
        pl.BlockSpec((1, 1, H), lambda g: (g, 0, 0)),
        pl.BlockSpec((1, 1, H), lambda g: (g, 0, 0)),
    ],
    out_specs=pl.BlockSpec((1, 1, N), lambda g: (g, 0, 0)),
    out_shape=jax.ShapeDtypeStruct((2, 1, N), jnp.float32),
)


_ELB = 4096


def _dec_body(ca_r, w1_r, b1_r, w2_r, b2_r, o_r):
  ca = ca_r[0]
  pa = ca_r[1]
  za = _leaky(ca)
  zb = _leaky(pa)
  h = (za[:, None] * w1_r[0:1, :] + zb[:, None] * w1_r[1:2, :] + b1_r[0:1, :])
  h = jnp.maximum(h, 0.0)
  o = jnp.dot(h, w2_r[0], preferred_element_type=jnp.float32) + b2_r[0]
  o_r[...] = jax.nn.sigmoid(o)


_decoder = pl.pallas_call(
    _dec_body,
    grid=(ELP // _ELB,),
    in_specs=[
        pl.BlockSpec((2, _ELB), lambda g: (0, g)),
        pl.BlockSpec((2, H), lambda g: (0, 0)),
        pl.BlockSpec((1, H), lambda g: (0, 0)),
        pl.BlockSpec((1, H), lambda g: (0, 0)),
        pl.BlockSpec((1, 1), lambda g: (0, 0)),
    ],
    out_specs=pl.BlockSpec((_ELB,), lambda g: (g,)),
    out_shape=jax.ShapeDtypeStruct((ELP,), jnp.float32),
)


def _padw(w):
  return jnp.pad(w, ((0, H - w.shape[0]), (0, 0)))


def kernel(x_compound, x_protein, edge_index_c2p, edge_index_p2c,
           edge_label_index, params):
  p = params
  ei_c2p = edge_index_c2p.astype(jnp.int32)
  ei_p2c = edge_index_p2c.astype(jnp.int32)
  eli = edge_label_index.astype(jnp.int32)

  src2 = jnp.stack([ei_p2c[0] + N, ei_c2p[0]]).reshape(2, 2, NS, EPW)
  dst2 = jnp.stack([ei_p2c[1], ei_c2p[1]]).reshape(2, 2, NS, NCH, CH)
  eli2 = jnp.pad(eli, ((0, 0), (0, ELP - EL)))

  x2 = jnp.stack([jnp.pad(x_compound, ((0, 0), (0, H - 8))),
                  jnp.pad(x_protein, ((0, 0), (0, H - 8)))])

  for l in (1, 2, 3):
    pad = _padw if l == 1 else (lambda w: w)
    agg = _agg128(src2, dst2, x2.reshape(2 * N, H))
    eps2 = jnp.stack([1.0 + p['eps%d_p2c' % l],
                      1.0 + p['eps%d_c2p' % l]]).reshape(2, 1, 1)
    wa2 = jnp.stack([pad(p['W%da_p2c' % l]), pad(p['W%da_c2p' % l])])
    ba2 = jnp.stack([p['b%da_p2c' % l], p['b%da_c2p' % l]]).reshape(2, 1, H)
    wb2 = jnp.stack([p['W%db_p2c' % l], p['W%db_c2p' % l]])
    bb2 = jnp.stack([p['b%db_p2c' % l], p['b%db_c2p' % l]]).reshape(2, 1, H)
    rw2 = jnp.stack([pad(p['res%dW_c' % l]), pad(p['res%dW_p' % l])])
    rb2 = jnp.stack([p['res%db_c' % l], p['res%db_p' % l]]).reshape(2, 1, H)
    g2 = jnp.stack([p['bn%dg_c' % l], p['bn%dg_p' % l]]).reshape(2, 1, H)
    b2 = jnp.stack([p['bn%db_c' % l], p['bn%db_p' % l]]).reshape(2, 1, H)
    dense = _dense_l1 if l == 1 else _dense_relu
    z2, p2 = dense(eps2, x2, agg, wa2, ba2, wb2, bb2, rw2, rb2)
    if l < 3:
      x2 = _bn_apply(z2, p2, g2, b2)
    else:
      r2 = _rowmean(z2, p2, g2, b2).reshape(2, N)

  ca2 = _sc_label_gather(r2, eli2)
  out = _decoder(ca2, p['Wd1'], p['bd1'].reshape(1, H),
                 p['Wd2'].reshape(1, H), p['bd2'].reshape(1, 1))
  return out[:EL]

# --- scband reference (transcript-rebuilt; emitter-appended) ---
"""Pipeline reference for scband-gnnmodel-36395552866782 (READ-ONLY COPY).

The authoritative reference and input builder live on the scoring server;
editing this copy changes nothing except your own understanding.
"""

import jax, jax.numpy as jnp
import numpy as np

H = 128
N = 10000
E = 320000
EL = 100000


def setup_inputs(seed=0):
    ks = jax.random.split(jax.random.key(seed), 8)
    inp = {}
    inp['x_compound'] = jax.random.normal(ks[0], (N, 8), dtype=jnp.float32)
    inp['x_protein'] = jax.random.normal(ks[1], (N, 8), dtype=jnp.float32)
    inp['edge_index_c2p'] = jax.random.randint(ks[2], (2, E), 0, N)
    inp['edge_index_p2c'] = jax.random.randint(ks[3], (2, E), 0, N)
    inp['edge_label_index'] = jax.random.randint(ks[4], (2, EL), 0, N)
    pk = jax.random.split(ks[5], 40)
    ci = [0]
    def W(*s):
        k = pk[ci[0]]; ci[0] += 1
        return jax.random.normal(k, s, dtype=jnp.float32) * 0.05
    params = {}
    dims = {1: (8, H), 2: (H, H), 3: (H, H)}
    for et in ('c2p', 'p2c'):
        for l in (1, 2, 3):
            din, dout = dims[l]
            params['eps%d_%s' % (l, et)] = jnp.zeros(())
            params['W%da_%s' % (l, et)] = W(din, dout)
            params['b%da_%s' % (l, et)] = jnp.zeros((dout,))
            params['W%db_%s' % (l, et)] = W(dout, dout)
            params['b%db_%s' % (l, et)] = jnp.zeros((dout,))
    for nt in ('c', 'p'):
        for l in (1, 2, 3):
            din = 8 if l == 1 else H
            params['res%dW_%s' % (l, nt)] = W(din, H)
            params['res%db_%s' % (l, nt)] = jnp.zeros((H,))
            params['bn%dg_%s' % (l, nt)] = jnp.ones((H,))
            params['bn%db_%s' % (l, nt)] = jnp.zeros((H,))
    params['Wd1'] = W(2, H)
    params['bd1'] = jnp.zeros((H,))
    params['Wd2'] = W(H, 1)
    params['bd2'] = jnp.zeros((1,))
    inp['params'] = params
    return inp


def _leaky(x):
    return jnp.where(x > 0, x, 0.01 * x)


def _gin(x_src, x_dst, ei, eps, Wa, ba, Wb, bb, act):
    agg = jnp.zeros((x_dst.shape[0], x_src.shape[1]), x_src.dtype).at[ei[1]].add(x_src[ei[0]])
    h = (1.0 + eps) * x_dst + agg
    h = act(h @ Wa + ba)
    return h @ Wb + bb


def _bn(x, g, b):
    m = x.mean(0)
    v = x.var(0)
    return (x - m) / jnp.sqrt(v + 1e-5) * g + b


def reference(x_compound, x_protein, edge_index_c2p, edge_index_p2c, edge_label_index, params):
    p = params
    acts = {1: _leaky, 2: jax.nn.relu, 3: jax.nn.relu}
    xc, xp = x_compound, x_protein
    for l in (1, 2, 3):
        act = acts[l]
        zc = _gin(xp, xc, edge_index_p2c, p['eps%d_p2c' % l], p['W%da_p2c' % l], p['b%da_p2c' % l], p['W%db_p2c' % l], p['b%db_p2c' % l], act)
        zp = _gin(xc, xp, edge_index_c2p, p['eps%d_c2p' % l], p['W%da_c2p' % l], p['b%da_c2p' % l], p['W%db_c2p' % l], p['b%db_c2p' % l], act)
        zc = zc + xc @ p['res%dW_c' % l] + p['res%db_c' % l]
        zp = zp + xp @ p['res%dW_p' % l] + p['res%db_p' % l]
        zc = _bn(zc, p['bn%dg_c' % l], p['bn%db_c' % l])
        zp = _bn(zp, p['bn%dg_p' % l], p['bn%db_p' % l])
        xc, xp = zc, zp
    ca = xc[edge_label_index[0]].mean(axis=-1, keepdims=True)
    pa = xp[edge_label_index[1]].mean(axis=-1, keepdims=True)
    z = _leaky(jnp.concatenate([ca, pa], axis=-1))
    h = jax.nn.relu(z @ p['Wd1'] + p['bd1'])
    out = jax.nn.sigmoid(h @ p['Wd2'] + p['bd2'])
    return out[:, 0]

if __name__ == "__main__":
    import jax
    _d = setup_inputs()
    print(jax.jit(kernel)(*tuple(_d.values())))

</pallas_src>

<mosaic_0001>
#map = affine_map<(d0, d1) -> (0, 0)>
module attributes {stable_mosaic.version = 14 : i64} {
  func.func @body(%arg0: i32, %arg1: i32, %arg2: memref<2x10000xf32, #tpu.memory_space<hbm>>, %arg3: memref<2x102400xi32, #tpu.memory_space<hbm>>, %arg4: memref<2x102400xf32, #tpu.memory_space<hbm>>, %arg5: memref<10000xf32, #tpu.memory_space<vmem>>, %arg6: memref<10000xf32, #tpu.memory_space<vmem>>, %arg7: memref<3200xi32, #tpu.memory_space<vmem>>, %arg8: memref<3200xi32, #tpu.memory_space<vmem>>, %arg9: memref<3200xf32, #tpu.memory_space<vmem>>, %arg10: memref<3200xf32, #tpu.memory_space<vmem>>) attributes {dimension_semantics = [#tpu.dimension_semantics<core_parallel>, #tpu.dimension_semantics<subcore_parallel>], iteration_bounds = array<i64: 2, 16>, scalar_prefetch = 0 : i64, scratch_operands = 6 : i64, tpu.core_type = #tpu.core_type<sc_vector_subcore>, window_params = [{transform_indices = #map}, {transform_indices = #map}, {transform_indices = #map}]} {
    %mul3A = arith.constant 2 : i32
    %mul3A_0 = arith.muli %arg1, %mul3A : i32
    %add3A = arith.addi %mul3A_0, %arg0 : i32
    %mul3A_1 = arith.constant 3200 : i32
    %mul3A_2 = arith.muli %add3A, %mul3A_1 : i32
    %run_scoped3A = arith.constant 0 : i32
    "tpu.region"() ({
      %run_scoped3A_13 = tpu.sem_alloc : memref<!tpu.dma_semaphore, #tpu.memory_space<semaphore_mem>>
      %dma_start3A = arith.constant 0 : i32
      %dma_start3A_14 = tpu.memref_slice %arg2[%run_scoped3A, %dma_start3A] : memref<2x10000xf32, #tpu.memory_space<hbm>> -> memref<1x10000xf32, #tpu.memory_space<hbm>>
      %dma_start3A_15 = tpu.memref_squeeze %dma_start3A_14 : memref<1x10000xf32, #tpu.memory_space<hbm>> -> memref<10000xf32, #tpu.memory_space<hbm>>
      %dma_start3A_16 = arith.constant 0 : i32
      %dma_start3A_17 = tpu.memref_slice %arg2[%run_scoped3A, %dma_start3A_16] : memref<2x10000xf32, #tpu.memory_space<hbm>> -> memref<1x10000xf32, #tpu.memory_space<hbm>>
      %dma_start3A_18 = tpu.memref_squeeze %dma_start3A_17 : memref<1x10000xf32, #tpu.memory_space<hbm>> -> memref<10000xf32, #tpu.memory_space<hbm>>
      tpu.enqueue_dma source(%dma_start3A_18 : memref<10000xf32, #tpu.memory_space<hbm>>) target(%arg5 : memref<10000xf32, #tpu.memory_space<vmem>>) target_semaphore(%run_scoped3A_13 : memref<!tpu.dma_semaphore, #tpu.memory_space<semaphore_mem>>)
      %dma_wait3A = arith.constant 0 : i32
      %dma_wait3A_19 = tpu.memref_slice %arg2[%run_scoped3A, %dma_wait3A] : memref<2x10000xf32, #tpu.memory_space<hbm>> -> memref<1x10000xf32, #tpu.memory_space<hbm>>
      %dma_wait3A_20 = tpu.memref_squeeze %dma_wait3A_19 : memref<1x10000xf32, #tpu.memory_space<hbm>> -> memref<10000xf32, #tpu.memory_space<hbm>>
      %dma_wait3A_21 = arith.constant 0 : i32
      %dma_wait3A_22 = tpu.memref_slice %arg2[%run_scoped3A, %dma_wait3A_21] : memref<2x10000xf32, #tpu.memory_space<hbm>> -> memref<1x10000xf32, #tpu.memory_space<hbm>>
      %dma_wait3A_23 = tpu.memref_squeeze %dma_wait3A_22 : memref<1x10000xf32, #tpu.memory_space<hbm>> -> memref<10000xf32, #tpu.memory_space<hbm>>
      tpu.wait_dma2 semaphore(%run_scoped3A_13 : memref<!tpu.dma_semaphore, #tpu.memory_space<semaphore_mem>>) src(%dma_wait3A_23 : memref<10000xf32, #tpu.memory_space<hbm>>) dst(%arg5 : memref<10000xf32, #tpu.memory_space<vmem>>)
      tpu.yield
    }) : () -> ()
    %run_scoped3A_3 = arith.constant 1 : i32
    "tpu.region"() ({
      %run_scoped3A_13 = tpu.sem_alloc : memref<!tpu.dma_semaphore, #tpu.memory_space<semaphore_mem>>
      %dma_start3A = arith.constant 0 : i32
      %dma_start3A_14 = tpu.memref_slice %arg2[%run_scoped3A_3, %dma_start3A] : memref<2x10000xf32, #tpu.memory_space<hbm>> -> memref<1x10000xf32, #tpu.memory_space<hbm>>
      %dma_start3A_15 = tpu.memref_squeeze %dma_start3A_14 : memref<1x10000xf32, #tpu.memory_space<hbm>> -> memref<10000xf32, #tpu.memory_space<hbm>>
      %dma_start3A_16 = arith.constant 0 : i32
      %dma_start3A_17 = tpu.memref_slice %arg2[%run_scoped3A_3, %dma_start3A_16] : memref<2x10000xf32, #tpu.memory_space<hbm>> -> memref<1x10000xf32, #tpu.memory_space<hbm>>
      %dma_start3A_18 = tpu.memref_squeeze %dma_start3A_17 : memref<1x10000xf32, #tpu.memory_space<hbm>> -> memref<10000xf32, #tpu.memory_space<hbm>>
      tpu.enqueue_dma source(%dma_start3A_18 : memref<10000xf32, #tpu.memory_space<hbm>>) target(%arg6 : memref<10000xf32, #tpu.memory_space<vmem>>) target_semaphore(%run_scoped3A_13 : memref<!tpu.dma_semaphore, #tpu.memory_space<semaphore_mem>>)
      %dma_wait3A = arith.constant 0 : i32
      %dma_wait3A_19 = tpu.memref_slice %arg2[%run_scoped3A_3, %dma_wait3A] : memref<2x10000xf32, #tpu.memory_space<hbm>> -> memref<1x10000xf32, #tpu.memory_space<hbm>>
      %dma_wait3A_20 = tpu.memref_squeeze %dma_wait3A_19 : memref<1x10000xf32, #tpu.memory_space<hbm>> -> memref<10000xf32, #tpu.memory_space<hbm>>
      %dma_wait3A_21 = arith.constant 0 : i32
      %dma_wait3A_22 = tpu.memref_slice %arg2[%run_scoped3A_3, %dma_wait3A_21] : memref<2x10000xf32, #tpu.memory_space<hbm>> -> memref<1x10000xf32, #tpu.memory_space<hbm>>
      %dma_wait3A_23 = tpu.memref_squeeze %dma_wait3A_22 : memref<1x10000xf32, #tpu.memory_space<hbm>> -> memref<10000xf32, #tpu.memory_space<hbm>>
      tpu.wait_dma2 semaphore(%run_scoped3A_13 : memref<!tpu.dma_semaphore, #tpu.memory_space<semaphore_mem>>) src(%dma_wait3A_23 : memref<10000xf32, #tpu.memory_space<hbm>>) dst(%arg6 : memref<10000xf32, #tpu.memory_space<vmem>>)
      tpu.yield
    }) : () -> ()
    %run_scoped3A_4 = arith.constant 0 : i32
    "tpu.region"() ({
      %run_scoped3A_13 = tpu.sem_alloc : memref<!tpu.dma_semaphore, #tpu.memory_space<semaphore_mem>>
      %dma_start3A = tpu.memref_slice %arg3[%run_scoped3A_4, %mul3A_2] : memref<2x102400xi32, #tpu.memory_space<hbm>> -> memref<1x3200xi32, #tpu.memory_space<hbm>>
      %dma_start3A_14 = tpu.memref_squeeze %dma_start3A : memref<1x3200xi32, #tpu.memory_space<hbm>> -> memref<3200xi32, #tpu.memory_space<hbm>>
      %dma_start3A_15 = tpu.memref_slice %arg3[%run_scoped3A_4, %mul3A_2] : memref<2x102400xi32, #tpu.memory_space<hbm>> -> memref<1x3200xi32, #tpu.memory_space<hbm>>
      %dma_start3A_16 = tpu.memref_squeeze %dma_start3A_15 : memref<1x3200xi32, #tpu.memory_space<hbm>> -> memref<3200xi32, #tpu.memory_space<hbm>>
      tpu.enqueue_dma source(%dma_start3A_16 : memref<3200xi32, #tpu.memory_space<hbm>>) target(%arg7 : memref<3200xi32, #tpu.memory_space<vmem>>) target_semaphore(%run_scoped3A_13 : memref<!tpu.dma_semaphore, #tpu.memory_space<semaphore_mem>>)
      %dma_wait3A = tpu.memref_slice %arg3[%run_scoped3A_4, %mul3A_2] : memref<2x102400xi32, #tpu.memory_space<hbm>> -> memref<1x3200xi32, #tpu.memory_space<hbm>>
      %dma_wait3A_17 = tpu.memref_squeeze %dma_wait3A : memref<1x3200xi32, #tpu.memory_space<hbm>> -> memref<3200xi32, #tpu.memory_space<hbm>>
      %dma_wait3A_18 = tpu.memref_slice %arg3[%run_scoped3A_4, %mul3A_2] : memref<2x102400xi32, #tpu.memory_space<hbm>> -> memref<1x3200xi32, #tpu.memory_space<hbm>>
      %dma_wait3A_19 = tpu.memref_squeeze %dma_wait3A_18 : memref<1x3200xi32, #tpu.memory_space<hbm>> -> memref<3200xi32, #tpu.memory_space<hbm>>
      tpu.wait_dma2 semaphore(%run_scoped3A_13 : memref<!tpu.dma_semaphore, #tpu.memory_space<semaphore_mem>>) src(%dma_wait3A_19 : memref<3200xi32, #tpu.memory_space<hbm>>) dst(%arg7 : memref<3200xi32, #tpu.memory_space<vmem>>)
      tpu.yield
    }) : () -> ()
    %run_scoped3A_5 = arith.constant 1 : i32
    "tpu.region"() ({
      %run_scoped3A_13 = tpu.sem_alloc : memref<!tpu.dma_semaphore, #tpu.memory_space<semaphore_mem>>
      %dma_start3A = tpu.memref_slice %arg3[%run_scoped3A_5, %mul3A_2] : memref<2x102400xi32, #tpu.memory_space<hbm>> -> memref<1x3200xi32, #tpu.memory_space<hbm>>
      %dma_start3A_14 = tpu.memref_squeeze %dma_start3A : memref<1x3200xi32, #tpu.memory_space<hbm>> -> memref<3200xi32, #tpu.memory_space<hbm>>
      %dma_start3A_15 = tpu.memref_slice %arg3[%run_scoped3A_5, %mul3A_2] : memref<2x102400xi32, #tpu.memory_space<hbm>> -> memref<1x3200xi32, #tpu.memory_space<hbm>>
      %dma_start3A_16 = tpu.memref_squeeze %dma_start3A_15 : memref<1x3200xi32, #tpu.memory_space<hbm>> -> memref<3200xi32, #tpu.memory_space<hbm>>
      tpu.enqueue_dma source(%dma_start3A_16 : memref<3200xi32, #tpu.memory_space<hbm>>) target(%arg8 : memref<3200xi32, #tpu.memory_space<vmem>>) target_semaphore(%run_scoped3A_13 : memref<!tpu.dma_semaphore, #tpu.memory_space<semaphore_mem>>)
      %dma_wait3A = tpu.memref_slice %arg3[%run_scoped3A_5, %mul3A_2] : memref<2x102400xi32, #tpu.memory_space<hbm>> -> memref<1x3200xi32, #tpu.memory_space<hbm>>
      %dma_wait3A_17 = tpu.memref_squeeze %dma_wait3A : memref<1x3200xi32, #tpu.memory_space<hbm>> -> memref<3200xi32, #tpu.memory_space<hbm>>
      %dma_wait3A_18 = tpu.memref_slice %arg3[%run_scoped3A_5, %mul3A_2] : memref<2x102400xi32, #tpu.memory_space<hbm>> -> memref<1x3200xi32, #tpu.memory_space<hbm>>
      %dma_wait3A_19 = tpu.memref_squeeze %dma_wait3A_18 : memref<1x3200xi32, #tpu.memory_space<hbm>> -> memref<3200xi32, #tpu.memory_space<hbm>>
      tpu.wait_dma2 semaphore(%run_scoped3A_13 : memref<!tpu.dma_semaphore, #tpu.memory_space<semaphore_mem>>) src(%dma_wait3A_19 : memref<3200xi32, #tpu.memory_space<hbm>>) dst(%arg8 : memref<3200xi32, #tpu.memory_space<vmem>>)
      tpu.yield
    }) : () -> ()
    %scan3A = arith.constant 0 : i32
    %scan3A_6 = arith.constant 0 : i32
    %scan3A_7 = arith.constant 200 : i32
    %scan3A_8 = arith.addi %scan3A_6, %scan3A_7 : i32
    %scan3A_9 = arith.constant 1 : i32
    scf.for %scan3A_13 = %scan3A_6 to %scan3A_8 step %scan3A_9  : i32 {
      %mul3A_14 = arith.constant 16 : i32
      %mul3A_15 = arith.muli %scan3A_13, %mul3A_14 : i32
      %get3A = arith.index_cast %mul3A_15 : i32 to index
      %get3A_16 = tpu.vector_load %arg7[%get3A] {strides = array<i32>} : memref<3200xi32, #tpu.memory_space<vmem>>, vector<16xi32>,
      %gather3A = tpu.vector_load_idx %arg5[%get3A_16] : memref<10000xf32, #tpu.memory_space<vmem>>[vector<16xi32>], vector<16xf32>,
      %swap3A = arith.index_cast %mul3A_15 : i32 to index
      %swap3A_17 = tpu.vector_load %arg9[%swap3A] {strides = array<i32>} : memref<3200xf32, #tpu.memory_space<vmem>>, vector<16xf32>,
      tpu.vector_store %arg9[%swap3A], %gather3A {strides = array<i32>} : memref<3200xf32, #tpu.memory_space<vmem>>, vector<16xf32>,
      %get3A_18 = arith.index_cast %mul3A_15 : i32 to index
      %get3A_19 = tpu.vector_load %arg8[%get3A_18] {strides = array<i32>} : memref<3200xi32, #tpu.memory_space<vmem>>, vector<16xi32>,
      %gather3A_20 = tpu.vector_load_idx %arg6[%get3A_19] : memref<10000xf32, #tpu.memory_space<vmem>>[vector<16xi32>], vector<16xf32>,
      %swap3A_21 = arith.index_cast %mul3A_15 : i32 to index
      %swap3A_22 = tpu.vector_load %arg10[%swap3A_21] {strides = array<i32>} : memref<3200xf32, #tpu.memory_space<vmem>>, vector<16xf32>,
      tpu.vector_store %arg10[%swap3A_21], %gather3A_20 {strides = array<i32>} : memref<3200xf32, #tpu.memory_space<vmem>>, vector<16xf32>,
    }
    %scan3A_10 = arith.constant 200 : i32
    %run_scoped3A_11 = arith.constant 0 : i32
    "tpu.region"() ({
      %run_scoped3A_13 = tpu.sem_alloc : memref<!tpu.dma_semaphore, #tpu.memory_space<semaphore_mem>>
      %dma_start3A = tpu.memref_slice %arg4[%run_scoped3A_11, %mul3A_2] : memref<2x102400xf32, #tpu.memory_space<hbm>> -> memref<1x3200xf32, #tpu.memory_space<hbm>>
      %dma_start3A_14 = tpu.memref_squeeze %dma_start3A : memref<1x3200xf32, #tpu.memory_space<hbm>> -> memref<3200xf32, #tpu.memory_space<hbm>>
      %dma_start3A_15 = tpu.memref_slice %arg4[%run_scoped3A_11, %mul3A_2] : memref<2x102400xf32, #tpu.memory_space<hbm>> -> memref<1x3200xf32, #tpu.memory_space<hbm>>
      %dma_start3A_16 = tpu.memref_squeeze %dma_start3A_15 : memref<1x3200xf32, #tpu.memory_space<hbm>> -> memref<3200xf32, #tpu.memory_space<hbm>>
      tpu.enqueue_dma source(%arg9 : memref<3200xf32, #tpu.memory_space<vmem>>) target(%dma_start3A_16 : memref<3200xf32, #tpu.memory_space<hbm>>) target_semaphore(%run_scoped3A_13 : memref<!tpu.dma_semaphore, #tpu.memory_space<semaphore_mem>>)
      %dma_wait3A = tpu.memref_slice %arg4[%run_scoped3A_11, %mul3A_2] : memref<2x102400xf32, #tpu.memory_space<hbm>> -> memref<1x3200xf32, #tpu.memory_space<hbm>>
      %dma_wait3A_17 = tpu.memref_squeeze %dma_wait3A : memref<1x3200xf32, #tpu.memory_space<hbm>> -> memref<3200xf32, #tpu.memory_space<hbm>>
      %dma_wait3A_18 = tpu.memref_slice %arg4[%run_scoped3A_11, %mul3A_2] : memref<2x102400xf32, #tpu.memory_space<hbm>> -> memref<1x3200xf32, #tpu.memory_space<hbm>>
      %dma_wait3A_19 = tpu.memref_squeeze %dma_wait3A_18 : memref<1x3200xf32, #tpu.memory_space<hbm>> -> memref<3200xf32, #tpu.memory_space<hbm>>
      tpu.wait_dma2 semaphore(%run_scoped3A_13 : memref<!tpu.dma_semaphore, #tpu.memory_space<semaphore_mem>>) src(%arg9 : memref<3200xf32, #tpu.memory_space<vmem>>) dst(%dma_wait3A_19 : memref<3200xf32, #tpu.memory_space<hbm>>)
      tpu.yield
    }) : () -> ()
    %run_scoped3A_12 = arith.constant 1 : i32
    "tpu.region"() ({
      %run_scoped3A_13 = tpu.sem_alloc : memref<!tpu.dma_semaphore, #tpu.memory_space<semaphore_mem>>
      %dma_start3A = tpu.memref_slice %arg4[%run_scoped3A_12, %mul3A_2] : memref<2x102400xf32, #tpu.memory_space<hbm>> -> memref<1x3200xf32, #tpu.memory_space<hbm>>
      %dma_start3A_14 = tpu.memref_squeeze %dma_start3A : memref<1x3200xf32, #tpu.memory_space<hbm>> -> memref<3200xf32, #tpu.memory_space<hbm>>
      %dma_start3A_15 = tpu.memref_slice %arg4[%run_scoped3A_12, %mul3A_2] : memref<2x102400xf32, #tpu.memory_space<hbm>> -> memref<1x3200xf32, #tpu.memory_space<hbm>>
      %dma_start3A_16 = tpu.memref_squeeze %dma_start3A_15 : memref<1x3200xf32, #tpu.memory_space<hbm>> -> memref<3200xf32, #tpu.memory_space<hbm>>
      tpu.enqueue_dma source(%arg10 : memref<3200xf32, #tpu.memory_space<vmem>>) target(%dma_start3A_16 : memref<3200xf32, #tpu.memory_space<hbm>>) target_semaphore(%run_scoped3A_13 : memref<!tpu.dma_semaphore, #tpu.memory_space<semaphore_mem>>)
      %dma_wait3A = tpu.memref_slice %arg4[%run_scoped3A_12, %mul3A_2] : memref<2x102400xf32, #tpu.memory_space<hbm>> -> memref<1x3200xf32, #tpu.memory_space<hbm>>
      %dma_wait3A_17 = tpu.memref_squeeze %dma_wait3A : memref<1x3200xf32, #tpu.memory_space<hbm>> -> memref<3200xf32, #tpu.memory_space<hbm>>
      %dma_wait3A_18 = tpu.memref_slice %arg4[%run_scoped3A_12, %mul3A_2] : memref<2x102400xf32, #tpu.memory_space<hbm>> -> memref<1x3200xf32, #tpu.memory_space<hbm>>
      %dma_wait3A_19 = tpu.memref_squeeze %dma_wait3A_18 : memref<1x3200xf32, #tpu.memory_space<hbm>> -> memref<3200xf32, #tpu.memory_space<hbm>>
      tpu.wait_dma2 semaphore(%run_scoped3A_13 : memref<!tpu.dma_semaphore, #tpu.memory_space<semaphore_mem>>) src(%arg10 : memref<3200xf32, #tpu.memory_space<vmem>>) dst(%dma_wait3A_19 : memref<3200xf32, #tpu.memory_space<hbm>>)
      tpu.yield
    }) : () -> ()
    return
  }
}

#map = affine_map<(d0, d1) -> (0, 0, 0, 0)>
#map1 = affine_map<(d0, d1) -> (0, 0, 0, 0, 0)>
#map2 = affine_map<(d0, d1) -> (0, 0)>
#map3 = affine_map<(d0, d1) -> (0, 0, 0)>
module attributes {stable_mosaic.version = 14 : i64} {
  func.func @body(%arg0: i32, %arg1: i32, %arg2: memref<2x2x16x10000xi32, #tpu.memory_space<hbm>>, %arg3: memref<2x2x16x125x80xi32, #tpu.memory_space<hbm>>, %arg4: memref<20000x128xf32, #tpu.memory_space<hbm>>, %arg5: memref<2x10000x128xf32, #tpu.memory_space<hbm>>, %arg6: memref<10000xi32, #tpu.memory_space<vmem>>, %arg7: memref<125x80xi32, #tpu.memory_space<vmem>>, %arg8: memref<80x128xf32, #tpu.memory_space<vmem>>, %arg9: memref<80x128xf32, #tpu.memory_space<vmem>>, %arg10: memref<10000x128xf32, #tpu.memory_space<vmem_shared>>, %arg11: memref<!tpu.dma_semaphore, #tpu.memory_space<semaphore_mem>>, %arg12: memref<!tpu.dma_semaphore, #tpu.memory_space<semaphore_mem>>) attributes {dimension_semantics = [#tpu.dimension_semantics<core_parallel>, #tpu.dimension_semantics<subcore_parallel>], iteration_bounds = array<i64: 2, 16>, scalar_prefetch = 0 : i64, scratch_operands = 7 : i64, tpu.core_type = #tpu.core_type<sc_vector_subcore>, window_params = [{transform_indices = #map}, {transform_indices = #map1}, {transform_indices = #map2}, {transform_indices = #map3}]} {
    %broadcast_in_dim3A = arith.constant 0.000000e+00 : f32
    %broadcast_in_dim3A_0 = vector.broadcast %broadcast_in_dim3A : f32 to vector<16xf32>
    %scan3A = arith.constant 0 : i32
    %scan3A_1 = arith.constant 0 : i32
    %scan3A_2 = arith.constant 80 : i32
    %scan3A_3 = arith.addi %scan3A_1, %scan3A_2 : i32
    %scan3A_4 = arith.constant 1 : i32
    scf.for %scan3A_54 = %scan3A_1 to %scan3A_3 step %scan3A_4  : i32 {
      %swap3A = arith.index_cast %scan3A_54 : i32 to index
      %swap3A_55 = arith.constant 0 : index
      %swap3A_56 = tpu.vector_load %arg8[%swap3A, %swap3A_55] {strides = array<i32>} : memref<80x128xf32, #tpu.memory_space<vmem>>, vector<1x16xf32>,
      %swap3A_57 = vector.shape_cast %swap3A_56 : vector<1x16xf32> to vector<16xf32>
      %swap3A_58 = vector.shape_cast %broadcast_in_dim3A_0 : vector<16xf32> to vector<1x16xf32>
      tpu.vector_store %arg8[%swap3A, %swap3A_55], %swap3A_58 {strides = array<i32>} : memref<80x128xf32, #tpu.memory_space<vmem>>, vector<1x16xf32>,
      %swap3A_59 = arith.index_cast %scan3A_54 : i32 to index
      %swap3A_60 = arith.constant 16 : index
      %swap3A_61 = tpu.vector_load %arg8[%swap3A_59, %swap3A_60] {strides = array<i32>} : memref<80x128xf32, #tpu.memory_space<vmem>>, vector<1x16xf32>,
      %swap3A_62 = vector.shape_cast %swap3A_61 : vector<1x16xf32> to vector<16xf32>
      %swap3A_63 = vector.shape_cast %broadcast_in_dim3A_0 : vector<16xf32> to vector<1x16xf32>
      tpu.vector_store %arg8[%swap3A_59, %swap3A_60], %swap3A_63 {strides = array<i32>} : memref<80x128xf32, #tpu.memory_space<vmem>>, vector<1x16xf32>,
      %swap3A_64 = arith.index_cast %scan3A_54 : i32 to index
      %swap3A_65 = arith.constant 32 : index
      %swap3A_66 = tpu.vector_load %arg8[%swap3A_64, %swap3A_65] {strides = array<i32>} : memref<80x128xf32, #tpu.memory_space<vmem>>, vector<1x16xf32>,
      %swap3A_67 = vector.shape_cast %swap3A_66 : vector<1x16xf32> to vector<16xf32>
      %swap3A_68 = vector.shape_cast %broadcast_in_dim3A_0 : vector<16xf32> to vector<1x16xf32>
      tpu.vector_store %arg8[%swap3A_64, %swap3A_65], %swap3A_68 {strides = array<i32>} : memref<80x128xf32, #tpu.memory_space<vmem>>, vector<1x16xf32>,
      %swap3A_69 = arith.index_cast %scan3A_54 : i32 to index
      %swap3A_70 = arith.constant 48 : index
      %swap3A_71 = tpu.vector_load %arg8[%swap3A_69, %swap3A_70] {strides = array<i32>} : memref<80x128xf32, #tpu.memory_space<vmem>>, vector<1x16xf32>,
      %swap3A_72 = vector.shape_cast %swap3A_71 : vector<1x16xf32> to vector<16xf32>
      %swap3A_73 = vector.shape_cast %broadcast_in_dim3A_0 : vector<16xf32> to vector<1x16xf32>
      tpu.vector_store %arg8[%swap3A_69, %swap3A_70], %swap3A_73 {strides = array<i32>} : memref<80x128xf32, #tpu.memory_space<vmem>>, vector<1x16xf32>,
      %swap3A_74 = arith.index_cast %scan3A_54 : i32 to index
      %swap3A_75 = arith.constant 64 : index
      %swap3A_76 = tpu.vector_load %arg8[%swap3A_74, %swap3A_75] {strides = array<i32>} : memref<80x128xf32, #tpu.memory_space<vmem>>, vector<1x16xf32>,
      %swap3A_77 = vector.shape_cast %swap3A_76 : vector<1x16xf32> to vector<16xf32>
      %swap3A_78 = vector.shape_cast %broadcast_in_dim3A_0 : vector<16xf32> to vector<1x16xf32>
      tpu.vector_store %arg8[%swap3A_74, %swap3A_75], %swap3A_78 {strides = array<i32>} : memref<80x128xf32, #tpu.memory_space<vmem>>, vector<1x16xf32>,
      %swap3A_79 = arith.index_cast %scan3A_54 : i32 to index
      %swap3A_80 = arith.constant 80 : index
      %swap3A_81 = tpu.vector_load %arg8[%swap3A_79, %swap3A_80] {strides = array<i32>} : memref<80x128xf32, #tpu.memory_space<vmem>>, vector<1x16xf32>,
      %swap3A_82 = vector.shape_cast %swap3A_81 : vector<1x16xf32> to vector<16xf32>
      %swap3A_83 = vector.shape_cast %broadcast_in_dim3A_0 : vector<16xf32> to vector<1x16xf32>
      tpu.vector_store %arg8[%swap3A_79, %swap3A_80], %swap3A_83 {strides = array<i32>} : memref<80x128xf32, #tpu.memory_space<vmem>>, vector<1x16xf32>,
      %swap3A_84 = arith.index_cast %scan3A_54 : i32 to index
      %swap3A_85 = arith.constant 96 : index
      %swap3A_86 = tpu.vector_load %arg8[%swap3A_84, %swap3A_85] {strides = array<i32>} : memref<80x128xf32, #tpu.memory_space<vmem>>, vector<1x16xf32>,
      %swap3A_87 = vector.shape_cast %swap3A_86 : vector<1x16xf32> to vector<16xf32>
      %swap3A_88 = vector.shape_cast %broadcast_in_dim3A_0 : vector<16xf32> to vector<1x16xf32>
      tpu.vector_store %arg8[%swap3A_84, %swap3A_85], %swap3A_88 {strides = array<i32>} : memref<80x128xf32, #tpu.memory_space<vmem>>, vector<1x16xf32>,
      %swap3A_89 = arith.index_cast %scan3A_54 : i32 to index
      %swap3A_90 = arith.constant 112 : index
      %swap3A_91 = tpu.vector_load %arg8[%swap3A_89, %swap3A_90] {strides = array<i32>} : memref<80x128xf32, #tpu.memory_space<vmem>>, vector<1x16xf32>,
      %swap3A_92 = vector.shape_cast %swap3A_91 : vector<1x16xf32> to vector<16xf32>
      %swap3A_93 = vector.shape_cast %broadcast_in_dim3A_0 : vector<16xf32> to vector<1x16xf32>
      tpu.vector_store %arg8[%swap3A_89, %swap3A_90], %swap3A_93 {strides = array<i32>} : memref<80x128xf32, #tpu.memory_space<vmem>>, vector<1x16xf32>,
    }
    %scan3A_5 = arith.constant 80 : i32
    %scan3A_6 = arith.constant 0 : i32
    %scan3A_7 = arith.constant 0 : i32
    %scan3A_8 = arith.constant 8 : i32
    %scan3A_9 = arith.addi %scan3A_7, %scan3A_8 : i32
    %scan3A_10 = arith.constant 1 : i32
    scf.for %scan3A_54 = %scan3A_7 to %scan3A_9 step %scan3A_10  : i32 {
      %mul3A = arith.constant 16 : i32
      %mul3A_55 = arith.muli %mul3A, %scan3A_54 : i32
      %add3A = arith.addi %arg1, %mul3A_55 : i32
      %mul3A_56 = arith.constant 80 : i32
      %mul3A_57 = arith.muli %add3A, %mul3A_56 : i32
      %min3A = arith.constant 9920 : i32
      %min3A_58 = arith.minsi %mul3A_57, %min3A : i32
      "tpu.region"() ({
        %run_scoped3A_59 = tpu.sem_alloc : memref<!tpu.dma_semaphore, #tpu.memory_space<semaphore_mem>>
        %dma_start3A_60 = arith.constant 0 : i32
        %dma_start3A_61 = arith.constant 0 : i32
        %dma_start3A_62 = tpu.memref_slice %arg8[%dma_start3A_60, %dma_start3A_61] : memref<80x128xf32, #tpu.memory_space<vmem>> -> memref<80x128xf32, #tpu.memory_space<vmem>>
        %dma_start3A_63 = arith.constant 0 : i32
        %dma_start3A_64 = tpu.memref_slice %arg10[%min3A_58, %dma_start3A_63] : memref<10000x128xf32, #tpu.memory_space<vmem_shared>> -> memref<80x128xf32, #tpu.memory_space<vmem_shared>>
        %dma_start3A_65 = arith.constant 0 : i32
        %dma_start3A_66 = tpu.memref_slice %arg10[%min3A_58, %dma_start3A_65] : memref<10000x128xf32, #tpu.memory_space<vmem_shared>> -> memref<80x128xf32, #tpu.memory_space<vmem_shared>>
        %dma_start3A_67 = arith.constant 0 : i32
        %dma_start3A_68 = arith.constant 0 : i32
        %dma_start3A_69 = tpu.memref_slice %arg8[%dma_start3A_67, %dma_start3A_68] : memref<80x128xf32, #tpu.memory_space<vmem>> -> memref<80x128xf32, #tpu.memory_space<vmem>>
        tpu.enqueue_dma source(%dma_start3A_69 : memref<80x128xf32, #tpu.memory_space<vmem>>) target(%dma_start3A_66 : memref<80x128xf32, #tpu.memory_space<vmem_shared>>) target_semaphore(%run_scoped3A_59 : memref<!tpu.dma_semaphore, #tpu.memory_space<semaphore_mem>>)
        %dma_wait3A_70 = arith.constant 0 : i32
        %dma_wait3A_71 = arith.constant 0 : i32
        %dma_wait3A_72 = tpu.memref_slice %arg8[%dma_wait3A_70, %dma_wait3A_71] : memref<80x128xf32, #tpu.memory_space<vmem>> -> memref<80x128xf32, #tpu.memory_space<vmem>>
        %dma_wait3A_73 = arith.constant 0 : i32
        %dma_wait3A_74 = tpu.memref_slice %arg10[%min3A_58, %dma_wait3A_73] : memref<10000x128xf32, #tpu.memory_space<vmem_shared>> -> memref<80x128xf32, #tpu.memory_space<vmem_shared>>
        %dma_wait3A_75 = arith.constant 0 : i32
        %dma_wait3A_76 = tpu.memref_slice %arg10[%min3A_58, %dma_wait3A_75] : memref<10000x128xf32, #tpu.memory_space<vmem_shared>> -> memref<80x128xf32, #tpu.memory_space<vmem_shared>>
        %dma_wait3A_77 = arith.constant 0 : i32
        %dma_wait3A_78 = arith.constant 0 : i32
        %dma_wait3A_79 = tpu.memref_slice %arg8[%dma_wait3A_77, %dma_wait3A_78] : memref<80x128xf32, #tpu.memory_space<vmem>> -> memref<80x128xf32, #tpu.memory_space<vmem>>
        tpu.wait_dma2 semaphore(%run_scoped3A_59 : memref<!tpu.dma_semaphore, #tpu.memory_space<semaphore_mem>>) src(%dma_wait3A_79 : memref<80x128xf32, #tpu.memory_space<vmem>>) dst(%dma_wait3A_76 : memref<80x128xf32, #tpu.memory_space<vmem_shared>>)
        tpu.yield
      }) : () -> ()
    }
    %scan3A_11 = arith.constant 8 : i32
    %barrier3A = arith.constant 0 : index
    tpu.barrier barrier_id(%barrier3A)
    %run_scoped3A = arith.constant 0 : i32
    "tpu.region"() ({
      %run_scoped3A_54 = tpu.sem_alloc : memref<!tpu.dma_semaphore, #tpu.memory_space<semaphore_mem>>
      %dma_start3A_55 = arith.constant 0 : i32
      %dma_start3A_56 = tpu.memref_slice %arg2[%arg0, %run_scoped3A, %arg1, %dma_start3A_55] : memref<2x2x16x10000xi32, #tpu.memory_space<hbm>> -> memref<1x1x1x10000xi32, #tpu.memory_space<hbm>>
      %dma_start3A_57 = tpu.memref_squeeze %dma_start3A_56 : memref<1x1x1x10000xi32, #tpu.memory_space<hbm>> -> memref<10000xi32, #tpu.memory_space<hbm>>
      %dma_start3A_58 = arith.constant 0 : i32
      %dma_start3A_59 = tpu.memref_slice %arg2[%arg0, %run_scoped3A, %arg1, %dma_start3A_58] : memref<2x2x16x10000xi32, #tpu.memory_space<hbm>> -> memref<1x1x1x10000xi32, #tpu.memory_space<hbm>>
      %dma_start3A_60 = tpu.memref_squeeze %dma_start3A_59 : memref<1x1x1x10000xi32, #tpu.memory_space<hbm>> -> memref<10000xi32, #tpu.memory_space<hbm>>
      tpu.enqueue_dma source(%dma_start3A_60 : memref<10000xi32, #tpu.memory_space<hbm>>) target(%arg6 : memref<10000xi32, #tpu.memory_space<vmem>>) target_semaphore(%run_scoped3A_54 : memref<!tpu.dma_semaphore, #tpu.memory_space<semaphore_mem>>)
      %dma_wait3A_61 = arith.constant 0 : i32
      %dma_wait3A_62 = tpu.memref_slice %arg2[%arg0, %run_scoped3A, %arg1, %dma_wait3A_61] : memref<2x2x16x10000xi32, #tpu.memory_space<hbm>> -> memref<1x1x1x10000xi32, #tpu.memory_space<hbm>>
      %dma_wait3A_63 = tpu.memref_squeeze %dma_wait3A_62 : memref<1x1x1x10000xi32, #tpu.memory_space<hbm>> -> memref<10000xi32, #tpu.memory_space<hbm>>
      %dma_wait3A_64 = arith.constant 0 : i32
      %dma_wait3A_65 = tpu.memref_slice %arg2[%arg0, %run_scoped3A, %arg1, %dma_wait3A_64] : memref<2x2x16x10000xi32, #tpu.memory_space<hbm>> -> memref<1x1x1x10000xi32, #tpu.memory_space<hbm>>
      %dma_wait3A_66 = tpu.memref_squeeze %dma_wait3A_65 : memref<1x1x1x10000xi32, #tpu.memory_space<hbm>> -> memref<10000xi32, #tpu.memory_space<hbm>>
      tpu.wait_dma2 semaphore(%run_scoped3A_54 : memref<!tpu.dma_semaphore, #tpu.memory_space<semaphore_mem>>) src(%dma_wait3A_66 : memref<10000xi32, #tpu.memory_space<hbm>>) dst(%arg6 : memref<10000xi32, #tpu.memory_space<vmem>>)
      tpu.yield
    }) : () -> ()
    %run_scoped3A_12 = arith.constant 0 : i32
    "tpu.region"() ({
      %run_scoped3A_54 = tpu.sem_alloc : memref<!tpu.dma_semaphore, #tpu.memory_space<semaphore_mem>>
      %dma_start3A_55 = arith.constant 0 : i32
      %dma_start3A_56 = arith.constant 0 : i32
      %dma_start3A_57 = tpu.memref_slice %arg3[%arg0, %run_scoped3A_12, %arg1, %dma_start3A_55, %dma_start3A_56] : memref<2x2x16x125x80xi32, #tpu.memory_space<hbm>> -> memref<1x1x1x125x80xi32, #tpu.memory_space<hbm>>
      %dma_start3A_58 = tpu.memref_squeeze %dma_start3A_57 : memref<1x1x1x125x80xi32, #tpu.memory_space<hbm>> -> memref<125x80xi32, #tpu.memory_space<hbm>>
      %dma_start3A_59 = arith.constant 0 : i32
      %dma_start3A_60 = arith.constant 0 : i32
      %dma_start3A_61 = tpu.memref_slice %arg3[%arg0, %run_scoped3A_12, %arg1, %dma_start3A_59, %dma_start3A_60] : memref<2x2x16x125x80xi32, #tpu.memory_space<hbm>> -> memref<1x1x1x125x80xi32, #tpu.memory_space<hbm>>
      %dma_start3A_62 = tpu.memref_squeeze %dma_start3A_61 : memref<1x1x1x125x80xi32, #tpu.memory_space<hbm>> -> memref<125x80xi32, #tpu.memory_space<hbm>>
      tpu.enqueue_dma source(%dma_start3A_62 : memref<125x80xi32, #tpu.memory_space<hbm>>) target(%arg7 : memref<125x80xi32, #tpu.memory_space<vmem>>) target_semaphore(%run_scoped3A_54 : memref<!tpu.dma_semaphore, #tpu.memory_space<semaphore_mem>>)
      %dma_wait3A_63 = arith.constant 0 : i32
      %dma_wait3A_64 = arith.constant 0 : i32
      %dma_wait3A_65 = tpu.memref_slice %arg3[%arg0, %run_scoped3A_12, %arg1, %dma_wait3A_63, %dma_wait3A_64] : memref<2x2x16x125x80xi32, #tpu.memory_space<hbm>> -> memref<1x1x1x125x80xi32, #tpu.memory_space<hbm>>
      %dma_wait3A_66 = tpu.memref_squeeze %dma_wait3A_65 : memref<1x1x1x125x80xi32, #tpu.memory_space<hbm>> -> memref<125x80xi32, #tpu.memory_space<hbm>>
      %dma_wait3A_67 = arith.constant 0 : i32
      %dma_wait3A_68 = arith.constant 0 : i32
      %dma_wait3A_69 = tpu.memref_slice %arg3[%arg0, %run_scoped3A_12, %arg1, %dma_wait3A_67, %dma_wait3A_68] : memref<2x2x16x125x80xi32, #tpu.memory_space<hbm>> -> memref<1x1x1x125x80xi32, #tpu.memory_space<hbm>>
      %dma_wait3A_70 = tpu.memref_squeeze %dma_wait3A_69 : memref<1x1x1x125x80xi32, #tpu.memory_space<hbm>> -> memref<125x80xi32, #tpu.memory_space<hbm>>
      tpu.wait_dma2 semaphore(%run_scoped3A_54 : memref<!tpu.dma_semaphore, #tpu.memory_space<semaphore_mem>>) src(%dma_wait3A_70 : memref<125x80xi32, #tpu.memory_space<hbm>>) dst(%arg7 : memref<125x80xi32, #tpu.memory_space<vmem>>)
      tpu.yield
    }) : () -> ()
    %dma_start3A = arith.constant 0 : i32
    %dma_start3A_13 = tpu.memref_slice %arg6[%dma_start3A] : memref<10000xi32, #tpu.memory_space<vmem>> -> memref<80xi32, #tpu.memory_space<vmem>>
    %dma_start3A_14 = arith.constant 0 : i32
    %dma_start3A_15 = arith.constant 0 : i32
    %dma_start3A_16 = tpu.memref_slice %arg4[%dma_start3A_14, %dma_start3A_15] : memref<20000x128xf32, #tpu.memory_space<hbm>> -> memref<20000x128xf32, #tpu.memory_space<hbm>>
    tpu.enqueue_indirect_dma source(%dma_start3A_16 : memref<20000x128xf32, #tpu.memory_space<hbm>>) target(%arg8 : memref<80x128xf32, #tpu.memory_space<vmem>>) offsets(%dma_start3A_13 : memref<80xi32, #tpu.memory_space<vmem>>) semaphore(%arg11 : memref<!tpu.dma_semaphore, #tpu.memory_space<semaphore_mem>>)
    %scan3A_17 = arith.constant 0 : i32
    %scan3A_18 = arith.constant 0 : i32
    %scan3A_19 = arith.constant 62 : i32
    %scan3A_20 = arith.addi %scan3A_18, %scan3A_19 : i32
    %scan3A_21 = arith.constant 1 : i32
    scf.for %scan3A_54 = %scan3A_18 to %scan3A_20 step %scan3A_21  : i32 {
      %mul3A = arith.constant 2 : i32
      %mul3A_55 = arith.muli %mul3A, %scan3A_54 : i32
      %add3A = arith.constant 1 : i32
      %add3A_56 = arith.addi %mul3A_55, %add3A : i32
      %mul3A_57 = arith.constant 80 : i32
      %mul3A_58 = arith.muli %add3A_56, %mul3A_57 : i32
      %dma_start3A_59 = tpu.memref_slice %arg6[%mul3A_58] : memref<10000xi32, #tpu.memory_space<vmem>> -> memref<80xi32, #tpu.memory_space<vmem>>
      %dma_start3A_60 = arith.constant 0 : i32
      %dma_start3A_61 = arith.constant 0 : i32
      %dma_start3A_62 = tpu.memref_slice %arg4[%dma_start3A_60, %dma_start3A_61] : memref<20000x128xf32, #tpu.memory_space<hbm>> -> memref<20000x128xf32, #tpu.memory_space<hbm>>
      tpu.enqueue_indirect_dma source(%dma_start3A_62 : memref<20000x128xf32, #tpu.memory_space<hbm>>) target(%arg9 : memref<80x128xf32, #tpu.memory_space<vmem>>) offsets(%dma_start3A_59 : memref<80xi32, #tpu.memory_space<vmem>>) semaphore(%arg12 : memref<!tpu.dma_semaphore, #tpu.memory_space<semaphore_mem>>)
      %mul3A_63 = arith.constant 80 : i32
      %mul3A_64 = arith.muli %mul3A_55, %mul3A_63 : i32
      %dma_wait3A_65 = tpu.memref_slice %arg6[%mul3A_64] : memref<10000xi32, #tpu.memory_space<vmem>> -> memref<80xi32, #tpu.memory_space<vmem>>
      %dma_wait3A_66 = arith.constant 0 : i32
      %dma_wait3A_67 = arith.constant 0 : i32
      %dma_wait3A_68 = tpu.memref_slice %arg4[%dma_wait3A_66, %dma_wait3A_67] : memref<20000x128xf32, #tpu.memory_space<hbm>> -> memref<20000x128xf32, #tpu.memory_space<hbm>>
      tpu.wait_indirect_dma semaphore(%arg11 : memref<!tpu.dma_semaphore, #tpu.memory_space<semaphore_mem>>) src(%dma_wait3A_68 : memref<20000x128xf32, #tpu.memory_space<hbm>>) dst(%arg8 : memref<80x128xf32, #tpu.memory_space<vmem>>)
      "tpu.region"() ({
        %run_scoped3A_87 = tpu.sem_alloc : memref<!tpu.dma_semaphore, #tpu.memory_space<semaphore_mem>>
        %dma_start3A_88 = arith.constant 0 : i32
        %dma_start3A_89 = tpu.memref_slice %arg7[%mul3A_55, %dma_start3A_88] : memref<125x80xi32, #tpu.memory_space<vmem>> -> memref<1x80xi32, #tpu.memory_space<vmem>>
        %dma_start3A_90 = tpu.memref_squeeze %dma_start3A_89 : memref<1x80xi32, #tpu.memory_space<vmem>> -> memref<80xi32, #tpu.memory_space<vmem>>
        %dma_start3A_91 = arith.constant 0 : i32
        %dma_start3A_92 = arith.constant 0 : i32
        %dma_start3A_93 = tpu.memref_slice %arg10[%dma_start3A_91, %dma_start3A_92] : memref<10000x128xf32, #tpu.memory_space<vmem_shared>> -> memref<10000x128xf32, #tpu.memory_space<vmem_shared>>
        tpu.enqueue_indirect_dma source(%arg8 : memref<80x128xf32, #tpu.memory_space<vmem>>) target(%dma_start3A_93 : memref<10000x128xf32, #tpu.memory_space<vmem_shared>>) offsets(%dma_start3A_90 : memref<80xi32, #tpu.memory_space<vmem>>) semaphore(%run_scoped3A_87 : memref<!tpu.dma_semaphore, #tpu.memory_space<semaphore_mem>>) {add = true}
        %dma_wait3A_94 = arith.constant 0 : i32
        %dma_wait3A_95 = tpu.memref_slice %arg7[%mul3A_55, %dma_wait3A_94] : memref<125x80xi32, #tpu.memory_space<vmem>> -> memref<1x80xi32, #tpu.memory_space<vmem>>
        %dma_wait3A_96 = tpu.memref_squeeze %dma_wait3A_95 : memref<1x80xi32, #tpu.memory_space<vmem>> -> memref<80xi32, #tpu.memory_space<vmem>>
        %dma_wait3A_97 = arith.constant 0 : i32
        %dma_wait3A_98 = arith.constant 0 : i32
        %dma_wait3A_99 = tpu.memref_slice %arg10[%dma_wait3A_97, %dma_wait3A_98] : memref<10000x128xf32, #tpu.memory_space<vmem_shared>> -> memref<10000x128xf32, #tpu.memory_space<vmem_shared>>
        tpu.wait_indirect_dma semaphore(%run_scoped3A_87 : memref<!tpu.dma_semaphore, #tpu.memory_space<semaphore_mem>>) src(%arg8 : memref<80x128xf32, #tpu.memory_space<vmem>>) dst(%dma_wait3A_99 : memref<10000x128xf32, #tpu.memory_space<vmem_shared>>)
        tpu.yield
      }) : () -> ()
      %add3A_69 = arith.constant 2 : i32
      %add3A_70 = arith.addi %mul3A_55, %add3A_69 : i32
      %mul3A_71 = arith.constant 80 : i32
      %mul3A_72 = arith.muli %add3A_70, %mul3A_71 : i32
      %dma_start3A_73 = tpu.memref_slice %arg6[%mul3A_72] : memref<10000xi32, #tpu.memory_space<vmem>> -> memref<80xi32, #tpu.memory_space<vmem>>
      %dma_start3A_74 = arith.constant 0 : i32
      %dma_start3A_75 = arith.constant 0 : i32
      %dma_start3A_76 = tpu.memref_slice %arg4[%dma_start3A_74, %dma_start3A_75] : memref<20000x128xf32, #tpu.memory_space<hbm>> -> memref<20000x128xf32, #tpu.memory_space<hbm>>
      tpu.enqueue_indirect_dma source(%dma_start3A_76 : memref<20000x128xf32, #tpu.memory_space<hbm>>) target(%arg8 : memref<80x128xf32, #tpu.memory_space<vmem>>) offsets(%dma_start3A_73 : memref<80xi32, #tpu.memory_space<vmem>>) semaphore(%arg11 : memref<!tpu.dma_semaphore, #tpu.memory_space<semaphore_mem>>)
      %add3A_77 = arith.constant 1 : i32
      %add3A_78 = arith.addi %mul3A_55, %add3A_77 : i32
      %mul3A_79 = arith.constant 80 : i32
      %mul3A_80 = arith.muli %add3A_78, %mul3A_79 : i32
      %dma_wait3A_81 = tpu.memref_slice %arg6[%mul3A_80] : memref<10000xi32, #tpu.memory_space<vmem>> -> memref<80xi32, #tpu.memory_space<vmem>>
      %dma_wait3A_82 = arith.constant 0 : i32
      %dma_wait3A_83 = arith.constant 0 : i32
      %dma_wait3A_84 = tpu.memref_slice %arg4[%dma_wait3A_82, %dma_wait3A_83] : memref<20000x128xf32, #tpu.memory_space<hbm>> -> memref<20000x128xf32, #tpu.memory_space<hbm>>
      tpu.wait_indirect_dma semaphore(%arg12 : memref<!tpu.dma_semaphore, #tpu.memory_space<semaphore_mem>>) src(%dma_wait3A_84 : memref<20000x128xf32, #tpu.memory_space<hbm>>) dst(%arg9 : memref<80x128xf32, #tpu.memory_space<vmem>>)
      %add3A_85 = arith.constant 1 : i32
      %add3A_86 = arith.addi %mul3A_55, %add3A_85 : i32
      "tpu.region"() ({
        %run_scoped3A_87 = tpu.sem_alloc : memref<!tpu.dma_semaphore, #tpu.memory_space<semaphore_mem>>
        %dma_start3A_88 = arith.constant 0 : i32
        %dma_start3A_89 = tpu.memref_slice %arg7[%add3A_86, %dma_start3A_88] : memref<125x80xi32, #tpu.memory_space<vmem>> -> memref<1x80xi32, #tpu.memory_space<vmem>>
        %dma_start3A_90 = tpu.memref_squeeze %dma_start3A_89 : memref<1x80xi32, #tpu.memory_space<vmem>> -> memref<80xi32, #tpu.memory_space<vmem>>
        %dma_start3A_91 = arith.constant 0 : i32
        %dma_start3A_92 = arith.constant 0 : i32
        %dma_start3A_93 = tpu.memref_slice %arg10[%dma_start3A_91, %dma_start3A_92] : memref<10000x128xf32, #tpu.memory_space<vmem_shared>> -> memref<10000x128xf32, #tpu.memory_space<vmem_shared>>
        tpu.enqueue_indirect_dma source(%arg9 : memref<80x128xf32, #tpu.memory_space<vmem>>) target(%dma_start3A_93 : memref<10000x128xf32, #tpu.memory_space<vmem_shared>>) offsets(%dma_start3A_90 : memref<80xi32, #tpu.memory_space<vmem>>) semaphore(%run_scoped3A_87 : memref<!tpu.dma_semaphore, #tpu.memory_space<semaphore_mem>>) {add = true}
        %dma_wait3A_94 = arith.constant 0 : i32
        %dma_wait3A_95 = tpu.memref_slice %arg7[%add3A_86, %dma_wait3A_94] : memref<125x80xi32, #tpu.memory_space<vmem>> -> memref<1x80xi32, #tpu.memory_space<vmem>>
        %dma_wait3A_96 = tpu.memref_squeeze %dma_wait3A_95 : memref<1x80xi32, #tpu.memory_space<vmem>> -> memref<80xi32, #tpu.memory_space<vmem>>
        %dma_wait3A_97 = arith.constant 0 : i32
        %dma_wait3A_98 = arith.constant 0 : i32
        %dma_wait3A_99 = tpu.memref_slice %arg10[%dma_wait3A_97, %dma_wait3A_98] : memref<10000x128xf32, #tpu.memory_space<vmem_shared>> -> memref<10000x128xf32, #tpu.memory_space<vmem_shared>>
        tpu.wait_indirect_dma semaphore(%run_scoped3A_87 : memref<!tpu.dma_semaphore, #tpu.memory_space<semaphore_mem>>) src(%arg9 : memref<80x128xf32, #tpu.memory_space<vmem>>) dst(%dma_wait3A_99 : memref<10000x128xf32, #tpu.memory_space<vmem_shared>>)
        tpu.yield
      }) : () -> ()
    }
    %scan3A_22 = arith.constant 62 : i32
    %dma_wait3A = arith.constant 9920 : i32
    %dma_wait3A_23 = tpu.memref_slice %arg6[%dma_wait3A] : memref<10000xi32, #tpu.memory_space<vmem>> -> memref<80xi32, #tpu.memory_space<vmem>>
    %dma_wait3A_24 = arith.constant 0 : i32
    %dma_wait3A_25 = arith.constant 0 : i32
    %dma_wait3A_26 = tpu.memref_slice %arg4[%dma_wait3A_24, %dma_wait3A_25] : memref<20000x128xf32, #tpu.memory_space<hbm>> -> memref<20000x128xf32, #tpu.memory_space<hbm>>
    tpu.wait_indirect_dma semaphore(%arg11 : memref<!tpu.dma_semaphore, #tpu.memory_space<semaphore_mem>>) src(%dma_wait3A_26 : memref<20000x128xf32, #tpu.memory_space<hbm>>) dst(%arg8 : memref<80x128xf32, #tpu.memory_space<vmem>>)
    %run_scoped3A_27 = arith.constant 124 : i32
    "tpu.region"() ({
      %run_scoped3A_54 = tpu.sem_alloc : memref<!tpu.dma_semaphore, #tpu.memory_space<semaphore_mem>>
      %dma_start3A_55 = arith.constant 0 : i32
      %dma_start3A_56 = tpu.memref_slice %arg7[%run_scoped3A_27, %dma_start3A_55] : memref<125x80xi32, #tpu.memory_space<vmem>> -> memref<1x80xi32, #tpu.memory_space<vmem>>
      %dma_start3A_57 = tpu.memref_squeeze %dma_start3A_56 : memref<1x80xi32, #tpu.memory_space<vmem>> -> memref<80xi32, #tpu.memory_space<vmem>>
      %dma_start3A_58 = arith.constant 0 : i32
      %dma_start3A_59 = arith.constant 0 : i32
      %dma_start3A_60 = tpu.memref_slice %arg10[%dma_start3A_58, %dma_start3A_59] : memref<10000x128xf32, #tpu.memory_space<vmem_shared>> -> memref<10000x128xf32, #tpu.memory_space<vmem_shared>>
      tpu.enqueue_indirect_dma source(%arg8 : memref<80x128xf32, #tpu.memory_space<vmem>>) target(%dma_start3A_60 : memref<10000x128xf32, #tpu.memory_space<vmem_shared>>) offsets(%dma_start3A_57 : memref<80xi32, #tpu.memory_space<vmem>>) semaphore(%run_scoped3A_54 : memref<!tpu.dma_semaphore, #tpu.memory_space<semaphore_mem>>) {add = true}
      %dma_wait3A_61 = arith.constant 0 : i32
      %dma_wait3A_62 = tpu.memref_slice %arg7[%run_scoped3A_27, %dma_wait3A_61] : memref<125x80xi32, #tpu.memory_space<vmem>> -> memref<1x80xi32, #tpu.memory_space<vmem>>
      %dma_wait3A_63 = tpu.memref_squeeze %dma_wait3A_62 : memref<1x80xi32, #tpu.memory_space<vmem>> -> memref<80xi32, #tpu.memory_space<vmem>>
      %dma_wait3A_64 = arith.constant 0 : i32
      %dma_wait3A_65 = arith.constant 0 : i32
      %dma_wait3A_66 = tpu.memref_slice %arg10[%dma_wait3A_64, %dma_wait3A_65] : memref<10000x128xf32, #tpu.memory_space<vmem_shared>> -> memref<10000x128xf32, #tpu.memory_space<vmem_shared>>
      tpu.wait_indirect_dma semaphore(%run_scoped3A_54 : memref<!tpu.dma_semaphore, #tpu.memory_space<semaphore_mem>>) src(%arg8 : memref<80x128xf32, #tpu.memory_space<vmem>>) dst(%dma_wait3A_66 : memref<10000x128xf32, #tpu.memory_space<vmem_shared>>)
      tpu.yield
    }) : () -> ()
    %run_scoped3A_28 = arith.constant 1 : i32
    "tpu.region"() ({
      %run_scoped3A_54 = tpu.sem_alloc : memref<!tpu.dma_semaphore, #tpu.memory_space<semaphore_mem>>
      %dma_start3A_55 = arith.constant 0 : i32
      %dma_start3A_56 = tpu.memref_slice %arg2[%arg0, %run_scoped3A_28, %arg1, %dma_start3A_55] : memref<2x2x16x10000xi32, #tpu.memory_space<hbm>> -> memref<1x1x1x10000xi32, #tpu.memory_space<hbm>>
      %dma_start3A_57 = tpu.memref_squeeze %dma_start3A_56 : memref<1x1x1x10000xi32, #tpu.memory_space<hbm>> -> memref<10000xi32, #tpu.memory_space<hbm>>
      %dma_start3A_58 = arith.constant 0 : i32
      %dma_start3A_59 = tpu.memref_slice %arg2[%arg0, %run_scoped3A_28, %arg1, %dma_start3A_58] : memref<2x2x16x10000xi32, #tpu.memory_space<hbm>> -> memref<1x1x1x10000xi32, #tpu.memory_space<hbm>>
      %dma_start3A_60 = tpu.memref_squeeze %dma_start3A_59 : memref<1x1x1x10000xi32, #tpu.memory_space<hbm>> -> memref<10000xi32, #tpu.memory_space<hbm>>
      tpu.enqueue_dma source(%dma_start3A_60 : memref<10000xi32, #tpu.memory_space<hbm>>) target(%arg6 : memref<10000xi32, #tpu.memory_space<vmem>>) target_semaphore(%run_scoped3A_54 : memref<!tpu.dma_semaphore, #tpu.memory_space<semaphore_mem>>)
      %dma_wait3A_61 = arith.constant 0 : i32
      %dma_wait3A_62 = tpu.memref_slice %arg2[%arg0, %run_scoped3A_28, %arg1, %dma_wait3A_61] : memref<2x2x16x10000xi32, #tpu.memory_space<hbm>> -> memref<1x1x1x10000xi32, #tpu.memory_space<hbm>>
      %dma_wait3A_63 = tpu.memref_squeeze %dma_wait3A_62 : memref<1x1x1x10000xi32, #tpu.memory_space<hbm>> -> memref<10000xi32, #tpu.memory_space<hbm>>
      %dma_wait3A_64 = arith.constant 0 : i32
      %dma_wait3A_65 = tpu.memref_slice %arg2[%arg0, %run_scoped3A_28, %arg1, %dma_wait3A_64] : memref<2x2x16x10000xi32, #tpu.memory_space<hbm>> -> memref<1x1x1x10000xi32, #tpu.memory_space<hbm>>
      %dma_wait3A_66 = tpu.memref_squeeze %dma_wait3A_65 : memref<1x1x1x10000xi32, #tpu.memory_space<hbm>> -> memref<10000xi32, #tpu.memory_space<hbm>>
      tpu.wait_dma2 semaphore(%run_scoped3A_54 : memref<!tpu.dma_semaphore, #tpu.memory_space<semaphore_mem>>) src(%dma_wait3A_66 : memref<10000xi32, #tpu.memory_space<hbm>>) dst(%arg6 : memref<10000xi32, #tpu.memory_space<vmem>>)
      tpu.yield
    }) : () -> ()
    %run_scoped3A_29 = arith.constant 1 : i32
    "tpu.region"() ({
      %run_scoped3A_54 = tpu.sem_alloc : memref<!tpu.dma_semaphore, #tpu.memory_space<semaphore_mem>>
      %dma_start3A_55 = arith.constant 0 : i32
      %dma_start3A_56 = arith.constant 0 : i32
      %dma_start3A_57 = tpu.memref_slice %arg3[%arg0, %run_scoped3A_29, %arg1, %dma_start3A_55, %dma_start3A_56] : memref<2x2x16x125x80xi32, #tpu.memory_space<hbm>> -> memref<1x1x1x125x80xi32, #tpu.memory_space<hbm>>
      %dma_start3A_58 = tpu.memref_squeeze %dma_start3A_57 : memref<1x1x1x125x80xi32, #tpu.memory_space<hbm>> -> memref<125x80xi32, #tpu.memory_space<hbm>>
      %dma_start3A_59 = arith.constant 0 : i32
      %dma_start3A_60 = arith.constant 0 : i32
      %dma_start3A_61 = tpu.memref_slice %arg3[%arg0, %run_scoped3A_29, %arg1, %dma_start3A_59, %dma_start3A_60] : memref<2x2x16x125x80xi32, #tpu.memory_space<hbm>> -> memref<1x1x1x125x80xi32, #tpu.memory_space<hbm>>
      %dma_start3A_62 = tpu.memref_squeeze %dma_start3A_61 : memref<1x1x1x125x80xi32, #tpu.memory_space<hbm>> -> memref<125x80xi32, #tpu.memory_space<hbm>>
      tpu.enqueue_dma source(%dma_start3A_62 : memref<125x80xi32, #tpu.memory_space<hbm>>) target(%arg7 : memref<125x80xi32, #tpu.memory_space<vmem>>) target_semaphore(%run_scoped3A_54 : memref<!tpu.dma_semaphore, #tpu.memory_space<semaphore_mem>>)
      %dma_wait3A_63 = arith.constant 0 : i32
      %dma_wait3A_64 = arith.constant 0 : i32
      %dma_wait3A_65 = tpu.memref_slice %arg3[%arg0, %run_scoped3A_29, %arg1, %dma_wait3A_63, %dma_wait3A_64] : memref<2x2x16x125x80xi32, #tpu.memory_space<hbm>> -> memref<1x1x1x125x80xi32, #tpu.memory_space<hbm>>
      %dma_wait3A_66 = tpu.memref_squeeze %dma_wait3A_65 : memref<1x1x1x125x80xi32, #tpu.memory_space<hbm>> -> memref<125x80xi32, #tpu.memory_space<hbm>>
      %dma_wait3A_67 = arith.constant 0 : i32
      %dma_wait3A_68 = arith.constant 0 : i32
      %dma_wait3A_69 = tpu.memref_slice %arg3[%arg0, %run_scoped3A_29, %arg1, %dma_wait3A_67, %dma_wait3A_68] : memref<2x2x16x125x80xi32, #tpu.memory_space<hbm>> -> memref<1x1x1x125x80xi32, #tpu.memory_space<hbm>>
      %dma_wait3A_70 = tpu.memref_squeeze %dma_wait3A_69 : memref<1x1x1x125x80xi32, #tpu.memory_space<hbm>> -> memref<125x80xi32, #tpu.memory_space<hbm>>
      tpu.wait_dma2 semaphore(%run_scoped3A_54 : memref<!tpu.dma_semaphore, #tpu.memory_space<semaphore_mem>>) src(%dma_wait3A_70 : memref<125x80xi32, #tpu.memory_space<hbm>>) dst(%arg7 : memref<125x80xi32, #tpu.memory_space<vmem>>)
      tpu.yield
    }) : () -> ()
    %dma_start3A_30 = arith.constant 0 : i32
    %dma_start3A_31 = tpu.memref_slice %arg6[%dma_start3A_30] : memref<10000xi32, #tpu.memory_space<vmem>> -> memref<80xi32, #tpu.memory_space<vmem>>
    %dma_start3A_32 = arith.constant 0 : i32
    %dma_start3A_33 = arith.constant 0 : i32
    %dma_start3A_34 = tpu.memref_slice %arg4[%dma_start3A_32, %dma_start3A_33] : memref<20000x128xf32, #tpu.memory_space<hbm>> -> memref<20000x128xf32, #tpu.memory_space<hbm>>
    tpu.enqueue_indirect_dma source(%dma_start3A_34 : memref<20000x128xf32, #tpu.memory_space<hbm>>) target(%arg8 : memref<80x128xf32, #tpu.memory_space<vmem>>) offsets(%dma_start3A_31 : memref<80xi32, #tpu.memory_space<vmem>>) semaphore(%arg11 : memref<!tpu.dma_semaphore, #tpu.memory_space<semaphore_mem>>)
    %scan3A_35 = arith.constant 0 : i32
    %scan3A_36 = arith.constant 0 : i32
    %scan3A_37 = arith.constant 62 : i32
    %scan3A_38 = arith.addi %scan3A_36, %scan3A_37 : i32
    %scan3A_39 = arith.constant 1 : i32
    scf.for %scan3A_54 = %scan3A_36 to %scan3A_38 step %scan3A_39  : i32 {
      %mul3A = arith.constant 2 : i32
      %mul3A_55 = arith.muli %mul3A, %scan3A_54 : i32
      %add3A = arith.constant 1 : i32
      %add3A_56 = arith.addi %mul3A_55, %add3A : i32
      %mul3A_57 = arith.constant 80 : i32
      %mul3A_58 = arith.muli %add3A_56, %mul3A_57 : i32
      %dma_start3A_59 = tpu.memref_slice %arg6[%mul3A_58] : memref<10000xi32, #tpu.memory_space<vmem>> -> memref<80xi32, #tpu.memory_space<vmem>>
      %dma_start3A_60 = arith.constant 0 : i32
      %dma_start3A_61 = arith.constant 0 : i32
      %dma_start3A_62 = tpu.memref_slice %arg4[%dma_start3A_60, %dma_start3A_61] : memref<20000x128xf32, #tpu.memory_space<hbm>> -> memref<20000x128xf32, #tpu.memory_space<hbm>>
      tpu.enqueue_indirect_dma source(%dma_start3A_62 : memref<20000x128xf32, #tpu.memory_space<hbm>>) target(%arg9 : memref<80x128xf32, #tpu.memory_space<vmem>>) offsets(%dma_start3A_59 : memref<80xi32, #tpu.memory_space<vmem>>) semaphore(%arg12 : memref<!tpu.dma_semaphore, #tpu.memory_space<semaphore_mem>>)
      %mul3A_63 = arith.constant 80 : i32
      %mul3A_64 = arith.muli %mul3A_55, %mul3A_63 : i32
      %dma_wait3A_65 = tpu.memref_slice %arg6[%mul3A_64] : memref<10000xi32, #tpu.memory_space<vmem>> -> memref<80xi32, #tpu.memory_space<vmem>>
      %dma_wait3A_66 = arith.constant 0 : i32
      %dma_wait3A_67 = arith.constant 0 : i32
      %dma_wait3A_68 = tpu.memref_slice %arg4[%dma_wait3A_66, %dma_wait3A_67] : memref<20000x128xf32, #tpu.memory_space<hbm>> -> memref<20000x128xf32, #tpu.memory_space<hbm>>
      tpu.wait_indirect_dma semaphore(%arg11 : memref<!tpu.dma_semaphore, #tpu.memory_space<semaphore_mem>>) src(%dma_wait3A_68 : memref<20000x128xf32, #tpu.memory_space<hbm>>) dst(%arg8 : memref<80x128xf32, #tpu.memory_space<vmem>>)
      "tpu.region"() ({
        %run_scoped3A_87 = tpu.sem_alloc : memref<!tpu.dma_semaphore, #tpu.memory_space<semaphore_mem>>
        %dma_start3A_88 = arith.constant 0 : i32
        %dma_start3A_89 = tpu.memref_slice %arg7[%mul3A_55, %dma_start3A_88] : memref<125x80xi32, #tpu.memory_space<vmem>> -> memref<1x80xi32, #tpu.memory_space<vmem>>
        %dma_start3A_90 = tpu.memref_squeeze %dma_start3A_89 : memref<1x80xi32, #tpu.memory_space<vmem>> -> memref<80xi32, #tpu.memory_space<vmem>>
        %dma_start3A_91 = arith.constant 0 : i32
        %dma_start3A_92 = arith.constant 0 : i32
        %dma_start3A_93 = tpu.memref_slice %arg10[%dma_start3A_91, %dma_start3A_92] : memref<10000x128xf32, #tpu.memory_space<vmem_shared>> -> memref<10000x128xf32, #tpu.memory_space<vmem_shared>>
        tpu.enqueue_indirect_dma source(%arg8 : memref<80x128xf32, #tpu.memory_space<vmem>>) target(%dma_start3A_93 : memref<10000x128xf32, #tpu.memory_space<vmem_shared>>) offsets(%dma_start3A_90 : memref<80xi32, #tpu.memory_space<vmem>>) semaphore(%run_scoped3A_87 : memref<!tpu.dma_semaphore, #tpu.memory_space<semaphore_mem>>) {add = true}
        %dma_wait3A_94 = arith.constant 0 : i32
        %dma_wait3A_95 = tpu.memref_slice %arg7[%mul3A_55, %dma_wait3A_94] : memref<125x80xi32, #tpu.memory_space<vmem>> -> memref<1x80xi32, #tpu.memory_space<vmem>>
        %dma_wait3A_96 = tpu.memref_squeeze %dma_wait3A_95 : memref<1x80xi32, #tpu.memory_space<vmem>> -> memref<80xi32, #tpu.memory_space<vmem>>
        %dma_wait3A_97 = arith.constant 0 : i32
        %dma_wait3A_98 = arith.constant 0 : i32
        %dma_wait3A_99 = tpu.memref_slice %arg10[%dma_wait3A_97, %dma_wait3A_98] : memref<10000x128xf32, #tpu.memory_space<vmem_shared>> -> memref<10000x128xf32, #tpu.memory_space<vmem_shared>>
        tpu.wait_indirect_dma semaphore(%run_scoped3A_87 : memref<!tpu.dma_semaphore, #tpu.memory_space<semaphore_mem>>) src(%arg8 : memref<80x128xf32, #tpu.memory_space<vmem>>) dst(%dma_wait3A_99 : memref<10000x128xf32, #tpu.memory_space<vmem_shared>>)
        tpu.yield
      }) : () -> ()
      %add3A_69 = arith.constant 2 : i32
      %add3A_70 = arith.addi %mul3A_55, %add3A_69 : i32
      %mul3A_71 = arith.constant 80 : i32
      %mul3A_72 = arith.muli %add3A_70, %mul3A_71 : i32
      %dma_start3A_73 = tpu.memref_slice %arg6[%mul3A_72] : memref<10000xi32, #tpu.memory_space<vmem>> -> memref<80xi32, #tpu.memory_space<vmem>>
      %dma_start3A_74 = arith.constant 0 : i32
      %dma_start3A_75 = arith.constant 0 : i32
      %dma_start3A_76 = tpu.memref_slice %arg4[%dma_start3A_74, %dma_start3A_75] : memref<20000x128xf32, #tpu.memory_space<hbm>> -> memref<20000x128xf32, #tpu.memory_space<hbm>>
      tpu.enqueue_indirect_dma source(%dma_start3A_76 : memref<20000x128xf32, #tpu.memory_space<hbm>>) target(%arg8 : memref<80x128xf32, #tpu.memory_space<vmem>>) offsets(%dma_start3A_73 : memref<80xi32, #tpu.memory_space<vmem>>) semaphore(%arg11 : memref<!tpu.dma_semaphore, #tpu.memory_space<semaphore_mem>>)
      %add3A_77 = arith.constant 1 : i32
      %add3A_78 = arith.addi %mul3A_55, %add3A_77 : i32
      %mul3A_79 = arith.constant 80 : i32
      %mul3A_80 = arith.muli %add3A_78, %mul3A_79 : i32
      %dma_wait3A_81 = tpu.memref_slice %arg6[%mul3A_80] : memref<10000xi32, #tpu.memory_space<vmem>> -> memref<80xi32, #tpu.memory_space<vmem>>
      %dma_wait3A_82 = arith.constant 0 : i32
      %dma_wait3A_83 = arith.constant 0 : i32
      %dma_wait3A_84 = tpu.memref_slice %arg4[%dma_wait3A_82, %dma_wait3A_83] : memref<20000x128xf32, #tpu.memory_space<hbm>> -> memref<20000x128xf32, #tpu.memory_space<hbm>>
      tpu.wait_indirect_dma semaphore(%arg12 : memref<!tpu.dma_semaphore, #tpu.memory_space<semaphore_mem>>) src(%dma_wait3A_84 : memref<20000x128xf32, #tpu.memory_space<hbm>>) dst(%arg9 : memref<80x128xf32, #tpu.memory_space<vmem>>)
      %add3A_85 = arith.constant 1 : i32
      %add3A_86 = arith.addi %mul3A_55, %add3A_85 : i32
      "tpu.region"() ({
        %run_scoped3A_87 = tpu.sem_alloc : memref<!tpu.dma_semaphore, #tpu.memory_space<semaphore_mem>>
        %dma_start3A_88 = arith.constant 0 : i32
        %dma_start3A_89 = tpu.memref_slice %arg7[%add3A_86, %dma_start3A_88] : memref<125x80xi32, #tpu.memory_space<vmem>> -> memref<1x80xi32, #tpu.memory_space<vmem>>
        %dma_start3A_90 = tpu.memref_squeeze %dma_start3A_89 : memref<1x80xi32, #tpu.memory_space<vmem>> -> memref<80xi32, #tpu.memory_space<vmem>>
        %dma_start3A_91 = arith.constant 0 : i32
        %dma_start3A_92 = arith.constant 0 : i32
        %dma_start3A_93 = tpu.memref_slice %arg10[%dma_start3A_91, %dma_start3A_92] : memref<10000x128xf32, #tpu.memory_space<vmem_shared>> -> memref<10000x128xf32, #tpu.memory_space<vmem_shared>>
        tpu.enqueue_indirect_dma source(%arg9 : memref<80x128xf32, #tpu.memory_space<vmem>>) target(%dma_start3A_93 : memref<10000x128xf32, #tpu.memory_space<vmem_shared>>) offsets(%dma_start3A_90 : memref<80xi32, #tpu.memory_space<vmem>>) semaphore(%run_scoped3A_87 : memref<!tpu.dma_semaphore, #tpu.memory_space<semaphore_mem>>) {add = true}
        %dma_wait3A_94 = arith.constant 0 : i32
        %dma_wait3A_95 = tpu.memref_slice %arg7[%add3A_86, %dma_wait3A_94] : memref<125x80xi32, #tpu.memory_space<vmem>> -> memref<1x80xi32, #tpu.memory_space<vmem>>
        %dma_wait3A_96 = tpu.memref_squeeze %dma_wait3A_95 : memref<1x80xi32, #tpu.memory_space<vmem>> -> memref<80xi32, #tpu.memory_space<vmem>>
        %dma_wait3A_97 = arith.constant 0 : i32
        %dma_wait3A_98 = arith.constant 0 : i32
        %dma_wait3A_99 = tpu.memref_slice %arg10[%dma_wait3A_97, %dma_wait3A_98] : memref<10000x128xf32, #tpu.memory_space<vmem_shared>> -> memref<10000x128xf32, #tpu.memory_space<vmem_shared>>
        tpu.wait_indirect_dma semaphore(%run_scoped3A_87 : memref<!tpu.dma_semaphore, #tpu.memory_space<semaphore_mem>>) src(%arg9 : memref<80x128xf32, #tpu.memory_space<vmem>>) dst(%dma_wait3A_99 : memref<10000x128xf32, #tpu.memory_space<vmem_shared>>)
        tpu.yield
      }) : () -> ()
    }
    %scan3A_40 = arith.constant 62 : i32
    %dma_wait3A_41 = arith.constant 9920 : i32
    %dma_wait3A_42 = tpu.memref_slice %arg6[%dma_wait3A_41] : memref<10000xi32, #tpu.memory_space<vmem>> -> memref<80xi32, #tpu.memory_space<vmem>>
    %dma_wait3A_43 = arith.constant 0 : i32
    %dma_wait3A_44 = arith.constant 0 : i32
    %dma_wait3A_45 = tpu.memref_slice %arg4[%dma_wait3A_43, %dma_wait3A_44] : memref<20000x128xf32, #tpu.memory_space<hbm>> -> memref<20000x128xf32, #tpu.memory_space<hbm>>
    tpu.wait_indirect_dma semaphore(%arg11 : memref<!tpu.dma_semaphore, #tpu.memory_space<semaphore_mem>>) src(%dma_wait3A_45 : memref<20000x128xf32, #tpu.memory_space<hbm>>) dst(%arg8 : memref<80x128xf32, #tpu.memory_space<vmem>>)
    %run_scoped3A_46 = arith.constant 124 : i32
    "tpu.region"() ({
      %run_scoped3A_54 = tpu.sem_alloc : memref<!tpu.dma_semaphore, #tpu.memory_space<semaphore_mem>>
      %dma_start3A_55 = arith.constant 0 : i32
      %dma_start3A_56 = tpu.memref_slice %arg7[%run_scoped3A_46, %dma_start3A_55] : memref<125x80xi32, #tpu.memory_space<vmem>> -> memref<1x80xi32, #tpu.memory_space<vmem>>
      %dma_start3A_57 = tpu.memref_squeeze %dma_start3A_56 : memref<1x80xi32, #tpu.memory_space<vmem>> -> memref<80xi32, #tpu.memory_space<vmem>>
      %dma_start3A_58 = arith.constant 0 : i32
      %dma_start3A_59 = arith.constant 0 : i32
      %dma_start3A_60 = tpu.memref_slice %arg10[%dma_start3A_58, %dma_start3A_59] : memref<10000x128xf32, #tpu.memory_space<vmem_shared>> -> memref<10000x128xf32, #tpu.memory_space<vmem_shared>>
      tpu.enqueue_indirect_dma source(%arg8 : memref<80x128xf32, #tpu.memory_space<vmem>>) target(%dma_start3A_60 : memref<10000x128xf32, #tpu.memory_space<vmem_shared>>) offsets(%dma_start3A_57 : memref<80xi32, #tpu.memory_space<vmem>>) semaphore(%run_scoped3A_54 : memref<!tpu.dma_semaphore, #tpu.memory_space<semaphore_mem>>) {add = true}
      %dma_wait3A_61 = arith.constant 0 : i32
      %dma_wait3A_62 = tpu.memref_slice %arg7[%run_scoped3A_46, %dma_wait3A_61] : memref<125x80xi32, #tpu.memory_space<vmem>> -> memref<1x80xi32, #tpu.memory_space<vmem>>
      %dma_wait3A_63 = tpu.memref_squeeze %dma_wait3A_62 : memref<1x80xi32, #tpu.memory_space<vmem>> -> memref<80xi32, #tpu.memory_space<vmem>>
      %dma_wait3A_64 = arith.constant 0 : i32
      %dma_wait3A_65 = arith.constant 0 : i32
      %dma_wait3A_66 = tpu.memref_slice %arg10[%dma_wait3A_64, %dma_wait3A_65] : memref<10000x128xf32, #tpu.memory_space<vmem_shared>> -> memref<10000x128xf32, #tpu.memory_space<vmem_shared>>
      tpu.wait_indirect_dma semaphore(%run_scoped3A_54 : memref<!tpu.dma_semaphore, #tpu.memory_space<semaphore_mem>>) src(%arg8 : memref<80x128xf32, #tpu.memory_space<vmem>>) dst(%dma_wait3A_66 : memref<10000x128xf32, #tpu.memory_space<vmem_shared>>)
      tpu.yield
    }) : () -> ()
    %barrier3A_47 = arith.constant 0 : index
    tpu.barrier barrier_id(%barrier3A_47)
    %scan3A_48 = arith.constant 0 : i32
    %scan3A_49 = arith.constant 0 : i32
    %scan3A_50 = arith.constant 8 : i32
    %scan3A_51 = arith.addi %scan3A_49, %scan3A_50 : i32
    %scan3A_52 = arith.constant 1 : i32
    scf.for %scan3A_54 = %scan3A_49 to %scan3A_51 step %scan3A_52  : i32 {
      %mul3A = arith.constant 16 : i32
      %mul3A_55 = arith.muli %mul3A, %scan3A_54 : i32
      %add3A = arith.addi %arg1, %mul3A_55 : i32
      %mul3A_56 = arith.constant 80 : i32
      %mul3A_57 = arith.muli %add3A, %mul3A_56 : i32
      %min3A = arith.constant 9920 : i32
      %min3A_58 = arith.minsi %mul3A_57, %min3A : i32
      "tpu.region"() ({
        %run_scoped3A_59 = tpu.sem_alloc : memref<!tpu.dma_semaphore, #tpu.memory_space<semaphore_mem>>
        %dma_start3A_60 = arith.constant 0 : i32
        %dma_start3A_61 = tpu.memref_slice %arg5[%arg0, %min3A_58, %dma_start3A_60] : memref<2x10000x128xf32, #tpu.memory_space<hbm>> -> memref<1x80x128xf32, #tpu.memory_space<hbm>>
        %dma_start3A_62 = tpu.memref_squeeze %dma_start3A_61 : memref<1x80x128xf32, #tpu.memory_space<hbm>> -> memref<80x128xf32, #tpu.memory_space<hbm>>
        %dma_start3A_63 = arith.constant 0 : i32
        %dma_start3A_64 = tpu.memref_slice %arg10[%min3A_58, %dma_start3A_63] : memref<10000x128xf32, #tpu.memory_space<vmem_shared>> -> memref<80x128xf32, #tpu.memory_space<vmem_shared>>
        tpu.enqueue_dma source(%dma_start3A_64 : memref<80x128xf32, #tpu.memory_space<vmem_shared>>) target(%dma_start3A_62 : memref<80x128xf32, #tpu.memory_space<hbm>>) target_semaphore(%run_scoped3A_59 : memref<!tpu.dma_semaphore, #tpu.memory_space<semaphore_mem>>)
        %dma_wait3A_65 = arith.constant 0 : i32
        %dma_wait3A_66 = tpu.memref_slice %arg5[%arg0, %min3A_58, %dma_wait3A_65] : memref<2x10000x128xf32, #tpu.memory_space<hbm>> -> memref<1x80x128xf32, #tpu.memory_space<hbm>>
        %dma_wait3A_67 = tpu.memref_squeeze %dma_wait3A_66 : memref<1x80x128xf32, #tpu.memory_space<hbm>> -> memref<80x128xf32, #tpu.memory_space<hbm>>
        %dma_wait3A_68 = arith.constant 0 : i32
        %dma_wait3A_69 = tpu.memref_slice %arg10[%min3A_58, %dma_wait3A_68] : memref<10000x128xf32, #tpu.memory_space<vmem_shared>> -> memref<80x128xf32, #tpu.memory_space<vmem_shared>>
        tpu.wait_dma2 semaphore(%run_scoped3A_59 : memref<!tpu.dma_semaphore, #tpu.memory_space<semaphore_mem>>) src(%dma_wait3A_69 : memref<80x128xf32, #tpu.memory_space<vmem_shared>>) dst(%dma_wait3A_67 : memref<80x128xf32, #tpu.memory_space<hbm>>)
        tpu.yield
      }) : () -> ()
    }
    %scan3A_53 = arith.constant 8 : i32
    return
  }
}

#map = affine_map<(d0, d1) -> (0, 0, 0, 0)>
#map1 = affine_map<(d0, d1) -> (0, 0, 0, 0, 0)>
#map2 = affine_map<(d0, d1) -> (0, 0)>
#map3 = affine_map<(d0, d1) -> (0, 0, 0)>
module attributes {stable_mosaic.version = 14 : i64} {
  func.func @body(%arg0: i32, %arg1: i32, %arg2: memref<2x2x16x10000xi32, #tpu.memory_space<hbm>>, %arg3: memref<2x2x16x125x80xi32, #tpu.memory_space<hbm>>, %arg4: memref<20000x128xf32, #tpu.memory_space<hbm>>, %arg5: memref<2x10000x128xf32, #tpu.memory_space<hbm>>, %arg6: memref<10000xi32, #tpu.memory_space<vmem>>, %arg7: memref<125x80xi32, #tpu.memory_space<vmem>>, %arg8: memref<80x128xf32, #tpu.memory_space<vmem>>, %arg9: memref<80x128xf32, #tpu.memory_space<vmem>>, %arg10: memref<10000x128xf32, #tpu.memory_space<vmem_shared>>, %arg11: memref<!tpu.dma_semaphore, #tpu.memory_space<semaphore_mem>>, %arg12: memref<!tpu.dma_semaphore, #tpu.memory_space<semaphore_mem>>) attributes {dimension_semantics = [#tpu.dimension_semantics<core_parallel>, #tpu.dimension_semantics<subcore_parallel>], iteration_bounds = array<i64: 2, 16>, scalar_prefetch = 0 : i64, scratch_operands = 7 : i64, tpu.core_type = #tpu.core_type<sc_vector_subcore>, window_params = [{transform_indices = #map}, {transform_indices = #map1}, {transform_indices = #map2}, {transform_indices = #map3}]} {
    %broadcast_in_dim3A = arith.constant 0.000000e+00 : f32
    %broadcast_in_dim3A_0 = vector.broadcast %broadcast_in_dim3A : f32 to vector<16xf32>
    %scan3A = arith.constant 0 : i32
    %scan3A_1 = arith.constant 0 : i32
    %scan3A_2 = arith.constant 80 : i32
    %scan3A_3 = arith.addi %scan3A_1, %scan3A_2 : i32
    %scan3A_4 = arith.constant 1 : i32
    scf.for %scan3A_54 = %scan3A_1 to %scan3A_3 step %scan3A_4  : i32 {
      %swap3A = arith.index_cast %scan3A_54 : i32 to index
      %swap3A_55 = arith.constant 0 : index
      %swap3A_56 = tpu.vector_load %arg8[%swap3A, %swap3A_55] {strides = array<i32>} : memref<80x128xf32, #tpu.memory_space<vmem>>, vector<1x16xf32>,
      %swap3A_57 = vector.shape_cast %swap3A_56 : vector<1x16xf32> to vector<16xf32>
      %swap3A_58 = vector.shape_cast %broadcast_in_dim3A_0 : vector<16xf32> to vector<1x16xf32>
      tpu.vector_store %arg8[%swap3A, %swap3A_55], %swap3A_58 {strides = array<i32>} : memref<80x128xf32, #tpu.memory_space<vmem>>, vector<1x16xf32>,
      %swap3A_59 = arith.index_cast %scan3A_54 : i32 to index
      %swap3A_60 = arith.constant 16 : index
      %swap3A_61 = tpu.vector_load %arg8[%swap3A_59, %swap3A_60] {strides = array<i32>} : memref<80x128xf32, #tpu.memory_space<vmem>>, vector<1x16xf32>,
      %swap3A_62 = vector.shape_cast %swap3A_61 : vector<1x16xf32> to vector<16xf32>
      %swap3A_63 = vector.shape_cast %broadcast_in_dim3A_0 : vector<16xf32> to vector<1x16xf32>
      tpu.vector_store %arg8[%swap3A_59, %swap3A_60], %swap3A_63 {strides = array<i32>} : memref<80x128xf32, #tpu.memory_space<vmem>>, vector<1x16xf32>,
      %swap3A_64 = arith.index_cast %scan3A_54 : i32 to index
      %swap3A_65 = arith.constant 32 : index
      %swap3A_66 = tpu.vector_load %arg8[%swap3A_64, %swap3A_65] {strides = array<i32>} : memref<80x128xf32, #tpu.memory_space<vmem>>, vector<1x16xf32>,
      %swap3A_67 = vector.shape_cast %swap3A_66 : vector<1x16xf32> to vector<16xf32>
      %swap3A_68 = vector.shape_cast %broadcast_in_dim3A_0 : vector<16xf32> to vector<1x16xf32>
      tpu.vector_store %arg8[%swap3A_64, %swap3A_65], %swap3A_68 {strides = array<i32>} : memref<80x128xf32, #tpu.memory_space<vmem>>, vector<1x16xf32>,
      %swap3A_69 = arith.index_cast %scan3A_54 : i32 to index
      %swap3A_70 = arith.constant 48 : index
      %swap3A_71 = tpu.vector_load %arg8[%swap3A_69, %swap3A_70] {strides = array<i32>} : memref<80x128xf32, #tpu.memory_space<vmem>>, vector<1x16xf32>,
      %swap3A_72 = vector.shape_cast %swap3A_71 : vector<1x16xf32> to vector<16xf32>
      %swap3A_73 = vector.shape_cast %broadcast_in_dim3A_0 : vector<16xf32> to vector<1x16xf32>
      tpu.vector_store %arg8[%swap3A_69, %swap3A_70], %swap3A_73 {strides = array<i32>} : memref<80x128xf32, #tpu.memory_space<vmem>>, vector<1x16xf32>,
      %swap3A_74 = arith.index_cast %scan3A_54 : i32 to index
      %swap3A_75 = arith.constant 64 : index
      %swap3A_76 = tpu.vector_load %arg8[%swap3A_74, %swap3A_75] {strides = array<i32>} : memref<80x128xf32, #tpu.memory_space<vmem>>, vector<1x16xf32>,
      %swap3A_77 = vector.shape_cast %swap3A_76 : vector<1x16xf32> to vector<16xf32>
      %swap3A_78 = vector.shape_cast %broadcast_in_dim3A_0 : vector<16xf32> to vector<1x16xf32>
      tpu.vector_store %arg8[%swap3A_74, %swap3A_75], %swap3A_78 {strides = array<i32>} : memref<80x128xf32, #tpu.memory_space<vmem>>, vector<1x16xf32>,
      %swap3A_79 = arith.index_cast %scan3A_54 : i32 to index
      %swap3A_80 = arith.constant 80 : index
      %swap3A_81 = tpu.vector_load %arg8[%swap3A_79, %swap3A_80] {strides = array<i32>} : memref<80x128xf32, #tpu.memory_space<vmem>>, vector<1x16xf32>,
      %swap3A_82 = vector.shape_cast %swap3A_81 : vector<1x16xf32> to vector<16xf32>
      %swap3A_83 = vector.shape_cast %broadcast_in_dim3A_0 : vector<16xf32> to vector<1x16xf32>
      tpu.vector_store %arg8[%swap3A_79, %swap3A_80], %swap3A_83 {strides = array<i32>} : memref<80x128xf32, #tpu.memory_space<vmem>>, vector<1x16xf32>,
      %swap3A_84 = arith.index_cast %scan3A_54 : i32 to index
      %swap3A_85 = arith.constant 96 : index
      %swap3A_86 = tpu.vector_load %arg8[%swap3A_84, %swap3A_85] {strides = array<i32>} : memref<80x128xf32, #tpu.memory_space<vmem>>, vector<1x16xf32>,
      %swap3A_87 = vector.shape_cast %swap3A_86 : vector<1x16xf32> to vector<16xf32>
      %swap3A_88 = vector.shape_cast %broadcast_in_dim3A_0 : vector<16xf32> to vector<1x16xf32>
      tpu.vector_store %arg8[%swap3A_84, %swap3A_85], %swap3A_88 {strides = array<i32>} : memref<80x128xf32, #tpu.memory_space<vmem>>, vector<1x16xf32>,
      %swap3A_89 = arith.index_cast %scan3A_54 : i32 to index
      %swap3A_90 = arith.constant 112 : index
      %swap3A_91 = tpu.vector_load %arg8[%swap3A_89, %swap3A_90] {strides = array<i32>} : memref<80x128xf32, #tpu.memory_space<vmem>>, vector<1x16xf32>,
      %swap3A_92 = vector.shape_cast %swap3A_91 : vector<1x16xf32> to vector<16xf32>
      %swap3A_93 = vector.shape_cast %broadcast_in_dim3A_0 : vector<16xf32> to vector<1x16xf32>
      tpu.vector_store %arg8[%swap3A_89, %swap3A_90], %swap3A_93 {strides = array<i32>} : memref<80x128xf32, #tpu.memory_space<vmem>>, vector<1x16xf32>,
    }
    %scan3A_5 = arith.constant 80 : i32
    %scan3A_6 = arith.constant 0 : i32
    %scan3A_7 = arith.constant 0 : i32
    %scan3A_8 = arith.constant 8 : i32
    %scan3A_9 = arith.addi %scan3A_7, %scan3A_8 : i32
    %scan3A_10 = arith.constant 1 : i32
    scf.for %scan3A_54 = %scan3A_7 to %scan3A_9 step %scan3A_10  : i32 {
      %mul3A = arith.constant 16 : i32
      %mul3A_55 = arith.muli %mul3A, %scan3A_54 : i32
      %add3A = arith.addi %arg1, %mul3A_55 : i32
      %mul3A_56 = arith.constant 80 : i32
      %mul3A_57 = arith.muli %add3A, %mul3A_56 : i32
      %min3A = arith.constant 9920 : i32
      %min3A_58 = arith.minsi %mul3A_57, %min3A : i32
      "tpu.region"() ({
        %run_scoped3A_59 = tpu.sem_alloc : memref<!tpu.dma_semaphore, #tpu.memory_space<semaphore_mem>>
        %dma_start3A_60 = arith.constant 0 : i32
        %dma_start3A_61 = arith.constant 0 : i32
        %dma_start3A_62 = tpu.memref_slice %arg8[%dma_start3A_60, %dma_start3A_61] : memref<80x128xf32, #tpu.memory_space<vmem>> -> memref<80x128xf32, #tpu.memory_space<vmem>>
        %dma_start3A_63 = arith.constant 0 : i32
        %dma_start3A_64 = tpu.memref_slice %arg10[%min3A_58, %dma_start3A_63] : memref<10000x128xf32, #tpu.memory_space<vmem_shared>> -> memref<80x128xf32, #tpu.memory_space<vmem_shared>>
        %dma_start3A_65 = arith.constant 0 : i32
        %dma_start3A_66 = tpu.memref_slice %arg10[%min3A_58, %dma_start3A_65] : memref<10000x128xf32, #tpu.memory_space<vmem_shared>> -> memref<80x128xf32, #tpu.memory_space<vmem_shared>>
        %dma_start3A_67 = arith.constant 0 : i32
        %dma_start3A_68 = arith.constant 0 : i32
        %dma_start3A_69 = tpu.memref_slice %arg8[%dma_start3A_67, %dma_start3A_68] : memref<80x128xf32, #tpu.memory_space<vmem>> -> memref<80x128xf32, #tpu.memory_space<vmem>>
        tpu.enqueue_dma source(%dma_start3A_69 : memref<80x128xf32, #tpu.memory_space<vmem>>) target(%dma_start3A_66 : memref<80x128xf32, #tpu.memory_space<vmem_shared>>) target_semaphore(%run_scoped3A_59 : memref<!tpu.dma_semaphore, #tpu.memory_space<semaphore_mem>>)
        %dma_wait3A_70 = arith.constant 0 : i32
        %dma_wait3A_71 = arith.constant 0 : i32
        %dma_wait3A_72 = tpu.memref_slice %arg8[%dma_wait3A_70, %dma_wait3A_71] : memref<80x128xf32, #tpu.memory_space<vmem>> -> memref<80x128xf32, #tpu.memory_space<vmem>>
        %dma_wait3A_73 = arith.constant 0 : i32
        %dma_wait3A_74 = tpu.memref_slice %arg10[%min3A_58, %dma_wait3A_73] : memref<10000x128xf32, #tpu.memory_space<vmem_shared>> -> memref<80x128xf32, #tpu.memory_space<vmem_shared>>
        %dma_wait3A_75 = arith.constant 0 : i32
        %dma_wait3A_76 = tpu.memref_slice %arg10[%min3A_58, %dma_wait3A_75] : memref<10000x128xf32, #tpu.memory_space<vmem_shared>> -> memref<80x128xf32, #tpu.memory_space<vmem_shared>>
        %dma_wait3A_77 = arith.constant 0 : i32
        %dma_wait3A_78 = arith.constant 0 : i32
        %dma_wait3A_79 = tpu.memref_slice %arg8[%dma_wait3A_77, %dma_wait3A_78] : memref<80x128xf32, #tpu.memory_space<vmem>> -> memref<80x128xf32, #tpu.memory_space<vmem>>
        tpu.wait_dma2 semaphore(%run_scoped3A_59 : memref<!tpu.dma_semaphore, #tpu.memory_space<semaphore_mem>>) src(%dma_wait3A_79 : memref<80x128xf32, #tpu.memory_space<vmem>>) dst(%dma_wait3A_76 : memref<80x128xf32, #tpu.memory_space<vmem_shared>>)
        tpu.yield
      }) : () -> ()
    }
    %scan3A_11 = arith.constant 8 : i32
    %barrier3A = arith.constant 0 : index
    tpu.barrier barrier_id(%barrier3A)
    %run_scoped3A = arith.constant 0 : i32
    "tpu.region"() ({
      %run_scoped3A_54 = tpu.sem_alloc : memref<!tpu.dma_semaphore, #tpu.memory_space<semaphore_mem>>
      %dma_start3A_55 = arith.constant 0 : i32
      %dma_start3A_56 = tpu.memref_slice %arg2[%arg0, %run_scoped3A, %arg1, %dma_start3A_55] : memref<2x2x16x10000xi32, #tpu.memory_space<hbm>> -> memref<1x1x1x10000xi32, #tpu.memory_space<hbm>>
      %dma_start3A_57 = tpu.memref_squeeze %dma_start3A_56 : memref<1x1x1x10000xi32, #tpu.memory_space<hbm>> -> memref<10000xi32, #tpu.memory_space<hbm>>
      %dma_start3A_58 = arith.constant 0 : i32
      %dma_start3A_59 = tpu.memref_slice %arg2[%arg0, %run_scoped3A, %arg1, %dma_start3A_58] : memref<2x2x16x10000xi32, #tpu.memory_space<hbm>> -> memref<1x1x1x10000xi32, #tpu.memory_space<hbm>>
      %dma_start3A_60 = tpu.memref_squeeze %dma_start3A_59 : memref<1x1x1x10000xi32, #tpu.memory_space<hbm>> -> memref<10000xi32, #tpu.memory_space<hbm>>
      tpu.enqueue_dma source(%dma_start3A_60 : memref<10000xi32, #tpu.memory_space<hbm>>) target(%arg6 : memref<10000xi32, #tpu.memory_space<vmem>>) target_semaphore(%run_scoped3A_54 : memref<!tpu.dma_semaphore, #tpu.memory_space<semaphore_mem>>)
      %dma_wait3A_61 = arith.constant 0 : i32
      %dma_wait3A_62 = tpu.memref_slice %arg2[%arg0, %run_scoped3A, %arg1, %dma_wait3A_61] : memref<2x2x16x10000xi32, #tpu.memory_space<hbm>> -> memref<1x1x1x10000xi32, #tpu.memory_space<hbm>>
      %dma_wait3A_63 = tpu.memref_squeeze %dma_wait3A_62 : memref<1x1x1x10000xi32, #tpu.memory_space<hbm>> -> memref<10000xi32, #tpu.memory_space<hbm>>
      %dma_wait3A_64 = arith.constant 0 : i32
      %dma_wait3A_65 = tpu.memref_slice %arg2[%arg0, %run_scoped3A, %arg1, %dma_wait3A_64] : memref<2x2x16x10000xi32, #tpu.memory_space<hbm>> -> memref<1x1x1x10000xi32, #tpu.memory_space<hbm>>
      %dma_wait3A_66 = tpu.memref_squeeze %dma_wait3A_65 : memref<1x1x1x10000xi32, #tpu.memory_space<hbm>> -> memref<10000xi32, #tpu.memory_space<hbm>>
      tpu.wait_dma2 semaphore(%run_scoped3A_54 : memref<!tpu.dma_semaphore, #tpu.memory_space<semaphore_mem>>) src(%dma_wait3A_66 : memref<10000xi32, #tpu.memory_space<hbm>>) dst(%arg6 : memref<10000xi32, #tpu.memory_space<vmem>>)
      tpu.yield
    }) : () -> ()
    %run_scoped3A_12 = arith.constant 0 : i32
    "tpu.region"() ({
      %run_scoped3A_54 = tpu.sem_alloc : memref<!tpu.dma_semaphore, #tpu.memory_space<semaphore_mem>>
      %dma_start3A_55 = arith.constant 0 : i32
      %dma_start3A_56 = arith.constant 0 : i32
      %dma_start3A_57 = tpu.memref_slice %arg3[%arg0, %run_scoped3A_12, %arg1, %dma_start3A_55, %dma_start3A_56] : memref<2x2x16x125x80xi32, #tpu.memory_space<hbm>> -> memref<1x1x1x125x80xi32, #tpu.memory_space<hbm>>
      %dma_start3A_58 = tpu.memref_squeeze %dma_start3A_57 : memref<1x1x1x125x80xi32, #tpu.memory_space<hbm>> -> memref<125x80xi32, #tpu.memory_space<hbm>>
      %dma_start3A_59 = arith.constant 0 : i32
      %dma_start3A_60 = arith.constant 0 : i32
      %dma_start3A_61 = tpu.memref_slice %arg3[%arg0, %run_scoped3A_12, %arg1, %dma_start3A_59, %dma_start3A_60] : memref<2x2x16x125x80xi32, #tpu.memory_space<hbm>> -> memref<1x1x1x125x80xi32, #tpu.memory_space<hbm>>
      %dma_start3A_62 = tpu.memref_squeeze %dma_start3A_61 : memref<1x1x1x125x80xi32, #tpu.memory_space<hbm>> -> memref<125x80xi32, #tpu.memory_space<hbm>>
      tpu.enqueue_dma source(%dma_start3A_62 : memref<125x80xi32, #tpu.memory_space<hbm>>) target(%arg7 : memref<125x80xi32, #tpu.memory_space<vmem>>) target_semaphore(%run_scoped3A_54 : memref<!tpu.dma_semaphore, #tpu.memory_space<semaphore_mem>>)
      %dma_wait3A_63 = arith.constant 0 : i32
      %dma_wait3A_64 = arith.constant 0 : i32
      %dma_wait3A_65 = tpu.memref_slice %arg3[%arg0, %run_scoped3A_12, %arg1, %dma_wait3A_63, %dma_wait3A_64] : memref<2x2x16x125x80xi32, #tpu.memory_space<hbm>> -> memref<1x1x1x125x80xi32, #tpu.memory_space<hbm>>
      %dma_wait3A_66 = tpu.memref_squeeze %dma_wait3A_65 : memref<1x1x1x125x80xi32, #tpu.memory_space<hbm>> -> memref<125x80xi32, #tpu.memory_space<hbm>>
      %dma_wait3A_67 = arith.constant 0 : i32
      %dma_wait3A_68 = arith.constant 0 : i32
      %dma_wait3A_69 = tpu.memref_slice %arg3[%arg0, %run_scoped3A_12, %arg1, %dma_wait3A_67, %dma_wait3A_68] : memref<2x2x16x125x80xi32, #tpu.memory_space<hbm>> -> memref<1x1x1x125x80xi32, #tpu.memory_space<hbm>>
      %dma_wait3A_70 = tpu.memref_squeeze %dma_wait3A_69 : memref<1x1x1x125x80xi32, #tpu.memory_space<hbm>> -> memref<125x80xi32, #tpu.memory_space<hbm>>
      tpu.wait_dma2 semaphore(%run_scoped3A_54 : memref<!tpu.dma_semaphore, #tpu.memory_space<semaphore_mem>>) src(%dma_wait3A_70 : memref<125x80xi32, #tpu.memory_space<hbm>>) dst(%arg7 : memref<125x80xi32, #tpu.memory_space<vmem>>)
      tpu.yield
    }) : () -> ()
    %dma_start3A = arith.constant 0 : i32
    %dma_start3A_13 = tpu.memref_slice %arg6[%dma_start3A] : memref<10000xi32, #tpu.memory_space<vmem>> -> memref<80xi32, #tpu.memory_space<vmem>>
    %dma_start3A_14 = arith.constant 0 : i32
    %dma_start3A_15 = arith.constant 0 : i32
    %dma_start3A_16 = tpu.memref_slice %arg4[%dma_start3A_14, %dma_start3A_15] : memref<20000x128xf32, #tpu.memory_space<hbm>> -> memref<20000x128xf32, #tpu.memory_space<hbm>>
    tpu.enqueue_indirect_dma source(%dma_start3A_16 : memref<20000x128xf32, #tpu.memory_space<hbm>>) target(%arg8 : memref<80x128xf32, #tpu.memory_space<vmem>>) offsets(%dma_start3A_13 : memref<80xi32, #tpu.memory_space<vmem>>) semaphore(%arg11 : memref<!tpu.dma_semaphore, #tpu.memory_space<semaphore_mem>>)
    %scan3A_17 = arith.constant 0 : i32
    %scan3A_18 = arith.constant 0 : i32
    %scan3A_19 = arith.constant 62 : i32
    %scan3A_20 = arith.addi %scan3A_18, %scan3A_19 : i32
    %scan3A_21 = arith.constant 1 : i32
    scf.for %scan3A_54 = %scan3A_18 to %scan3A_20 step %scan3A_21  : i32 {
      %mul3A = arith.constant 2 : i32
      %mul3A_55 = arith.muli %mul3A, %scan3A_54 : i32
      %add3A = arith.constant 1 : i32
      %add3A_56 = arith.addi %mul3A_55, %add3A : i32
      %mul3A_57 = arith.constant 80 : i32
      %mul3A_58 = arith.muli %add3A_56, %mul3A_57 : i32
      %dma_start3A_59 = tpu.memref_slice %arg6[%mul3A_58] : memref<10000xi32, #tpu.memory_space<vmem>> -> memref<80xi32, #tpu.memory_space<vmem>>
      %dma_start3A_60 = arith.constant 0 : i32
      %dma_start3A_61 = arith.constant 0 : i32
      %dma_start3A_62 = tpu.memref_slice %arg4[%dma_start3A_60, %dma_start3A_61] : memref<20000x128xf32, #tpu.memory_space<hbm>> -> memref<20000x128xf32, #tpu.memory_space<hbm>>
      tpu.enqueue_indirect_dma source(%dma_start3A_62 : memref<20000x128xf32, #tpu.memory_space<hbm>>) target(%arg9 : memref<80x128xf32, #tpu.memory_space<vmem>>) offsets(%dma_start3A_59 : memref<80xi32, #tpu.memory_space<vmem>>) semaphore(%arg12 : memref<!tpu.dma_semaphore, #tpu.memory_space<semaphore_mem>>)
      %mul3A_63 = arith.constant 80 : i32
      %mul3A_64 = arith.muli %mul3A_55, %mul3A_63 : i32
      %dma_wait3A_65 = tpu.memref_slice %arg6[%mul3A_64] : memref<10000xi32, #tpu.memory_space<vmem>> -> memref<80xi32, #tpu.memory_space<vmem>>
      %dma_wait3A_66 = arith.constant 0 : i32
      %dma_wait3A_67 = arith.constant 0 : i32
      %dma_wait3A_68 = tpu.memref_slice %arg4[%dma_wait3A_66, %dma_wait3A_67] : memref<20000x128xf32, #tpu.memory_space<hbm>> -> memref<20000x128xf32, #tpu.memory_space<hbm>>
      tpu.wait_indirect_dma semaphore(%arg11 : memref<!tpu.dma_semaphore, #tpu.memory_space<semaphore_mem>>) src(%dma_wait3A_68 : memref<20000x128xf32, #tpu.memory_space<hbm>>) dst(%arg8 : memref<80x128xf32, #tpu.memory_space<vmem>>)
      "tpu.region"() ({
        %run_scoped3A_87 = tpu.sem_alloc : memref<!tpu.dma_semaphore, #tpu.memory_space<semaphore_mem>>
        %dma_start3A_88 = arith.constant 0 : i32
        %dma_start3A_89 = tpu.memref_slice %arg7[%mul3A_55, %dma_start3A_88] : memref<125x80xi32, #tpu.memory_space<vmem>> -> memref<1x80xi32, #tpu.memory_space<vmem>>
        %dma_start3A_90 = tpu.memref_squeeze %dma_start3A_89 : memref<1x80xi32, #tpu.memory_space<vmem>> -> memref<80xi32, #tpu.memory_space<vmem>>
        %dma_start3A_91 = arith.constant 0 : i32
        %dma_start3A_92 = arith.constant 0 : i32
        %dma_start3A_93 = tpu.memref_slice %arg10[%dma_start3A_91, %dma_start3A_92] : memref<10000x128xf32, #tpu.memory_space<vmem_shared>> -> memref<10000x128xf32, #tpu.memory_space<vmem_shared>>
        tpu.enqueue_indirect_dma source(%arg8 : memref<80x128xf32, #tpu.memory_space<vmem>>) target(%dma_start3A_93 : memref<10000x128xf32, #tpu.memory_space<vmem_shared>>) offsets(%dma_start3A_90 : memref<80xi32, #tpu.memory_space<vmem>>) semaphore(%run_scoped3A_87 : memref<!tpu.dma_semaphore, #tpu.memory_space<semaphore_mem>>) {add = true}
        %dma_wait3A_94 = arith.constant 0 : i32
        %dma_wait3A_95 = tpu.memref_slice %arg7[%mul3A_55, %dma_wait3A_94] : memref<125x80xi32, #tpu.memory_space<vmem>> -> memref<1x80xi32, #tpu.memory_space<vmem>>
        %dma_wait3A_96 = tpu.memref_squeeze %dma_wait3A_95 : memref<1x80xi32, #tpu.memory_space<vmem>> -> memref<80xi32, #tpu.memory_space<vmem>>
        %dma_wait3A_97 = arith.constant 0 : i32
        %dma_wait3A_98 = arith.constant 0 : i32
        %dma_wait3A_99 = tpu.memref_slice %arg10[%dma_wait3A_97, %dma_wait3A_98] : memref<10000x128xf32, #tpu.memory_space<vmem_shared>> -> memref<10000x128xf32, #tpu.memory_space<vmem_shared>>
        tpu.wait_indirect_dma semaphore(%run_scoped3A_87 : memref<!tpu.dma_semaphore, #tpu.memory_space<semaphore_mem>>) src(%arg8 : memref<80x128xf32, #tpu.memory_space<vmem>>) dst(%dma_wait3A_99 : memref<10000x128xf32, #tpu.memory_space<vmem_shared>>)
        tpu.yield
      }) : () -> ()
      %add3A_69 = arith.constant 2 : i32
      %add3A_70 = arith.addi %mul3A_55, %add3A_69 : i32
      %mul3A_71 = arith.constant 80 : i32
      %mul3A_72 = arith.muli %add3A_70, %mul3A_71 : i32
      %dma_start3A_73 = tpu.memref_slice %arg6[%mul3A_72] : memref<10000xi32, #tpu.memory_space<vmem>> -> memref<80xi32, #tpu.memory_space<vmem>>
      %dma_start3A_74 = arith.constant 0 : i32
      %dma_start3A_75 = arith.constant 0 : i32
      %dma_start3A_76 = tpu.memref_slice %arg4[%dma_start3A_74, %dma_start3A_75] : memref<20000x128xf32, #tpu.memory_space<hbm>> -> memref<20000x128xf32, #tpu.memory_space<hbm>>
      tpu.enqueue_indirect_dma source(%dma_start3A_76 : memref<20000x128xf32, #tpu.memory_space<hbm>>) target(%arg8 : memref<80x128xf32, #tpu.memory_space<vmem>>) offsets(%dma_start3A_73 : memref<80xi32, #tpu.memory_space<vmem>>) semaphore(%arg11 : memref<!tpu.dma_semaphore, #tpu.memory_space<semaphore_mem>>)
      %add3A_77 = arith.constant 1 : i32
      %add3A_78 = arith.addi %mul3A_55, %add3A_77 : i32
      %mul3A_79 = arith.constant 80 : i32
      %mul3A_80 = arith.muli %add3A_78, %mul3A_79 : i32
      %dma_wait3A_81 = tpu.memref_slice %arg6[%mul3A_80] : memref<10000xi32, #tpu.memory_space<vmem>> -> memref<80xi32, #tpu.memory_space<vmem>>
      %dma_wait3A_82 = arith.constant 0 : i32
      %dma_wait3A_83 = arith.constant 0 : i32
      %dma_wait3A_84 = tpu.memref_slice %arg4[%dma_wait3A_82, %dma_wait3A_83] : memref<20000x128xf32, #tpu.memory_space<hbm>> -> memref<20000x128xf32, #tpu.memory_space<hbm>>
      tpu.wait_indirect_dma semaphore(%arg12 : memref<!tpu.dma_semaphore, #tpu.memory_space<semaphore_mem>>) src(%dma_wait3A_84 : memref<20000x128xf32, #tpu.memory_space<hbm>>) dst(%arg9 : memref<80x128xf32, #tpu.memory_space<vmem>>)
      %add3A_85 = arith.constant 1 : i32
      %add3A_86 = arith.addi %mul3A_55, %add3A_85 : i32
      "tpu.region"() ({
        %run_scoped3A_87 = tpu.sem_alloc : memref<!tpu.dma_semaphore, #tpu.memory_space<semaphore_mem>>
        %dma_start3A_88 = arith.constant 0 : i32
        %dma_start3A_89 = tpu.memref_slice %arg7[%add3A_86, %dma_start3A_88] : memref<125x80xi32, #tpu.memory_space<vmem>> -> memref<1x80xi32, #tpu.memory_space<vmem>>
        %dma_start3A_90 = tpu.memref_squeeze %dma_start3A_89 : memref<1x80xi32, #tpu.memory_space<vmem>> -> memref<80xi32, #tpu.memory_space<vmem>>
        %dma_start3A_91 = arith.constant 0 : i32
        %dma_start3A_92 = arith.constant 0 : i32
        %dma_start3A_93 = tpu.memref_slice %arg10[%dma_start3A_91, %dma_start3A_92] : memref<10000x128xf32, #tpu.memory_space<vmem_shared>> -> memref<10000x128xf32, #tpu.memory_space<vmem_shared>>
        tpu.enqueue_indirect_dma source(%arg9 : memref<80x128xf32, #tpu.memory_space<vmem>>) target(%dma_start3A_93 : memref<10000x128xf32, #tpu.memory_space<vmem_shared>>) offsets(%dma_start3A_90 : memref<80xi32, #tpu.memory_space<vmem>>) semaphore(%run_scoped3A_87 : memref<!tpu.dma_semaphore, #tpu.memory_space<semaphore_mem>>) {add = true}
        %dma_wait3A_94 = arith.constant 0 : i32
        %dma_wait3A_95 = tpu.memref_slice %arg7[%add3A_86, %dma_wait3A_94] : memref<125x80xi32, #tpu.memory_space<vmem>> -> memref<1x80xi32, #tpu.memory_space<vmem>>
        %dma_wait3A_96 = tpu.memref_squeeze %dma_wait3A_95 : memref<1x80xi32, #tpu.memory_space<vmem>> -> memref<80xi32, #tpu.memory_space<vmem>>
        %dma_wait3A_97 = arith.constant 0 : i32
        %dma_wait3A_98 = arith.constant 0 : i32
        %dma_wait3A_99 = tpu.memref_slice %arg10[%dma_wait3A_97, %dma_wait3A_98] : memref<10000x128xf32, #tpu.memory_space<vmem_shared>> -> memref<10000x128xf32, #tpu.memory_space<vmem_shared>>
        tpu.wait_indirect_dma semaphore(%run_scoped3A_87 : memref<!tpu.dma_semaphore, #tpu.memory_space<semaphore_mem>>) src(%arg9 : memref<80x128xf32, #tpu.memory_space<vmem>>) dst(%dma_wait3A_99 : memref<10000x128xf32, #tpu.memory_space<vmem_shared>>)
        tpu.yield
      }) : () -> ()
    }
    %scan3A_22 = arith.constant 62 : i32
    %dma_wait3A = arith.constant 9920 : i32
    %dma_wait3A_23 = tpu.memref_slice %arg6[%dma_wait3A] : memref<10000xi32, #tpu.memory_space<vmem>> -> memref<80xi32, #tpu.memory_space<vmem>>
    %dma_wait3A_24 = arith.constant 0 : i32
    %dma_wait3A_25 = arith.constant 0 : i32
    %dma_wait3A_26 = tpu.memref_slice %arg4[%dma_wait3A_24, %dma_wait3A_25] : memref<20000x128xf32, #tpu.memory_space<hbm>> -> memref<20000x128xf32, #tpu.memory_space<hbm>>
    tpu.wait_indirect_dma semaphore(%arg11 : memref<!tpu.dma_semaphore, #tpu.memory_space<semaphore_mem>>) src(%dma_wait3A_26 : memref<20000x128xf32, #tpu.memory_space<hbm>>) dst(%arg8 : memref<80x128xf32, #tpu.memory_space<vmem>>)
    %run_scoped3A_27 = arith.constant 124 : i32
    "tpu.region"() ({
      %run_scoped3A_54 = tpu.sem_alloc : memref<!tpu.dma_semaphore, #tpu.memory_space<semaphore_mem>>
      %dma_start3A_55 = arith.constant 0 : i32
      %dma_start3A_56 = tpu.memref_slice %arg7[%run_scoped3A_27, %dma_start3A_55] : memref<125x80xi32, #tpu.memory_space<vmem>> -> memref<1x80xi32, #tpu.memory_space<vmem>>
      %dma_start3A_57 = tpu.memref_squeeze %dma_start3A_56 : memref<1x80xi32, #tpu.memory_space<vmem>> -> memref<80xi32, #tpu.memory_space<vmem>>
      %dma_start3A_58 = arith.constant 0 : i32
      %dma_start3A_59 = arith.constant 0 : i32
      %dma_start3A_60 = tpu.memref_slice %arg10[%dma_start3A_58, %dma_start3A_59] : memref<10000x128xf32, #tpu.memory_space<vmem_shared>> -> memref<10000x128xf32, #tpu.memory_space<vmem_shared>>
      tpu.enqueue_indirect_dma source(%arg8 : memref<80x128xf32, #tpu.memory_space<vmem>>) target(%dma_start3A_60 : memref<10000x128xf32, #tpu.memory_space<vmem_shared>>) offsets(%dma_start3A_57 : memref<80xi32, #tpu.memory_space<vmem>>) semaphore(%run_scoped3A_54 : memref<!tpu.dma_semaphore, #tpu.memory_space<semaphore_mem>>) {add = true}
      %dma_wait3A_61 = arith.constant 0 : i32
      %dma_wait3A_62 = tpu.memref_slice %arg7[%run_scoped3A_27, %dma_wait3A_61] : memref<125x80xi32, #tpu.memory_space<vmem>> -> memref<1x80xi32, #tpu.memory_space<vmem>>
      %dma_wait3A_63 = tpu.memref_squeeze %dma_wait3A_62 : memref<1x80xi32, #tpu.memory_space<vmem>> -> memref<80xi32, #tpu.memory_space<vmem>>
      %dma_wait3A_64 = arith.constant 0 : i32
      %dma_wait3A_65 = arith.constant 0 : i32
      %dma_wait3A_66 = tpu.memref_slice %arg10[%dma_wait3A_64, %dma_wait3A_65] : memref<10000x128xf32, #tpu.memory_space<vmem_shared>> -> memref<10000x128xf32, #tpu.memory_space<vmem_shared>>
      tpu.wait_indirect_dma semaphore(%run_scoped3A_54 : memref<!tpu.dma_semaphore, #tpu.memory_space<semaphore_mem>>) src(%arg8 : memref<80x128xf32, #tpu.memory_space<vmem>>) dst(%dma_wait3A_66 : memref<10000x128xf32, #tpu.memory_space<vmem_shared>>)
      tpu.yield
    }) : () -> ()
    %run_scoped3A_28 = arith.constant 1 : i32
    "tpu.region"() ({
      %run_scoped3A_54 = tpu.sem_alloc : memref<!tpu.dma_semaphore, #tpu.memory_space<semaphore_mem>>
      %dma_start3A_55 = arith.constant 0 : i32
      %dma_start3A_56 = tpu.memref_slice %arg2[%arg0, %run_scoped3A_28, %arg1, %dma_start3A_55] : memref<2x2x16x10000xi32, #tpu.memory_space<hbm>> -> memref<1x1x1x10000xi32, #tpu.memory_space<hbm>>
      %dma_start3A_57 = tpu.memref_squeeze %dma_start3A_56 : memref<1x1x1x10000xi32, #tpu.memory_space<hbm>> -> memref<10000xi32, #tpu.memory_space<hbm>>
      %dma_start3A_58 = arith.constant 0 : i32
      %dma_start3A_59 = tpu.memref_slice %arg2[%arg0, %run_scoped3A_28, %arg1, %dma_start3A_58] : memref<2x2x16x10000xi32, #tpu.memory_space<hbm>> -> memref<1x1x1x10000xi32, #tpu.memory_space<hbm>>
      %dma_start3A_60 = tpu.memref_squeeze %dma_start3A_59 : memref<1x1x1x10000xi32, #tpu.memory_space<hbm>> -> memref<10000xi32, #tpu.memory_space<hbm>>
      tpu.enqueue_dma source(%dma_start3A_60 : memref<10000xi32, #tpu.memory_space<hbm>>) target(%arg6 : memref<10000xi32, #tpu.memory_space<vmem>>) target_semaphore(%run_scoped3A_54 : memref<!tpu.dma_semaphore, #tpu.memory_space<semaphore_mem>>)
      %dma_wait3A_61 = arith.constant 0 : i32
      %dma_wait3A_62 = tpu.memref_slice %arg2[%arg0, %run_scoped3A_28, %arg1, %dma_wait3A_61] : memref<2x2x16x10000xi32, #tpu.memory_space<hbm>> -> memref<1x1x1x10000xi32, #tpu.memory_space<hbm>>
      %dma_wait3A_63 = tpu.memref_squeeze %dma_wait3A_62 : memref<1x1x1x10000xi32, #tpu.memory_space<hbm>> -> memref<10000xi32, #tpu.memory_space<hbm>>
      %dma_wait3A_64 = arith.constant 0 : i32
      %dma_wait3A_65 = tpu.memref_slice %arg2[%arg0, %run_scoped3A_28, %arg1, %dma_wait3A_64] : memref<2x2x16x10000xi32, #tpu.memory_space<hbm>> -> memref<1x1x1x10000xi32, #tpu.memory_space<hbm>>
      %dma_wait3A_66 = tpu.memref_squeeze %dma_wait3A_65 : memref<1x1x1x10000xi32, #tpu.memory_space<hbm>> -> memref<10000xi32, #tpu.memory_space<hbm>>
      tpu.wait_dma2 semaphore(%run_scoped3A_54 : memref<!tpu.dma_semaphore, #tpu.memory_space<semaphore_mem>>) src(%dma_wait3A_66 : memref<10000xi32, #tpu.memory_space<hbm>>) dst(%arg6 : memref<10000xi32, #tpu.memory_space<vmem>>)
      tpu.yield
    }) : () -> ()
    %run_scoped3A_29 = arith.constant 1 : i32
    "tpu.region"() ({
      %run_scoped3A_54 = tpu.sem_alloc : memref<!tpu.dma_semaphore, #tpu.memory_space<semaphore_mem>>
      %dma_start3A_55 = arith.constant 0 : i32
      %dma_start3A_56 = arith.constant 0 : i32
      %dma_start3A_57 = tpu.memref_slice %arg3[%arg0, %run_scoped3A_29, %arg1, %dma_start3A_55, %dma_start3A_56] : memref<2x2x16x125x80xi32, #tpu.memory_space<hbm>> -> memref<1x1x1x125x80xi32, #tpu.memory_space<hbm>>
      %dma_start3A_58 = tpu.memref_squeeze %dma_start3A_57 : memref<1x1x1x125x80xi32, #tpu.memory_space<hbm>> -> memref<125x80xi32, #tpu.memory_space<hbm>>
      %dma_start3A_59 = arith.constant 0 : i32
      %dma_start3A_60 = arith.constant 0 : i32
      %dma_start3A_61 = tpu.memref_slice %arg3[%arg0, %run_scoped3A_29, %arg1, %dma_start3A_59, %dma_start3A_60] : memref<2x2x16x125x80xi32, #tpu.memory_space<hbm>> -> memref<1x1x1x125x80xi32, #tpu.memory_space<hbm>>
      %dma_start3A_62 = tpu.memref_squeeze %dma_start3A_61 : memref<1x1x1x125x80xi32, #tpu.memory_space<hbm>> -> memref<125x80xi32, #tpu.memory_space<hbm>>
      tpu.enqueue_dma source(%dma_start3A_62 : memref<125x80xi32, #tpu.memory_space<hbm>>) target(%arg7 : memref<125x80xi32, #tpu.memory_space<vmem>>) target_semaphore(%run_scoped3A_54 : memref<!tpu.dma_semaphore, #tpu.memory_space<semaphore_mem>>)
      %dma_wait3A_63 = arith.constant 0 : i32
      %dma_wait3A_64 = arith.constant 0 : i32
      %dma_wait3A_65 = tpu.memref_slice %arg3[%arg0, %run_scoped3A_29, %arg1, %dma_wait3A_63, %dma_wait3A_64] : memref<2x2x16x125x80xi32, #tpu.memory_space<hbm>> -> memref<1x1x1x125x80xi32, #tpu.memory_space<hbm>>
      %dma_wait3A_66 = tpu.memref_squeeze %dma_wait3A_65 : memref<1x1x1x125x80xi32, #tpu.memory_space<hbm>> -> memref<125x80xi32, #tpu.memory_space<hbm>>
      %dma_wait3A_67 = arith.constant 0 : i32
      %dma_wait3A_68 = arith.constant 0 : i32
      %dma_wait3A_69 = tpu.memref_slice %arg3[%arg0, %run_scoped3A_29, %arg1, %dma_wait3A_67, %dma_wait3A_68] : memref<2x2x16x125x80xi32, #tpu.memory_space<hbm>> -> memref<1x1x1x125x80xi32, #tpu.memory_space<hbm>>
      %dma_wait3A_70 = tpu.memref_squeeze %dma_wait3A_69 : memref<1x1x1x125x80xi32, #tpu.memory_space<hbm>> -> memref<125x80xi32, #tpu.memory_space<hbm>>
      tpu.wait_dma2 semaphore(%run_scoped3A_54 : memref<!tpu.dma_semaphore, #tpu.memory_space<semaphore_mem>>) src(%dma_wait3A_70 : memref<125x80xi32, #tpu.memory_space<hbm>>) dst(%arg7 : memref<125x80xi32, #tpu.memory_space<vmem>>)
      tpu.yield
    }) : () -> ()
    %dma_start3A_30 = arith.constant 0 : i32
    %dma_start3A_31 = tpu.memref_slice %arg6[%dma_start3A_30] : memref<10000xi32, #tpu.memory_space<vmem>> -> memref<80xi32, #tpu.memory_space<vmem>>
    %dma_start3A_32 = arith.constant 0 : i32
    %dma_start3A_33 = arith.constant 0 : i32
    %dma_start3A_34 = tpu.memref_slice %arg4[%dma_start3A_32, %dma_start3A_33] : memref<20000x128xf32, #tpu.memory_space<hbm>> -> memref<20000x128xf32, #tpu.memory_space<hbm>>
    tpu.enqueue_indirect_dma source(%dma_start3A_34 : memref<20000x128xf32, #tpu.memory_space<hbm>>) target(%arg8 : memref<80x128xf32, #tpu.memory_space<vmem>>) offsets(%dma_start3A_31 : memref<80xi32, #tpu.memory_space<vmem>>) semaphore(%arg11 : memref<!tpu.dma_semaphore, #tpu.memory_space<semaphore_mem>>)
    %scan3A_35 = arith.constant 0 : i32
    %scan3A_36 = arith.constant 0 : i32
    %scan3A_37 = arith.constant 62 : i32
    %scan3A_38 = arith.addi %scan3A_36, %scan3A_37 : i32
    %scan3A_39 = arith.constant 1 : i32
    scf.for %scan3A_54 = %scan3A_36 to %scan3A_38 step %scan3A_39  : i32 {
      %mul3A = arith.constant 2 : i32
      %mul3A_55 = arith.muli %mul3A, %scan3A_54 : i32
      %add3A = arith.constant 1 : i32
      %add3A_56 = arith.addi %mul3A_55, %add3A : i32
      %mul3A_57 = arith.constant 80 : i32
      %mul3A_58 = arith.muli %add3A_56, %mul3A_57 : i32
      %dma_start3A_59 = tpu.memref_slice %arg6[%mul3A_58] : memref<10000xi32, #tpu.memory_space<vmem>> -> memref<80xi32, #tpu.memory_space<vmem>>
      %dma_start3A_60 = arith.constant 0 : i32
      %dma_start3A_61 = arith.constant 0 : i32
      %dma_start3A_62 = tpu.memref_slice %arg4[%dma_start3A_60, %dma_start3A_61] : memref<20000x128xf32, #tpu.memory_space<hbm>> -> memref<20000x128xf32, #tpu.memory_space<hbm>>
      tpu.enqueue_indirect_dma source(%dma_start3A_62 : memref<20000x128xf32, #tpu.memory_space<hbm>>) target(%arg9 : memref<80x128xf32, #tpu.memory_space<vmem>>) offsets(%dma_start3A_59 : memref<80xi32, #tpu.memory_space<vmem>>) semaphore(%arg12 : memref<!tpu.dma_semaphore, #tpu.memory_space<semaphore_mem>>)
      %mul3A_63 = arith.constant 80 : i32
      %mul3A_64 = arith.muli %mul3A_55, %mul3A_63 : i32
      %dma_wait3A_65 = tpu.memref_slice %arg6[%mul3A_64] : memref<10000xi32, #tpu.memory_space<vmem>> -> memref<80xi32, #tpu.memory_space<vmem>>
      %dma_wait3A_66 = arith.constant 0 : i32
      %dma_wait3A_67 = arith.constant 0 : i32
      %dma_wait3A_68 = tpu.memref_slice %arg4[%dma_wait3A_66, %dma_wait3A_67] : memref<20000x128xf32, #tpu.memory_space<hbm>> -> memref<20000x128xf32, #tpu.memory_space<hbm>>
      tpu.wait_indirect_dma semaphore(%arg11 : memref<!tpu.dma_semaphore, #tpu.memory_space<semaphore_mem>>) src(%dma_wait3A_68 : memref<20000x128xf32, #tpu.memory_space<hbm>>) dst(%arg8 : memref<80x128xf32, #tpu.memory_space<vmem>>)
      "tpu.region"() ({
        %run_scoped3A_87 = tpu.sem_alloc : memref<!tpu.dma_semaphore, #tpu.memory_space<semaphore_mem>>
        %dma_start3A_88 = arith.constant 0 : i32
        %dma_start3A_89 = tpu.memref_slice %arg7[%mul3A_55, %dma_start3A_88] : memref<125x80xi32, #tpu.memory_space<vmem>> -> memref<1x80xi32, #tpu.memory_space<vmem>>
        %dma_start3A_90 = tpu.memref_squeeze %dma_start3A_89 : memref<1x80xi32, #tpu.memory_space<vmem>> -> memref<80xi32, #tpu.memory_space<vmem>>
        %dma_start3A_91 = arith.constant 0 : i32
        %dma_start3A_92 = arith.constant 0 : i32
        %dma_start3A_93 = tpu.memref_slice %arg10[%dma_start3A_91, %dma_start3A_92] : memref<10000x128xf32, #tpu.memory_space<vmem_shared>> -> memref<10000x128xf32, #tpu.memory_space<vmem_shared>>
        tpu.enqueue_indirect_dma source(%arg8 : memref<80x128xf32, #tpu.memory_space<vmem>>) target(%dma_start3A_93 : memref<10000x128xf32, #tpu.memory_space<vmem_shared>>) offsets(%dma_start3A_90 : memref<80xi32, #tpu.memory_space<vmem>>) semaphore(%run_scoped3A_87 : memref<!tpu.dma_semaphore, #tpu.memory_space<semaphore_mem>>) {add = true}
        %dma_wait3A_94 = arith.constant 0 : i32
        %dma_wait3A_95 = tpu.memref_slice %arg7[%mul3A_55, %dma_wait3A_94] : memref<125x80xi32, #tpu.memory_space<vmem>> -> memref<1x80xi32, #tpu.memory_space<vmem>>
        %dma_wait3A_96 = tpu.memref_squeeze %dma_wait3A_95 : memref<1x80xi32, #tpu.memory_space<vmem>> -> memref<80xi32, #tpu.memory_space<vmem>>
        %dma_wait3A_97 = arith.constant 0 : i32
        %dma_wait3A_98 = arith.constant 0 : i32
        %dma_wait3A_99 = tpu.memref_slice %arg10[%dma_wait3A_97, %dma_wait3A_98] : memref<10000x128xf32, #tpu.memory_space<vmem_shared>> -> memref<10000x128xf32, #tpu.memory_space<vmem_shared>>
        tpu.wait_indirect_dma semaphore(%run_scoped3A_87 : memref<!tpu.dma_semaphore, #tpu.memory_space<semaphore_mem>>) src(%arg8 : memref<80x128xf32, #tpu.memory_space<vmem>>) dst(%dma_wait3A_99 : memref<10000x128xf32, #tpu.memory_space<vmem_shared>>)
        tpu.yield
      }) : () -> ()
      %add3A_69 = arith.constant 2 : i32
      %add3A_70 = arith.addi %mul3A_55, %add3A_69 : i32
      %mul3A_71 = arith.constant 80 : i32
      %mul3A_72 = arith.muli %add3A_70, %mul3A_71 : i32
      %dma_start3A_73 = tpu.memref_slice %arg6[%mul3A_72] : memref<10000xi32, #tpu.memory_space<vmem>> -> memref<80xi32, #tpu.memory_space<vmem>>
      %dma_start3A_74 = arith.constant 0 : i32
      %dma_start3A_75 = arith.constant 0 : i32
      %dma_start3A_76 = tpu.memref_slice %arg4[%dma_start3A_74, %dma_start3A_75] : memref<20000x128xf32, #tpu.memory_space<hbm>> -> memref<20000x128xf32, #tpu.memory_space<hbm>>
      tpu.enqueue_indirect_dma source(%dma_start3A_76 : memref<20000x128xf32, #tpu.memory_space<hbm>>) target(%arg8 : memref<80x128xf32, #tpu.memory_space<vmem>>) offsets(%dma_start3A_73 : memref<80xi32, #tpu.memory_space<vmem>>) semaphore(%arg11 : memref<!tpu.dma_semaphore, #tpu.memory_space<semaphore_mem>>)
      %add3A_77 = arith.constant 1 : i32
      %add3A_78 = arith.addi %mul3A_55, %add3A_77 : i32
      %mul3A_79 = arith.constant 80 : i32
      %mul3A_80 = arith.muli %add3A_78, %mul3A_79 : i32
      %dma_wait3A_81 = tpu.memref_slice %arg6[%mul3A_80] : memref<10000xi32, #tpu.memory_space<vmem>> -> memref<80xi32, #tpu.memory_space<vmem>>
      %dma_wait3A_82 = arith.constant 0 : i32
      %dma_wait3A_83 = arith.constant 0 : i32
      %dma_wait3A_84 = tpu.memref_slice %arg4[%dma_wait3A_82, %dma_wait3A_83] : memref<20000x128xf32, #tpu.memory_space<hbm>> -> memref<20000x128xf32, #tpu.memory_space<hbm>>
      tpu.wait_indirect_dma semaphore(%arg12 : memref<!tpu.dma_semaphore, #tpu.memory_space<semaphore_mem>>) src(%dma_wait3A_84 : memref<20000x128xf32, #tpu.memory_space<hbm>>) dst(%arg9 : memref<80x128xf32, #tpu.memory_space<vmem>>)
      %add3A_85 = arith.constant 1 : i32
      %add3A_86 = arith.addi %mul3A_55, %add3A_85 : i32
      "tpu.region"() ({
        %run_scoped3A_87 = tpu.sem_alloc : memref<!tpu.dma_semaphore, #tpu.memory_space<semaphore_mem>>
        %dma_start3A_88 = arith.constant 0 : i32
        %dma_start3A_89 = tpu.memref_slice %arg7[%add3A_86, %dma_start3A_88] : memref<125x80xi32, #tpu.memory_space<vmem>> -> memref<1x80xi32, #tpu.memory_space<vmem>>
        %dma_start3A_90 = tpu.memref_squeeze %dma_start3A_89 : memref<1x80xi32, #tpu.memory_space<vmem>> -> memref<80xi32, #tpu.memory_space<vmem>>
        %dma_start3A_91 = arith.constant 0 : i32
        %dma_start3A_92 = arith.constant 0 : i32
        %dma_start3A_93 = tpu.memref_slice %arg10[%dma_start3A_91, %dma_start3A_92] : memref<10000x128xf32, #tpu.memory_space<vmem_shared>> -> memref<10000x128xf32, #tpu.memory_space<vmem_shared>>
        tpu.enqueue_indirect_dma source(%arg9 : memref<80x128xf32, #tpu.memory_space<vmem>>) target(%dma_start3A_93 : memref<10000x128xf32, #tpu.memory_space<vmem_shared>>) offsets(%dma_start3A_90 : memref<80xi32, #tpu.memory_space<vmem>>) semaphore(%run_scoped3A_87 : memref<!tpu.dma_semaphore, #tpu.memory_space<semaphore_mem>>) {add = true}
        %dma_wait3A_94 = arith.constant 0 : i32
        %dma_wait3A_95 = tpu.memref_slice %arg7[%add3A_86, %dma_wait3A_94] : memref<125x80xi32, #tpu.memory_space<vmem>> -> memref<1x80xi32, #tpu.memory_space<vmem>>
        %dma_wait3A_96 = tpu.memref_squeeze %dma_wait3A_95 : memref<1x80xi32, #tpu.memory_space<vmem>> -> memref<80xi32, #tpu.memory_space<vmem>>
        %dma_wait3A_97 = arith.constant 0 : i32
        %dma_wait3A_98 = arith.constant 0 : i32
        %dma_wait3A_99 = tpu.memref_slice %arg10[%dma_wait3A_97, %dma_wait3A_98] : memref<10000x128xf32, #tpu.memory_space<vmem_shared>> -> memref<10000x128xf32, #tpu.memory_space<vmem_shared>>
        tpu.wait_indirect_dma semaphore(%run_scoped3A_87 : memref<!tpu.dma_semaphore, #tpu.memory_space<semaphore_mem>>) src(%arg9 : memref<80x128xf32, #tpu.memory_space<vmem>>) dst(%dma_wait3A_99 : memref<10000x128xf32, #tpu.memory_space<vmem_shared>>)
        tpu.yield
      }) : () -> ()
    }
    %scan3A_40 = arith.constant 62 : i32
    %dma_wait3A_41 = arith.constant 9920 : i32
    %dma_wait3A_42 = tpu.memref_slice %arg6[%dma_wait3A_41] : memref<10000xi32, #tpu.memory_space<vmem>> -> memref<80xi32, #tpu.memory_space<vmem>>
    %dma_wait3A_43 = arith.constant 0 : i32
    %dma_wait3A_44 = arith.constant 0 : i32
    %dma_wait3A_45 = tpu.memref_slice %arg4[%dma_wait3A_43, %dma_wait3A_44] : memref<20000x128xf32, #tpu.memory_space<hbm>> -> memref<20000x128xf32, #tpu.memory_space<hbm>>
    tpu.wait_indirect_dma semaphore(%arg11 : memref<!tpu.dma_semaphore, #tpu.memory_space<semaphore_mem>>) src(%dma_wait3A_45 : memref<20000x128xf32, #tpu.memory_space<hbm>>) dst(%arg8 : memref<80x128xf32, #tpu.memory_space<vmem>>)
    %run_scoped3A_46 = arith.constant 124 : i32
    "tpu.region"() ({
      %run_scoped3A_54 = tpu.sem_alloc : memref<!tpu.dma_semaphore, #tpu.memory_space<semaphore_mem>>
      %dma_start3A_55 = arith.constant 0 : i32
      %dma_start3A_56 = tpu.memref_slice %arg7[%run_scoped3A_46, %dma_start3A_55] : memref<125x80xi32, #tpu.memory_space<vmem>> -> memref<1x80xi32, #tpu.memory_space<vmem>>
      %dma_start3A_57 = tpu.memref_squeeze %dma_start3A_56 : memref<1x80xi32, #tpu.memory_space<vmem>> -> memref<80xi32, #tpu.memory_space<vmem>>
      %dma_start3A_58 = arith.constant 0 : i32
      %dma_start3A_59 = arith.constant 0 : i32
      %dma_start3A_60 = tpu.memref_slice %arg10[%dma_start3A_58, %dma_start3A_59] : memref<10000x128xf32, #tpu.memory_space<vmem_shared>> -> memref<10000x128xf32, #tpu.memory_space<vmem_shared>>
      tpu.enqueue_indirect_dma source(%arg8 : memref<80x128xf32, #tpu.memory_space<vmem>>) target(%dma_start3A_60 : memref<10000x128xf32, #tpu.memory_space<vmem_shared>>) offsets(%dma_start3A_57 : memref<80xi32, #tpu.memory_space<vmem>>) semaphore(%run_scoped3A_54 : memref<!tpu.dma_semaphore, #tpu.memory_space<semaphore_mem>>) {add = true}
      %dma_wait3A_61 = arith.constant 0 : i32
      %dma_wait3A_62 = tpu.memref_slice %arg7[%run_scoped3A_46, %dma_wait3A_61] : memref<125x80xi32, #tpu.memory_space<vmem>> -> memref<1x80xi32, #tpu.memory_space<vmem>>
      %dma_wait3A_63 = tpu.memref_squeeze %dma_wait3A_62 : memref<1x80xi32, #tpu.memory_space<vmem>> -> memref<80xi32, #tpu.memory_space<vmem>>
      %dma_wait3A_64 = arith.constant 0 : i32
      %dma_wait3A_65 = arith.constant 0 : i32
      %dma_wait3A_66 = tpu.memref_slice %arg10[%dma_wait3A_64, %dma_wait3A_65] : memref<10000x128xf32, #tpu.memory_space<vmem_shared>> -> memref<10000x128xf32, #tpu.memory_space<vmem_shared>>
      tpu.wait_indirect_dma semaphore(%run_scoped3A_54 : memref<!tpu.dma_semaphore, #tpu.memory_space<semaphore_mem>>) src(%arg8 : memref<80x128xf32, #tpu.memory_space<vmem>>) dst(%dma_wait3A_66 : memref<10000x128xf32, #tpu.memory_space<vmem_shared>>)
      tpu.yield
    }) : () -> ()
    %barrier3A_47 = arith.constant 0 : index
    tpu.barrier barrier_id(%barrier3A_47)
    %scan3A_48 = arith.constant 0 : i32
    %scan3A_49 = arith.constant 0 : i32
    %scan3A_50 = arith.constant 8 : i32
    %scan3A_51 = arith.addi %scan3A_49, %scan3A_50 : i32
    %scan3A_52 = arith.constant 1 : i32
    scf.for %scan3A_54 = %scan3A_49 to %scan3A_51 step %scan3A_52  : i32 {
      %mul3A = arith.constant 16 : i32
      %mul3A_55 = arith.muli %mul3A, %scan3A_54 : i32
      %add3A = arith.addi %arg1, %mul3A_55 : i32
      %mul3A_56 = arith.constant 80 : i32
      %mul3A_57 = arith.muli %add3A, %mul3A_56 : i32
      %min3A = arith.constant 9920 : i32
      %min3A_58 = arith.minsi %mul3A_57, %min3A : i32
      "tpu.region"() ({
        %run_scoped3A_59 = tpu.sem_alloc : memref<!tpu.dma_semaphore, #tpu.memory_space<semaphore_mem>>
        %dma_start3A_60 = arith.constant 0 : i32
        %dma_start3A_61 = tpu.memref_slice %arg5[%arg0, %min3A_58, %dma_start3A_60] : memref<2x10000x128xf32, #tpu.memory_space<hbm>> -> memref<1x80x128xf32, #tpu.memory_space<hbm>>
        %dma_start3A_62 = tpu.memref_squeeze %dma_start3A_61 : memref<1x80x128xf32, #tpu.memory_space<hbm>> -> memref<80x128xf32, #tpu.memory_space<hbm>>
        %dma_start3A_63 = arith.constant 0 : i32
        %dma_start3A_64 = tpu.memref_slice %arg10[%min3A_58, %dma_start3A_63] : memref<10000x128xf32, #tpu.memory_space<vmem_shared>> -> memref<80x128xf32, #tpu.memory_space<vmem_shared>>
        tpu.enqueue_dma source(%dma_start3A_64 : memref<80x128xf32, #tpu.memory_space<vmem_shared>>) target(%dma_start3A_62 : memref<80x128xf32, #tpu.memory_space<hbm>>) target_semaphore(%run_scoped3A_59 : memref<!tpu.dma_semaphore, #tpu.memory_space<semaphore_mem>>)
        %dma_wait3A_65 = arith.constant 0 : i32
        %dma_wait3A_66 = tpu.memref_slice %arg5[%arg0, %min3A_58, %dma_wait3A_65] : memref<2x10000x128xf32, #tpu.memory_space<hbm>> -> memref<1x80x128xf32, #tpu.memory_space<hbm>>
        %dma_wait3A_67 = tpu.memref_squeeze %dma_wait3A_66 : memref<1x80x128xf32, #tpu.memory_space<hbm>> -> memref<80x128xf32, #tpu.memory_space<hbm>>
        %dma_wait3A_68 = arith.constant 0 : i32
        %dma_wait3A_69 = tpu.memref_slice %arg10[%min3A_58, %dma_wait3A_68] : memref<10000x128xf32, #tpu.memory_space<vmem_shared>> -> memref<80x128xf32, #tpu.memory_space<vmem_shared>>
        tpu.wait_dma2 semaphore(%run_scoped3A_59 : memref<!tpu.dma_semaphore, #tpu.memory_space<semaphore_mem>>) src(%dma_wait3A_69 : memref<80x128xf32, #tpu.memory_space<vmem_shared>>) dst(%dma_wait3A_67 : memref<80x128xf32, #tpu.memory_space<hbm>>)
        tpu.yield
      }) : () -> ()
    }
    %scan3A_53 = arith.constant 8 : i32
    return
  }
}

#map = affine_map<(d0, d1) -> (0, 0, 0, 0)>
#map1 = affine_map<(d0, d1) -> (0, 0, 0, 0, 0)>
#map2 = affine_map<(d0, d1) -> (0, 0)>
#map3 = affine_map<(d0, d1) -> (0, 0, 0)>
module attributes {stable_mosaic.version = 14 : i64} {
  func.func @body(%arg0: i32, %arg1: i32, %arg2: memref<2x2x16x10000xi32, #tpu.memory_space<hbm>>, %arg3: memref<2x2x16x125x80xi32, #tpu.memory_space<hbm>>, %arg4: memref<20000x128xf32, #tpu.memory_space<hbm>>, %arg5: memref<2x10000x128xf32, #tpu.memory_space<hbm>>, %arg6: memref<10000xi32, #tpu.memory_space<vmem>>, %arg7: memref<125x80xi32, #tpu.memory_space<vmem>>, %arg8: memref<80x128xf32, #tpu.memory_space<vmem>>, %arg9: memref<80x128xf32, #tpu.memory_space<vmem>>, %arg10: memref<10000x128xf32, #tpu.memory_space<vmem_shared>>, %arg11: memref<!tpu.dma_semaphore, #tpu.memory_space<semaphore_mem>>, %arg12: memref<!tpu.dma_semaphore, #tpu.memory_space<semaphore_mem>>) attributes {dimension_semantics = [#tpu.dimension_semantics<core_parallel>, #tpu.dimension_semantics<subcore_parallel>], iteration_bounds = array<i64: 2, 16>, scalar_prefetch = 0 : i64, scratch_operands = 7 : i64, tpu.core_type = #tpu.core_type<sc_vector_subcore>, window_params = [{transform_indices = #map}, {transform_indices = #map1}, {transform_indices = #map2}, {transform_indices = #map3}]} {
    %broadcast_in_dim3A = arith.constant 0.000000e+00 : f32
    %broadcast_in_dim3A_0 = vector.broadcast %broadcast_in_dim3A : f32 to vector<16xf32>
    %scan3A = arith.constant 0 : i32
    %scan3A_1 = arith.constant 0 : i32
    %scan3A_2 = arith.constant 80 : i32
    %scan3A_3 = arith.addi %scan3A_1, %scan3A_2 : i32
    %scan3A_4 = arith.constant 1 : i32
    scf.for %scan3A_54 = %scan3A_1 to %scan3A_3 step %scan3A_4  : i32 {
      %swap3A = arith.index_cast %scan3A_54 : i32 to index
      %swap3A_55 = arith.constant 0 : index
      %swap3A_56 = tpu.vector_load %arg8[%swap3A, %swap3A_55] {strides = array<i32>} : memref<80x128xf32, #tpu.memory_space<vmem>>, vector<1x16xf32>,
      %swap3A_57 = vector.shape_cast %swap3A_56 : vector<1x16xf32> to vector<16xf32>
      %swap3A_58 = vector.shape_cast %broadcast_in_dim3A_0 : vector<16xf32> to vector<1x16xf32>
      tpu.vector_store %arg8[%swap3A, %swap3A_55], %swap3A_58 {strides = array<i32>} : memref<80x128xf32, #tpu.memory_space<vmem>>, vector<1x16xf32>,
      %swap3A_59 = arith.index_cast %scan3A_54 : i32 to index
      %swap3A_60 = arith.constant 16 : index
      %swap3A_61 = tpu.vector_load %arg8[%swap3A_59, %swap3A_60] {strides = array<i32>} : memref<80x128xf32, #tpu.memory_space<vmem>>, vector<1x16xf32>,
      %swap3A_62 = vector.shape_cast %swap3A_61 : vector<1x16xf32> to vector<16xf32>
      %swap3A_63 = vector.shape_cast %broadcast_in_dim3A_0 : vector<16xf32> to vector<1x16xf32>
      tpu.vector_store %arg8[%swap3A_59, %swap3A_60], %swap3A_63 {strides = array<i32>} : memref<80x128xf32, #tpu.memory_space<vmem>>, vector<1x16xf32>,
      %swap3A_64 = arith.index_cast %scan3A_54 : i32 to index
      %swap3A_65 = arith.constant 32 : index
      %swap3A_66 = tpu.vector_load %arg8[%swap3A_64, %swap3A_65] {strides = array<i32>} : memref<80x128xf32, #tpu.memory_space<vmem>>, vector<1x16xf32>,
      %swap3A_67 = vector.shape_cast %swap3A_66 : vector<1x16xf32> to vector<16xf32>
      %swap3A_68 = vector.shape_cast %broadcast_in_dim3A_0 : vector<16xf32> to vector<1x16xf32>
      tpu.vector_store %arg8[%swap3A_64, %swap3A_65], %swap3A_68 {strides = array<i32>} : memref<80x128xf32, #tpu.memory_space<vmem>>, vector<1x16xf32>,
      %swap3A_69 = arith.index_cast %scan3A_54 : i32 to index
      %swap3A_70 = arith.constant 48 : index
      %swap3A_71 = tpu.vector_load %arg8[%swap3A_69, %swap3A_70] {strides = array<i32>} : memref<80x128xf32, #tpu.memory_space<vmem>>, vector<1x16xf32>,
      %swap3A_72 = vector.shape_cast %swap3A_71 : vector<1x16xf32> to vector<16xf32>
      %swap3A_73 = vector.shape_cast %broadcast_in_dim3A_0 : vector<16xf32> to vector<1x16xf32>
      tpu.vector_store %arg8[%swap3A_69, %swap3A_70], %swap3A_73 {strides = array<i32>} : memref<80x128xf32, #tpu.memory_space<vmem>>, vector<1x16xf32>,
      %swap3A_74 = arith.index_cast %scan3A_54 : i32 to index
      %swap3A_75 = arith.constant 64 : index
      %swap3A_76 = tpu.vector_load %arg8[%swap3A_74, %swap3A_75] {strides = array<i32>} : memref<80x128xf32, #tpu.memory_space<vmem>>, vector<1x16xf32>,
      %swap3A_77 = vector.shape_cast %swap3A_76 : vector<1x16xf32> to vector<16xf32>
      %swap3A_78 = vector.shape_cast %broadcast_in_dim3A_0 : vector<16xf32> to vector<1x16xf32>
      tpu.vector_store %arg8[%swap3A_74, %swap3A_75], %swap3A_78 {strides = array<i32>} : memref<80x128xf32, #tpu.memory_space<vmem>>, vector<1x16xf32>,
      %swap3A_79 = arith.index_cast %scan3A_54 : i32 to index
      %swap3A_80 = arith.constant 80 : index
      %swap3A_81 = tpu.vector_load %arg8[%swap3A_79, %swap3A_80] {strides = array<i32>} : memref<80x128xf32, #tpu.memory_space<vmem>>, vector<1x16xf32>,
      %swap3A_82 = vector.shape_cast %swap3A_81 : vector<1x16xf32> to vector<16xf32>
      %swap3A_83 = vector.shape_cast %broadcast_in_dim3A_0 : vector<16xf32> to vector<1x16xf32>
      tpu.vector_store %arg8[%swap3A_79, %swap3A_80], %swap3A_83 {strides = array<i32>} : memref<80x128xf32, #tpu.memory_space<vmem>>, vector<1x16xf32>,
      %swap3A_84 = arith.index_cast %scan3A_54 : i32 to index
      %swap3A_85 = arith.constant 96 : index
      %swap3A_86 = tpu.vector_load %arg8[%swap3A_84, %swap3A_85] {strides = array<i32>} : memref<80x128xf32, #tpu.memory_space<vmem>>, vector<1x16xf32>,
      %swap3A_87 = vector.shape_cast %swap3A_86 : vector<1x16xf32> to vector<16xf32>
      %swap3A_88 = vector.shape_cast %broadcast_in_dim3A_0 : vector<16xf32> to vector<1x16xf32>
      tpu.vector_store %arg8[%swap3A_84, %swap3A_85], %swap3A_88 {strides = array<i32>} : memref<80x128xf32, #tpu.memory_space<vmem>>, vector<1x16xf32>,
      %swap3A_89 = arith.index_cast %scan3A_54 : i32 to index
      %swap3A_90 = arith.constant 112 : index
      %swap3A_91 = tpu.vector_load %arg8[%swap3A_89, %swap3A_90] {strides = array<i32>} : memref<80x128xf32, #tpu.memory_space<vmem>>, vector<1x16xf32>,
      %swap3A_92 = vector.shape_cast %swap3A_91 : vector<1x16xf32> to vector<16xf32>
      %swap3A_93 = vector.shape_cast %broadcast_in_dim3A_0 : vector<16xf32> to vector<1x16xf32>
      tpu.vector_store %arg8[%swap3A_89, %swap3A_90], %swap3A_93 {strides = array<i32>} : memref<80x128xf32, #tpu.memory_space<vmem>>, vector<1x16xf32>,
    }
    %scan3A_5 = arith.constant 80 : i32
    %scan3A_6 = arith.constant 0 : i32
    %scan3A_7 = arith.constant 0 : i32
    %scan3A_8 = arith.constant 8 : i32
    %scan3A_9 = arith.addi %scan3A_7, %scan3A_8 : i32
    %scan3A_10 = arith.constant 1 : i32
    scf.for %scan3A_54 = %scan3A_7 to %scan3A_9 step %scan3A_10  : i32 {
      %mul3A = arith.constant 16 : i32
      %mul3A_55 = arith.muli %mul3A, %scan3A_54 : i32
      %add3A = arith.addi %arg1, %mul3A_55 : i32
      %mul3A_56 = arith.constant 80 : i32
      %mul3A_57 = arith.muli %add3A, %mul3A_56 : i32
      %min3A = arith.constant 9920 : i32
      %min3A_58 = arith.minsi %mul3A_57, %min3A : i32
      "tpu.region"() ({
        %run_scoped3A_59 = tpu.sem_alloc : memref<!tpu.dma_semaphore, #tpu.memory_space<semaphore_mem>>
        %dma_start3A_60 = arith.constant 0 : i32
        %dma_start3A_61 = arith.constant 0 : i32
        %dma_start3A_62 = tpu.memref_slice %arg8[%dma_start3A_60, %dma_start3A_61] : memref<80x128xf32, #tpu.memory_space<vmem>> -> memref<80x128xf32, #tpu.memory_space<vmem>>
        %dma_start3A_63 = arith.constant 0 : i32
        %dma_start3A_64 = tpu.memref_slice %arg10[%min3A_58, %dma_start3A_63] : memref<10000x128xf32, #tpu.memory_space<vmem_shared>> -> memref<80x128xf32, #tpu.memory_space<vmem_shared>>
        %dma_start3A_65 = arith.constant 0 : i32
        %dma_start3A_66 = tpu.memref_slice %arg10[%min3A_58, %dma_start3A_65] : memref<10000x128xf32, #tpu.memory_space<vmem_shared>> -> memref<80x128xf32, #tpu.memory_space<vmem_shared>>
        %dma_start3A_67 = arith.constant 0 : i32
        %dma_start3A_68 = arith.constant 0 : i32
        %dma_start3A_69 = tpu.memref_slice %arg8[%dma_start3A_67, %dma_start3A_68] : memref<80x128xf32, #tpu.memory_space<vmem>> -> memref<80x128xf32, #tpu.memory_space<vmem>>
        tpu.enqueue_dma source(%dma_start3A_69 : memref<80x128xf32, #tpu.memory_space<vmem>>) target(%dma_start3A_66 : memref<80x128xf32, #tpu.memory_space<vmem_shared>>) target_semaphore(%run_scoped3A_59 : memref<!tpu.dma_semaphore, #tpu.memory_space<semaphore_mem>>)
        %dma_wait3A_70 = arith.constant 0 : i32
        %dma_wait3A_71 = arith.constant 0 : i32
        %dma_wait3A_72 = tpu.memref_slice %arg8[%dma_wait3A_70, %dma_wait3A_71] : memref<80x128xf32, #tpu.memory_space<vmem>> -> memref<80x128xf32, #tpu.memory_space<vmem>>
        %dma_wait3A_73 = arith.constant 0 : i32
        %dma_wait3A_74 = tpu.memref_slice %arg10[%min3A_58, %dma_wait3A_73] : memref<10000x128xf32, #tpu.memory_space<vmem_shared>> -> memref<80x128xf32, #tpu.memory_space<vmem_shared>>
        %dma_wait3A_75 = arith.constant 0 : i32
        %dma_wait3A_76 = tpu.memref_slice %arg10[%min3A_58, %dma_wait3A_75] : memref<10000x128xf32, #tpu.memory_space<vmem_shared>> -> memref<80x128xf32, #tpu.memory_space<vmem_shared>>
        %dma_wait3A_77 = arith.constant 0 : i32
        %dma_wait3A_78 = arith.constant 0 : i32
        %dma_wait3A_79 = tpu.memref_slice %arg8[%dma_wait3A_77, %dma_wait3A_78] : memref<80x128xf32, #tpu.memory_space<vmem>> -> memref<80x128xf32, #tpu.memory_space<vmem>>
        tpu.wait_dma2 semaphore(%run_scoped3A_59 : memref<!tpu.dma_semaphore, #tpu.memory_space<semaphore_mem>>) src(%dma_wait3A_79 : memref<80x128xf32, #tpu.memory_space<vmem>>) dst(%dma_wait3A_76 : memref<80x128xf32, #tpu.memory_space<vmem_shared>>)
        tpu.yield
      }) : () -> ()
    }
    %scan3A_11 = arith.constant 8 : i32
    %barrier3A = arith.constant 0 : index
    tpu.barrier barrier_id(%barrier3A)
    %run_scoped3A = arith.constant 0 : i32
    "tpu.region"() ({
      %run_scoped3A_54 = tpu.sem_alloc : memref<!tpu.dma_semaphore, #tpu.memory_space<semaphore_mem>>
      %dma_start3A_55 = arith.constant 0 : i32
      %dma_start3A_56 = tpu.memref_slice %arg2[%arg0, %run_scoped3A, %arg1, %dma_start3A_55] : memref<2x2x16x10000xi32, #tpu.memory_space<hbm>> -> memref<1x1x1x10000xi32, #tpu.memory_space<hbm>>
      %dma_start3A_57 = tpu.memref_squeeze %dma_start3A_56 : memref<1x1x1x10000xi32, #tpu.memory_space<hbm>> -> memref<10000xi32, #tpu.memory_space<hbm>>
      %dma_start3A_58 = arith.constant 0 : i32
      %dma_start3A_59 = tpu.memref_slice %arg2[%arg0, %run_scoped3A, %arg1, %dma_start3A_58] : memref<2x2x16x10000xi32, #tpu.memory_space<hbm>> -> memref<1x1x1x10000xi32, #tpu.memory_space<hbm>>
      %dma_start3A_60 = tpu.memref_squeeze %dma_start3A_59 : memref<1x1x1x10000xi32, #tpu.memory_space<hbm>> -> memref<10000xi32, #tpu.memory_space<hbm>>
      tpu.enqueue_dma source(%dma_start3A_60 : memref<10000xi32, #tpu.memory_space<hbm>>) target(%arg6 : memref<10000xi32, #tpu.memory_space<vmem>>) target_semaphore(%run_scoped3A_54 : memref<!tpu.dma_semaphore, #tpu.memory_space<semaphore_mem>>)
      %dma_wait3A_61 = arith.constant 0 : i32
      %dma_wait3A_62 = tpu.memref_slice %arg2[%arg0, %run_scoped3A, %arg1, %dma_wait3A_61] : memref<2x2x16x10000xi32, #tpu.memory_space<hbm>> -> memref<1x1x1x10000xi32, #tpu.memory_space<hbm>>
      %dma_wait3A_63 = tpu.memref_squeeze %dma_wait3A_62 : memref<1x1x1x10000xi32, #tpu.memory_space<hbm>> -> memref<10000xi32, #tpu.memory_space<hbm>>
      %dma_wait3A_64 = arith.constant 0 : i32
      %dma_wait3A_65 = tpu.memref_slice %arg2[%arg0, %run_scoped3A, %arg1, %dma_wait3A_64] : memref<2x2x16x10000xi32, #tpu.memory_space<hbm>> -> memref<1x1x1x10000xi32, #tpu.memory_space<hbm>>
      %dma_wait3A_66 = tpu.memref_squeeze %dma_wait3A_65 : memref<1x1x1x10000xi32, #tpu.memory_space<hbm>> -> memref<10000xi32, #tpu.memory_space<hbm>>
      tpu.wait_dma2 semaphore(%run_scoped3A_54 : memref<!tpu.dma_semaphore, #tpu.memory_space<semaphore_mem>>) src(%dma_wait3A_66 : memref<10000xi32, #tpu.memory_space<hbm>>) dst(%arg6 : memref<10000xi32, #tpu.memory_space<vmem>>)
      tpu.yield
    }) : () -> ()
    %run_scoped3A_12 = arith.constant 0 : i32
    "tpu.region"() ({
      %run_scoped3A_54 = tpu.sem_alloc : memref<!tpu.dma_semaphore, #tpu.memory_space<semaphore_mem>>
      %dma_start3A_55 = arith.constant 0 : i32
      %dma_start3A_56 = arith.constant 0 : i32
      %dma_start3A_57 = tpu.memref_slice %arg3[%arg0, %run_scoped3A_12, %arg1, %dma_start3A_55, %dma_start3A_56] : memref<2x2x16x125x80xi32, #tpu.memory_space<hbm>> -> memref<1x1x1x125x80xi32, #tpu.memory_space<hbm>>
      %dma_start3A_58 = tpu.memref_squeeze %dma_start3A_57 : memref<1x1x1x125x80xi32, #tpu.memory_space<hbm>> -> memref<125x80xi32, #tpu.memory_space<hbm>>
      %dma_start3A_59 = arith.constant 0 : i32
      %dma_start3A_60 = arith.constant 0 : i32
      %dma_start3A_61 = tpu.memref_slice %arg3[%arg0, %run_scoped3A_12, %arg1, %dma_start3A_59, %dma_start3A_60] : memref<2x2x16x125x80xi32, #tpu.memory_space<hbm>> -> memref<1x1x1x125x80xi32, #tpu.memory_space<hbm>>
      %dma_start3A_62 = tpu.memref_squeeze %dma_start3A_61 : memref<1x1x1x125x80xi32, #tpu.memory_space<hbm>> -> memref<125x80xi32, #tpu.memory_space<hbm>>
      tpu.enqueue_dma source(%dma_start3A_62 : memref<125x80xi32, #tpu.memory_space<hbm>>) target(%arg7 : memref<125x80xi32, #tpu.memory_space<vmem>>) target_semaphore(%run_scoped3A_54 : memref<!tpu.dma_semaphore, #tpu.memory_space<semaphore_mem>>)
      %dma_wait3A_63 = arith.constant 0 : i32
      %dma_wait3A_64 = arith.constant 0 : i32
      %dma_wait3A_65 = tpu.memref_slice %arg3[%arg0, %run_scoped3A_12, %arg1, %dma_wait3A_63, %dma_wait3A_64] : memref<2x2x16x125x80xi32, #tpu.memory_space<hbm>> -> memref<1x1x1x125x80xi32, #tpu.memory_space<hbm>>
      %dma_wait3A_66 = tpu.memref_squeeze %dma_wait3A_65 : memref<1x1x1x125x80xi32, #tpu.memory_space<hbm>> -> memref<125x80xi32, #tpu.memory_space<hbm>>
      %dma_wait3A_67 = arith.constant 0 : i32
      %dma_wait3A_68 = arith.constant 0 : i32
      %dma_wait3A_69 = tpu.memref_slice %arg3[%arg0, %run_scoped3A_12, %arg1, %dma_wait3A_67, %dma_wait3A_68] : memref<2x2x16x125x80xi32, #tpu.memory_space<hbm>> -> memref<1x1x1x125x80xi32, #tpu.memory_space<hbm>>
      %dma_wait3A_70 = tpu.memref_squeeze %dma_wait3A_69 : memref<1x1x1x125x80xi32, #tpu.memory_space<hbm>> -> memref<125x80xi32, #tpu.memory_space<hbm>>
      tpu.wait_dma2 semaphore(%run_scoped3A_54 : memref<!tpu.dma_semaphore, #tpu.memory_space<semaphore_mem>>) src(%dma_wait3A_70 : memref<125x80xi32, #tpu.memory_space<hbm>>) dst(%arg7 : memref<125x80xi32, #tpu.memory_space<vmem>>)
      tpu.yield
    }) : () -> ()
    %dma_start3A = arith.constant 0 : i32
    %dma_start3A_13 = tpu.memref_slice %arg6[%dma_start3A] : memref<10000xi32, #tpu.memory_space<vmem>> -> memref<80xi32, #tpu.memory_space<vmem>>
    %dma_start3A_14 = arith.constant 0 : i32
    %dma_start3A_15 = arith.constant 0 : i32
    %dma_start3A_16 = tpu.memref_slice %arg4[%dma_start3A_14, %dma_start3A_15] : memref<20000x128xf32, #tpu.memory_space<hbm>> -> memref<20000x128xf32, #tpu.memory_space<hbm>>
    tpu.enqueue_indirect_dma source(%dma_start3A_16 : memref<20000x128xf32, #tpu.memory_space<hbm>>) target(%arg8 : memref<80x128xf32, #tpu.memory_space<vmem>>) offsets(%dma_start3A_13 : memref<80xi32, #tpu.memory_space<vmem>>) semaphore(%arg11 : memref<!tpu.dma_semaphore, #tpu.memory_space<semaphore_mem>>)
    %scan3A_17 = arith.constant 0 : i32
    %scan3A_18 = arith.constant 0 : i32
    %scan3A_19 = arith.constant 62 : i32
    %scan3A_20 = arith.addi %scan3A_18, %scan3A_19 : i32
    %scan3A_21 = arith.constant 1 : i32
    scf.for %scan3A_54 = %scan3A_18 to %scan3A_20 step %scan3A_21  : i32 {
      %mul3A = arith.constant 2 : i32
      %mul3A_55 = arith.muli %mul3A, %scan3A_54 : i32
      %add3A = arith.constant 1 : i32
      %add3A_56 = arith.addi %mul3A_55, %add3A : i32
      %mul3A_57 = arith.constant 80 : i32
      %mul3A_58 = arith.muli %add3A_56, %mul3A_57 : i32
      %dma_start3A_59 = tpu.memref_slice %arg6[%mul3A_58] : memref<10000xi32, #tpu.memory_space<vmem>> -> memref<80xi32, #tpu.memory_space<vmem>>
      %dma_start3A_60 = arith.constant 0 : i32
      %dma_start3A_61 = arith.constant 0 : i32
      %dma_start3A_62 = tpu.memref_slice %arg4[%dma_start3A_60, %dma_start3A_61] : memref<20000x128xf32, #tpu.memory_space<hbm>> -> memref<20000x128xf32, #tpu.memory_space<hbm>>
      tpu.enqueue_indirect_dma source(%dma_start3A_62 : memref<20000x128xf32, #tpu.memory_space<hbm>>) target(%arg9 : memref<80x128xf32, #tpu.memory_space<vmem>>) offsets(%dma_start3A_59 : memref<80xi32, #tpu.memory_space<vmem>>) semaphore(%arg12 : memref<!tpu.dma_semaphore, #tpu.memory_space<semaphore_mem>>)
      %mul3A_63 = arith.constant 80 : i32
      %mul3A_64 = arith.muli %mul3A_55, %mul3A_63 : i32
      %dma_wait3A_65 = tpu.memref_slice %arg6[%mul3A_64] : memref<10000xi32, #tpu.memory_space<vmem>> -> memref<80xi32, #tpu.memory_space<vmem>>
      %dma_wait3A_66 = arith.constant 0 : i32
      %dma_wait3A_67 = arith.constant 0 : i32
      %dma_wait3A_68 = tpu.memref_slice %arg4[%dma_wait3A_66, %dma_wait3A_67] : memref<20000x128xf32, #tpu.memory_space<hbm>> -> memref<20000x128xf32, #tpu.memory_space<hbm>>
      tpu.wait_indirect_dma semaphore(%arg11 : memref<!tpu.dma_semaphore, #tpu.memory_space<semaphore_mem>>) src(%dma_wait3A_68 : memref<20000x128xf32, #tpu.memory_space<hbm>>) dst(%arg8 : memref<80x128xf32, #tpu.memory_space<vmem>>)
      "tpu.region"() ({
        %run_scoped3A_87 = tpu.sem_alloc : memref<!tpu.dma_semaphore, #tpu.memory_space<semaphore_mem>>
        %dma_start3A_88 = arith.constant 0 : i32
        %dma_start3A_89 = tpu.memref_slice %arg7[%mul3A_55, %dma_start3A_88] : memref<125x80xi32, #tpu.memory_space<vmem>> -> memref<1x80xi32, #tpu.memory_space<vmem>>
        %dma_start3A_90 = tpu.memref_squeeze %dma_start3A_89 : memref<1x80xi32, #tpu.memory_space<vmem>> -> memref<80xi32, #tpu.memory_space<vmem>>
        %dma_start3A_91 = arith.constant 0 : i32
        %dma_start3A_92 = arith.constant 0 : i32
        %dma_start3A_93 = tpu.memref_slice %arg10[%dma_start3A_91, %dma_start3A_92] : memref<10000x128xf32, #tpu.memory_space<vmem_shared>> -> memref<10000x128xf32, #tpu.memory_space<vmem_shared>>
        tpu.enqueue_indirect_dma source(%arg8 : memref<80x128xf32, #tpu.memory_space<vmem>>) target(%dma_start3A_93 : memref<10000x128xf32, #tpu.memory_space<vmem_shared>>) offsets(%dma_start3A_90 : memref<80xi32, #tpu.memory_space<vmem>>) semaphore(%run_scoped3A_87 : memref<!tpu.dma_semaphore, #tpu.memory_space<semaphore_mem>>) {add = true}
        %dma_wait3A_94 = arith.constant 0 : i32
        %dma_wait3A_95 = tpu.memref_slice %arg7[%mul3A_55, %dma_wait3A_94] : memref<125x80xi32, #tpu.memory_space<vmem>> -> memref<1x80xi32, #tpu.memory_space<vmem>>
        %dma_wait3A_96 = tpu.memref_squeeze %dma_wait3A_95 : memref<1x80xi32, #tpu.memory_space<vmem>> -> memref<80xi32, #tpu.memory_space<vmem>>
        %dma_wait3A_97 = arith.constant 0 : i32
        %dma_wait3A_98 = arith.constant 0 : i32
        %dma_wait3A_99 = tpu.memref_slice %arg10[%dma_wait3A_97, %dma_wait3A_98] : memref<10000x128xf32, #tpu.memory_space<vmem_shared>> -> memref<10000x128xf32, #tpu.memory_space<vmem_shared>>
        tpu.wait_indirect_dma semaphore(%run_scoped3A_87 : memref<!tpu.dma_semaphore, #tpu.memory_space<semaphore_mem>>) src(%arg8 : memref<80x128xf32, #tpu.memory_space<vmem>>) dst(%dma_wait3A_99 : memref<10000x128xf32, #tpu.memory_space<vmem_shared>>)
        tpu.yield
      }) : () -> ()
      %add3A_69 = arith.constant 2 : i32
      %add3A_70 = arith.addi %mul3A_55, %add3A_69 : i32
      %mul3A_71 = arith.constant 80 : i32
      %mul3A_72 = arith.muli %add3A_70, %mul3A_71 : i32
      %dma_start3A_73 = tpu.memref_slice %arg6[%mul3A_72] : memref<10000xi32, #tpu.memory_space<vmem>> -> memref<80xi32, #tpu.memory_space<vmem>>
      %dma_start3A_74 = arith.constant 0 : i32
      %dma_start3A_75 = arith.constant 0 : i32
      %dma_start3A_76 = tpu.memref_slice %arg4[%dma_start3A_74, %dma_start3A_75] : memref<20000x128xf32, #tpu.memory_space<hbm>> -> memref<20000x128xf32, #tpu.memory_space<hbm>>
      tpu.enqueue_indirect_dma source(%dma_start3A_76 : memref<20000x128xf32, #tpu.memory_space<hbm>>) target(%arg8 : memref<80x128xf32, #tpu.memory_space<vmem>>) offsets(%dma_start3A_73 : memref<80xi32, #tpu.memory_space<vmem>>) semaphore(%arg11 : memref<!tpu.dma_semaphore, #tpu.memory_space<semaphore_mem>>)
      %add3A_77 = arith.constant 1 : i32
      %add3A_78 = arith.addi %mul3A_55, %add3A_77 : i32
      %mul3A_79 = arith.constant 80 : i32
      %mul3A_80 = arith.muli %add3A_78, %mul3A_79 : i32
      %dma_wait3A_81 = tpu.memref_slice %arg6[%mul3A_80] : memref<10000xi32, #tpu.memory_space<vmem>> -> memref<80xi32, #tpu.memory_space<vmem>>
      %dma_wait3A_82 = arith.constant 0 : i32
      %dma_wait3A_83 = arith.constant 0 : i32
      %dma_wait3A_84 = tpu.memref_slice %arg4[%dma_wait3A_82, %dma_wait3A_83] : memref<20000x128xf32, #tpu.memory_space<hbm>> -> memref<20000x128xf32, #tpu.memory_space<hbm>>
      tpu.wait_indirect_dma semaphore(%arg12 : memref<!tpu.dma_semaphore, #tpu.memory_space<semaphore_mem>>) src(%dma_wait3A_84 : memref<20000x128xf32, #tpu.memory_space<hbm>>) dst(%arg9 : memref<80x128xf32, #tpu.memory_space<vmem>>)
      %add3A_85 = arith.constant 1 : i32
      %add3A_86 = arith.addi %mul3A_55, %add3A_85 : i32
      "tpu.region"() ({
        %run_scoped3A_87 = tpu.sem_alloc : memref<!tpu.dma_semaphore, #tpu.memory_space<semaphore_mem>>
        %dma_start3A_88 = arith.constant 0 : i32
        %dma_start3A_89 = tpu.memref_slice %arg7[%add3A_86, %dma_start3A_88] : memref<125x80xi32, #tpu.memory_space<vmem>> -> memref<1x80xi32, #tpu.memory_space<vmem>>
        %dma_start3A_90 = tpu.memref_squeeze %dma_start3A_89 : memref<1x80xi32, #tpu.memory_space<vmem>> -> memref<80xi32, #tpu.memory_space<vmem>>
        %dma_start3A_91 = arith.constant 0 : i32
        %dma_start3A_92 = arith.constant 0 : i32
        %dma_start3A_93 = tpu.memref_slice %arg10[%dma_start3A_91, %dma_start3A_92] : memref<10000x128xf32, #tpu.memory_space<vmem_shared>> -> memref<10000x128xf32, #tpu.memory_space<vmem_shared>>
        tpu.enqueue_indirect_dma source(%arg9 : memref<80x128xf32, #tpu.memory_space<vmem>>) target(%dma_start3A_93 : memref<10000x128xf32, #tpu.memory_space<vmem_shared>>) offsets(%dma_start3A_90 : memref<80xi32, #tpu.memory_space<vmem>>) semaphore(%run_scoped3A_87 : memref<!tpu.dma_semaphore, #tpu.memory_space<semaphore_mem>>) {add = true}
        %dma_wait3A_94 = arith.constant 0 : i32
        %dma_wait3A_95 = tpu.memref_slice %arg7[%add3A_86, %dma_wait3A_94] : memref<125x80xi32, #tpu.memory_space<vmem>> -> memref<1x80xi32, #tpu.memory_space<vmem>>
        %dma_wait3A_96 = tpu.memref_squeeze %dma_wait3A_95 : memref<1x80xi32, #tpu.memory_space<vmem>> -> memref<80xi32, #tpu.memory_space<vmem>>
        %dma_wait3A_97 = arith.constant 0 : i32
        %dma_wait3A_98 = arith.constant 0 : i32
        %dma_wait3A_99 = tpu.memref_slice %arg10[%dma_wait3A_97, %dma_wait3A_98] : memref<10000x128xf32, #tpu.memory_space<vmem_shared>> -> memref<10000x128xf32, #tpu.memory_space<vmem_shared>>
        tpu.wait_indirect_dma semaphore(%run_scoped3A_87 : memref<!tpu.dma_semaphore, #tpu.memory_space<semaphore_mem>>) src(%arg9 : memref<80x128xf32, #tpu.memory_space<vmem>>) dst(%dma_wait3A_99 : memref<10000x128xf32, #tpu.memory_space<vmem_shared>>)
        tpu.yield
      }) : () -> ()
    }
    %scan3A_22 = arith.constant 62 : i32
    %dma_wait3A = arith.constant 9920 : i32
    %dma_wait3A_23 = tpu.memref_slice %arg6[%dma_wait3A] : memref<10000xi32, #tpu.memory_space<vmem>> -> memref<80xi32, #tpu.memory_space<vmem>>
    %dma_wait3A_24 = arith.constant 0 : i32
    %dma_wait3A_25 = arith.constant 0 : i32
    %dma_wait3A_26 = tpu.memref_slice %arg4[%dma_wait3A_24, %dma_wait3A_25] : memref<20000x128xf32, #tpu.memory_space<hbm>> -> memref<20000x128xf32, #tpu.memory_space<hbm>>
    tpu.wait_indirect_dma semaphore(%arg11 : memref<!tpu.dma_semaphore, #tpu.memory_space<semaphore_mem>>) src(%dma_wait3A_26 : memref<20000x128xf32, #tpu.memory_space<hbm>>) dst(%arg8 : memref<80x128xf32, #tpu.memory_space<vmem>>)
    %run_scoped3A_27 = arith.constant 124 : i32
    "tpu.region"() ({
      %run_scoped3A_54 = tpu.sem_alloc : memref<!tpu.dma_semaphore, #tpu.memory_space<semaphore_mem>>
      %dma_start3A_55 = arith.constant 0 : i32
      %dma_start3A_56 = tpu.memref_slice %arg7[%run_scoped3A_27, %dma_start3A_55] : memref<125x80xi32, #tpu.memory_space<vmem>> -> memref<1x80xi32, #tpu.memory_space<vmem>>
      %dma_start3A_57 = tpu.memref_squeeze %dma_start3A_56 : memref<1x80xi32, #tpu.memory_space<vmem>> -> memref<80xi32, #tpu.memory_space<vmem>>
      %dma_start3A_58 = arith.constant 0 : i32
      %dma_start3A_59 = arith.constant 0 : i32
      %dma_start3A_60 = tpu.memref_slice %arg10[%dma_start3A_58, %dma_start3A_59] : memref<10000x128xf32, #tpu.memory_space<vmem_shared>> -> memref<10000x128xf32, #tpu.memory_space<vmem_shared>>
      tpu.enqueue_indirect_dma source(%arg8 : memref<80x128xf32, #tpu.memory_space<vmem>>) target(%dma_start3A_60 : memref<10000x128xf32, #tpu.memory_space<vmem_shared>>) offsets(%dma_start3A_57 : memref<80xi32, #tpu.memory_space<vmem>>) semaphore(%run_scoped3A_54 : memref<!tpu.dma_semaphore, #tpu.memory_space<semaphore_mem>>) {add = true}
      %dma_wait3A_61 = arith.constant 0 : i32
      %dma_wait3A_62 = tpu.memref_slice %arg7[%run_scoped3A_27, %dma_wait3A_61] : memref<125x80xi32, #tpu.memory_space<vmem>> -> memref<1x80xi32, #tpu.memory_space<vmem>>
      %dma_wait3A_63 = tpu.memref_squeeze %dma_wait3A_62 : memref<1x80xi32, #tpu.memory_space<vmem>> -> memref<80xi32, #tpu.memory_space<vmem>>
      %dma_wait3A_64 = arith.constant 0 : i32
      %dma_wait3A_65 = arith.constant 0 : i32
      %dma_wait3A_66 = tpu.memref_slice %arg10[%dma_wait3A_64, %dma_wait3A_65] : memref<10000x128xf32, #tpu.memory_space<vmem_shared>> -> memref<10000x128xf32, #tpu.memory_space<vmem_shared>>
      tpu.wait_indirect_dma semaphore(%run_scoped3A_54 : memref<!tpu.dma_semaphore, #tpu.memory_space<semaphore_mem>>) src(%arg8 : memref<80x128xf32, #tpu.memory_space<vmem>>) dst(%dma_wait3A_66 : memref<10000x128xf32, #tpu.memory_space<vmem_shared>>)
      tpu.yield
    }) : () -> ()
    %run_scoped3A_28 = arith.constant 1 : i32
    "tpu.region"() ({
      %run_scoped3A_54 = tpu.sem_alloc : memref<!tpu.dma_semaphore, #tpu.memory_space<semaphore_mem>>
      %dma_start3A_55 = arith.constant 0 : i32
      %dma_start3A_56 = tpu.memref_slice %arg2[%arg0, %run_scoped3A_28, %arg1, %dma_start3A_55] : memref<2x2x16x10000xi32, #tpu.memory_space<hbm>> -> memref<1x1x1x10000xi32, #tpu.memory_space<hbm>>
      %dma_start3A_57 = tpu.memref_squeeze %dma_start3A_56 : memref<1x1x1x10000xi32, #tpu.memory_space<hbm>> -> memref<10000xi32, #tpu.memory_space<hbm>>
      %dma_start3A_58 = arith.constant 0 : i32
      %dma_start3A_59 = tpu.memref_slice %arg2[%arg0, %run_scoped3A_28, %arg1, %dma_start3A_58] : memref<2x2x16x10000xi32, #tpu.memory_space<hbm>> -> memref<1x1x1x10000xi32, #tpu.memory_space<hbm>>
      %dma_start3A_60 = tpu.memref_squeeze %dma_start3A_59 : memref<1x1x1x10000xi32, #tpu.memory_space<hbm>> -> memref<10000xi32, #tpu.memory_space<hbm>>
      tpu.enqueue_dma source(%dma_start3A_60 : memref<10000xi32, #tpu.memory_space<hbm>>) target(%arg6 : memref<10000xi32, #tpu.memory_space<vmem>>) target_semaphore(%run_scoped3A_54 : memref<!tpu.dma_semaphore, #tpu.memory_space<semaphore_mem>>)
      %dma_wait3A_61 = arith.constant 0 : i32
      %dma_wait3A_62 = tpu.memref_slice %arg2[%arg0, %run_scoped3A_28, %arg1, %dma_wait3A_61] : memref<2x2x16x10000xi32, #tpu.memory_space<hbm>> -> memref<1x1x1x10000xi32, #tpu.memory_space<hbm>>
      %dma_wait3A_63 = tpu.memref_squeeze %dma_wait3A_62 : memref<1x1x1x10000xi32, #tpu.memory_space<hbm>> -> memref<10000xi32, #tpu.memory_space<hbm>>
      %dma_wait3A_64 = arith.constant 0 : i32
      %dma_wait3A_65 = tpu.memref_slice %arg2[%arg0, %run_scoped3A_28, %arg1, %dma_wait3A_64] : memref<2x2x16x10000xi32, #tpu.memory_space<hbm>> -> memref<1x1x1x10000xi32, #tpu.memory_space<hbm>>
      %dma_wait3A_66 = tpu.memref_squeeze %dma_wait3A_65 : memref<1x1x1x10000xi32, #tpu.memory_space<hbm>> -> memref<10000xi32, #tpu.memory_space<hbm>>
      tpu.wait_dma2 semaphore(%run_scoped3A_54 : memref<!tpu.dma_semaphore, #tpu.memory_space<semaphore_mem>>) src(%dma_wait3A_66 : memref<10000xi32, #tpu.memory_space<hbm>>) dst(%arg6 : memref<10000xi32, #tpu.memory_space<vmem>>)
      tpu.yield
    }) : () -> ()
    %run_scoped3A_29 = arith.constant 1 : i32
    "tpu.region"() ({
      %run_scoped3A_54 = tpu.sem_alloc : memref<!tpu.dma_semaphore, #tpu.memory_space<semaphore_mem>>
      %dma_start3A_55 = arith.constant 0 : i32
      %dma_start3A_56 = arith.constant 0 : i32
      %dma_start3A_57 = tpu.memref_slice %arg3[%arg0, %run_scoped3A_29, %arg1, %dma_start3A_55, %dma_start3A_56] : memref<2x2x16x125x80xi32, #tpu.memory_space<hbm>> -> memref<1x1x1x125x80xi32, #tpu.memory_space<hbm>>
      %dma_start3A_58 = tpu.memref_squeeze %dma_start3A_57 : memref<1x1x1x125x80xi32, #tpu.memory_space<hbm>> -> memref<125x80xi32, #tpu.memory_space<hbm>>
      %dma_start3A_59 = arith.constant 0 : i32
      %dma_start3A_60 = arith.constant 0 : i32
      %dma_start3A_61 = tpu.memref_slice %arg3[%arg0, %run_scoped3A_29, %arg1, %dma_start3A_59, %dma_start3A_60] : memref<2x2x16x125x80xi32, #tpu.memory_space<hbm>> -> memref<1x1x1x125x80xi32, #tpu.memory_space<hbm>>
      %dma_start3A_62 = tpu.memref_squeeze %dma_start3A_61 : memref<1x1x1x125x80xi32, #tpu.memory_space<hbm>> -> memref<125x80xi32, #tpu.memory_space<hbm>>
      tpu.enqueue_dma source(%dma_start3A_62 : memref<125x80xi32, #tpu.memory_space<hbm>>) target(%arg7 : memref<125x80xi32, #tpu.memory_space<vmem>>) target_semaphore(%run_scoped3A_54 : memref<!tpu.dma_semaphore, #tpu.memory_space<semaphore_mem>>)
      %dma_wait3A_63 = arith.constant 0 : i32
      %dma_wait3A_64 = arith.constant 0 : i32
      %dma_wait3A_65 = tpu.memref_slice %arg3[%arg0, %run_scoped3A_29, %arg1, %dma_wait3A_63, %dma_wait3A_64] : memref<2x2x16x125x80xi32, #tpu.memory_space<hbm>> -> memref<1x1x1x125x80xi32, #tpu.memory_space<hbm>>
      %dma_wait3A_66 = tpu.memref_squeeze %dma_wait3A_65 : memref<1x1x1x125x80xi32, #tpu.memory_space<hbm>> -> memref<125x80xi32, #tpu.memory_space<hbm>>
      %dma_wait3A_67 = arith.constant 0 : i32
      %dma_wait3A_68 = arith.constant 0 : i32
      %dma_wait3A_69 = tpu.memref_slice %arg3[%arg0, %run_scoped3A_29, %arg1, %dma_wait3A_67, %dma_wait3A_68] : memref<2x2x16x125x80xi32, #tpu.memory_space<hbm>> -> memref<1x1x1x125x80xi32, #tpu.memory_space<hbm>>
      %dma_wait3A_70 = tpu.memref_squeeze %dma_wait3A_69 : memref<1x1x1x125x80xi32, #tpu.memory_space<hbm>> -> memref<125x80xi32, #tpu.memory_space<hbm>>
      tpu.wait_dma2 semaphore(%run_scoped3A_54 : memref<!tpu.dma_semaphore, #tpu.memory_space<semaphore_mem>>) src(%dma_wait3A_70 : memref<125x80xi32, #tpu.memory_space<hbm>>) dst(%arg7 : memref<125x80xi32, #tpu.memory_space<vmem>>)
      tpu.yield
    }) : () -> ()
    %dma_start3A_30 = arith.constant 0 : i32
    %dma_start3A_31 = tpu.memref_slice %arg6[%dma_start3A_30] : memref<10000xi32, #tpu.memory_space<vmem>> -> memref<80xi32, #tpu.memory_space<vmem>>
    %dma_start3A_32 = arith.constant 0 : i32
    %dma_start3A_33 = arith.constant 0 : i32
    %dma_start3A_34 = tpu.memref_slice %arg4[%dma_start3A_32, %dma_start3A_33] : memref<20000x128xf32, #tpu.memory_space<hbm>> -> memref<20000x128xf32, #tpu.memory_space<hbm>>
    tpu.enqueue_indirect_dma source(%dma_start3A_34 : memref<20000x128xf32, #tpu.memory_space<hbm>>) target(%arg8 : memref<80x128xf32, #tpu.memory_space<vmem>>) offsets(%dma_start3A_31 : memref<80xi32, #tpu.memory_space<vmem>>) semaphore(%arg11 : memref<!tpu.dma_semaphore, #tpu.memory_space<semaphore_mem>>)
    %scan3A_35 = arith.constant 0 : i32
    %scan3A_36 = arith.constant 0 : i32
    %scan3A_37 = arith.constant 62 : i32
    %scan3A_38 = arith.addi %scan3A_36, %scan3A_37 : i32
    %scan3A_39 = arith.constant 1 : i32
    scf.for %scan3A_54 = %scan3A_36 to %scan3A_38 step %scan3A_39  : i32 {
      %mul3A = arith.constant 2 : i32
      %mul3A_55 = arith.muli %mul3A, %scan3A_54 : i32
      %add3A = arith.constant 1 : i32
      %add3A_56 = arith.addi %mul3A_55, %add3A : i32
      %mul3A_57 = arith.constant 80 : i32
      %mul3A_58 = arith.muli %add3A_56, %mul3A_57 : i32
      %dma_start3A_59 = tpu.memref_slice %arg6[%mul3A_58] : memref<10000xi32, #tpu.memory_space<vmem>> -> memref<80xi32, #tpu.memory_space<vmem>>
      %dma_start3A_60 = arith.constant 0 : i32
      %dma_start3A_61 = arith.constant 0 : i32
      %dma_start3A_62 = tpu.memref_slice %arg4[%dma_start3A_60, %dma_start3A_61] : memref<20000x128xf32, #tpu.memory_space<hbm>> -> memref<20000x128xf32, #tpu.memory_space<hbm>>
      tpu.enqueue_indirect_dma source(%dma_start3A_62 : memref<20000x128xf32, #tpu.memory_space<hbm>>) target(%arg9 : memref<80x128xf32, #tpu.memory_space<vmem>>) offsets(%dma_start3A_59 : memref<80xi32, #tpu.memory_space<vmem>>) semaphore(%arg12 : memref<!tpu.dma_semaphore, #tpu.memory_space<semaphore_mem>>)
      %mul3A_63 = arith.constant 80 : i32
      %mul3A_64 = arith.muli %mul3A_55, %mul3A_63 : i32
      %dma_wait3A_65 = tpu.memref_slice %arg6[%mul3A_64] : memref<10000xi32, #tpu.memory_space<vmem>> -> memref<80xi32, #tpu.memory_space<vmem>>
      %dma_wait3A_66 = arith.constant 0 : i32
      %dma_wait3A_67 = arith.constant 0 : i32
      %dma_wait3A_68 = tpu.memref_slice %arg4[%dma_wait3A_66, %dma_wait3A_67] : memref<20000x128xf32, #tpu.memory_space<hbm>> -> memref<20000x128xf32, #tpu.memory_space<hbm>>
      tpu.wait_indirect_dma semaphore(%arg11 : memref<!tpu.dma_semaphore, #tpu.memory_space<semaphore_mem>>) src(%dma_wait3A_68 : memref<20000x128xf32, #tpu.memory_space<hbm>>) dst(%arg8 : memref<80x128xf32, #tpu.memory_space<vmem>>)
      "tpu.region"() ({
        %run_scoped3A_87 = tpu.sem_alloc : memref<!tpu.dma_semaphore, #tpu.memory_space<semaphore_mem>>
        %dma_start3A_88 = arith.constant 0 : i32
        %dma_start3A_89 = tpu.memref_slice %arg7[%mul3A_55, %dma_start3A_88] : memref<125x80xi32, #tpu.memory_space<vmem>> -> memref<1x80xi32, #tpu.memory_space<vmem>>
        %dma_start3A_90 = tpu.memref_squeeze %dma_start3A_89 : memref<1x80xi32, #tpu.memory_space<vmem>> -> memref<80xi32, #tpu.memory_space<vmem>>
        %dma_start3A_91 = arith.constant 0 : i32
        %dma_start3A_92 = arith.constant 0 : i32
        %dma_start3A_93 = tpu.memref_slice %arg10[%dma_start3A_91, %dma_start3A_92] : memref<10000x128xf32, #tpu.memory_space<vmem_shared>> -> memref<10000x128xf32, #tpu.memory_space<vmem_shared>>
        tpu.enqueue_indirect_dma source(%arg8 : memref<80x128xf32, #tpu.memory_space<vmem>>) target(%dma_start3A_93 : memref<10000x128xf32, #tpu.memory_space<vmem_shared>>) offsets(%dma_start3A_90 : memref<80xi32, #tpu.memory_space<vmem>>) semaphore(%run_scoped3A_87 : memref<!tpu.dma_semaphore, #tpu.memory_space<semaphore_mem>>) {add = true}
        %dma_wait3A_94 = arith.constant 0 : i32
        %dma_wait3A_95 = tpu.memref_slice %arg7[%mul3A_55, %dma_wait3A_94] : memref<125x80xi32, #tpu.memory_space<vmem>> -> memref<1x80xi32, #tpu.memory_space<vmem>>
        %dma_wait3A_96 = tpu.memref_squeeze %dma_wait3A_95 : memref<1x80xi32, #tpu.memory_space<vmem>> -> memref<80xi32, #tpu.memory_space<vmem>>
        %dma_wait3A_97 = arith.constant 0 : i32
        %dma_wait3A_98 = arith.constant 0 : i32
        %dma_wait3A_99 = tpu.memref_slice %arg10[%dma_wait3A_97, %dma_wait3A_98] : memref<10000x128xf32, #tpu.memory_space<vmem_shared>> -> memref<10000x128xf32, #tpu.memory_space<vmem_shared>>
        tpu.wait_indirect_dma semaphore(%run_scoped3A_87 : memref<!tpu.dma_semaphore, #tpu.memory_space<semaphore_mem>>) src(%arg8 : memref<80x128xf32, #tpu.memory_space<vmem>>) dst(%dma_wait3A_99 : memref<10000x128xf32, #tpu.memory_space<vmem_shared>>)
        tpu.yield
      }) : () -> ()
      %add3A_69 = arith.constant 2 : i32
      %add3A_70 = arith.addi %mul3A_55, %add3A_69 : i32
      %mul3A_71 = arith.constant 80 : i32
      %mul3A_72 = arith.muli %add3A_70, %mul3A_71 : i32
      %dma_start3A_73 = tpu.memref_slice %arg6[%mul3A_72] : memref<10000xi32, #tpu.memory_space<vmem>> -> memref<80xi32, #tpu.memory_space<vmem>>
      %dma_start3A_74 = arith.constant 0 : i32
      %dma_start3A_75 = arith.constant 0 : i32
      %dma_start3A_76 = tpu.memref_slice %arg4[%dma_start3A_74, %dma_start3A_75] : memref<20000x128xf32, #tpu.memory_space<hbm>> -> memref<20000x128xf32, #tpu.memory_space<hbm>>
      tpu.enqueue_indirect_dma source(%dma_start3A_76 : memref<20000x128xf32, #tpu.memory_space<hbm>>) target(%arg8 : memref<80x128xf32, #tpu.memory_space<vmem>>) offsets(%dma_start3A_73 : memref<80xi32, #tpu.memory_space<vmem>>) semaphore(%arg11 : memref<!tpu.dma_semaphore, #tpu.memory_space<semaphore_mem>>)
      %add3A_77 = arith.constant 1 : i32
      %add3A_78 = arith.addi %mul3A_55, %add3A_77 : i32
      %mul3A_79 = arith.constant 80 : i32
      %mul3A_80 = arith.muli %add3A_78, %mul3A_79 : i32
      %dma_wait3A_81 = tpu.memref_slice %arg6[%mul3A_80] : memref<10000xi32, #tpu.memory_space<vmem>> -> memref<80xi32, #tpu.memory_space<vmem>>
      %dma_wait3A_82 = arith.constant 0 : i32
      %dma_wait3A_83 = arith.constant 0 : i32
      %dma_wait3A_84 = tpu.memref_slice %arg4[%dma_wait3A_82, %dma_wait3A_83] : memref<20000x128xf32, #tpu.memory_space<hbm>> -> memref<20000x128xf32, #tpu.memory_space<hbm>>
      tpu.wait_indirect_dma semaphore(%arg12 : memref<!tpu.dma_semaphore, #tpu.memory_space<semaphore_mem>>) src(%dma_wait3A_84 : memref<20000x128xf32, #tpu.memory_space<hbm>>) dst(%arg9 : memref<80x128xf32, #tpu.memory_space<vmem>>)
      %add3A_85 = arith.constant 1 : i32
      %add3A_86 = arith.addi %mul3A_55, %add3A_85 : i32
      "tpu.region"() ({
        %run_scoped3A_87 = tpu.sem_alloc : memref<!tpu.dma_semaphore, #tpu.memory_space<semaphore_mem>>
        %dma_start3A_88 = arith.constant 0 : i32
        %dma_start3A_89 = tpu.memref_slice %arg7[%add3A_86, %dma_start3A_88] : memref<125x80xi32, #tpu.memory_space<vmem>> -> memref<1x80xi32, #tpu.memory_space<vmem>>
        %dma_start3A_90 = tpu.memref_squeeze %dma_start3A_89 : memref<1x80xi32, #tpu.memory_space<vmem>> -> memref<80xi32, #tpu.memory_space<vmem>>
        %dma_start3A_91 = arith.constant 0 : i32
        %dma_start3A_92 = arith.constant 0 : i32
        %dma_start3A_93 = tpu.memref_slice %arg10[%dma_start3A_91, %dma_start3A_92] : memref<10000x128xf32, #tpu.memory_space<vmem_shared>> -> memref<10000x128xf32, #tpu.memory_space<vmem_shared>>
        tpu.enqueue_indirect_dma source(%arg9 : memref<80x128xf32, #tpu.memory_space<vmem>>) target(%dma_start3A_93 : memref<10000x128xf32, #tpu.memory_space<vmem_shared>>) offsets(%dma_start3A_90 : memref<80xi32, #tpu.memory_space<vmem>>) semaphore(%run_scoped3A_87 : memref<!tpu.dma_semaphore, #tpu.memory_space<semaphore_mem>>) {add = true}
        %dma_wait3A_94 = arith.constant 0 : i32
        %dma_wait3A_95 = tpu.memref_slice %arg7[%add3A_86, %dma_wait3A_94] : memref<125x80xi32, #tpu.memory_space<vmem>> -> memref<1x80xi32, #tpu.memory_space<vmem>>
        %dma_wait3A_96 = tpu.memref_squeeze %dma_wait3A_95 : memref<1x80xi32, #tpu.memory_space<vmem>> -> memref<80xi32, #tpu.memory_space<vmem>>
        %dma_wait3A_97 = arith.constant 0 : i32
        %dma_wait3A_98 = arith.constant 0 : i32
        %dma_wait3A_99 = tpu.memref_slice %arg10[%dma_wait3A_97, %dma_wait3A_98] : memref<10000x128xf32, #tpu.memory_space<vmem_shared>> -> memref<10000x128xf32, #tpu.memory_space<vmem_shared>>
        tpu.wait_indirect_dma semaphore(%run_scoped3A_87 : memref<!tpu.dma_semaphore, #tpu.memory_space<semaphore_mem>>) src(%arg9 : memref<80x128xf32, #tpu.memory_space<vmem>>) dst(%dma_wait3A_99 : memref<10000x128xf32, #tpu.memory_space<vmem_shared>>)
        tpu.yield
      }) : () -> ()
    }
    %scan3A_40 = arith.constant 62 : i32
    %dma_wait3A_41 = arith.constant 9920 : i32
    %dma_wait3A_42 = tpu.memref_slice %arg6[%dma_wait3A_41] : memref<10000xi32, #tpu.memory_space<vmem>> -> memref<80xi32, #tpu.memory_space<vmem>>
    %dma_wait3A_43 = arith.constant 0 : i32
    %dma_wait3A_44 = arith.constant 0 : i32
    %dma_wait3A_45 = tpu.memref_slice %arg4[%dma_wait3A_43, %dma_wait3A_44] : memref<20000x128xf32, #tpu.memory_space<hbm>> -> memref<20000x128xf32, #tpu.memory_space<hbm>>
    tpu.wait_indirect_dma semaphore(%arg11 : memref<!tpu.dma_semaphore, #tpu.memory_space<semaphore_mem>>) src(%dma_wait3A_45 : memref<20000x128xf32, #tpu.memory_space<hbm>>) dst(%arg8 : memref<80x128xf32, #tpu.memory_space<vmem>>)
    %run_scoped3A_46 = arith.constant 124 : i32
    "tpu.region"() ({
      %run_scoped3A_54 = tpu.sem_alloc : memref<!tpu.dma_semaphore, #tpu.memory_space<semaphore_mem>>
      %dma_start3A_55 = arith.constant 0 : i32
      %dma_start3A_56 = tpu.memref_slice %arg7[%run_scoped3A_46, %dma_start3A_55] : memref<125x80xi32, #tpu.memory_space<vmem>> -> memref<1x80xi32, #tpu.memory_space<vmem>>
      %dma_start3A_57 = tpu.memref_squeeze %dma_start3A_56 : memref<1x80xi32, #tpu.memory_space<vmem>> -> memref<80xi32, #tpu.memory_space<vmem>>
      %dma_start3A_58 = arith.constant 0 : i32
      %dma_start3A_59 = arith.constant 0 : i32
      %dma_start3A_60 = tpu.memref_slice %arg10[%dma_start3A_58, %dma_start3A_59] : memref<10000x128xf32, #tpu.memory_space<vmem_shared>> -> memref<10000x128xf32, #tpu.memory_space<vmem_shared>>
      tpu.enqueue_indirect_dma source(%arg8 : memref<80x128xf32, #tpu.memory_space<vmem>>) target(%dma_start3A_60 : memref<10000x128xf32, #tpu.memory_space<vmem_shared>>) offsets(%dma_start3A_57 : memref<80xi32, #tpu.memory_space<vmem>>) semaphore(%run_scoped3A_54 : memref<!tpu.dma_semaphore, #tpu.memory_space<semaphore_mem>>) {add = true}
      %dma_wait3A_61 = arith.constant 0 : i32
      %dma_wait3A_62 = tpu.memref_slice %arg7[%run_scoped3A_46, %dma_wait3A_61] : memref<125x80xi32, #tpu.memory_space<vmem>> -> memref<1x80xi32, #tpu.memory_space<vmem>>
      %dma_wait3A_63 = tpu.memref_squeeze %dma_wait3A_62 : memref<1x80xi32, #tpu.memory_space<vmem>> -> memref<80xi32, #tpu.memory_space<vmem>>
      %dma_wait3A_64 = arith.constant 0 : i32
      %dma_wait3A_65 = arith.constant 0 : i32
      %dma_wait3A_66 = tpu.memref_slice %arg10[%dma_wait3A_64, %dma_wait3A_65] : memref<10000x128xf32, #tpu.memory_space<vmem_shared>> -> memref<10000x128xf32, #tpu.memory_space<vmem_shared>>
      tpu.wait_indirect_dma semaphore(%run_scoped3A_54 : memref<!tpu.dma_semaphore, #tpu.memory_space<semaphore_mem>>) src(%arg8 : memref<80x128xf32, #tpu.memory_space<vmem>>) dst(%dma_wait3A_66 : memref<10000x128xf32, #tpu.memory_space<vmem_shared>>)
      tpu.yield
    }) : () -> ()
    %barrier3A_47 = arith.constant 0 : index
    tpu.barrier barrier_id(%barrier3A_47)
    %scan3A_48 = arith.constant 0 : i32
    %scan3A_49 = arith.constant 0 : i32
    %scan3A_50 = arith.constant 8 : i32
    %scan3A_51 = arith.addi %scan3A_49, %scan3A_50 : i32
    %scan3A_52 = arith.constant 1 : i32
    scf.for %scan3A_54 = %scan3A_49 to %scan3A_51 step %scan3A_52  : i32 {
      %mul3A = arith.constant 16 : i32
      %mul3A_55 = arith.muli %mul3A, %scan3A_54 : i32
      %add3A = arith.addi %arg1, %mul3A_55 : i32
      %mul3A_56 = arith.constant 80 : i32
      %mul3A_57 = arith.muli %add3A, %mul3A_56 : i32
      %min3A = arith.constant 9920 : i32
      %min3A_58 = arith.minsi %mul3A_57, %min3A : i32
      "tpu.region"() ({
        %run_scoped3A_59 = tpu.sem_alloc : memref<!tpu.dma_semaphore, #tpu.memory_space<semaphore_mem>>
        %dma_start3A_60 = arith.constant 0 : i32
        %dma_start3A_61 = tpu.memref_slice %arg5[%arg0, %min3A_58, %dma_start3A_60] : memref<2x10000x128xf32, #tpu.memory_space<hbm>> -> memref<1x80x128xf32, #tpu.memory_space<hbm>>
        %dma_start3A_62 = tpu.memref_squeeze %dma_start3A_61 : memref<1x80x128xf32, #tpu.memory_space<hbm>> -> memref<80x128xf32, #tpu.memory_space<hbm>>
        %dma_start3A_63 = arith.constant 0 : i32
        %dma_start3A_64 = tpu.memref_slice %arg10[%min3A_58, %dma_start3A_63] : memref<10000x128xf32, #tpu.memory_space<vmem_shared>> -> memref<80x128xf32, #tpu.memory_space<vmem_shared>>
        tpu.enqueue_dma source(%dma_start3A_64 : memref<80x128xf32, #tpu.memory_space<vmem_shared>>) target(%dma_start3A_62 : memref<80x128xf32, #tpu.memory_space<hbm>>) target_semaphore(%run_scoped3A_59 : memref<!tpu.dma_semaphore, #tpu.memory_space<semaphore_mem>>)
        %dma_wait3A_65 = arith.constant 0 : i32
        %dma_wait3A_66 = tpu.memref_slice %arg5[%arg0, %min3A_58, %dma_wait3A_65] : memref<2x10000x128xf32, #tpu.memory_space<hbm>> -> memref<1x80x128xf32, #tpu.memory_space<hbm>>
        %dma_wait3A_67 = tpu.memref_squeeze %dma_wait3A_66 : memref<1x80x128xf32, #tpu.memory_space<hbm>> -> memref<80x128xf32, #tpu.memory_space<hbm>>
        %dma_wait3A_68 = arith.constant 0 : i32
        %dma_wait3A_69 = tpu.memref_slice %arg10[%min3A_58, %dma_wait3A_68] : memref<10000x128xf32, #tpu.memory_space<vmem_shared>> -> memref<80x128xf32, #tpu.memory_space<vmem_shared>>
        tpu.wait_dma2 semaphore(%run_scoped3A_59 : memref<!tpu.dma_semaphore, #tpu.memory_space<semaphore_mem>>) src(%dma_wait3A_69 : memref<80x128xf32, #tpu.memory_space<vmem_shared>>) dst(%dma_wait3A_67 : memref<80x128xf32, #tpu.memory_space<hbm>>)
        tpu.yield
      }) : () -> ()
    }
    %scan3A_53 = arith.constant 8 : i32
    return
  }
}

module attributes {stable_mosaic.version = 14 : i64} {
  func.func @body(%arg0: i32, %arg1: memref<1x1x1xf32, #tpu.memory_space<vmem>>, %arg2: memref<1x1000x128xf32, #tpu.memory_space<vmem>>, %arg3: memref<1x1000x128xf32, #tpu.memory_space<vmem>>, %arg4: memref<1x128x128xf32, #tpu.memory_space<vmem>>, %arg5: memref<1x1x128xf32, #tpu.memory_space<vmem>>, %arg6: memref<1x128x128xf32, #tpu.memory_space<vmem>>, %arg7: memref<1x1x128xf32, #tpu.memory_space<vmem>>, %arg8: memref<1x128x128xf32, #tpu.memory_space<vmem>>, %arg9: memref<1x1x128xf32, #tpu.memory_space<vmem>>, %arg10: memref<1x1000x128xf32, #tpu.memory_space<vmem>>, %arg11: memref<1x1x2x128xf32, #tpu.memory_space<vmem>>) attributes {dimension_semantics = [#tpu.dimension_semantics<arbitrary>], iteration_bounds = array<i64: 20>, scalar_prefetch = 0 : i64, scratch_operands = 0 : i64, tpu.core_type = #tpu.core_type<tc>, window_params = [{transform_indices = @transform_0, window_bounds = array<i64: 1, 1, 1>}, {transform_indices = @transform_1, window_bounds = array<i64: 1, 1000, 128>}, {transform_indices = @transform_2, window_bounds = array<i64: 1, 1000, 128>}, {transform_indices = @transform_3, window_bounds = array<i64: 1, 128, 128>}, {transform_indices = @transform_4, window_bounds = array<i64: 1, 1, 128>}, {transform_indices = @transform_5, window_bounds = array<i64: 1, 128, 128>}, {transform_indices = @transform_6, window_bounds = array<i64: 1, 1, 128>}, {transform_indices = @transform_7, window_bounds = array<i64: 1, 128, 128>}, {transform_indices = @transform_8, window_bounds = array<i64: 1, 1, 128>}, {transform_indices = @transform_9, window_bounds = array<i64: 1, 1000, 128>}, {transform_indices = @transform_10, window_bounds = array<i64: 1, 1, 2, 128>}]} {
    %get3A = arith.constant 0 : index
    %get3A_0 = arith.constant 0 : index
    %get3A_1 = arith.constant 0 : index
    %get3A_2 = vector.load %arg2[%get3A, %get3A_0, %get3A_1] : memref<1x1000x128xf32, #tpu.memory_space<vmem>>, vector<1x1000x128xf32>
    %get3A_3 = vector.shape_cast %get3A_2 : vector<1x1000x128xf32> to vector<1000x128xf32>
    %get3A_4 = arith.constant 0 : index
    %get3A_5 = arith.constant 0 : index
    %get3A_6 = arith.constant 0 : index
    %get3A_7 = vector.load %arg1[%get3A_4, %get3A_5, %get3A_6] : memref<1x1x1xf32, #tpu.memory_space<vmem>>, vector<1x1x1xf32>
    %get3A_8 = vector.shape_cast %get3A_7 : vector<1x1x1xf32> to vector<1x1xf32>
    %mul3A = vector.broadcast %get3A_8 : vector<1x1xf32> to vector<1000x128xf32>
    %mul3A_9 = arith.mulf %get3A_3, %mul3A : vector<1000x128xf32>
    %get3A_10 = arith.constant 0 : index
    %get3A_11 = arith.constant 0 : index
    %get3A_12 = arith.constant 0 : index
    %get3A_13 = vector.load %arg3[%get3A_10, %get3A_11, %get3A_12] : memref<1x1000x128xf32, #tpu.memory_space<vmem>>, vector<1x1000x128xf32>
    %get3A_14 = vector.shape_cast %get3A_13 : vector<1x1000x128xf32> to vector<1000x128xf32>
    %add3A = arith.addf %mul3A_9, %get3A_14 : vector<1000x128xf32>
    %get3A_15 = arith.constant 0 : index
    %get3A_16 = arith.constant 0 : index
    %get3A_17 = arith.constant 0 : index
    %get3A_18 = vector.load %arg4[%get3A_15, %get3A_16, %get3A_17] : memref<1x128x128xf32, #tpu.memory_space<vmem>>, vector<1x128x128xf32>
    %get3A_19 = vector.shape_cast %get3A_18 : vector<1x128x128xf32> to vector<128x128xf32>
    %dot_general3A = arith.constant dense<0.000000e+00> : vector<1000x128xf32>
    %dot_general3A_20 = tpu.matmul %add3A, %get3A_19, %dot_general3A {dimension_numbers = #tpu.dot_dimension_numbers<[1], [0], [0], [1], [0, 0, 1, 1], [], []>, transpose_lhs_hint = false} : vector<1000x128xf32>, vector<128x128xf32>, vector<1000x128xf32> -> vector<1000x128xf32>
    %get3A_21 = arith.constant 0 : index
    %get3A_22 = arith.constant 0 : index
    %get3A_23 = arith.constant 0 : index
    %get3A_24 = vector.load %arg5[%get3A_21, %get3A_22, %get3A_23] : memref<1x1x128xf32, #tpu.memory_space<vmem>>, vector<1x1x128xf32>
    %get3A_25 = vector.shape_cast %get3A_24 : vector<1x1x128xf32> to vector<128xf32>
    %broadcast_in_dim3A = vector.shape_cast %get3A_25 : vector<128xf32> to vector<1x128xf32>
    %add3A_26 = vector.broadcast %broadcast_in_dim3A : vector<1x128xf32> to vector<1000x128xf32>
    %add3A_27 = arith.addf %dot_general3A_20, %add3A_26 : vector<1000x128xf32>
    %gt3A = arith.constant 0.000000e+00 : f32
    %gt3A_28 = vector.broadcast %gt3A : f32 to vector<1000x128xf32>
    %gt3A_29 = arith.cmpf ogt, %add3A_27, %gt3A_28 : vector<1000x128xf32>
    %mul3A_30 = arith.constant 0.00999999977 : f32
    %mul3A_31 = vector.broadcast %mul3A_30 : f32 to vector<1000x128xf32>
    %mul3A_32 = arith.mulf %mul3A_31, %add3A_27 : vector<1000x128xf32>
    %select_n3A = arith.select %gt3A_29, %add3A_27, %mul3A_32 : vector<1000x128xi1>, vector<1000x128xf32>
    %get3A_33 = arith.constant 0 : index
    %get3A_34 = arith.constant 0 : index
    %get3A_35 = arith.constant 0 : index
    %get3A_36 = vector.load %arg6[%get3A_33, %get3A_34, %get3A_35] : memref<1x128x128xf32, #tpu.memory_space<vmem>>, vector<1x128x128xf32>
    %get3A_37 = vector.shape_cast %get3A_36 : vector<1x128x128xf32> to vector<128x128xf32>
    %dot_general3A_38 = arith.constant dense<0.000000e+00> : vector<1000x128xf32>
    %dot_general3A_39 = tpu.matmul %select_n3A, %get3A_37, %dot_general3A_38 {dimension_numbers = #tpu.dot_dimension_numbers<[1], [0], [0], [1], [0, 0, 1, 1], [], []>, transpose_lhs_hint = false} : vector<1000x128xf32>, vector<128x128xf32>, vector<1000x128xf32> -> vector<1000x128xf32>
    %get3A_40 = arith.constant 0 : index
    %get3A_41 = arith.constant 0 : index
    %get3A_42 = arith.constant 0 : index
    %get3A_43 = vector.load %arg7[%get3A_40, %get3A_41, %get3A_42] : memref<1x1x128xf32, #tpu.memory_space<vmem>>, vector<1x1x128xf32>
    %get3A_44 = vector.shape_cast %get3A_43 : vector<1x1x128xf32> to vector<128xf32>
    %broadcast_in_dim3A_45 = vector.shape_cast %get3A_44 : vector<128xf32> to vector<1x128xf32>
    %add3A_46 = vector.broadcast %broadcast_in_dim3A_45 : vector<1x128xf32> to vector<1000x128xf32>
    %add3A_47 = arith.addf %dot_general3A_39, %add3A_46 : vector<1000x128xf32>
    %get3A_48 = arith.constant 0 : index
    %get3A_49 = arith.constant 0 : index
    %get3A_50 = arith.constant 0 : index
    %get3A_51 = vector.load %arg8[%get3A_48, %get3A_49, %get3A_50] : memref<1x128x128xf32, #tpu.memory_space<vmem>>, vector<1x128x128xf32>
    %get3A_52 = vector.shape_cast %get3A_51 : vector<1x128x128xf32> to vector<128x128xf32>
    %dot_general3A_53 = arith.constant dense<0.000000e+00> : vector<1000x128xf32>
    %dot_general3A_54 = tpu.matmul %get3A_3, %get3A_52, %dot_general3A_53 {dimension_numbers = #tpu.dot_dimension_numbers<[1], [0], [0], [1], [0, 0, 1, 1], [], []>, transpose_lhs_hint = false} : vector<1000x128xf32>, vector<128x128xf32>, vector<1000x128xf32> -> vector<1000x128xf32>
    %add3A_55 = arith.addf %add3A_47, %dot_general3A_54 : vector<1000x128xf32>
    %get3A_56 = arith.constant 0 : index
    %get3A_57 = arith.constant 0 : index
    %get3A_58 = arith.constant 0 : index
    %get3A_59 = vector.load %arg9[%get3A_56, %get3A_57, %get3A_58] : memref<1x1x128xf32, #tpu.memory_space<vmem>>, vector<1x1x128xf32>
    %get3A_60 = vector.shape_cast %get3A_59 : vector<1x1x128xf32> to vector<128xf32>
    %broadcast_in_dim3A_61 = vector.shape_cast %get3A_60 : vector<128xf32> to vector<1x128xf32>
    %add3A_62 = vector.broadcast %broadcast_in_dim3A_61 : vector<1x128xf32> to vector<1000x128xf32>
    %add3A_63 = arith.addf %add3A_55, %add3A_62 : vector<1000x128xf32>
    %swap3A = arith.constant 0 : index
    %swap3A_64 = arith.constant 0 : index
    %swap3A_65 = arith.constant 0 : index
    %swap3A_66 = vector.load %arg10[%swap3A, %swap3A_64, %swap3A_65] : memref<1x1000x128xf32, #tpu.memory_space<vmem>>, vector<1x1000x128xf32>
    %swap3A_67 = vector.shape_cast %swap3A_66 : vector<1x1000x128xf32> to vector<1000x128xf32>
    %swap3A_68 = vector.shape_cast %add3A_63 : vector<1000x128xf32> to vector<1x1000x128xf32>
    tpu.vector_store %arg10[%swap3A, %swap3A_64, %swap3A_65], %swap3A_68 {strides = array<i32>} : memref<1x1000x128xf32, #tpu.memory_space<vmem>>, vector<1x1000x128xf32>,
    %reduce_sum3A = arith.constant dense<0.000000e+00> : vector<128xf32>
    %reduce_sum3A_69 = vector.multi_reduction <add>, %add3A_63, %reduce_sum3A [0] : vector<1000x128xf32> to vector<128xf32>
    %broadcast_in_dim3A_70 = vector.shape_cast %reduce_sum3A_69 : vector<128xf32> to vector<1x128xf32>
    %swap3A_71 = arith.constant 0 : index
    %swap3A_72 = arith.constant 0 : index
    %swap3A_73 = arith.constant 0 : index
    %swap3A_74 = arith.constant 0 : index
    %swap3A_75 = vector.load %arg11[%swap3A_71, %swap3A_72, %swap3A_73, %swap3A_74] : memref<1x1x2x128xf32, #tpu.memory_space<vmem>>, vector<1x1x1x128xf32>
    %swap3A_76 = vector.shape_cast %swap3A_75 : vector<1x1x1x128xf32> to vector<1x128xf32>
    %swap3A_77 = vector.shape_cast %broadcast_in_dim3A_70 : vector<1x128xf32> to vector<1x1x1x128xf32>
    tpu.vector_store %arg11[%swap3A_71, %swap3A_72, %swap3A_73, %swap3A_74], %swap3A_77 {strides = array<i32>} : memref<1x1x2x128xf32, #tpu.memory_space<vmem>>, vector<1x1x1x128xf32>,
    %mul3A_78 = arith.mulf %add3A_63, %add3A_63 : vector<1000x128xf32>
    %reduce_sum3A_79 = arith.constant dense<0.000000e+00> : vector<128xf32>
    %reduce_sum3A_80 = vector.multi_reduction <add>, %mul3A_78, %reduce_sum3A_79 [0] : vector<1000x128xf32> to vector<128xf32>
    %broadcast_in_dim3A_81 = vector.shape_cast %reduce_sum3A_80 : vector<128xf32> to vector<1x128xf32>
    %swap3A_82 = arith.constant 0 : index
    %swap3A_83 = arith.constant 0 : index
    %swap3A_84 = arith.constant 1 : index
    %swap3A_85 = arith.constant 0 : index
    %swap3A_86 = vector.load %arg11[%swap3A_82, %swap3A_83, %swap3A_84, %swap3A_85] : memref<1x1x2x128xf32, #tpu.memory_space<vmem>>, vector<1x1x1x128xf32>
    %swap3A_87 = vector.shape_cast %swap3A_86 : vector<1x1x1x128xf32> to vector<1x128xf32>
    %swap3A_88 = vector.shape_cast %broadcast_in_dim3A_81 : vector<1x128xf32> to vector<1x1x1x128xf32>
    tpu.vector_store %arg11[%swap3A_82, %swap3A_83, %swap3A_84, %swap3A_85], %swap3A_88 {strides = array<i32>} : memref<1x1x2x128xf32, #tpu.memory_space<vmem>>, vector<1x1x1x128xf32>,
    return
  }
  func.func @transform_0(%arg0: i32) -> (i32, i32, i32) {
    %jit3A = arith.constant 10 : i32
    %div3A = arith.divsi %arg0, %jit3A : i32
    %sign3A = arith.constant 0 : i32
    %sign3A_0 = arith.cmpi sgt, %arg0, %sign3A : i32
    %sign3A_1 = arith.extui %sign3A_0 : i1 to i32
    %sign3A_2 = arith.constant 0 : i32
    %sign3A_3 = arith.cmpi slt, %arg0, %sign3A_2 : i32
    %sign3A_4 = arith.extui %sign3A_3 : i1 to i32
    %sign3A_5 = arith.subi %sign3A_1, %sign3A_4 : i32
    %sign3A_6 = arith.constant 0 : i32
    %sign3A_7 = arith.cmpi sgt, %jit3A, %sign3A_6 : i32
    %sign3A_8 = arith.extui %sign3A_7 : i1 to i32
    %sign3A_9 = arith.constant 0 : i32
    %sign3A_10 = arith.cmpi slt, %jit3A, %sign3A_9 : i32
    %sign3A_11 = arith.extui %sign3A_10 : i1 to i32
    %sign3A_12 = arith.subi %sign3A_8, %sign3A_11 : i32
    %ne3A = arith.cmpi ne, %sign3A_5, %sign3A_12 : i32
    %rem3A = arith.remsi %arg0, %jit3A : i32
    %ne3A_13 = arith.constant 0 : i32
    %ne3A_14 = arith.cmpi ne, %rem3A, %ne3A_13 : i32
    %and3A = arith.andi %ne3A, %ne3A_14 : i1
    %sub3A = arith.constant 1 : i32
    %sub3A_15 = arith.subi %div3A, %sub3A : i32
    %select_n3A = arith.select %and3A, %sub3A_15, %div3A : i32
    %c0_i32 = arith.constant 0 : i32
    %c0_i32_16 = arith.constant 0 : i32
    %c0_i32_17 = arith.constant 0 : i32
    return %select_n3A, %c0_i32, %c0_i32_16 : i32, i32, i32
  }
  func.func @transform_1(%arg0: i32) -> (i32, i32, i32) {
    %jit3A = arith.constant 10 : i32
    %div3A = arith.divsi %arg0, %jit3A : i32
    %sign3A = arith.constant 0 : i32
    %sign3A_0 = arith.cmpi sgt, %arg0, %sign3A : i32
    %sign3A_1 = arith.extui %sign3A_0 : i1 to i32
    %sign3A_2 = arith.constant 0 : i32
    %sign3A_3 = arith.cmpi slt, %arg0, %sign3A_2 : i32
    %sign3A_4 = arith.extui %sign3A_3 : i1 to i32
    %sign3A_5 = arith.subi %sign3A_1, %sign3A_4 : i32
    %sign3A_6 = arith.constant 0 : i32
    %sign3A_7 = arith.cmpi sgt, %jit3A, %sign3A_6 : i32
    %sign3A_8 = arith.extui %sign3A_7 : i1 to i32
    %sign3A_9 = arith.constant 0 : i32
    %sign3A_10 = arith.cmpi slt, %jit3A, %sign3A_9 : i32
    %sign3A_11 = arith.extui %sign3A_10 : i1 to i32
    %sign3A_12 = arith.subi %sign3A_8, %sign3A_11 : i32
    %ne3A = arith.cmpi ne, %sign3A_5, %sign3A_12 : i32
    %rem3A = arith.remsi %arg0, %jit3A : i32
    %ne3A_13 = arith.constant 0 : i32
    %ne3A_14 = arith.cmpi ne, %rem3A, %ne3A_13 : i32
    %and3A = arith.andi %ne3A, %ne3A_14 : i1
    %sub3A = arith.constant 1 : i32
    %sub3A_15 = arith.subi %div3A, %sub3A : i32
    %select_n3A = arith.select %and3A, %sub3A_15, %div3A : i32
    %jit3A_16 = arith.constant 10 : i32
    %eq3A = arith.constant 0 : i32
    %eq3A_17 = arith.cmpi eq, %jit3A_16, %eq3A : i32
    %jit3A_18 = arith.constant 1 : i32
    %select_n3A_19 = arith.select %eq3A_17, %jit3A_18, %jit3A_16 : i32
    %rem3A_20 = arith.remsi %arg0, %select_n3A_19 : i32
    %ne3A_21 = arith.constant 0 : i32
    %ne3A_22 = arith.cmpi ne, %rem3A_20, %ne3A_21 : i32
    %lt3A = arith.constant 0 : i32
    %lt3A_23 = arith.cmpi slt, %rem3A_20, %lt3A : i32
    %lt3A_24 = arith.constant 0 : i32
    %lt3A_25 = arith.cmpi slt, %select_n3A_19, %lt3A_24 : i32
    %ne3A_26 = arith.xori %lt3A_23, %lt3A_25 : i1
    %and3A_27 = arith.andi %ne3A_26, %ne3A_22 : i1
    %add3A = arith.addi %rem3A_20, %select_n3A_19 : i32
    %select_n3A_28 = arith.select %and3A_27, %add3A, %rem3A_20 : i32
    %c0_i32 = arith.constant 0 : i32
    %c0_i32_29 = arith.constant 0 : i32
    return %select_n3A, %select_n3A_28, %c0_i32 : i32, i32, i32
  }
  func.func @transform_2(%arg0: i32) -> (i32, i32, i32) {
    %jit3A = arith.constant 10 : i32
    %div3A = arith.divsi %arg0, %jit3A : i32
    %sign3A = arith.constant 0 : i32
    %sign3A_0 = arith.cmpi sgt, %arg0, %sign3A : i32
    %sign3A_1 = arith.extui %sign3A_0 : i1 to i32
    %sign3A_2 = arith.constant 0 : i32
    %sign3A_3 = arith.cmpi slt, %arg0, %sign3A_2 : i32
    %sign3A_4 = arith.extui %sign3A_3 : i1 to i32
    %sign3A_5 = arith.subi %sign3A_1, %sign3A_4 : i32
    %sign3A_6 = arith.constant 0 : i32
    %sign3A_7 = arith.cmpi sgt, %jit3A, %sign3A_6 : i32
    %sign3A_8 = arith.extui %sign3A_7 : i1 to i32
    %sign3A_9 = arith.constant 0 : i32
    %sign3A_10 = arith.cmpi slt, %jit3A, %sign3A_9 : i32
    %sign3A_11 = arith.extui %sign3A_10 : i1 to i32
    %sign3A_12 = arith.subi %sign3A_8, %sign3A_11 : i32
    %ne3A = arith.cmpi ne, %sign3A_5, %sign3A_12 : i32
    %rem3A = arith.remsi %arg0, %jit3A : i32
    %ne3A_13 = arith.constant 0 : i32
    %ne3A_14 = arith.cmpi ne, %rem3A, %ne3A_13 : i32
    %and3A = arith.andi %ne3A, %ne3A_14 : i1
    %sub3A = arith.constant 1 : i32
    %sub3A_15 = arith.subi %div3A, %sub3A : i32
    %select_n3A = arith.select %and3A, %sub3A_15, %div3A : i32
    %jit3A_16 = arith.constant 10 : i32
    %eq3A = arith.constant 0 : i32
    %eq3A_17 = arith.cmpi eq, %jit3A_16, %eq3A : i32
    %jit3A_18 = arith.constant 1 : i32
    %select_n3A_19 = arith.select %eq3A_17, %jit3A_18, %jit3A_16 : i32
    %rem3A_20 = arith.remsi %arg0, %select_n3A_19 : i32
    %ne3A_21 = arith.constant 0 : i32
    %ne3A_22 = arith.cmpi ne, %rem3A_20, %ne3A_21 : i32
    %lt3A = arith.constant 0 : i32
    %lt3A_23 = arith.cmpi slt, %rem3A_20, %lt3A : i32
    %lt3A_24 = arith.constant 0 : i32
    %lt3A_25 = arith.cmpi slt, %select_n3A_19, %lt3A_24 : i32
    %ne3A_26 = arith.xori %lt3A_23, %lt3A_25 : i1
    %and3A_27 = arith.andi %ne3A_26, %ne3A_22 : i1
    %add3A = arith.addi %rem3A_20, %select_n3A_19 : i32
    %select_n3A_28 = arith.select %and3A_27, %add3A, %rem3A_20 : i32
    %c0_i32 = arith.constant 0 : i32
    %c0_i32_29 = arith.constant 0 : i32
    return %select_n3A, %select_n3A_28, %c0_i32 : i32, i32, i32
  }
  func.func @transform_3(%arg0: i32) -> (i32, i32, i32) {
    %jit3A = arith.constant 10 : i32
    %div3A = arith.divsi %arg0, %jit3A : i32
    %sign3A = arith.constant 0 : i32
    %sign3A_0 = arith.cmpi sgt, %arg0, %sign3A : i32
    %sign3A_1 = arith.extui %sign3A_0 : i1 to i32
    %sign3A_2 = arith.constant 0 : i32
    %sign3A_3 = arith.cmpi slt, %arg0, %sign3A_2 : i32
    %sign3A_4 = arith.extui %sign3A_3 : i1 to i32
    %sign3A_5 = arith.subi %sign3A_1, %sign3A_4 : i32
    %sign3A_6 = arith.constant 0 : i32
    %sign3A_7 = arith.cmpi sgt, %jit3A, %sign3A_6 : i32
    %sign3A_8 = arith.extui %sign3A_7 : i1 to i32
    %sign3A_9 = arith.constant 0 : i32
    %sign3A_10 = arith.cmpi slt, %jit3A, %sign3A_9 : i32
    %sign3A_11 = arith.extui %sign3A_10 : i1 to i32
    %sign3A_12 = arith.subi %sign3A_8, %sign3A_11 : i32
    %ne3A = arith.cmpi ne, %sign3A_5, %sign3A_12 : i32
    %rem3A = arith.remsi %arg0, %jit3A : i32
    %ne3A_13 = arith.constant 0 : i32
    %ne3A_14 = arith.cmpi ne, %rem3A, %ne3A_13 : i32
    %and3A = arith.andi %ne3A, %ne3A_14 : i1
    %sub3A = arith.constant 1 : i32
    %sub3A_15 = arith.subi %div3A, %sub3A : i32
    %select_n3A = arith.select %and3A, %sub3A_15, %div3A : i32
    %c0_i32 = arith.constant 0 : i32
    %c0_i32_16 = arith.constant 0 : i32
    %c0_i32_17 = arith.constant 0 : i32
    return %select_n3A, %c0_i32, %c0_i32_16 : i32, i32, i32
  }
  func.func @transform_4(%arg0: i32) -> (i32, i32, i32) {
    %jit3A = arith.constant 10 : i32
    %div3A = arith.divsi %arg0, %jit3A : i32
    %sign3A = arith.constant 0 : i32
    %sign3A_0 = arith.cmpi sgt, %arg0, %sign3A : i32
    %sign3A_1 = arith.extui %sign3A_0 : i1 to i32
    %sign3A_2 = arith.constant 0 : i32
    %sign3A_3 = arith.cmpi slt, %arg0, %sign3A_2 : i32
    %sign3A_4 = arith.extui %sign3A_3 : i1 to i32
    %sign3A_5 = arith.subi %sign3A_1, %sign3A_4 : i32
    %sign3A_6 = arith.constant 0 : i32
    %sign3A_7 = arith.cmpi sgt, %jit3A, %sign3A_6 : i32
    %sign3A_8 = arith.extui %sign3A_7 : i1 to i32
    %sign3A_9 = arith.constant 0 : i32
    %sign3A_10 = arith.cmpi slt, %jit3A, %sign3A_9 : i32
    %sign3A_11 = arith.extui %sign3A_10 : i1 to i32
    %sign3A_12 = arith.subi %sign3A_8, %sign3A_11 : i32
    %ne3A = arith.cmpi ne, %sign3A_5, %sign3A_12 : i32
    %rem3A = arith.remsi %arg0, %jit3A : i32
    %ne3A_13 = arith.constant 0 : i32
    %ne3A_14 = arith.cmpi ne, %rem3A, %ne3A_13 : i32
    %and3A = arith.andi %ne3A, %ne3A_14 : i1
    %sub3A = arith.constant 1 : i32
    %sub3A_15 = arith.subi %div3A, %sub3A : i32
    %select_n3A = arith.select %and3A, %sub3A_15, %div3A : i32
    %c0_i32 = arith.constant 0 : i32
    %c0_i32_16 = arith.constant 0 : i32
    %c0_i32_17 = arith.constant 0 : i32
    return %select_n3A, %c0_i32, %c0_i32_16 : i32, i32, i32
  }
  func.func @transform_5(%arg0: i32) -> (i32, i32, i32) {
    %jit3A = arith.constant 10 : i32
    %div3A = arith.divsi %arg0, %jit3A : i32
    %sign3A = arith.constant 0 : i32
    %sign3A_0 = arith.cmpi sgt, %arg0, %sign3A : i32
    %sign3A_1 = arith.extui %sign3A_0 : i1 to i32
    %sign3A_2 = arith.constant 0 : i32
    %sign3A_3 = arith.cmpi slt, %arg0, %sign3A_2 : i32
    %sign3A_4 = arith.extui %sign3A_3 : i1 to i32
    %sign3A_5 = arith.subi %sign3A_1, %sign3A_4 : i32
    %sign3A_6 = arith.constant 0 : i32
    %sign3A_7 = arith.cmpi sgt, %jit3A, %sign3A_6 : i32
    %sign3A_8 = arith.extui %sign3A_7 : i1 to i32
    %sign3A_9 = arith.constant 0 : i32
    %sign3A_10 = arith.cmpi slt, %jit3A, %sign3A_9 : i32
    %sign3A_11 = arith.extui %sign3A_10 : i1 to i32
    %sign3A_12 = arith.subi %sign3A_8, %sign3A_11 : i32
    %ne3A = arith.cmpi ne, %sign3A_5, %sign3A_12 : i32
    %rem3A = arith.remsi %arg0, %jit3A : i32
    %ne3A_13 = arith.constant 0 : i32
    %ne3A_14 = arith.cmpi ne, %rem3A, %ne3A_13 : i32
    %and3A = arith.andi %ne3A, %ne3A_14 : i1
    %sub3A = arith.constant 1 : i32
    %sub3A_15 = arith.subi %div3A, %sub3A : i32
    %select_n3A = arith.select %and3A, %sub3A_15, %div3A : i32
    %c0_i32 = arith.constant 0 : i32
    %c0_i32_16 = arith.constant 0 : i32
    %c0_i32_17 = arith.constant 0 : i32
    return %select_n3A, %c0_i32, %c0_i32_16 : i32, i32, i32
  }
  func.func @transform_6(%arg0: i32) -> (i32, i32, i32) {
    %jit3A = arith.constant 10 : i32
    %div3A = arith.divsi %arg0, %jit3A : i32
    %sign3A = arith.constant 0 : i32
    %sign3A_0 = arith.cmpi sgt, %arg0, %sign3A : i32
    %sign3A_1 = arith.extui %sign3A_0 : i1 to i32
    %sign3A_2 = arith.constant 0 : i32
    %sign3A_3 = arith.cmpi slt, %arg0, %sign3A_2 : i32
    %sign3A_4 = arith.extui %sign3A_3 : i1 to i32
    %sign3A_5 = arith.subi %sign3A_1, %sign3A_4 : i32
    %sign3A_6 = arith.constant 0 : i32
    %sign3A_7 = arith.cmpi sgt, %jit3A, %sign3A_6 : i32
    %sign3A_8 = arith.extui %sign3A_7 : i1 to i32
    %sign3A_9 = arith.constant 0 : i32
    %sign3A_10 = arith.cmpi slt, %jit3A, %sign3A_9 : i32
    %sign3A_11 = arith.extui %sign3A_10 : i1 to i32
    %sign3A_12 = arith.subi %sign3A_8, %sign3A_11 : i32
    %ne3A = arith.cmpi ne, %sign3A_5, %sign3A_12 : i32
    %rem3A = arith.remsi %arg0, %jit3A : i32
    %ne3A_13 = arith.constant 0 : i32
    %ne3A_14 = arith.cmpi ne, %rem3A, %ne3A_13 : i32
    %and3A = arith.andi %ne3A, %ne3A_14 : i1
    %sub3A = arith.constant 1 : i32
    %sub3A_15 = arith.subi %div3A, %sub3A : i32
    %select_n3A = arith.select %and3A, %sub3A_15, %div3A : i32
    %c0_i32 = arith.constant 0 : i32
    %c0_i32_16 = arith.constant 0 : i32
    %c0_i32_17 = arith.constant 0 : i32
    return %select_n3A, %c0_i32, %c0_i32_16 : i32, i32, i32
  }
  func.func @transform_7(%arg0: i32) -> (i32, i32, i32) {
    %jit3A = arith.constant 10 : i32
    %div3A = arith.divsi %arg0, %jit3A : i32
    %sign3A = arith.constant 0 : i32
    %sign3A_0 = arith.cmpi sgt, %arg0, %sign3A : i32
    %sign3A_1 = arith.extui %sign3A_0 : i1 to i32
    %sign3A_2 = arith.constant 0 : i32
    %sign3A_3 = arith.cmpi slt, %arg0, %sign3A_2 : i32
    %sign3A_4 = arith.extui %sign3A_3 : i1 to i32
    %sign3A_5 = arith.subi %sign3A_1, %sign3A_4 : i32
    %sign3A_6 = arith.constant 0 : i32
    %sign3A_7 = arith.cmpi sgt, %jit3A, %sign3A_6 : i32
    %sign3A_8 = arith.extui %sign3A_7 : i1 to i32
    %sign3A_9 = arith.constant 0 : i32
    %sign3A_10 = arith.cmpi slt, %jit3A, %sign3A_9 : i32
    %sign3A_11 = arith.extui %sign3A_10 : i1 to i32
    %sign3A_12 = arith.subi %sign3A_8, %sign3A_11 : i32
    %ne3A = arith.cmpi ne, %sign3A_5, %sign3A_12 : i32
    %rem3A = arith.remsi %arg0, %jit3A : i32
    %ne3A_13 = arith.constant 0 : i32
    %ne3A_14 = arith.cmpi ne, %rem3A, %ne3A_13 : i32
    %and3A = arith.andi %ne3A, %ne3A_14 : i1
    %sub3A = arith.constant 1 : i32
    %sub3A_15 = arith.subi %div3A, %sub3A : i32
    %select_n3A = arith.select %and3A, %sub3A_15, %div3A : i32
    %c0_i32 = arith.constant 0 : i32
    %c0_i32_16 = arith.constant 0 : i32
    %c0_i32_17 = arith.constant 0 : i32
    return %select_n3A, %c0_i32, %c0_i32_16 : i32, i32, i32
  }
  func.func @transform_8(%arg0: i32) -> (i32, i32, i32) {
    %jit3A = arith.constant 10 : i32
    %div3A = arith.divsi %arg0, %jit3A : i32
    %sign3A = arith.constant 0 : i32
    %sign3A_0 = arith.cmpi sgt, %arg0, %sign3A : i32
    %sign3A_1 = arith.extui %sign3A_0 : i1 to i32
    %sign3A_2 = arith.constant 0 : i32
    %sign3A_3 = arith.cmpi slt, %arg0, %sign3A_2 : i32
    %sign3A_4 = arith.extui %sign3A_3 : i1 to i32
    %sign3A_5 = arith.subi %sign3A_1, %sign3A_4 : i32
    %sign3A_6 = arith.constant 0 : i32
    %sign3A_7 = arith.cmpi sgt, %jit3A, %sign3A_6 : i32
    %sign3A_8 = arith.extui %sign3A_7 : i1 to i32
    %sign3A_9 = arith.constant 0 : i32
    %sign3A_10 = arith.cmpi slt, %jit3A, %sign3A_9 : i32
    %sign3A_11 = arith.extui %sign3A_10 : i1 to i32
    %sign3A_12 = arith.subi %sign3A_8, %sign3A_11 : i32
    %ne3A = arith.cmpi ne, %sign3A_5, %sign3A_12 : i32
    %rem3A = arith.remsi %arg0, %jit3A : i32
    %ne3A_13 = arith.constant 0 : i32
    %ne3A_14 = arith.cmpi ne, %rem3A, %ne3A_13 : i32
    %and3A = arith.andi %ne3A, %ne3A_14 : i1
    %sub3A = arith.constant 1 : i32
    %sub3A_15 = arith.subi %div3A, %sub3A : i32
    %select_n3A = arith.select %and3A, %sub3A_15, %div3A : i32
    %c0_i32 = arith.constant 0 : i32
    %c0_i32_16 = arith.constant 0 : i32
    %c0_i32_17 = arith.constant 0 : i32
    return %select_n3A, %c0_i32, %c0_i32_16 : i32, i32, i32
  }
  func.func @transform_9(%arg0: i32) -> (i32, i32, i32) {
    %jit3A = arith.constant 10 : i32
    %div3A = arith.divsi %arg0, %jit3A : i32
    %sign3A = arith.constant 0 : i32
    %sign3A_0 = arith.cmpi sgt, %arg0, %sign3A : i32
    %sign3A_1 = arith.extui %sign3A_0 : i1 to i32
    %sign3A_2 = arith.constant 0 : i32
    %sign3A_3 = arith.cmpi slt, %arg0, %sign3A_2 : i32
    %sign3A_4 = arith.extui %sign3A_3 : i1 to i32
    %sign3A_5 = arith.subi %sign3A_1, %sign3A_4 : i32
    %sign3A_6 = arith.constant 0 : i32
    %sign3A_7 = arith.cmpi sgt, %jit3A, %sign3A_6 : i32
    %sign3A_8 = arith.extui %sign3A_7 : i1 to i32
    %sign3A_9 = arith.constant 0 : i32
    %sign3A_10 = arith.cmpi slt, %jit3A, %sign3A_9 : i32
    %sign3A_11 = arith.extui %sign3A_10 : i1 to i32
    %sign3A_12 = arith.subi %sign3A_8, %sign3A_11 : i32
    %ne3A = arith.cmpi ne, %sign3A_5, %sign3A_12 : i32
    %rem3A = arith.remsi %arg0, %jit3A : i32
    %ne3A_13 = arith.constant 0 : i32
    %ne3A_14 = arith.cmpi ne, %rem3A, %ne3A_13 : i32
    %and3A = arith.andi %ne3A, %ne3A_14 : i1
    %sub3A = arith.constant 1 : i32
    %sub3A_15 = arith.subi %div3A, %sub3A : i32
    %select_n3A = arith.select %and3A, %sub3A_15, %div3A : i32
    %jit3A_16 = arith.constant 10 : i32
    %eq3A = arith.constant 0 : i32
    %eq3A_17 = arith.cmpi eq, %jit3A_16, %eq3A : i32
    %jit3A_18 = arith.constant 1 : i32
    %select_n3A_19 = arith.select %eq3A_17, %jit3A_18, %jit3A_16 : i32
    %rem3A_20 = arith.remsi %arg0, %select_n3A_19 : i32
    %ne3A_21 = arith.constant 0 : i32
    %ne3A_22 = arith.cmpi ne, %rem3A_20, %ne3A_21 : i32
    %lt3A = arith.constant 0 : i32
    %lt3A_23 = arith.cmpi slt, %rem3A_20, %lt3A : i32
    %lt3A_24 = arith.constant 0 : i32
    %lt3A_25 = arith.cmpi slt, %select_n3A_19, %lt3A_24 : i32
    %ne3A_26 = arith.xori %lt3A_23, %lt3A_25 : i1
    %and3A_27 = arith.andi %ne3A_26, %ne3A_22 : i1
    %add3A = arith.addi %rem3A_20, %select_n3A_19 : i32
    %select_n3A_28 = arith.select %and3A_27, %add3A, %rem3A_20 : i32
    %c0_i32 = arith.constant 0 : i32
    %c0_i32_29 = arith.constant 0 : i32
    return %select_n3A, %select_n3A_28, %c0_i32 : i32, i32, i32
  }
  func.func @transform_10(%arg0: i32) -> (i32, i32, i32, i32) {
    %jit3A = arith.constant 10 : i32
    %div3A = arith.divsi %arg0, %jit3A : i32
    %sign3A = arith.constant 0 : i32
    %sign3A_0 = arith.cmpi sgt, %arg0, %sign3A : i32
    %sign3A_1 = arith.extui %sign3A_0 : i1 to i32
    %sign3A_2 = arith.constant 0 : i32
    %sign3A_3 = arith.cmpi slt, %arg0, %sign3A_2 : i32
    %sign3A_4 = arith.extui %sign3A_3 : i1 to i32
    %sign3A_5 = arith.subi %sign3A_1, %sign3A_4 : i32
    %sign3A_6 = arith.constant 0 : i32
    %sign3A_7 = arith.cmpi sgt, %jit3A, %sign3A_6 : i32
    %sign3A_8 = arith.extui %sign3A_7 : i1 to i32
    %sign3A_9 = arith.constant 0 : i32
    %sign3A_10 = arith.cmpi slt, %jit3A, %sign3A_9 : i32
    %sign3A_11 = arith.extui %sign3A_10 : i1 to i32
    %sign3A_12 = arith.subi %sign3A_8, %sign3A_11 : i32
    %ne3A = arith.cmpi ne, %sign3A_5, %sign3A_12 : i32
    %rem3A = arith.remsi %arg0, %jit3A : i32
    %ne3A_13 = arith.constant 0 : i32
    %ne3A_14 = arith.cmpi ne, %rem3A, %ne3A_13 : i32
    %and3A = arith.andi %ne3A, %ne3A_14 : i1
    %sub3A = arith.constant 1 : i32
    %sub3A_15 = arith.subi %div3A, %sub3A : i32
    %select_n3A = arith.select %and3A, %sub3A_15, %div3A : i32
    %jit3A_16 = arith.constant 10 : i32
    %eq3A = arith.constant 0 : i32
    %eq3A_17 = arith.cmpi eq, %jit3A_16, %eq3A : i32
    %jit3A_18 = arith.constant 1 : i32
    %select_n3A_19 = arith.select %eq3A_17, %jit3A_18, %jit3A_16 : i32
    %rem3A_20 = arith.remsi %arg0, %select_n3A_19 : i32
    %ne3A_21 = arith.constant 0 : i32
    %ne3A_22 = arith.cmpi ne, %rem3A_20, %ne3A_21 : i32
    %lt3A = arith.constant 0 : i32
    %lt3A_23 = arith.cmpi slt, %rem3A_20, %lt3A : i32
    %lt3A_24 = arith.constant 0 : i32
    %lt3A_25 = arith.cmpi slt, %select_n3A_19, %lt3A_24 : i32
    %ne3A_26 = arith.xori %lt3A_23, %lt3A_25 : i1
    %and3A_27 = arith.andi %ne3A_26, %ne3A_22 : i1
    %add3A = arith.addi %rem3A_20, %select_n3A_19 : i32
    %select_n3A_28 = arith.select %and3A_27, %add3A, %rem3A_20 : i32
    %c0_i32 = arith.constant 0 : i32
    %c0_i32_29 = arith.constant 0 : i32
    %c0_i32_30 = arith.constant 0 : i32
    return %select_n3A, %select_n3A_28, %c0_i32, %c0_i32_29 : i32, i32, i32, i32
  }
}

module attributes {stable_mosaic.version = 14 : i64} {
  func.func @_bn_body(%arg0: i32, %arg1: memref<1x1000x128xf32, #tpu.memory_space<vmem>>, %arg2: memref<1x10x2x128xf32, #tpu.memory_space<vmem>>, %arg3: memref<1x1x128xf32, #tpu.memory_space<vmem>>, %arg4: memref<1x1x128xf32, #tpu.memory_space<vmem>>, %arg5: memref<1x1000x128xf32, #tpu.memory_space<vmem>>) attributes {dimension_semantics = [#tpu.dimension_semantics<arbitrary>], iteration_bounds = array<i64: 20>, scalar_prefetch = 0 : i64, scratch_operands = 0 : i64, tpu.core_type = #tpu.core_type<tc>, window_params = [{transform_indices = @transform_0, window_bounds = array<i64: 1, 1000, 128>}, {transform_indices = @transform_1, window_bounds = array<i64: 1, 10, 2, 128>}, {transform_indices = @transform_2, window_bounds = array<i64: 1, 1, 128>}, {transform_indices = @transform_3, window_bounds = array<i64: 1, 1, 128>}, {transform_indices = @transform_4, window_bounds = array<i64: 1, 1000, 128>}]} {
    %get3A = arith.constant 0 : index
    %get3A_0 = arith.constant 0 : index
    %get3A_1 = arith.constant 0 : index
    %get3A_2 = arith.constant 0 : index
    %get3A_3 = vector.load %arg2[%get3A, %get3A_0, %get3A_1, %get3A_2] : memref<1x10x2x128xf32, #tpu.memory_space<vmem>>, vector<1x10x2x128xf32>
    %get3A_4 = vector.shape_cast %get3A_3 : vector<1x10x2x128xf32> to vector<10x2x128xf32>
    %reduce_sum3A = arith.constant dense<0.000000e+00> : vector<2x128xf32>
    %reduce_sum3A_5 = vector.multi_reduction <add>, %get3A_4, %reduce_sum3A [0] : vector<10x2x128xf32> to vector<2x128xf32>
    %slice3A = vector.extract_strided_slice %reduce_sum3A_5 {offsets = [0, 0], sizes = [1, 128], strides = [1, 1]} : vector<2x128xf32> to vector<1x128xf32>
    %mul3A = arith.constant 9.99999974E-5 : f32
    %mul3A_6 = vector.broadcast %mul3A : f32 to vector<1x128xf32>
    %mul3A_7 = arith.mulf %slice3A, %mul3A_6 : vector<1x128xf32>
    %slice3A_8 = vector.extract_strided_slice %reduce_sum3A_5 {offsets = [1, 0], sizes = [1, 128], strides = [1, 1]} : vector<2x128xf32> to vector<1x128xf32>
    %mul3A_9 = arith.constant 9.99999974E-5 : f32
    %mul3A_10 = vector.broadcast %mul3A_9 : f32 to vector<1x128xf32>
    %mul3A_11 = arith.mulf %slice3A_8, %mul3A_10 : vector<1x128xf32>
    %mul3A_12 = arith.mulf %mul3A_7, %mul3A_7 : vector<1x128xf32>
    %sub3A = arith.subf %mul3A_11, %mul3A_12 : vector<1x128xf32>
    %add3A = arith.constant 9.99999974E-6 : f32
    %add3A_13 = vector.broadcast %add3A : f32 to vector<1x128xf32>
    %add3A_14 = arith.addf %sub3A, %add3A_13 : vector<1x128xf32>
    %rsqrt3A = math.rsqrt %add3A_14 : vector<1x128xf32>
    %get3A_15 = arith.constant 0 : index
    %get3A_16 = arith.constant 0 : index
    %get3A_17 = arith.constant 0 : index
    %get3A_18 = vector.load %arg1[%get3A_15, %get3A_16, %get3A_17] : memref<1x1000x128xf32, #tpu.memory_space<vmem>>, vector<1x1000x128xf32>
    %get3A_19 = vector.shape_cast %get3A_18 : vector<1x1000x128xf32> to vector<1000x128xf32>
    %sub3A_20 = vector.broadcast %mul3A_7 : vector<1x128xf32> to vector<1000x128xf32>
    %sub3A_21 = arith.subf %get3A_19, %sub3A_20 : vector<1000x128xf32>
    %mul3A_22 = vector.broadcast %rsqrt3A : vector<1x128xf32> to vector<1000x128xf32>
    %mul3A_23 = arith.mulf %sub3A_21, %mul3A_22 : vector<1000x128xf32>
    %get3A_24 = arith.constant 0 : index
    %get3A_25 = arith.constant 0 : index
    %get3A_26 = arith.constant 0 : index
    %get3A_27 = vector.load %arg3[%get3A_24, %get3A_25, %get3A_26] : memref<1x1x128xf32, #tpu.memory_space<vmem>>, vector<1x1x128xf32>
    %get3A_28 = vector.shape_cast %get3A_27 : vector<1x1x128xf32> to vector<128xf32>
    %broadcast_in_dim3A = vector.shape_cast %get3A_28 : vector<128xf32> to vector<1x128xf32>
    %mul3A_29 = vector.broadcast %broadcast_in_dim3A : vector<1x128xf32> to vector<1000x128xf32>
    %mul3A_30 = arith.mulf %mul3A_23, %mul3A_29 : vector<1000x128xf32>
    %get3A_31 = arith.constant 0 : index
    %get3A_32 = arith.constant 0 : index
    %get3A_33 = arith.constant 0 : index
    %get3A_34 = vector.load %arg4[%get3A_31, %get3A_32, %get3A_33] : memref<1x1x128xf32, #tpu.memory_space<vmem>>, vector<1x1x128xf32>
    %get3A_35 = vector.shape_cast %get3A_34 : vector<1x1x128xf32> to vector<128xf32>
    %broadcast_in_dim3A_36 = vector.shape_cast %get3A_35 : vector<128xf32> to vector<1x128xf32>
    %add3A_37 = vector.broadcast %broadcast_in_dim3A_36 : vector<1x128xf32> to vector<1000x128xf32>
    %add3A_38 = arith.addf %mul3A_30, %add3A_37 : vector<1000x128xf32>
    %swap3A = arith.constant 0 : index
    %swap3A_39 = arith.constant 0 : index
    %swap3A_40 = arith.constant 0 : index
    %swap3A_41 = vector.load %arg5[%swap3A, %swap3A_39, %swap3A_40] : memref<1x1000x128xf32, #tpu.memory_space<vmem>>, vector<1x1000x128xf32>
    %swap3A_42 = vector.shape_cast %swap3A_41 : vector<1x1000x128xf32> to vector<1000x128xf32>
    %swap3A_43 = vector.shape_cast %add3A_38 : vector<1000x128xf32> to vector<1x1000x128xf32>
    tpu.vector_store %arg5[%swap3A, %swap3A_39, %swap3A_40], %swap3A_43 {strides = array<i32>} : memref<1x1000x128xf32, #tpu.memory_space<vmem>>, vector<1x1000x128xf32>,
    return
  }
  func.func @transform_0(%arg0: i32) -> (i32, i32, i32) {
    %jit3A = arith.constant 10 : i32
    %div3A = arith.divsi %arg0, %jit3A : i32
    %sign3A = arith.constant 0 : i32
    %sign3A_0 = arith.cmpi sgt, %arg0, %sign3A : i32
    %sign3A_1 = arith.extui %sign3A_0 : i1 to i32
    %sign3A_2 = arith.constant 0 : i32
    %sign3A_3 = arith.cmpi slt, %arg0, %sign3A_2 : i32
    %sign3A_4 = arith.extui %sign3A_3 : i1 to i32
    %sign3A_5 = arith.subi %sign3A_1, %sign3A_4 : i32
    %sign3A_6 = arith.constant 0 : i32
    %sign3A_7 = arith.cmpi sgt, %jit3A, %sign3A_6 : i32
    %sign3A_8 = arith.extui %sign3A_7 : i1 to i32
    %sign3A_9 = arith.constant 0 : i32
    %sign3A_10 = arith.cmpi slt, %jit3A, %sign3A_9 : i32
    %sign3A_11 = arith.extui %sign3A_10 : i1 to i32
    %sign3A_12 = arith.subi %sign3A_8, %sign3A_11 : i32
    %ne3A = arith.cmpi ne, %sign3A_5, %sign3A_12 : i32
    %rem3A = arith.remsi %arg0, %jit3A : i32
    %ne3A_13 = arith.constant 0 : i32
    %ne3A_14 = arith.cmpi ne, %rem3A, %ne3A_13 : i32
    %and3A = arith.andi %ne3A, %ne3A_14 : i1
    %sub3A = arith.constant 1 : i32
    %sub3A_15 = arith.subi %div3A, %sub3A : i32
    %select_n3A = arith.select %and3A, %sub3A_15, %div3A : i32
    %jit3A_16 = arith.constant 10 : i32
    %eq3A = arith.constant 0 : i32
    %eq3A_17 = arith.cmpi eq, %jit3A_16, %eq3A : i32
    %jit3A_18 = arith.constant 1 : i32
    %select_n3A_19 = arith.select %eq3A_17, %jit3A_18, %jit3A_16 : i32
    %rem3A_20 = arith.remsi %arg0, %select_n3A_19 : i32
    %ne3A_21 = arith.constant 0 : i32
    %ne3A_22 = arith.cmpi ne, %rem3A_20, %ne3A_21 : i32
    %lt3A = arith.constant 0 : i32
    %lt3A_23 = arith.cmpi slt, %rem3A_20, %lt3A : i32
    %lt3A_24 = arith.constant 0 : i32
    %lt3A_25 = arith.cmpi slt, %select_n3A_19, %lt3A_24 : i32
    %ne3A_26 = arith.xori %lt3A_23, %lt3A_25 : i1
    %and3A_27 = arith.andi %ne3A_26, %ne3A_22 : i1
    %add3A = arith.addi %rem3A_20, %select_n3A_19 : i32
    %select_n3A_28 = arith.select %and3A_27, %add3A, %rem3A_20 : i32
    %c0_i32 = arith.constant 0 : i32
    %c0_i32_29 = arith.constant 0 : i32
    return %select_n3A, %select_n3A_28, %c0_i32 : i32, i32, i32
  }
  func.func @transform_1(%arg0: i32) -> (i32, i32, i32, i32) {
    %jit3A = arith.constant 10 : i32
    %div3A = arith.divsi %arg0, %jit3A : i32
    %sign3A = arith.constant 0 : i32
    %sign3A_0 = arith.cmpi sgt, %arg0, %sign3A : i32
    %sign3A_1 = arith.extui %sign3A_0 : i1 to i32
    %sign3A_2 = arith.constant 0 : i32
    %sign3A_3 = arith.cmpi slt, %arg0, %sign3A_2 : i32
    %sign3A_4 = arith.extui %sign3A_3 : i1 to i32
    %sign3A_5 = arith.subi %sign3A_1, %sign3A_4 : i32
    %sign3A_6 = arith.constant 0 : i32
    %sign3A_7 = arith.cmpi sgt, %jit3A, %sign3A_6 : i32
    %sign3A_8 = arith.extui %sign3A_7 : i1 to i32
    %sign3A_9 = arith.constant 0 : i32
    %sign3A_10 = arith.cmpi slt, %jit3A, %sign3A_9 : i32
    %sign3A_11 = arith.extui %sign3A_10 : i1 to i32
    %sign3A_12 = arith.subi %sign3A_8, %sign3A_11 : i32
    %ne3A = arith.cmpi ne, %sign3A_5, %sign3A_12 : i32
    %rem3A = arith.remsi %arg0, %jit3A : i32
    %ne3A_13 = arith.constant 0 : i32
    %ne3A_14 = arith.cmpi ne, %rem3A, %ne3A_13 : i32
    %and3A = arith.andi %ne3A, %ne3A_14 : i1
    %sub3A = arith.constant 1 : i32
    %sub3A_15 = arith.subi %div3A, %sub3A : i32
    %select_n3A = arith.select %and3A, %sub3A_15, %div3A : i32
    %c0_i32 = arith.constant 0 : i32
    %c0_i32_16 = arith.constant 0 : i32
    %c0_i32_17 = arith.constant 0 : i32
    %c0_i32_18 = arith.constant 0 : i32
    return %select_n3A, %c0_i32, %c0_i32_16, %c0_i32_17 : i32, i32, i32, i32
  }
  func.func @transform_2(%arg0: i32) -> (i32, i32, i32) {
    %jit3A = arith.constant 10 : i32
    %div3A = arith.divsi %arg0, %jit3A : i32
    %sign3A = arith.constant 0 : i32
    %sign3A_0 = arith.cmpi sgt, %arg0, %sign3A : i32
    %sign3A_1 = arith.extui %sign3A_0 : i1 to i32
    %sign3A_2 = arith.constant 0 : i32
    %sign3A_3 = arith.cmpi slt, %arg0, %sign3A_2 : i32
    %sign3A_4 = arith.extui %sign3A_3 : i1 to i32
    %sign3A_5 = arith.subi %sign3A_1, %sign3A_4 : i32
    %sign3A_6 = arith.constant 0 : i32
    %sign3A_7 = arith.cmpi sgt, %jit3A, %sign3A_6 : i32
    %sign3A_8 = arith.extui %sign3A_7 : i1 to i32
    %sign3A_9 = arith.constant 0 : i32
    %sign3A_10 = arith.cmpi slt, %jit3A, %sign3A_9 : i32
    %sign3A_11 = arith.extui %sign3A_10 : i1 to i32
    %sign3A_12 = arith.subi %sign3A_8, %sign3A_11 : i32
    %ne3A = arith.cmpi ne, %sign3A_5, %sign3A_12 : i32
    %rem3A = arith.remsi %arg0, %jit3A : i32
    %ne3A_13 = arith.constant 0 : i32
    %ne3A_14 = arith.cmpi ne, %rem3A, %ne3A_13 : i32
    %and3A = arith.andi %ne3A, %ne3A_14 : i1
    %sub3A = arith.constant 1 : i32
    %sub3A_15 = arith.subi %div3A, %sub3A : i32
    %select_n3A = arith.select %and3A, %sub3A_15, %div3A : i32
    %c0_i32 = arith.constant 0 : i32
    %c0_i32_16 = arith.constant 0 : i32
    %c0_i32_17 = arith.constant 0 : i32
    return %select_n3A, %c0_i32, %c0_i32_16 : i32, i32, i32
  }
  func.func @transform_3(%arg0: i32) -> (i32, i32, i32) {
    %jit3A = arith.constant 10 : i32
    %div3A = arith.divsi %arg0, %jit3A : i32
    %sign3A = arith.constant 0 : i32
    %sign3A_0 = arith.cmpi sgt, %arg0, %sign3A : i32
    %sign3A_1 = arith.extui %sign3A_0 : i1 to i32
    %sign3A_2 = arith.constant 0 : i32
    %sign3A_3 = arith.cmpi slt, %arg0, %sign3A_2 : i32
    %sign3A_4 = arith.extui %sign3A_3 : i1 to i32
    %sign3A_5 = arith.subi %sign3A_1, %sign3A_4 : i32
    %sign3A_6 = arith.constant 0 : i32
    %sign3A_7 = arith.cmpi sgt, %jit3A, %sign3A_6 : i32
    %sign3A_8 = arith.extui %sign3A_7 : i1 to i32
    %sign3A_9 = arith.constant 0 : i32
    %sign3A_10 = arith.cmpi slt, %jit3A, %sign3A_9 : i32
    %sign3A_11 = arith.extui %sign3A_10 : i1 to i32
    %sign3A_12 = arith.subi %sign3A_8, %sign3A_11 : i32
    %ne3A = arith.cmpi ne, %sign3A_5, %sign3A_12 : i32
    %rem3A = arith.remsi %arg0, %jit3A : i32
    %ne3A_13 = arith.constant 0 : i32
    %ne3A_14 = arith.cmpi ne, %rem3A, %ne3A_13 : i32
    %and3A = arith.andi %ne3A, %ne3A_14 : i1
    %sub3A = arith.constant 1 : i32
    %sub3A_15 = arith.subi %div3A, %sub3A : i32
    %select_n3A = arith.select %and3A, %sub3A_15, %div3A : i32
    %c0_i32 = arith.constant 0 : i32
    %c0_i32_16 = arith.constant 0 : i32
    %c0_i32_17 = arith.constant 0 : i32
    return %select_n3A, %c0_i32, %c0_i32_16 : i32, i32, i32
  }
  func.func @transform_4(%arg0: i32) -> (i32, i32, i32) {
    %jit3A = arith.constant 10 : i32
    %div3A = arith.divsi %arg0, %jit3A : i32
    %sign3A = arith.constant 0 : i32
    %sign3A_0 = arith.cmpi sgt, %arg0, %sign3A : i32
    %sign3A_1 = arith.extui %sign3A_0 : i1 to i32
    %sign3A_2 = arith.constant 0 : i32
    %sign3A_3 = arith.cmpi slt, %arg0, %sign3A_2 : i32
    %sign3A_4 = arith.extui %sign3A_3 : i1 to i32
    %sign3A_5 = arith.subi %sign3A_1, %sign3A_4 : i32
    %sign3A_6 = arith.constant 0 : i32
    %sign3A_7 = arith.cmpi sgt, %jit3A, %sign3A_6 : i32
    %sign3A_8 = arith.extui %sign3A_7 : i1 to i32
    %sign3A_9 = arith.constant 0 : i32
    %sign3A_10 = arith.cmpi slt, %jit3A, %sign3A_9 : i32
    %sign3A_11 = arith.extui %sign3A_10 : i1 to i32
    %sign3A_12 = arith.subi %sign3A_8, %sign3A_11 : i32
    %ne3A = arith.cmpi ne, %sign3A_5, %sign3A_12 : i32
    %rem3A = arith.remsi %arg0, %jit3A : i32
    %ne3A_13 = arith.constant 0 : i32
    %ne3A_14 = arith.cmpi ne, %rem3A, %ne3A_13 : i32
    %and3A = arith.andi %ne3A, %ne3A_14 : i1
    %sub3A = arith.constant 1 : i32
    %sub3A_15 = arith.subi %div3A, %sub3A : i32
    %select_n3A = arith.select %and3A, %sub3A_15, %div3A : i32
    %jit3A_16 = arith.constant 10 : i32
    %eq3A = arith.constant 0 : i32
    %eq3A_17 = arith.cmpi eq, %jit3A_16, %eq3A : i32
    %jit3A_18 = arith.constant 1 : i32
    %select_n3A_19 = arith.select %eq3A_17, %jit3A_18, %jit3A_16 : i32
    %rem3A_20 = arith.remsi %arg0, %select_n3A_19 : i32
    %ne3A_21 = arith.constant 0 : i32
    %ne3A_22 = arith.cmpi ne, %rem3A_20, %ne3A_21 : i32
    %lt3A = arith.constant 0 : i32
    %lt3A_23 = arith.cmpi slt, %rem3A_20, %lt3A : i32
    %lt3A_24 = arith.constant 0 : i32
    %lt3A_25 = arith.cmpi slt, %select_n3A_19, %lt3A_24 : i32
    %ne3A_26 = arith.xori %lt3A_23, %lt3A_25 : i1
    %and3A_27 = arith.andi %ne3A_26, %ne3A_22 : i1
    %add3A = arith.addi %rem3A_20, %select_n3A_19 : i32
    %select_n3A_28 = arith.select %and3A_27, %add3A, %rem3A_20 : i32
    %c0_i32 = arith.constant 0 : i32
    %c0_i32_29 = arith.constant 0 : i32
    return %select_n3A, %select_n3A_28, %c0_i32 : i32, i32, i32
  }
}

module attributes {stable_mosaic.version = 14 : i64} {
  func.func @body(%arg0: i32, %arg1: memref<1x1x1xf32, #tpu.memory_space<vmem>>, %arg2: memref<1x1000x128xf32, #tpu.memory_space<vmem>>, %arg3: memref<1x1000x128xf32, #tpu.memory_space<vmem>>, %arg4: memref<1x128x128xf32, #tpu.memory_space<vmem>>, %arg5: memref<1x1x128xf32, #tpu.memory_space<vmem>>, %arg6: memref<1x128x128xf32, #tpu.memory_space<vmem>>, %arg7: memref<1x1x128xf32, #tpu.memory_space<vmem>>, %arg8: memref<1x128x128xf32, #tpu.memory_space<vmem>>, %arg9: memref<1x1x128xf32, #tpu.memory_space<vmem>>, %arg10: memref<1x1000x128xf32, #tpu.memory_space<vmem>>, %arg11: memref<1x1x2x128xf32, #tpu.memory_space<vmem>>) attributes {dimension_semantics = [#tpu.dimension_semantics<arbitrary>], iteration_bounds = array<i64: 20>, scalar_prefetch = 0 : i64, scratch_operands = 0 : i64, tpu.core_type = #tpu.core_type<tc>, window_params = [{transform_indices = @transform_0, window_bounds = array<i64: 1, 1, 1>}, {transform_indices = @transform_1, window_bounds = array<i64: 1, 1000, 128>}, {transform_indices = @transform_2, window_bounds = array<i64: 1, 1000, 128>}, {transform_indices = @transform_3, window_bounds = array<i64: 1, 128, 128>}, {transform_indices = @transform_4, window_bounds = array<i64: 1, 1, 128>}, {transform_indices = @transform_5, window_bounds = array<i64: 1, 128, 128>}, {transform_indices = @transform_6, window_bounds = array<i64: 1, 1, 128>}, {transform_indices = @transform_7, window_bounds = array<i64: 1, 128, 128>}, {transform_indices = @transform_8, window_bounds = array<i64: 1, 1, 128>}, {transform_indices = @transform_9, window_bounds = array<i64: 1, 1000, 128>}, {transform_indices = @transform_10, window_bounds = array<i64: 1, 1, 2, 128>}]} {
    %get3A = arith.constant 0 : index
    %get3A_0 = arith.constant 0 : index
    %get3A_1 = arith.constant 0 : index
    %get3A_2 = vector.load %arg2[%get3A, %get3A_0, %get3A_1] : memref<1x1000x128xf32, #tpu.memory_space<vmem>>, vector<1x1000x128xf32>
    %get3A_3 = vector.shape_cast %get3A_2 : vector<1x1000x128xf32> to vector<1000x128xf32>
    %get3A_4 = arith.constant 0 : index
    %get3A_5 = arith.constant 0 : index
    %get3A_6 = arith.constant 0 : index
    %get3A_7 = vector.load %arg1[%get3A_4, %get3A_5, %get3A_6] : memref<1x1x1xf32, #tpu.memory_space<vmem>>, vector<1x1x1xf32>
    %get3A_8 = vector.shape_cast %get3A_7 : vector<1x1x1xf32> to vector<1x1xf32>
    %mul3A = vector.broadcast %get3A_8 : vector<1x1xf32> to vector<1000x128xf32>
    %mul3A_9 = arith.mulf %get3A_3, %mul3A : vector<1000x128xf32>
    %get3A_10 = arith.constant 0 : index
    %get3A_11 = arith.constant 0 : index
    %get3A_12 = arith.constant 0 : index
    %get3A_13 = vector.load %arg3[%get3A_10, %get3A_11, %get3A_12] : memref<1x1000x128xf32, #tpu.memory_space<vmem>>, vector<1x1000x128xf32>
    %get3A_14 = vector.shape_cast %get3A_13 : vector<1x1000x128xf32> to vector<1000x128xf32>
    %add3A = arith.addf %mul3A_9, %get3A_14 : vector<1000x128xf32>
    %get3A_15 = arith.constant 0 : index
    %get3A_16 = arith.constant 0 : index
    %get3A_17 = arith.constant 0 : index
    %get3A_18 = vector.load %arg4[%get3A_15, %get3A_16, %get3A_17] : memref<1x128x128xf32, #tpu.memory_space<vmem>>, vector<1x128x128xf32>
    %get3A_19 = vector.shape_cast %get3A_18 : vector<1x128x128xf32> to vector<128x128xf32>
    %dot_general3A = arith.constant dense<0.000000e+00> : vector<1000x128xf32>
    %dot_general3A_20 = tpu.matmul %add3A, %get3A_19, %dot_general3A {dimension_numbers = #tpu.dot_dimension_numbers<[1], [0], [0], [1], [0, 0, 1, 1], [], []>, transpose_lhs_hint = false} : vector<1000x128xf32>, vector<128x128xf32>, vector<1000x128xf32> -> vector<1000x128xf32>
    %get3A_21 = arith.constant 0 : index
    %get3A_22 = arith.constant 0 : index
    %get3A_23 = arith.constant 0 : index
    %get3A_24 = vector.load %arg5[%get3A_21, %get3A_22, %get3A_23] : memref<1x1x128xf32, #tpu.memory_space<vmem>>, vector<1x1x128xf32>
    %get3A_25 = vector.shape_cast %get3A_24 : vector<1x1x128xf32> to vector<128xf32>
    %broadcast_in_dim3A = vector.shape_cast %get3A_25 : vector<128xf32> to vector<1x128xf32>
    %add3A_26 = vector.broadcast %broadcast_in_dim3A : vector<1x128xf32> to vector<1000x128xf32>
    %add3A_27 = arith.addf %dot_general3A_20, %add3A_26 : vector<1000x128xf32>
    %max3A = arith.constant 0.000000e+00 : f32
    %max3A_28 = vector.broadcast %max3A : f32 to vector<1000x128xf32>
    %max3A_29 = arith.maximumf %add3A_27, %max3A_28 : vector<1000x128xf32>
    %get3A_30 = arith.constant 0 : index
    %get3A_31 = arith.constant 0 : index
    %get3A_32 = arith.constant 0 : index
    %get3A_33 = vector.load %arg6[%get3A_30, %get3A_31, %get3A_32] : memref<1x128x128xf32, #tpu.memory_space<vmem>>, vector<1x128x128xf32>
    %get3A_34 = vector.shape_cast %get3A_33 : vector<1x128x128xf32> to vector<128x128xf32>
    %dot_general3A_35 = arith.constant dense<0.000000e+00> : vector<1000x128xf32>
    %dot_general3A_36 = tpu.matmul %max3A_29, %get3A_34, %dot_general3A_35 {dimension_numbers = #tpu.dot_dimension_numbers<[1], [0], [0], [1], [0, 0, 1, 1], [], []>, transpose_lhs_hint = false} : vector<1000x128xf32>, vector<128x128xf32>, vector<1000x128xf32> -> vector<1000x128xf32>
    %get3A_37 = arith.constant 0 : index
    %get3A_38 = arith.constant 0 : index
    %get3A_39 = arith.constant 0 : index
    %get3A_40 = vector.load %arg7[%get3A_37, %get3A_38, %get3A_39] : memref<1x1x128xf32, #tpu.memory_space<vmem>>, vector<1x1x128xf32>
    %get3A_41 = vector.shape_cast %get3A_40 : vector<1x1x128xf32> to vector<128xf32>
    %broadcast_in_dim3A_42 = vector.shape_cast %get3A_41 : vector<128xf32> to vector<1x128xf32>
    %add3A_43 = vector.broadcast %broadcast_in_dim3A_42 : vector<1x128xf32> to vector<1000x128xf32>
    %add3A_44 = arith.addf %dot_general3A_36, %add3A_43 : vector<1000x128xf32>
    %get3A_45 = arith.constant 0 : index
    %get3A_46 = arith.constant 0 : index
    %get3A_47 = arith.constant 0 : index
    %get3A_48 = vector.load %arg8[%get3A_45, %get3A_46, %get3A_47] : memref<1x128x128xf32, #tpu.memory_space<vmem>>, vector<1x128x128xf32>
    %get3A_49 = vector.shape_cast %get3A_48 : vector<1x128x128xf32> to vector<128x128xf32>
    %dot_general3A_50 = arith.constant dense<0.000000e+00> : vector<1000x128xf32>
    %dot_general3A_51 = tpu.matmul %get3A_3, %get3A_49, %dot_general3A_50 {dimension_numbers = #tpu.dot_dimension_numbers<[1], [0], [0], [1], [0, 0, 1, 1], [], []>, transpose_lhs_hint = false} : vector<1000x128xf32>, vector<128x128xf32>, vector<1000x128xf32> -> vector<1000x128xf32>
    %add3A_52 = arith.addf %add3A_44, %dot_general3A_51 : vector<1000x128xf32>
    %get3A_53 = arith.constant 0 : index
    %get3A_54 = arith.constant 0 : index
    %get3A_55 = arith.constant 0 : index
    %get3A_56 = vector.load %arg9[%get3A_53, %get3A_54, %get3A_55] : memref<1x1x128xf32, #tpu.memory_space<vmem>>, vector<1x1x128xf32>
    %get3A_57 = vector.shape_cast %get3A_56 : vector<1x1x128xf32> to vector<128xf32>
    %broadcast_in_dim3A_58 = vector.shape_cast %get3A_57 : vector<128xf32> to vector<1x128xf32>
    %add3A_59 = vector.broadcast %broadcast_in_dim3A_58 : vector<1x128xf32> to vector<1000x128xf32>
    %add3A_60 = arith.addf %add3A_52, %add3A_59 : vector<1000x128xf32>
    %swap3A = arith.constant 0 : index
    %swap3A_61 = arith.constant 0 : index
    %swap3A_62 = arith.constant 0 : index
    %swap3A_63 = vector.load %arg10[%swap3A, %swap3A_61, %swap3A_62] : memref<1x1000x128xf32, #tpu.memory_space<vmem>>, vector<1x1000x128xf32>
    %swap3A_64 = vector.shape_cast %swap3A_63 : vector<1x1000x128xf32> to vector<1000x128xf32>
    %swap3A_65 = vector.shape_cast %add3A_60 : vector<1000x128xf32> to vector<1x1000x128xf32>
    tpu.vector_store %arg10[%swap3A, %swap3A_61, %swap3A_62], %swap3A_65 {strides = array<i32>} : memref<1x1000x128xf32, #tpu.memory_space<vmem>>, vector<1x1000x128xf32>,
    %reduce_sum3A = arith.constant dense<0.000000e+00> : vector<128xf32>
    %reduce_sum3A_66 = vector.multi_reduction <add>, %add3A_60, %reduce_sum3A [0] : vector<1000x128xf32> to vector<128xf32>
    %broadcast_in_dim3A_67 = vector.shape_cast %reduce_sum3A_66 : vector<128xf32> to vector<1x128xf32>
    %swap3A_68 = arith.constant 0 : index
    %swap3A_69 = arith.constant 0 : index
    %swap3A_70 = arith.constant 0 : index
    %swap3A_71 = arith.constant 0 : index
    %swap3A_72 = vector.load %arg11[%swap3A_68, %swap3A_69, %swap3A_70, %swap3A_71] : memref<1x1x2x128xf32, #tpu.memory_space<vmem>>, vector<1x1x1x128xf32>
    %swap3A_73 = vector.shape_cast %swap3A_72 : vector<1x1x1x128xf32> to vector<1x128xf32>
    %swap3A_74 = vector.shape_cast %broadcast_in_dim3A_67 : vector<1x128xf32> to vector<1x1x1x128xf32>
    tpu.vector_store %arg11[%swap3A_68, %swap3A_69, %swap3A_70, %swap3A_71], %swap3A_74 {strides = array<i32>} : memref<1x1x2x128xf32, #tpu.memory_space<vmem>>, vector<1x1x1x128xf32>,
    %mul3A_75 = arith.mulf %add3A_60, %add3A_60 : vector<1000x128xf32>
    %reduce_sum3A_76 = arith.constant dense<0.000000e+00> : vector<128xf32>
    %reduce_sum3A_77 = vector.multi_reduction <add>, %mul3A_75, %reduce_sum3A_76 [0] : vector<1000x128xf32> to vector<128xf32>
    %broadcast_in_dim3A_78 = vector.shape_cast %reduce_sum3A_77 : vector<128xf32> to vector<1x128xf32>
    %swap3A_79 = arith.constant 0 : index
    %swap3A_80 = arith.constant 0 : index
    %swap3A_81 = arith.constant 1 : index
    %swap3A_82 = arith.constant 0 : index
    %swap3A_83 = vector.load %arg11[%swap3A_79, %swap3A_80, %swap3A_81, %swap3A_82] : memref<1x1x2x128xf32, #tpu.memory_space<vmem>>, vector<1x1x1x128xf32>
    %swap3A_84 = vector.shape_cast %swap3A_83 : vector<1x1x1x128xf32> to vector<1x128xf32>
    %swap3A_85 = vector.shape_cast %broadcast_in_dim3A_78 : vector<1x128xf32> to vector<1x1x1x128xf32>
    tpu.vector_store %arg11[%swap3A_79, %swap3A_80, %swap3A_81, %swap3A_82], %swap3A_85 {strides = array<i32>} : memref<1x1x2x128xf32, #tpu.memory_space<vmem>>, vector<1x1x1x128xf32>,
    return
  }
  func.func @transform_0(%arg0: i32) -> (i32, i32, i32) {
    %jit3A = arith.constant 10 : i32
    %div3A = arith.divsi %arg0, %jit3A : i32
    %sign3A = arith.constant 0 : i32
    %sign3A_0 = arith.cmpi sgt, %arg0, %sign3A : i32
    %sign3A_1 = arith.extui %sign3A_0 : i1 to i32
    %sign3A_2 = arith.constant 0 : i32
    %sign3A_3 = arith.cmpi slt, %arg0, %sign3A_2 : i32
    %sign3A_4 = arith.extui %sign3A_3 : i1 to i32
    %sign3A_5 = arith.subi %sign3A_1, %sign3A_4 : i32
    %sign3A_6 = arith.constant 0 : i32
    %sign3A_7 = arith.cmpi sgt, %jit3A, %sign3A_6 : i32
    %sign3A_8 = arith.extui %sign3A_7 : i1 to i32
    %sign3A_9 = arith.constant 0 : i32
    %sign3A_10 = arith.cmpi slt, %jit3A, %sign3A_9 : i32
    %sign3A_11 = arith.extui %sign3A_10 : i1 to i32
    %sign3A_12 = arith.subi %sign3A_8, %sign3A_11 : i32
    %ne3A = arith.cmpi ne, %sign3A_5, %sign3A_12 : i32
    %rem3A = arith.remsi %arg0, %jit3A : i32
    %ne3A_13 = arith.constant 0 : i32
    %ne3A_14 = arith.cmpi ne, %rem3A, %ne3A_13 : i32
    %and3A = arith.andi %ne3A, %ne3A_14 : i1
    %sub3A = arith.constant 1 : i32
    %sub3A_15 = arith.subi %div3A, %sub3A : i32
    %select_n3A = arith.select %and3A, %sub3A_15, %div3A : i32
    %c0_i32 = arith.constant 0 : i32
    %c0_i32_16 = arith.constant 0 : i32
    %c0_i32_17 = arith.constant 0 : i32
    return %select_n3A, %c0_i32, %c0_i32_16 : i32, i32, i32
  }
  func.func @transform_1(%arg0: i32) -> (i32, i32, i32) {
    %jit3A = arith.constant 10 : i32
    %div3A = arith.divsi %arg0, %jit3A : i32
    %sign3A = arith.constant 0 : i32
    %sign3A_0 = arith.cmpi sgt, %arg0, %sign3A : i32
    %sign3A_1 = arith.extui %sign3A_0 : i1 to i32
    %sign3A_2 = arith.constant 0 : i32
    %sign3A_3 = arith.cmpi slt, %arg0, %sign3A_2 : i32
    %sign3A_4 = arith.extui %sign3A_3 : i1 to i32
    %sign3A_5 = arith.subi %sign3A_1, %sign3A_4 : i32
    %sign3A_6 = arith.constant 0 : i32
    %sign3A_7 = arith.cmpi sgt, %jit3A, %sign3A_6 : i32
    %sign3A_8 = arith.extui %sign3A_7 : i1 to i32
    %sign3A_9 = arith.constant 0 : i32
    %sign3A_10 = arith.cmpi slt, %jit3A, %sign3A_9 : i32
    %sign3A_11 = arith.extui %sign3A_10 : i1 to i32
    %sign3A_12 = arith.subi %sign3A_8, %sign3A_11 : i32
    %ne3A = arith.cmpi ne, %sign3A_5, %sign3A_12 : i32
    %rem3A = arith.remsi %arg0, %jit3A : i32
    %ne3A_13 = arith.constant 0 : i32
    %ne3A_14 = arith.cmpi ne, %rem3A, %ne3A_13 : i32
    %and3A = arith.andi %ne3A, %ne3A_14 : i1
    %sub3A = arith.constant 1 : i32
    %sub3A_15 = arith.subi %div3A, %sub3A : i32
    %select_n3A = arith.select %and3A, %sub3A_15, %div3A : i32
    %jit3A_16 = arith.constant 10 : i32
    %eq3A = arith.constant 0 : i32
    %eq3A_17 = arith.cmpi eq, %jit3A_16, %eq3A : i32
    %jit3A_18 = arith.constant 1 : i32
    %select_n3A_19 = arith.select %eq3A_17, %jit3A_18, %jit3A_16 : i32
    %rem3A_20 = arith.remsi %arg0, %select_n3A_19 : i32
    %ne3A_21 = arith.constant 0 : i32
    %ne3A_22 = arith.cmpi ne, %rem3A_20, %ne3A_21 : i32
    %lt3A = arith.constant 0 : i32
    %lt3A_23 = arith.cmpi slt, %rem3A_20, %lt3A : i32
    %lt3A_24 = arith.constant 0 : i32
    %lt3A_25 = arith.cmpi slt, %select_n3A_19, %lt3A_24 : i32
    %ne3A_26 = arith.xori %lt3A_23, %lt3A_25 : i1
    %and3A_27 = arith.andi %ne3A_26, %ne3A_22 : i1
    %add3A = arith.addi %rem3A_20, %select_n3A_19 : i32
    %select_n3A_28 = arith.select %and3A_27, %add3A, %rem3A_20 : i32
    %c0_i32 = arith.constant 0 : i32
    %c0_i32_29 = arith.constant 0 : i32
    return %select_n3A, %select_n3A_28, %c0_i32 : i32, i32, i32
  }
  func.func @transform_2(%arg0: i32) -> (i32, i32, i32) {
    %jit3A = arith.constant 10 : i32
    %div3A = arith.divsi %arg0, %jit3A : i32
    %sign3A = arith.constant 0 : i32
    %sign3A_0 = arith.cmpi sgt, %arg0, %sign3A : i32
    %sign3A_1 = arith.extui %sign3A_0 : i1 to i32
    %sign3A_2 = arith.constant 0 : i32
    %sign3A_3 = arith.cmpi slt, %arg0, %sign3A_2 : i32
    %sign3A_4 = arith.extui %sign3A_3 : i1 to i32
    %sign3A_5 = arith.subi %sign3A_1, %sign3A_4 : i32
    %sign3A_6 = arith.constant 0 : i32
    %sign3A_7 = arith.cmpi sgt, %jit3A, %sign3A_6 : i32
    %sign3A_8 = arith.extui %sign3A_7 : i1 to i32
    %sign3A_9 = arith.constant 0 : i32
    %sign3A_10 = arith.cmpi slt, %jit3A, %sign3A_9 : i32
    %sign3A_11 = arith.extui %sign3A_10 : i1 to i32
    %sign3A_12 = arith.subi %sign3A_8, %sign3A_11 : i32
    %ne3A = arith.cmpi ne, %sign3A_5, %sign3A_12 : i32
    %rem3A = arith.remsi %arg0, %jit3A : i32
    %ne3A_13 = arith.constant 0 : i32
    %ne3A_14 = arith.cmpi ne, %rem3A, %ne3A_13 : i32
    %and3A = arith.andi %ne3A, %ne3A_14 : i1
    %sub3A = arith.constant 1 : i32
    %sub3A_15 = arith.subi %div3A, %sub3A : i32
    %select_n3A = arith.select %and3A, %sub3A_15, %div3A : i32
    %jit3A_16 = arith.constant 10 : i32
    %eq3A = arith.constant 0 : i32
    %eq3A_17 = arith.cmpi eq, %jit3A_16, %eq3A : i32
    %jit3A_18 = arith.constant 1 : i32
    %select_n3A_19 = arith.select %eq3A_17, %jit3A_18, %jit3A_16 : i32
    %rem3A_20 = arith.remsi %arg0, %select_n3A_19 : i32
    %ne3A_21 = arith.constant 0 : i32
    %ne3A_22 = arith.cmpi ne, %rem3A_20, %ne3A_21 : i32
    %lt3A = arith.constant 0 : i32
    %lt3A_23 = arith.cmpi slt, %rem3A_20, %lt3A : i32
    %lt3A_24 = arith.constant 0 : i32
    %lt3A_25 = arith.cmpi slt, %select_n3A_19, %lt3A_24 : i32
    %ne3A_26 = arith.xori %lt3A_23, %lt3A_25 : i1
    %and3A_27 = arith.andi %ne3A_26, %ne3A_22 : i1
    %add3A = arith.addi %rem3A_20, %select_n3A_19 : i32
    %select_n3A_28 = arith.select %and3A_27, %add3A, %rem3A_20 : i32
    %c0_i32 = arith.constant 0 : i32
    %c0_i32_29 = arith.constant 0 : i32
    return %select_n3A, %select_n3A_28, %c0_i32 : i32, i32, i32
  }
  func.func @transform_3(%arg0: i32) -> (i32, i32, i32) {
    %jit3A = arith.constant 10 : i32
    %div3A = arith.divsi %arg0, %jit3A : i32
    %sign3A = arith.constant 0 : i32
    %sign3A_0 = arith.cmpi sgt, %arg0, %sign3A : i32
    %sign3A_1 = arith.extui %sign3A_0 : i1 to i32
    %sign3A_2 = arith.constant 0 : i32
    %sign3A_3 = arith.cmpi slt, %arg0, %sign3A_2 : i32
    %sign3A_4 = arith.extui %sign3A_3 : i1 to i32
    %sign3A_5 = arith.subi %sign3A_1, %sign3A_4 : i32
    %sign3A_6 = arith.constant 0 : i32
    %sign3A_7 = arith.cmpi sgt, %jit3A, %sign3A_6 : i32
    %sign3A_8 = arith.extui %sign3A_7 : i1 to i32
    %sign3A_9 = arith.constant 0 : i32
    %sign3A_10 = arith.cmpi slt, %jit3A, %sign3A_9 : i32
    %sign3A_11 = arith.extui %sign3A_10 : i1 to i32
    %sign3A_12 = arith.subi %sign3A_8, %sign3A_11 : i32
    %ne3A = arith.cmpi ne, %sign3A_5, %sign3A_12 : i32
    %rem3A = arith.remsi %arg0, %jit3A : i32
    %ne3A_13 = arith.constant 0 : i32
    %ne3A_14 = arith.cmpi ne, %rem3A, %ne3A_13 : i32
    %and3A = arith.andi %ne3A, %ne3A_14 : i1
    %sub3A = arith.constant 1 : i32
    %sub3A_15 = arith.subi %div3A, %sub3A : i32
    %select_n3A = arith.select %and3A, %sub3A_15, %div3A : i32
    %c0_i32 = arith.constant 0 : i32
    %c0_i32_16 = arith.constant 0 : i32
    %c0_i32_17 = arith.constant 0 : i32
    return %select_n3A, %c0_i32, %c0_i32_16 : i32, i32, i32
  }
  func.func @transform_4(%arg0: i32) -> (i32, i32, i32) {
    %jit3A = arith.constant 10 : i32
    %div3A = arith.divsi %arg0, %jit3A : i32
    %sign3A = arith.constant 0 : i32
    %sign3A_0 = arith.cmpi sgt, %arg0, %sign3A : i32
    %sign3A_1 = arith.extui %sign3A_0 : i1 to i32
    %sign3A_2 = arith.constant 0 : i32
    %sign3A_3 = arith.cmpi slt, %arg0, %sign3A_2 : i32
    %sign3A_4 = arith.extui %sign3A_3 : i1 to i32
    %sign3A_5 = arith.subi %sign3A_1, %sign3A_4 : i32
    %sign3A_6 = arith.constant 0 : i32
    %sign3A_7 = arith.cmpi sgt, %jit3A, %sign3A_6 : i32
    %sign3A_8 = arith.extui %sign3A_7 : i1 to i32
    %sign3A_9 = arith.constant 0 : i32
    %sign3A_10 = arith.cmpi slt, %jit3A, %sign3A_9 : i32
    %sign3A_11 = arith.extui %sign3A_10 : i1 to i32
    %sign3A_12 = arith.subi %sign3A_8, %sign3A_11 : i32
    %ne3A = arith.cmpi ne, %sign3A_5, %sign3A_12 : i32
    %rem3A = arith.remsi %arg0, %jit3A : i32
    %ne3A_13 = arith.constant 0 : i32
    %ne3A_14 = arith.cmpi ne, %rem3A, %ne3A_13 : i32
    %and3A = arith.andi %ne3A, %ne3A_14 : i1
    %sub3A = arith.constant 1 : i32
    %sub3A_15 = arith.subi %div3A, %sub3A : i32
    %select_n3A = arith.select %and3A, %sub3A_15, %div3A : i32
    %c0_i32 = arith.constant 0 : i32
    %c0_i32_16 = arith.constant 0 : i32
    %c0_i32_17 = arith.constant 0 : i32
    return %select_n3A, %c0_i32, %c0_i32_16 : i32, i32, i32
  }
  func.func @transform_5(%arg0: i32) -> (i32, i32, i32) {
    %jit3A = arith.constant 10 : i32
    %div3A = arith.divsi %arg0, %jit3A : i32
    %sign3A = arith.constant 0 : i32
    %sign3A_0 = arith.cmpi sgt, %arg0, %sign3A : i32
    %sign3A_1 = arith.extui %sign3A_0 : i1 to i32
    %sign3A_2 = arith.constant 0 : i32
    %sign3A_3 = arith.cmpi slt, %arg0, %sign3A_2 : i32
    %sign3A_4 = arith.extui %sign3A_3 : i1 to i32
    %sign3A_5 = arith.subi %sign3A_1, %sign3A_4 : i32
    %sign3A_6 = arith.constant 0 : i32
    %sign3A_7 = arith.cmpi sgt, %jit3A, %sign3A_6 : i32
    %sign3A_8 = arith.extui %sign3A_7 : i1 to i32
    %sign3A_9 = arith.constant 0 : i32
    %sign3A_10 = arith.cmpi slt, %jit3A, %sign3A_9 : i32
    %sign3A_11 = arith.extui %sign3A_10 : i1 to i32
    %sign3A_12 = arith.subi %sign3A_8, %sign3A_11 : i32
    %ne3A = arith.cmpi ne, %sign3A_5, %sign3A_12 : i32
    %rem3A = arith.remsi %arg0, %jit3A : i32
    %ne3A_13 = arith.constant 0 : i32
    %ne3A_14 = arith.cmpi ne, %rem3A, %ne3A_13 : i32
    %and3A = arith.andi %ne3A, %ne3A_14 : i1
    %sub3A = arith.constant 1 : i32
    %sub3A_15 = arith.subi %div3A, %sub3A : i32
    %select_n3A = arith.select %and3A, %sub3A_15, %div3A : i32
    %c0_i32 = arith.constant 0 : i32
    %c0_i32_16 = arith.constant 0 : i32
    %c0_i32_17 = arith.constant 0 : i32
    return %select_n3A, %c0_i32, %c0_i32_16 : i32, i32, i32
  }
  func.func @transform_6(%arg0: i32) -> (i32, i32, i32) {
    %jit3A = arith.constant 10 : i32
    %div3A = arith.divsi %arg0, %jit3A : i32
    %sign3A = arith.constant 0 : i32
    %sign3A_0 = arith.cmpi sgt, %arg0, %sign3A : i32
    %sign3A_1 = arith.extui %sign3A_0 : i1 to i32
    %sign3A_2 = arith.constant 0 : i32
    %sign3A_3 = arith.cmpi slt, %arg0, %sign3A_2 : i32
    %sign3A_4 = arith.extui %sign3A_3 : i1 to i32
    %sign3A_5 = arith.subi %sign3A_1, %sign3A_4 : i32
    %sign3A_6 = arith.constant 0 : i32
    %sign3A_7 = arith.cmpi sgt, %jit3A, %sign3A_6 : i32
    %sign3A_8 = arith.extui %sign3A_7 : i1 to i32
    %sign3A_9 = arith.constant 0 : i32
    %sign3A_10 = arith.cmpi slt, %jit3A, %sign3A_9 : i32
    %sign3A_11 = arith.extui %sign3A_10 : i1 to i32
    %sign3A_12 = arith.subi %sign3A_8, %sign3A_11 : i32
    %ne3A = arith.cmpi ne, %sign3A_5, %sign3A_12 : i32
    %rem3A = arith.remsi %arg0, %jit3A : i32
    %ne3A_13 = arith.constant 0 : i32
    %ne3A_14 = arith.cmpi ne, %rem3A, %ne3A_13 : i32
    %and3A = arith.andi %ne3A, %ne3A_14 : i1
    %sub3A = arith.constant 1 : i32
    %sub3A_15 = arith.subi %div3A, %sub3A : i32
    %select_n3A = arith.select %and3A, %sub3A_15, %div3A : i32
    %c0_i32 = arith.constant 0 : i32
    %c0_i32_16 = arith.constant 0 : i32
    %c0_i32_17 = arith.constant 0 : i32
    return %select_n3A, %c0_i32, %c0_i32_16 : i32, i32, i32
  }
  func.func @transform_7(%arg0: i32) -> (i32, i32, i32) {
    %jit3A = arith.constant 10 : i32
    %div3A = arith.divsi %arg0, %jit3A : i32
    %sign3A = arith.constant 0 : i32
    %sign3A_0 = arith.cmpi sgt, %arg0, %sign3A : i32
    %sign3A_1 = arith.extui %sign3A_0 : i1 to i32
    %sign3A_2 = arith.constant 0 : i32
    %sign3A_3 = arith.cmpi slt, %arg0, %sign3A_2 : i32
    %sign3A_4 = arith.extui %sign3A_3 : i1 to i32
    %sign3A_5 = arith.subi %sign3A_1, %sign3A_4 : i32
    %sign3A_6 = arith.constant 0 : i32
    %sign3A_7 = arith.cmpi sgt, %jit3A, %sign3A_6 : i32
    %sign3A_8 = arith.extui %sign3A_7 : i1 to i32
    %sign3A_9 = arith.constant 0 : i32
    %sign3A_10 = arith.cmpi slt, %jit3A, %sign3A_9 : i32
    %sign3A_11 = arith.extui %sign3A_10 : i1 to i32
    %sign3A_12 = arith.subi %sign3A_8, %sign3A_11 : i32
    %ne3A = arith.cmpi ne, %sign3A_5, %sign3A_12 : i32
    %rem3A = arith.remsi %arg0, %jit3A : i32
    %ne3A_13 = arith.constant 0 : i32
    %ne3A_14 = arith.cmpi ne, %rem3A, %ne3A_13 : i32
    %and3A = arith.andi %ne3A, %ne3A_14 : i1
    %sub3A = arith.constant 1 : i32
    %sub3A_15 = arith.subi %div3A, %sub3A : i32
    %select_n3A = arith.select %and3A, %sub3A_15, %div3A : i32
    %c0_i32 = arith.constant 0 : i32
    %c0_i32_16 = arith.constant 0 : i32
    %c0_i32_17 = arith.constant 0 : i32
    return %select_n3A, %c0_i32, %c0_i32_16 : i32, i32, i32
  }
  func.func @transform_8(%arg0: i32) -> (i32, i32, i32) {
    %jit3A = arith.constant 10 : i32
    %div3A = arith.divsi %arg0, %jit3A : i32
    %sign3A = arith.constant 0 : i32
    %sign3A_0 = arith.cmpi sgt, %arg0, %sign3A : i32
    %sign3A_1 = arith.extui %sign3A_0 : i1 to i32
    %sign3A_2 = arith.constant 0 : i32
    %sign3A_3 = arith.cmpi slt, %arg0, %sign3A_2 : i32
    %sign3A_4 = arith.extui %sign3A_3 : i1 to i32
    %sign3A_5 = arith.subi %sign3A_1, %sign3A_4 : i32
    %sign3A_6 = arith.constant 0 : i32
    %sign3A_7 = arith.cmpi sgt, %jit3A, %sign3A_6 : i32
    %sign3A_8 = arith.extui %sign3A_7 : i1 to i32
    %sign3A_9 = arith.constant 0 : i32
    %sign3A_10 = arith.cmpi slt, %jit3A, %sign3A_9 : i32
    %sign3A_11 = arith.extui %sign3A_10 : i1 to i32
    %sign3A_12 = arith.subi %sign3A_8, %sign3A_11 : i32
    %ne3A = arith.cmpi ne, %sign3A_5, %sign3A_12 : i32
    %rem3A = arith.remsi %arg0, %jit3A : i32
    %ne3A_13 = arith.constant 0 : i32
    %ne3A_14 = arith.cmpi ne, %rem3A, %ne3A_13 : i32
    %and3A = arith.andi %ne3A, %ne3A_14 : i1
    %sub3A = arith.constant 1 : i32
    %sub3A_15 = arith.subi %div3A, %sub3A : i32
    %select_n3A = arith.select %and3A, %sub3A_15, %div3A : i32
    %c0_i32 = arith.constant 0 : i32
    %c0_i32_16 = arith.constant 0 : i32
    %c0_i32_17 = arith.constant 0 : i32
    return %select_n3A, %c0_i32, %c0_i32_16 : i32, i32, i32
  }
  func.func @transform_9(%arg0: i32) -> (i32, i32, i32) {
    %jit3A = arith.constant 10 : i32
    %div3A = arith.divsi %arg0, %jit3A : i32
    %sign3A = arith.constant 0 : i32
    %sign3A_0 = arith.cmpi sgt, %arg0, %sign3A : i32
    %sign3A_1 = arith.extui %sign3A_0 : i1 to i32
    %sign3A_2 = arith.constant 0 : i32
    %sign3A_3 = arith.cmpi slt, %arg0, %sign3A_2 : i32
    %sign3A_4 = arith.extui %sign3A_3 : i1 to i32
    %sign3A_5 = arith.subi %sign3A_1, %sign3A_4 : i32
    %sign3A_6 = arith.constant 0 : i32
    %sign3A_7 = arith.cmpi sgt, %jit3A, %sign3A_6 : i32
    %sign3A_8 = arith.extui %sign3A_7 : i1 to i32
    %sign3A_9 = arith.constant 0 : i32
    %sign3A_10 = arith.cmpi slt, %jit3A, %sign3A_9 : i32
    %sign3A_11 = arith.extui %sign3A_10 : i1 to i32
    %sign3A_12 = arith.subi %sign3A_8, %sign3A_11 : i32
    %ne3A = arith.cmpi ne, %sign3A_5, %sign3A_12 : i32
    %rem3A = arith.remsi %arg0, %jit3A : i32
    %ne3A_13 = arith.constant 0 : i32
    %ne3A_14 = arith.cmpi ne, %rem3A, %ne3A_13 : i32
    %and3A = arith.andi %ne3A, %ne3A_14 : i1
    %sub3A = arith.constant 1 : i32
    %sub3A_15 = arith.subi %div3A, %sub3A : i32
    %select_n3A = arith.select %and3A, %sub3A_15, %div3A : i32
    %jit3A_16 = arith.constant 10 : i32
    %eq3A = arith.constant 0 : i32
    %eq3A_17 = arith.cmpi eq, %jit3A_16, %eq3A : i32
    %jit3A_18 = arith.constant 1 : i32
    %select_n3A_19 = arith.select %eq3A_17, %jit3A_18, %jit3A_16 : i32
    %rem3A_20 = arith.remsi %arg0, %select_n3A_19 : i32
    %ne3A_21 = arith.constant 0 : i32
    %ne3A_22 = arith.cmpi ne, %rem3A_20, %ne3A_21 : i32
    %lt3A = arith.constant 0 : i32
    %lt3A_23 = arith.cmpi slt, %rem3A_20, %lt3A : i32
    %lt3A_24 = arith.constant 0 : i32
    %lt3A_25 = arith.cmpi slt, %select_n3A_19, %lt3A_24 : i32
    %ne3A_26 = arith.xori %lt3A_23, %lt3A_25 : i1
    %and3A_27 = arith.andi %ne3A_26, %ne3A_22 : i1
    %add3A = arith.addi %rem3A_20, %select_n3A_19 : i32
    %select_n3A_28 = arith.select %and3A_27, %add3A, %rem3A_20 : i32
    %c0_i32 = arith.constant 0 : i32
    %c0_i32_29 = arith.constant 0 : i32
    return %select_n3A, %select_n3A_28, %c0_i32 : i32, i32, i32
  }
  func.func @transform_10(%arg0: i32) -> (i32, i32, i32, i32) {
    %jit3A = arith.constant 10 : i32
    %div3A = arith.divsi %arg0, %jit3A : i32
    %sign3A = arith.constant 0 : i32
    %sign3A_0 = arith.cmpi sgt, %arg0, %sign3A : i32
    %sign3A_1 = arith.extui %sign3A_0 : i1 to i32
    %sign3A_2 = arith.constant 0 : i32
    %sign3A_3 = arith.cmpi slt, %arg0, %sign3A_2 : i32
    %sign3A_4 = arith.extui %sign3A_3 : i1 to i32
    %sign3A_5 = arith.subi %sign3A_1, %sign3A_4 : i32
    %sign3A_6 = arith.constant 0 : i32
    %sign3A_7 = arith.cmpi sgt, %jit3A, %sign3A_6 : i32
    %sign3A_8 = arith.extui %sign3A_7 : i1 to i32
    %sign3A_9 = arith.constant 0 : i32
    %sign3A_10 = arith.cmpi slt, %jit3A, %sign3A_9 : i32
    %sign3A_11 = arith.extui %sign3A_10 : i1 to i32
    %sign3A_12 = arith.subi %sign3A_8, %sign3A_11 : i32
    %ne3A = arith.cmpi ne, %sign3A_5, %sign3A_12 : i32
    %rem3A = arith.remsi %arg0, %jit3A : i32
    %ne3A_13 = arith.constant 0 : i32
    %ne3A_14 = arith.cmpi ne, %rem3A, %ne3A_13 : i32
    %and3A = arith.andi %ne3A, %ne3A_14 : i1
    %sub3A = arith.constant 1 : i32
    %sub3A_15 = arith.subi %div3A, %sub3A : i32
    %select_n3A = arith.select %and3A, %sub3A_15, %div3A : i32
    %jit3A_16 = arith.constant 10 : i32
    %eq3A = arith.constant 0 : i32
    %eq3A_17 = arith.cmpi eq, %jit3A_16, %eq3A : i32
    %jit3A_18 = arith.constant 1 : i32
    %select_n3A_19 = arith.select %eq3A_17, %jit3A_18, %jit3A_16 : i32
    %rem3A_20 = arith.remsi %arg0, %select_n3A_19 : i32
    %ne3A_21 = arith.constant 0 : i32
    %ne3A_22 = arith.cmpi ne, %rem3A_20, %ne3A_21 : i32
    %lt3A = arith.constant 0 : i32
    %lt3A_23 = arith.cmpi slt, %rem3A_20, %lt3A : i32
    %lt3A_24 = arith.constant 0 : i32
    %lt3A_25 = arith.cmpi slt, %select_n3A_19, %lt3A_24 : i32
    %ne3A_26 = arith.xori %lt3A_23, %lt3A_25 : i1
    %and3A_27 = arith.andi %ne3A_26, %ne3A_22 : i1
    %add3A = arith.addi %rem3A_20, %select_n3A_19 : i32
    %select_n3A_28 = arith.select %and3A_27, %add3A, %rem3A_20 : i32
    %c0_i32 = arith.constant 0 : i32
    %c0_i32_29 = arith.constant 0 : i32
    %c0_i32_30 = arith.constant 0 : i32
    return %select_n3A, %select_n3A_28, %c0_i32, %c0_i32_29 : i32, i32, i32, i32
  }
}

module attributes {stable_mosaic.version = 14 : i64} {
  func.func @_dec_body(%arg0: i32, %arg1: memref<2x4096xf32, #tpu.memory_space<vmem>>, %arg2: memref<2x128xf32, #tpu.memory_space<vmem>>, %arg3: memref<1x128xf32, #tpu.memory_space<vmem>>, %arg4: memref<1x128xf32, #tpu.memory_space<vmem>>, %arg5: memref<1x1xf32, #tpu.memory_space<vmem>>, %arg6: memref<4096xf32, #tpu.memory_space<vmem>>) attributes {dimension_semantics = [#tpu.dimension_semantics<arbitrary>], iteration_bounds = array<i64: 25>, scalar_prefetch = 0 : i64, scratch_operands = 0 : i64, tpu.core_type = #tpu.core_type<tc>, window_params = [{transform_indices = @transform_0, window_bounds = array<i64: 2, 4096>}, {pipeline_mode = #tpu.pipeline_mode<synchronous>, transform_indices = @transform_1, window_bounds = array<i64: 2, 128>}, {pipeline_mode = #tpu.pipeline_mode<synchronous>, transform_indices = @transform_2, window_bounds = array<i64: 1, 128>}, {pipeline_mode = #tpu.pipeline_mode<synchronous>, transform_indices = @transform_3, window_bounds = array<i64: 1, 128>}, {pipeline_mode = #tpu.pipeline_mode<synchronous>, transform_indices = @transform_4, window_bounds = array<i64: 1, 1>}, {transform_indices = @transform_5, window_bounds = array<i64: 4096>}]} {
    %get3A = arith.constant 0 : index
    %get3A_0 = arith.constant 0 : index
    %get3A_1 = vector.load %arg1[%get3A, %get3A_0] : memref<2x4096xf32, #tpu.memory_space<vmem>>, vector<1x4096xf32>
    %get3A_2 = vector.shape_cast %get3A_1 : vector<1x4096xf32> to vector<4096xf32>
    %get3A_3 = arith.constant 1 : index
    %get3A_4 = arith.constant 0 : index
    %get3A_5 = vector.load %arg1[%get3A_3, %get3A_4] : memref<2x4096xf32, #tpu.memory_space<vmem>>, vector<1x4096xf32>
    %get3A_6 = vector.shape_cast %get3A_5 : vector<1x4096xf32> to vector<4096xf32>
    %gt3A = arith.constant 0.000000e+00 : f32
    %gt3A_7 = vector.broadcast %gt3A : f32 to vector<4096xf32>
    %gt3A_8 = arith.cmpf ogt, %get3A_2, %gt3A_7 : vector<4096xf32>
    %mul3A = arith.constant 0.00999999977 : f32
    %mul3A_9 = vector.broadcast %mul3A : f32 to vector<4096xf32>
    %mul3A_10 = arith.mulf %mul3A_9, %get3A_2 : vector<4096xf32>
    %select_n3A = arith.select %gt3A_8, %get3A_2, %mul3A_10 : vector<4096xi1>, vector<4096xf32>
    %gt3A_11 = arith.constant 0.000000e+00 : f32
    %gt3A_12 = vector.broadcast %gt3A_11 : f32 to vector<4096xf32>
    %gt3A_13 = arith.cmpf ogt, %get3A_6, %gt3A_12 : vector<4096xf32>
    %mul3A_14 = arith.constant 0.00999999977 : f32
    %mul3A_15 = vector.broadcast %mul3A_14 : f32 to vector<4096xf32>
    %mul3A_16 = arith.mulf %mul3A_15, %get3A_6 : vector<4096xf32>
    %select_n3A_17 = arith.select %gt3A_13, %get3A_6, %mul3A_16 : vector<4096xi1>, vector<4096xf32>
    %broadcast_in_dim3A = vector.shape_cast %select_n3A : vector<4096xf32> to vector<4096x1xf32>
    %get3A_18 = arith.constant 0 : index
    %get3A_19 = arith.constant 0 : index
    %get3A_20 = vector.load %arg2[%get3A_18, %get3A_19] : memref<2x128xf32, #tpu.memory_space<vmem>>, vector<1x128xf32>
    %mul3A_21 = vector.broadcast %broadcast_in_dim3A : vector<4096x1xf32> to vector<4096x128xf32>
    %mul3A_22 = vector.broadcast %get3A_20 : vector<1x128xf32> to vector<4096x128xf32>
    %mul3A_23 = arith.mulf %mul3A_21, %mul3A_22 : vector<4096x128xf32>
    %broadcast_in_dim3A_24 = vector.shape_cast %select_n3A_17 : vector<4096xf32> to vector<4096x1xf32>
    %get3A_25 = arith.constant 1 : index
    %get3A_26 = arith.constant 0 : index
    %get3A_27 = vector.load %arg2[%get3A_25, %get3A_26] : memref<2x128xf32, #tpu.memory_space<vmem>>, vector<1x128xf32>
    %mul3A_28 = vector.broadcast %broadcast_in_dim3A_24 : vector<4096x1xf32> to vector<4096x128xf32>
    %mul3A_29 = vector.broadcast %get3A_27 : vector<1x128xf32> to vector<4096x128xf32>
    %mul3A_30 = arith.mulf %mul3A_28, %mul3A_29 : vector<4096x128xf32>
    %add3A = arith.addf %mul3A_23, %mul3A_30 : vector<4096x128xf32>
    %get3A_31 = arith.constant 0 : index
    %get3A_32 = arith.constant 0 : index
    %get3A_33 = vector.load %arg3[%get3A_31, %get3A_32] : memref<1x128xf32, #tpu.memory_space<vmem>>, vector<1x128xf32>
    %add3A_34 = vector.broadcast %get3A_33 : vector<1x128xf32> to vector<4096x128xf32>
    %add3A_35 = arith.addf %add3A, %add3A_34 : vector<4096x128xf32>
    %max3A = arith.constant 0.000000e+00 : f32
    %max3A_36 = vector.broadcast %max3A : f32 to vector<4096x128xf32>
    %max3A_37 = arith.maximumf %add3A_35, %max3A_36 : vector<4096x128xf32>
    %get3A_38 = arith.constant 0 : index
    %get3A_39 = arith.constant 0 : index
    %get3A_40 = vector.load %arg4[%get3A_38, %get3A_39] : memref<1x128xf32, #tpu.memory_space<vmem>>, vector<1x128xf32>
    %get3A_41 = vector.shape_cast %get3A_40 : vector<1x128xf32> to vector<128xf32>
    %dot_general3A = arith.constant dense<0.000000e+00> : vector<4096xf32>
    %dot_general3A_42 = tpu.matmul %max3A_37, %get3A_41, %dot_general3A {dimension_numbers = #tpu.dot_dimension_numbers<[1], [0], [0], [], [0, 0], [], []>, transpose_lhs_hint = false} : vector<4096x128xf32>, vector<128xf32>, vector<4096xf32> -> vector<4096xf32>
    %get3A_43 = arith.constant 0 : index
    %get3A_44 = arith.constant 0 : index
    %get3A_45 = vector.load %arg5[%get3A_43, %get3A_44] : memref<1x1xf32, #tpu.memory_space<vmem>>, vector<1x1xf32>
    %get3A_46 = vector.shape_cast %get3A_45 : vector<1x1xf32> to vector<1xf32>
    %add3A_47 = vector.broadcast %get3A_46 : vector<1xf32> to vector<4096xf32>
    %add3A_48 = arith.addf %dot_general3A_42, %add3A_47 : vector<4096xf32>
    %logistic3A = arith.negf %add3A_48 : vector<4096xf32>
    %logistic3A_49 = math.exp %logistic3A : vector<4096xf32>
    %logistic3A_50 = arith.constant 1.000000e+00 : f32
    %logistic3A_51 = vector.broadcast %logistic3A_50 : f32 to vector<4096xf32>
    %logistic3A_52 = arith.addf %logistic3A_51, %logistic3A_49 : vector<4096xf32>
    %logistic3A_53 = arith.divf %logistic3A_51, %logistic3A_52 : vector<4096xf32>
    %swap3A = arith.constant 0 : index
    %swap3A_54 = vector.load %arg6[%swap3A] : memref<4096xf32, #tpu.memory_space<vmem>>, vector<4096xf32>
    tpu.vector_store %arg6[%swap3A], %logistic3A_53 {strides = array<i32>} : memref<4096xf32, #tpu.memory_space<vmem>>, vector<4096xf32>,
    return
  }
  func.func @transform_0(%arg0: i32) -> (i32, i32) {
    %c0_i32 = arith.constant 0 : i32
    %c0_i32_0 = arith.constant 0 : i32
    return %c0_i32, %arg0 : i32, i32
  }
  func.func @transform_1(%arg0: i32) -> (i32, i32) {
    %c0_i32 = arith.constant 0 : i32
    %c0_i32_0 = arith.constant 0 : i32
    %c0_i32_1 = arith.constant 0 : i32
    return %c0_i32, %c0_i32_0 : i32, i32
  }
  func.func @transform_2(%arg0: i32) -> (i32, i32) {
    %c0_i32 = arith.constant 0 : i32
    %c0_i32_0 = arith.constant 0 : i32
    %c0_i32_1 = arith.constant 0 : i32
    return %c0_i32, %c0_i32_0 : i32, i32
  }
  func.func @transform_3(%arg0: i32) -> (i32, i32) {
    %c0_i32 = arith.constant 0 : i32
    %c0_i32_0 = arith.constant 0 : i32
    %c0_i32_1 = arith.constant 0 : i32
    return %c0_i32, %c0_i32_0 : i32, i32
  }
  func.func @transform_4(%arg0: i32) -> (i32, i32) {
    %c0_i32 = arith.constant 0 : i32
    %c0_i32_0 = arith.constant 0 : i32
    %c0_i32_1 = arith.constant 0 : i32
    return %c0_i32, %c0_i32_0 : i32, i32
  }
  func.func @transform_5(%arg0: i32) -> i32 {
    %c0_i32 = arith.constant 0 : i32
    return %arg0 : i32
  }
}

module attributes {stable_mosaic.version = 14 : i64} {
  func.func @_rm_body(%arg0: i32, %arg1: memref<1x10000x128xf32, #tpu.memory_space<vmem>>, %arg2: memref<1x10x2x128xf32, #tpu.memory_space<vmem>>, %arg3: memref<1x1x128xf32, #tpu.memory_space<vmem>>, %arg4: memref<1x1x128xf32, #tpu.memory_space<vmem>>, %arg5: memref<1x1x10000xf32, #tpu.memory_space<vmem>>) attributes {dimension_semantics = [#tpu.dimension_semantics<arbitrary>], iteration_bounds = array<i64: 2>, scalar_prefetch = 0 : i64, scratch_operands = 0 : i64, tpu.core_type = #tpu.core_type<tc>, window_params = [{transform_indices = @transform_0, window_bounds = array<i64: 1, 10000, 128>}, {transform_indices = @transform_1, window_bounds = array<i64: 1, 10, 2, 128>}, {transform_indices = @transform_2, window_bounds = array<i64: 1, 1, 128>}, {transform_indices = @transform_3, window_bounds = array<i64: 1, 1, 128>}, {transform_indices = @transform_4, window_bounds = array<i64: 1, 1, 10000>}]} {
    %get3A = arith.constant 0 : index
    %get3A_0 = arith.constant 0 : index
    %get3A_1 = arith.constant 0 : index
    %get3A_2 = arith.constant 0 : index
    %get3A_3 = vector.load %arg2[%get3A, %get3A_0, %get3A_1, %get3A_2] : memref<1x10x2x128xf32, #tpu.memory_space<vmem>>, vector<1x10x2x128xf32>
    %get3A_4 = vector.shape_cast %get3A_3 : vector<1x10x2x128xf32> to vector<10x2x128xf32>
    %reduce_sum3A = arith.constant dense<0.000000e+00> : vector<2x128xf32>
    %reduce_sum3A_5 = vector.multi_reduction <add>, %get3A_4, %reduce_sum3A [0] : vector<10x2x128xf32> to vector<2x128xf32>
    %slice3A = vector.extract_strided_slice %reduce_sum3A_5 {offsets = [0, 0], sizes = [1, 128], strides = [1, 1]} : vector<2x128xf32> to vector<1x128xf32>
    %squeeze3A = vector.shape_cast %slice3A : vector<1x128xf32> to vector<128xf32>
    %mul3A = arith.constant 9.99999974E-5 : f32
    %mul3A_6 = vector.broadcast %mul3A : f32 to vector<128xf32>
    %mul3A_7 = arith.mulf %squeeze3A, %mul3A_6 : vector<128xf32>
    %slice3A_8 = vector.extract_strided_slice %reduce_sum3A_5 {offsets = [1, 0], sizes = [1, 128], strides = [1, 1]} : vector<2x128xf32> to vector<1x128xf32>
    %squeeze3A_9 = vector.shape_cast %slice3A_8 : vector<1x128xf32> to vector<128xf32>
    %mul3A_10 = arith.constant 9.99999974E-5 : f32
    %mul3A_11 = vector.broadcast %mul3A_10 : f32 to vector<128xf32>
    %mul3A_12 = arith.mulf %squeeze3A_9, %mul3A_11 : vector<128xf32>
    %mul3A_13 = arith.mulf %mul3A_7, %mul3A_7 : vector<128xf32>
    %sub3A = arith.subf %mul3A_12, %mul3A_13 : vector<128xf32>
    %add3A = arith.constant 9.99999974E-6 : f32
    %add3A_14 = vector.broadcast %add3A : f32 to vector<128xf32>
    %add3A_15 = arith.addf %sub3A, %add3A_14 : vector<128xf32>
    %rsqrt3A = math.rsqrt %add3A_15 : vector<128xf32>
    %get3A_16 = arith.constant 0 : index
    %get3A_17 = arith.constant 0 : index
    %get3A_18 = arith.constant 0 : index
    %get3A_19 = vector.load %arg3[%get3A_16, %get3A_17, %get3A_18] : memref<1x1x128xf32, #tpu.memory_space<vmem>>, vector<1x1x128xf32>
    %get3A_20 = vector.shape_cast %get3A_19 : vector<1x1x128xf32> to vector<128xf32>
    %mul3A_21 = arith.mulf %get3A_20, %rsqrt3A : vector<128xf32>
    %mul3A_22 = arith.constant 7.812500e-03 : f32
    %mul3A_23 = vector.broadcast %mul3A_22 : f32 to vector<128xf32>
    %mul3A_24 = arith.mulf %mul3A_21, %mul3A_23 : vector<128xf32>
    %get3A_25 = arith.constant 0 : index
    %get3A_26 = arith.constant 0 : index
    %get3A_27 = arith.constant 0 : index
    %get3A_28 = vector.load %arg4[%get3A_25, %get3A_26, %get3A_27] : memref<1x1x128xf32, #tpu.memory_space<vmem>>, vector<1x1x128xf32>
    %get3A_29 = vector.shape_cast %get3A_28 : vector<1x1x128xf32> to vector<128xf32>
    %reduce_sum3A_30 = vector.shape_cast %get3A_29 : vector<128xf32> to vector<1x128xf32>
    %reduce_sum3A_31 = arith.constant dense<0.000000e+00> : vector<1xf32>
    %reduce_sum3A_32 = vector.multi_reduction <add>, %reduce_sum3A_30, %reduce_sum3A_31 [1] : vector<1x128xf32> to vector<1xf32>
    %reduce_sum3A_33 = vector.shape_cast %reduce_sum3A_32 : vector<1xf32> to vector<1x1xf32>
    %reduce_sum3A_34 = vector.extract %reduce_sum3A_33[0, 0] : f32 from vector<1x1xf32>
    %mul3A_35 = arith.constant 7.812500e-03 : f32
    %mul3A_36 = arith.mulf %reduce_sum3A_34, %mul3A_35 : f32
    %mul3A_37 = arith.mulf %mul3A_7, %mul3A_24 : vector<128xf32>
    %reduce_sum3A_38 = vector.shape_cast %mul3A_37 : vector<128xf32> to vector<1x128xf32>
    %reduce_sum3A_39 = arith.constant dense<0.000000e+00> : vector<1xf32>
    %reduce_sum3A_40 = vector.multi_reduction <add>, %reduce_sum3A_38, %reduce_sum3A_39 [1] : vector<1x128xf32> to vector<1xf32>
    %reduce_sum3A_41 = vector.shape_cast %reduce_sum3A_40 : vector<1xf32> to vector<1x1xf32>
    %reduce_sum3A_42 = vector.extract %reduce_sum3A_41[0, 0] : f32 from vector<1x1xf32>
    %sub3A_43 = arith.subf %mul3A_36, %reduce_sum3A_42 : f32
    %get3A_44 = arith.constant 0 : index
    %get3A_45 = arith.constant 0 : index
    %get3A_46 = arith.constant 0 : index
    %get3A_47 = vector.load %arg1[%get3A_44, %get3A_45, %get3A_46] : memref<1x10000x128xf32, #tpu.memory_space<vmem>>, vector<1x10000x128xf32>
    %get3A_48 = vector.shape_cast %get3A_47 : vector<1x10000x128xf32> to vector<10000x128xf32>
    %broadcast_in_dim3A = vector.shape_cast %mul3A_24 : vector<128xf32> to vector<1x128xf32>
    %mul3A_49 = vector.broadcast %broadcast_in_dim3A : vector<1x128xf32> to vector<10000x128xf32>
    %mul3A_50 = arith.mulf %get3A_48, %mul3A_49 : vector<10000x128xf32>
    %reduce_sum3A_51 = arith.constant dense<0.000000e+00> : vector<10000xf32>
    %reduce_sum3A_52 = vector.multi_reduction <add>, %mul3A_50, %reduce_sum3A_51 [1] : vector<10000x128xf32> to vector<10000xf32>
    %add3A_53 = vector.broadcast %sub3A_43 : f32 to vector<10000xf32>
    %add3A_54 = arith.addf %reduce_sum3A_52, %add3A_53 : vector<10000xf32>
    %swap3A = arith.constant 0 : index
    %swap3A_55 = arith.constant 0 : index
    %swap3A_56 = arith.constant 0 : index
    %swap3A_57 = vector.load %arg5[%swap3A, %swap3A_55, %swap3A_56] : memref<1x1x10000xf32, #tpu.memory_space<vmem>>, vector<1x1x10000xf32>
    %swap3A_58 = vector.shape_cast %swap3A_57 : vector<1x1x10000xf32> to vector<10000xf32>
    %swap3A_59 = vector.shape_cast %add3A_54 : vector<10000xf32> to vector<1x1x10000xf32>
    tpu.vector_store %arg5[%swap3A, %swap3A_55, %swap3A_56], %swap3A_59 {strides = array<i32>} : memref<1x1x10000xf32, #tpu.memory_space<vmem>>, vector<1x1x10000xf32>,
    return
  }
  func.func @transform_0(%arg0: i32) -> (i32, i32, i32) {
    %c0_i32 = arith.constant 0 : i32
    %c0_i32_0 = arith.constant 0 : i32
    %c0_i32_1 = arith.constant 0 : i32
    return %arg0, %c0_i32, %c0_i32_0 : i32, i32, i32
  }
  func.func @transform_1(%arg0: i32) -> (i32, i32, i32, i32) {
    %c0_i32 = arith.constant 0 : i32
    %c0_i32_0 = arith.constant 0 : i32
    %c0_i32_1 = arith.constant 0 : i32
    %c0_i32_2 = arith.constant 0 : i32
    return %arg0, %c0_i32, %c0_i32_0, %c0_i32_1 : i32, i32, i32, i32
  }
  func.func @transform_2(%arg0: i32) -> (i32, i32, i32) {
    %c0_i32 = arith.constant 0 : i32
    %c0_i32_0 = arith.constant 0 : i32
    %c0_i32_1 = arith.constant 0 : i32
    return %arg0, %c0_i32, %c0_i32_0 : i32, i32, i32
  }
  func.func @transform_3(%arg0: i32) -> (i32, i32, i32) {
    %c0_i32 = arith.constant 0 : i32
    %c0_i32_0 = arith.constant 0 : i32
    %c0_i32_1 = arith.constant 0 : i32
    return %arg0, %c0_i32, %c0_i32_0 : i32, i32, i32
  }
  func.func @transform_4(%arg0: i32) -> (i32, i32, i32) {
    %c0_i32 = arith.constant 0 : i32
    %c0_i32_0 = arith.constant 0 : i32
    %c0_i32_1 = arith.constant 0 : i32
    return %arg0, %c0_i32, %c0_i32_0 : i32, i32, i32
  }
}

</mosaic_0001>

<sc_bundles>
// kernel: kernel.13.cloned.1.call-start
scs
__scs_entry_jumppad:
0x0: {  	(pc) =	sbr.rel $0x88, $3  }
0x1: {  	(tag) =	ssettag $0x0;
	lr =	simm.s32 $0x1  }
0x2: {  	[smem:$0x3F62] =	sst lr;
	_ =	strace $0xD0000000  }
0x3: {  	_ = 	snop  }
0x4: {  	_ = 	snop  }
0x5: {  	_ = 	snop  }
0x6: {  	_ = 	snop  }
0x7: {  	_ = 	snop  }
__scs_overlays_trampoline_lowered:
0x8: {  	[smem:$0x3F71] =	sst s0  }
0x9: {  	[smem:$0x3F72] =	sst s1  }
0xa: {  	[smem:$0x3F73] =	sst s2  }
0xb: {  	[smem:$0x3F74] =	sst s3  }
0xc: {  	[smem:$0x3F75] =	sst s4  }
0xd: {  	[smem:$0x3F76] =	sst s5  }
0xe: {  	[smem:$0x3F77] =	sst s6  }
0xf: {  	[smem:$0x3F78] =	sst s7  }
0x10: {  	[smem:$0x3F79] =	sst s8  }
0x11: {  	[smem:$0x3F7A] =	sst s9;
	s0 =	simm.s32 @!p0 $0x0  }
0x12: {  	s1 =	sld [smem:$0x3F60];
	s0 =	simm.s32 @p0 $0x1  }
0x13: {  	[smem:$0x3F7B] =	sst s0;
	s0 =	simm.s32 @!p1 $0x0  }
0x14: {  	s2 =	sld [smem:$0x3F5F];
	s0 =	simm.s32 @p1 $0x1  }
0x15: {  	[smem:$0x3F7C] =	sst s0;
	s0 =	simm.s32 @!p2 $0x0  }
0x16: {  	s3 =	sld [smem:$0x3FDB];
	s0 =	simm.s32 @p2 $0x1  }
0x17: {  	s4 =	simm.s32 $0x1BF5;
	[smem:$0x3F7E] =	sst s0  }
0x18: {  	s0 =	sld [smem:$0x3F61];
	_ =	swait.ge [sflag:s4], $0x0  }
0x19: {  	s7 =	sld [smem:$0x3F62]  }
0x1a: {  	s8 =	sadd.s32 $0xFFFFE003, lr  }
0x1b: {  	s9 =	sadd.s32 $0xFFFFFEF7, lr;
	s5 =	simm.s32 $0xFFFFFFFF;
	p2 =	slt.u32 s8, $0xFFFFF086  }
0x1c: {  	p1 =	slt.u32 s9, $0xF7A;
	s5 =	simm.s32 @!p2 $0x0  }
0x1d: {  	s5 =	simm.s32 @p1 $0x1;
	p0 =	seq.s32 s7, s2  }
0x1e: {  	s7 =	smul.u32 @!p0 $0xF7A, s2;
	p2 =	seq.s32 @!p0 s5, $0x0  }
0x1f: {  	s9 =	smul.u32 $0xF7A, s1;
	s8 =	simm.s32 @!p0 $0x1BF5;
	p2 =	por !p2, p0  }
0x20: {  	[sflag:s8] =	ssyncset.s32 @!p0 $0xFFFFF086;
	s6 =	sadd.s32 @!p0 s3, s7;
	s7 =	simm.s32 @!p0 $0x108  }
0x21: {  	s3 =	sadd.s32 s3, s9;
	s6 =	sadd.s32 @!p0 $0x88, s6;
	s7 =	simm.s32 @p2 $0x1082  }
0x22: {  	[simem:s7], [sflag:s8] =	dma.local @!p0 [hbm:s6], $0xF7A  }
0x23: {  	s9 =	sor.u32 $0xD0000000, s2;
	s6 =	simm.s32 $0x108;
	_ =	swait.ge @!p0 [sflag:s8], $0x0  }
0x24: {  	s3 =	sadd.s32 $0x88, s3;
	s6 =	simm.s32 @!p1 $0x1082;
	[sflag:s4] =	ssyncset.s32 $0xFFFFF086  }
0x25: {  	[simem:s6], [sflag:s4] =	dma.local [hbm:s3], $0xF7A  }
0x26: {  	[smem:$0x3F62] =	sst s1;
	(tag) =	ssettag s2;
	_ =	strace s9  }
0x27: {  	s1 =	sld [smem:$0x3F72]  }
0x28: {  	s2 =	sld [smem:$0x3F73]  }
0x29: {  	s4 =	sld [smem:$0x3F75]  }
0x2a: {  	p0 =	seq.s32 s5, $0x0;
	s5 =	sld [smem:$0x3F76]  }
0x2b: {  	s6 =	sld [smem:$0x3F77]  }
0x2c: {  	s7 =	sld [smem:$0x3F78]  }
0x2d: {  	s3 =	simm.s32 $0x108;
	s8 =	sld [smem:$0x3F79]  }
0x2e: {  	s3 =	simm.s32 @!p0 $0x1082;
	s9 =	sld [smem:$0x3F7A]  }
0x2f: {  	lr =	sadd.s32 s0, s3;
	s0 =	sld [smem:$0x3F71]  }
0x30: {  	s3 =	sld [smem:$0x3F74]  }
0x31: {  	[smem:$0x3F7D] =	sst s10  }
0x32: {  	s10 =	sld [smem:$0x3F7B];
	_ =	sdelay $0x3  }
0x33: {  	p0 =	seq.s32 s10, $0x1;
	s10 =	sld [smem:$0x3F7D];
	_ =	sdelay $0x3  }
0x34: {  	[smem:$0x3F7D] =	sst s10  }
0x35: {  	s10 =	sld [smem:$0x3F7C];
	_ =	sdelay $0x3  }
0x36: {  	p1 =	seq.s32 s10, $0x1;
	s10 =	sld [smem:$0x3F7D];
	_ =	sdelay $0x3  }
0x37: {  	[smem:$0x3F7D] =	sst s10  }
0x38: {  	s10 =	sld [smem:$0x3F7E]  }
0x39: {  	_ = 	snop;
	(pc) =	sbr.ind lr, $3  }
0x3a: {  	_ = 	snop  }
0x3b: {  	_ = 	snop  }
0x3c: {  	p2 =	seq.s32 s10, $0x1;
	s10 =	sld [smem:$0x3F7D]  }
0x3d: {  	_ =	shalt  }
0x3e: {  	_ =	shalt  }
0x3f: {  	_ =	shalt  }
0x40: {  	_ =	shalt  }
0x41: {  	_ =	shalt  }
0x42: {  	_ =	shalt  }
0x43: {  	_ =	shalt  }
0x44: {  	_ =	shalt  }
0x45: {  	_ =	shalt  }
0x46: {  	_ =	shalt  }
0x47: {  	_ =	shalt  }
0x48: {  	_ =	shalt  }
0x49: {  	_ =	shalt  }
0x4a: {  	_ =	shalt  }
0x4b: {  	_ =	shalt  }
0x4c: {  	_ =	shalt  }
0x4d: {  	_ =	shalt  }
0x4e: {  	_ =	shalt  }
0x4f: {  	_ =	shalt  }
0x50: {  	_ =	shalt  }
0x51: {  	_ =	shalt  }
0x52: {  	_ =	shalt  }
0x53: {  	_ =	shalt  }
0x54: {  	_ =	shalt  }
0x55: {  	_ =	shalt  }
0x56: {  	_ =	shalt  }
0x57: {  	_ =	shalt  }
0x58: {  	_ =	shalt  }
0x59: {  	_ =	shalt  }
0x5a: {  	_ =	shalt  }
0x5b: {  	_ =	shalt  }
0x5c: {  	_ =	shalt  }
0x5d: {  	_ =	shalt  }
0x5e: {  	_ =	shalt  }
0x5f: {  	_ =	shalt  }
0x60: {  	_ =	shalt  }
0x61: {  	_ =	shalt  }
0x62: {  	_ =	shalt  }
0x63: {  	_ =	shalt  }
0x64: {  	_ =	shalt  }
0x65: {  	_ =	shalt  }
0x66: {  	_ =	shalt  }
0x67: {  	_ =	shalt  }
0x68: {  	_ =	shalt  }
0x69: {  	_ =	shalt  }
0x6a: {  	_ =	shalt  }
0x6b: {  	_ =	shalt  }
0x6c: {  	_ =	shalt  }
0x6d: {  	_ =	shalt  }
0x6e: {  	_ =	shalt  }
0x6f: {  	_ =	shalt  }
0x70: {  	_ =	shalt  }
0x71: {  	_ =	shalt  }
0x72: {  	_ =	shalt  }
0x73: {  	_ =	shalt  }
0x74: {  	_ =	shalt  }
0x75: {  	_ =	shalt  }
0x76: {  	_ =	shalt  }
0x77: {  	_ =	shalt  }
0x78: {  	_ =	shalt  }
0x79: {  	_ =	shalt  }
0x7a: {  	_ =	shalt  }
0x7b: {  	_ =	shalt  }
0x7c: {  	_ =	shalt  }
0x7d: {  	_ =	shalt  }
0x7e: {  	_ =	shalt  }
0x7f: {  	_ =	shalt  }
0x80: {  	_ =	shalt  }
0x81: {  	_ =	shalt  }
0x82: {  	_ =	shalt  }
0x83: {  	_ =	shalt  }
0x84: {  	_ =	shalt  }
0x85: {  	_ =	shalt  }
0x86: {  	_ =	shalt  }
0x87: {  	_ =	shalt  }
.Lfunc_end0:
.L_simem_size_0:
called_computation_lowered:
.L_overlay_start_0:
0x88: {  	s2 =	sld [smem:$0x3FD9]  }
0x89: {  	s3 =	sld [smem:$0x3FFE];
	_ =	sdelay $0x1  }
0x8a: {  	s1 =	srdreg.scid  }
0x8b: {  	s0 =	sand.u32 $0x1, s1  }
0x8c: {  	s16 =	sshll.u32 s0, $0xA;
	s2 =	sadd.s32 s3, s2  }
0x8d: {  	s2 =	sadd.s32 s2, s16  }
0x8e: {  	[smem:$0x3F89] =	sst s2  }
0x8f: {  	_ = 	snop  }
0x90: {  	(tm) =	ssettm $0x1  }
0x91: {  	s17 =	sld [smem:$0x3FFB];
	_ =	sdelay $0x3  }
0x92: {  	_ =	strace s17  }
0x93: {  	s2 =	sld [smem:$0x3FFC];
	_ =	sdelay $0x3  }
0x94: {  	_ =	strace s2  }
0x95: {  	s2 =	sld [smem:$0x3FFD];
	_ =	sdelay $0x3  }
0x96: {  	_ =	strace s2  }
0x97: {  	_ =	strace $0x8FFFFFFF  }
0x98: {  	s18 =	sld [smem:$0x3FDB];
	_ =	sdelay $0x1  }
0x99: {  	s19 =	simm.s32 $_scs_section_size  }
0x9a: {  	s4 =	simm.s32 $_size__tile_overlayer_lowered;
	s5 =	simm.s32 $_tile_overlayer_lowered  }
0x9b: {  	s22 =	simm.s32 $0x1BFF;
	s21 =	sshll.u32 s5, $0x1;
	s2 =	sadd.s32 s19, s18  }
0x9c: {  	s6 =	simm.s32 $0x0;
	s20 =	sshll.u32 s4, $0x1;
	s4 =	sadd.s32 s21, s2  }
0x9d: {  	[timem:s6], [sflag:s22] =	dma.local [hbm:s4], s20  }
0x9e: {  	_ =	swait.ge [sflag:s22], s20  }
0x9f: {  	s3 =	ssub.s32 $0x0, s20;
	[sflag:s22] =	ssyncset.done $0x0  }
0xa0: {  	[sflag:s22] =	ssyncadd.s32 s3;
	_ =	sdelay $0x1  }
0xa1: {  	s23 =	simm.s32 $0x1B8B  }
0xa2: {  	_ =	swait.ge [sflag:s23], $0x1  }
0xa3: {  	[sflag:s23] =	ssyncset.done $0x0  }
0xa4: {  	s25 =	simm.s32 $0x1B8E;
	s24 =	sld [smem:$0x3FFE];
	[sflag:s23] =	ssyncadd.s32 $0xFFFFFFFF  }
0xa5: {  	s26 =	simm.s32 $execute0_lowered;
	[smem:$0x3FD2] =	sst s25  }
0xa6: {  	s4 =	sshll.u32 s26, $0x1;
	_ =	strace $0x80000046;
	[dreg:$0x1] =	wrdreg $0xFFFFFFFF  }
0xa7: {  	s28 =	simm.s32 $_size_execute0_lowered;
	s2 =	sadd.s32 s2, s4;
	[dreg:$0x0] =	wrdreg $0x0  }
0xa8: {  	s4 =	sshll.u32 s28, $0x1;
	[dreg:$0x2] =	wrdreg s2  }
0xa9: {  	[dreg:$0x3] =	wrdreg s4  }
0xaa: {  	[dreg:$0x4] =	wrdreg $0xC0  }
0xab: {  	_ =	task [dreg:s6], $0x5FFFF  }
0xac: {  	[dreg:$0x1] =	wrdreg $0xFFFFFFFF  }
0xad: {  	[dreg:$0x0] =	wrdreg $0x60  }
0xae: {  	[dreg:$0x2] =	wrdreg s24  }
0xaf: {  	[dreg:$0x3] =	wrdreg $0xB7800  }
0xb0: {  	[dreg:$0x4] =	wrdreg $0x9  }
0xb1: {  	_ =	task.clear_ibuf [dreg:s6], $0x5FFFF;
	_ =	strace $0x90000046  }
0xb2: {  	s29 =	simm.s32 $0x9;
	_ =	strace $0x80000048  }
0xb3: {  	_ =	swait.ge [sflag:s29], $0x1  }
0xb4: {  	[sflag:s29] =	ssyncadd.s32 $0xFFFFFFFF  }
0xb5: {  	_ =	strace $0x90000048  }
0xb6: {  	_ =	sfence  }
0xb7: {  	s30 =	sld [smem:$0x0];
	_ =	sdelay $0x2  }
0xb8: {  	s31 =	sshll.u32 s1, $0xD;
	s1 =	sshrl.u32 s1, $0x2  }
0xb9: {  	s3 =	sand.u32 $0x4000, s31;
	s1 =	sadd.s32 s1, s30  }
0xba: {  	s0 =	sor.u32 s3, s0;
	s1 =	sshll.u32 s1, $0x11  }
0xbb: {  	s0 =	sor.u32 s1, s0  }
0xbc: {  	s0 =	sadd.s32 $0x8F2B, s0  }
0xbd: {  	[sflag:s0] =	ssyncadd.remote.s32 $0x1  }
0xbe: {  	_ =	sfence.sel $0xFFFF  }
0xbf: {  	[dreg:$0x0] =	wrdreg $0xFFFFFFFF;
	(pc) =	sbr.abs _section_cstart, $3  }
0xc0: {  	[dreg:$0x1] =	wrdreg $0xFFFFFFFF  }
0xc1: {  	_ =	task.clear_ibuf [dreg:s6], $0x2FFFF;
	_ =	strace $0x9FFFFFFF  }
0xc2: {  	(tm) =	ssettm $0x7FFFFFFF  }
0xc3: {  	_ =	shalt  }
tec
execute0_lowered:
.L_overlay_start_1:
0x0: {  	(tag) =	ssettag $0x1  }
0x1: {  	s0 =	rddreg [dreg:$0x0]  }
0x2: {  	s2 =	rddreg [dreg:$0x1]  }
0x3: {  	s1 =	srdreg.scid;
	s3 =	simm.s32 $0x0;
	s12 =	stileid.u32  }
0x4: {  	s28 =	simm.s32 $0x3;
	s29 =	simm.s32 $0x80;
	s30 =	simm.s32 $0x400  }
0x5: {  	s31 =	simm.s32 $0x2780;
	s1 =	sand.u32 $0x1, s1;
	[smem:$0x7FF] =	sst s3  }
0x6: {  	s5 =	sshll.u32 s12, $0xB;
	s6 =	sadd.s32 $0x2B000, s0;
	s18 =	smul.u32 $0x2800, s12  }
0x7: {  	s7 =	sshrl.u32 s12, $0x3;
	s11 =	sshll.u32 s12, $0x7;
	s20 =	smul.u32 $0x50, s12  }
0x8: {  	s4 =	sshll.u32 s1, $0x10;
	_ =	strace $0x80000047;
	s8 =	smul.u32 $0x4F000, s1  }
0x9: {  	s9 =	ssub.s32 $0x2, s1;
	s7 =	smul.u32 $0x13C00, s7;
	s11 =	sand.u32 $0x380, s11  }
0xa: {  	s1 =	smul.u32 $0x138800, s1;
	s4 =	sor.u32 s5, s4;
	s10 =	sshrl.u32 s9, $0x1  }
0xb: {  	s25 =	sshll.u32 s20, $0x7;
	s5 =	sadd.s32 s4, s0;
	s4 =	sadd.s32 $0x3EC00, s0  }
0xc: {  	s0 =	sadd.s32 $0x8CE00, s0;
	s7 =	sadd.s32 s8, s7;
	s8 =	ssub.s32 s9, s10  }
0xd: {  	s9 =	sadd.s32 s1, s18;
	s21 =	sadd.s32 $0x78000, s25;
	s22 =	sadd.s32 $0xA0000, s25  }
0xe: {  	s23 =	sadd.s32 $0xC8000, s25;
	s7 =	sor.u32 s11, s7;
	s24 =	sshrl.u32 s9, $0x3  }
0xf: {  	s9 =	sadd.s32 $0x28000, s25;
	s11 =	smin.u32 s20, $0x3C0;
	s15 =	sadd.s32 s1, s21  }
0x10: {  	s21 =	sadd.s32 s21, s2;
	s19 =	sshrl.u32 s7, $0x3;
	s7 =	sadd.s32 $0x27800, s7  }
0x11: {  	s26 =	sadd.s32 s1, s9;
	s11 =	sshll.u32 s11, $0x7;
	s16 =	sshrl.u32 s15, $0x3  }
0x12: {  	s15 =	sadd.s32 $0xB000, s5;
	s10 =	sadd.s32 s6, s19;
	s7 =	sshrl.u32 s7, $0x3  }
0x13: {  	s19 =	sadd.s32 s1, s23;
	s23 =	sadd.s32 s23, s2;
	[dreg:$0x3] =	wrdreg s10  }
0x14: {  	s6 =	sadd.s32 s6, s7;
	s10 =	sadd.s32 $0x50000, s25;
	s7 =	sadd.s32 $0xF0000, s25  }
0x15: {  	s25 =	sadd.s32 $0x118000, s11;
	[dreg:$0x4] =	wrdreg s6;
	s6 =	sadd.s32 s0, s24  }
0x16: {  	s14 =	sadd.s32 s1, s10;
	s20 =	sadd.s32 s1, s7;
	[dreg:$0x5] =	wrdreg s6  }
0x17: {  	s6 =	smul.u32 $0xA000, s12;
	s12 =	sshrl.u32 s26, $0x3;
	s11 =	sshrl.u32 s14, $0x3  }
0x18: {  	s13 =	sadd.s32 s0, s12;
	s11 =	sadd.s32 s0, s11;
	s12 =	sshrl.u32 s19, $0x3  }
0x19: {  	s19 =	sadd.s32 s9, s2;
	[dreg:$0x6] =	wrdreg s13;
	s13 =	sadd.s32 s1, s22  }
0x1a: {  	[dreg:$0x7] =	wrdreg s11;
	s11 =	sadd.s32 s0, s16;
	s1 =	sadd.s32 s1, s25  }
0x1b: {  	s24 =	sadd.s32 s0, s12;
	s16 =	sadd.s32 $0x13000, s5;
	s26 =	sshrl.u32 s6, $0x2  }
0x1c: {  	s22 =	sadd.s32 s22, s2;
	s25 =	sadd.s32 s25, s2;
	s5 =	simm.s32 $0x1  }
0x1d: {  	s6 =	simm.s32 $0x2;
	s17 =	sshrl.u32 s13, $0x3;
	[dreg:$0x8] =	wrdreg s11  }
0x1e: {  	[dreg:$0xa] =	wrdreg s24;
	s13 =	sshrl.u32 s20, $0x3;
	s1 =	sshrl.u32 s1, $0x3  }
0x1f: {  	s20 =	sadd.s32 s10, s2;
	s24 =	sadd.s32 s7, s2;
	s7 =	simm.s32 $0x6580  }
0x20: {  	s18 =	sadd.s32 s0, s17;
	s13 =	sadd.s32 s0, s13;
	s14 =	sadd.s32 s0, s1  }
0x21: {  	s17 =	smax.u32 s8, $0x1;
	s0 =	simm.s32 $0x50;
	s1 =	simm.s32 $0x8F80  }
0x22: {  	v0 =	vimm.f32 $0.0e+00;
	[dreg:$0x9] =	wrdreg s18;
	s18 =	sadd.s32 s26, s2;
	s26 =	simm.s32 $0x6780  }
.LBB2_1:
0x23: {  	s8 =	simm.s32 $0x0;
	s9 =	simm.s32 $0x200  }
.LBB2_2:
0x24: {  	p0 =	sne.s32 s9, $0x9E00;
	[tilespmem:s8+$0x67F0] =	vst v0  }
0x25: {  	[tilespmem:s8+$0x6780] =	vst v0  }
0x26: {  	[tilespmem:s8+$0x6790] =	vst v0  }
.Ltmp0:
0x27: {  	[tilespmem:s8+$0x67A0] =	vst v0;
	(pc) =	sbr.rel @p0 .LBB2_2-.Ltmp0, $4  }
0x28: {  	[tilespmem:s8+$0x67B0] =	vst v0  }
0x29: {  	[tilespmem:s8+$0x67C0] =	vst v0  }
0x2a: {  	[tilespmem:s8+$0x67D0] =	vst v0  }
0x2b: {  	[tilespmem:s8+$0x67E0] =	vst v0;
	s8 =	sshra.s32 s9, $0x2;
	s9 =	sadd.s32 $0x200, s9  }
0x2c: {  	[tilespmem:s8+$0x67F0] =	vst v0  }
0x2d: {  	[tilespmem:s8+$0x6780] =	vst v0  }
0x2e: {  	[tilespmem:s8+$0x6790] =	vst v0  }
0x2f: {  	[tilespmem:s8+$0x67A0] =	vst v0  }
0x30: {  	[tilespmem:s8+$0x67B0] =	vst v0  }
0x31: {  	[tilespmem:s8+$0x67C0] =	vst v0  }
0x32: {  	[tilespmem:s8+$0x67D0] =	vst v0  }
0x33: {  	[tilespmem:s8+$0x67E0] =	vst v0  }
0x34: {  	[spmem:s18] =	stream.linear.scatter [tilespmem:s26], [sflag:$0x3], $0x2800, $0x38;
	[tilespmem:$0x1F000] =	vst v63  }
0x35: {  	_ =	swait.ge [sflag:s28], $0x2800  }
0x36: {  	[sflag:s28] =	ssyncset.done $0x0  }
0x37: {  	[sflag:s28] =	ssyncadd.s32 $0xFFFFD800  }
0x38: {  	[spmem:s19] =	stream.linear.scatter [tilespmem:s26], [sflag:$0x3], $0x2800, $0x38;
	[tilespmem:$0x1F000] =	vst v63  }
0x39: {  	_ =	swait.ge [sflag:s28], $0x2800  }
0x3a: {  	[sflag:s28] =	ssyncset.done $0x0  }
0x3b: {  	[sflag:s28] =	ssyncadd.s32 $0xFFFFD800  }
0x3c: {  	[spmem:s20] =	stream.linear.scatter [tilespmem:s26], [sflag:$0x3], $0x2800, $0x38;
	[tilespmem:$0x1F000] =	vst v63  }
0x3d: {  	_ =	swait.ge [sflag:s28], $0x2800  }
0x3e: {  	[sflag:s28] =	ssyncset.done $0x0  }
0x3f: {  	[sflag:s28] =	ssyncadd.s32 $0xFFFFD800  }
0x40: {  	[spmem:s21] =	stream.linear.scatter [tilespmem:s26], [sflag:$0x3], $0x2800, $0x38;
	[tilespmem:$0x1F000] =	vst v63  }
0x41: {  	_ =	swait.ge [sflag:s28], $0x2800  }
0x42: {  	[sflag:s28] =	ssyncset.done $0x0  }
0x43: {  	[sflag:s28] =	ssyncadd.s32 $0xFFFFD800  }
0x44: {  	[spmem:s22] =	stream.linear.scatter [tilespmem:s26], [sflag:$0x3], $0x2800, $0x38;
	[tilespmem:$0x1F000] =	vst v63  }
0x45: {  	_ =	swait.ge [sflag:s28], $0x2800  }
0x46: {  	[sflag:s28] =	ssyncset.done $0x0  }
0x47: {  	[sflag:s28] =	ssyncadd.s32 $0xFFFFD800  }
0x48: {  	[spmem:s23] =	stream.linear.scatter [tilespmem:s26], [sflag:$0x3], $0x2800, $0x38;
	[tilespmem:$0x1F000] =	vst v63  }
0x49: {  	_ =	swait.ge [sflag:s28], $0x2800  }
0x4a: {  	[sflag:s28] =	ssyncset.done $0x0  }
0x4b: {  	[sflag:s28] =	ssyncadd.s32 $0xFFFFD800  }
0x4c: {  	[spmem:s24] =	stream.linear.scatter [tilespmem:s26], [sflag:$0x3], $0x2800, $0x38;
	[tilespmem:$0x1F000] =	vst v63  }
0x4d: {  	_ =	swait.ge [sflag:s28], $0x2800  }
0x4e: {  	[sflag:s28] =	ssyncset.done $0x0  }
0x4f: {  	[sflag:s28] =	ssyncadd.s32 $0xFFFFD800  }
0x50: {  	[spmem:s25] =	stream.linear.scatter [tilespmem:s26], [sflag:$0x3], $0x2800, $0x38;
	[tilespmem:$0x1F000] =	vst v63  }
0x51: {  	_ =	swait.ge [sflag:s28], $0x2800  }
0x52: {  	[sflag:s28] =	ssyncset.done $0x0  }
0x53: {  	[sflag:s28] =	ssyncadd.s32 $0xFFFFD800  }
0x54: {  	[bflag:$0x0] =	sbarrier.arrive $0xFFFF  }
0x55: {  	s12 =	simm.s32 $0x0;
	s9 =	rddreg [dreg:$0x3]  }
0x56: {  	[tilespmem:s12], [sflag:$0x3] =	stream.strided.gather [hbm4b:s9+s29], $0x2780, s30, s29, $0x38;
	[tilespmem:$0x1F000] =	vst v63  }
0x57: {  	_ =	swait.ge [sflag:s28], $0x2780  }
0x58: {  	[sflag:s28] =	ssyncset.done $0x0  }
0x59: {  	[sflag:s28] =	ssyncadd.s32 $0xFFFFD880  }
0x5a: {  	[tilespmem:s31], [sflag:$0x3] =	stream.linear.gather [hbm4b:s15+s12], $0x3E80, $0x38;
	[tilespmem:$0x1F000] =	vst v63  }
0x5b: {  	_ =	swait.ge [sflag:s28], $0x3E80  }
0x5c: {  	[sflag:s28] =	ssyncset.done $0x0  }
0x5d: {  	[sflag:s28] =	ssyncadd.s32 $0xFFFFC180  }
0x5e: {  	[tilespmem:s26], [sflag:$0x1] =	stream.indirect.gather [hbm4b:s4+s0], $0x80, s12, s0, $0xb8;
	[tilespmem:$0x1F000] =	vst v63  }
0x5f: {  	s9 =	simm.s32 $0x50  }
0x60: {  	[tilespmem:s1], [sflag:$0x2] =	stream.indirect.gather [hbm4b:s4+s0], $0x80, s9, s0, $0xb8;
	[tilespmem:$0x1F000] =	vst v63  }
0x61: {  	_ =	swait.ge [sflag:s5], $0x2800  }
0x62: {  	[sflag:s5] =	ssyncset.done $0x0  }
0x63: {  	s10 =	simm.s32 $0x2780;
	[sflag:s5] =	ssyncadd.s32 $0xFFFFD800  }
0x64: {  	[spmem:s2] =	stream.indirect.scatter.add.f32 [tilespmem:s26], [sflag:$0x3], $0x80, s10, s0, $0xb8;
	[tilespmem:$0x1F000] =	vst v63  }
0x65: {  	_ =	swait.ge [sflag:s28], $0x2800  }
0x66: {  	[sflag:s28] =	ssyncset.done $0x0  }
0x67: {  	s11 =	simm.s32 $0xA0;
	[sflag:s28] =	ssyncadd.s32 $0xFFFFD800  }
0x68: {  	[tilespmem:s26], [sflag:$0x1] =	stream.indirect.gather [hbm4b:s4+s0], $0x80, s11, s0, $0xb8;
	[tilespmem:$0x1F000] =	vst v63  }
0x69: {  	_ =	swait.ge [sflag:s6], $0x2800  }
0x6a: {  	[sflag:s6] =	ssyncset.done $0x0  }
0x6b: {  	s12 =	simm.s32 $0x2800;
	[sflag:s6] =	ssyncadd.s32 $0xFFFFD800  }
0x6c: {  	[spmem:s2] =	stream.indirect.scatter.add.f32 [tilespmem:s1], [sflag:$0x3], $0x80, s12, s0, $0xb8;
	[tilespmem:$0x1F000] =	vst v63  }
0x6d: {  	s8 =	simm.s32 $0x140;
	_ =	swait.ge [sflag:s28], $0x2800  }
0x6e: {  	s9 =	simm.s32 $0x400;
	s10 =	simm.s32 $0x800;
	[sflag:s28] =	ssyncset.done $0x0  }
.LBB2_4:
0x6f: {  	p0 =	sne.s32 s10, $0xF400;
	s11 =	sadd.s32 $0xFFFFFFB0, s8;
	[sflag:s28] =	ssyncadd.s32 $0xFFFFD800  }
0x70: {  	[tilespmem:s1], [sflag:$0x2] =	stream.indirect.gather [hbm4b:s4+s0], $0x80, s11, s0, $0xb8;
	[tilespmem:$0x1F000] =	vst v63  }
0x71: {  	s11 =	smov.u32 s10;
	s10 =	sadd.s32 $0x400, s10;
	_ =	swait.ge [sflag:s5], $0x2800  }
0x72: {  	s12 =	sshra.s32 s9, $0x2;
	s9 =	smov.u32 s11;
	[sflag:s5] =	ssyncset.done $0x0  }
0x73: {  	s11 =	sadd.s32 $0x2780, s12;
	[sflag:s5] =	ssyncadd.s32 $0xFFFFD800  }
0x74: {  	[spmem:s2] =	stream.indirect.scatter.add.f32 [tilespmem:s26], [sflag:$0x3], $0x80, s11, s0, $0xb8;
	[tilespmem:$0x1F000] =	vst v63  }
0x75: {  	_ =	swait.ge [sflag:s28], $0x2800  }
0x76: {  	[sflag:s28] =	ssyncset.done $0x0  }
0x77: {  	[sflag:s28] =	ssyncadd.s32 $0xFFFFD800  }
0x78: {  	[tilespmem:s26], [sflag:$0x1] =	stream.indirect.gather [hbm4b:s4+s0], $0x80, s8, s0, $0xb8;
	[tilespmem:$0x1F000] =	vst v63  }
0x79: {  	_ =	swait.ge [sflag:s6], $0x2800  }
.Ltmp1:
0x7a: {  	[sflag:s6] =	ssyncset.done $0x0;
	(pc) =	sbr.rel @p0 .LBB2_4-.Ltmp1, $4  }
0x7b: {  	s11 =	sadd.s32 $0x2800, s12;
	[sflag:s6] =	ssyncadd.s32 $0xFFFFD800  }
0x7c: {  	[spmem:s2] =	stream.indirect.scatter.add.f32 [tilespmem:s1], [sflag:$0x3], $0x80, s11, s0, $0xb8;
	[tilespmem:$0x1F000] =	vst v63  }
0x7d: {  	_ =	swait.ge [sflag:s28], $0x2800  }
0x7e: {  	s8 =	sadd.s32 $0xA0, s8;
	[sflag:s28] =	ssyncset.done $0x0  }
0x7f: {  	s10 =	sadd.s32 $0xFFFFFFB0, s8;
	[sflag:s28] =	ssyncadd.s32 $0xFFFFD800  }
0x80: {  	[tilespmem:s1], [sflag:$0x2] =	stream.indirect.gather [hbm4b:s4+s0], $0x80, s10, s0, $0xb8;
	[tilespmem:$0x1F000] =	vst v63  }
0x81: {  	_ =	swait.ge [sflag:s5], $0x2800  }
0x82: {  	s9 =	sshra.s32 s9, $0x2;
	[sflag:s5] =	ssyncset.done $0x0  }
0x83: {  	s12 =	sadd.s32 $0x2780, s9;
	[sflag:s5] =	ssyncadd.s32 $0xFFFFD800  }
0x84: {  	[spmem:s2] =	stream.indirect.scatter.add.f32 [tilespmem:s26], [sflag:$0x3], $0x80, s12, s0, $0xb8;
	[tilespmem:$0x1F000] =	vst v63  }
0x85: {  	_ =	swait.ge [sflag:s28], $0x2800  }
0x86: {  	[sflag:s28] =	ssyncset.done $0x0  }
0x87: {  	[sflag:s28] =	ssyncadd.s32 $0xFFFFD800  }
0x88: {  	[tilespmem:s26], [sflag:$0x1] =	stream.indirect.gather [hbm4b:s4+s0], $0x80, s8, s0, $0xb8;
	[tilespmem:$0x1F000] =	vst v63  }
0x89: {  	_ =	swait.ge [sflag:s6], $0x2800  }
0x8a: {  	[sflag:s6] =	ssyncset.done $0x0  }
0x8b: {  	s10 =	sadd.s32 $0x2800, s9;
	[sflag:s6] =	ssyncadd.s32 $0xFFFFD800  }
0x8c: {  	[spmem:s2] =	stream.indirect.scatter.add.f32 [tilespmem:s1], [sflag:$0x3], $0x80, s10, s0, $0xb8;
	[tilespmem:$0x1F000] =	vst v63  }
0x8d: {  	_ =	swait.ge [sflag:s28], $0x2800  }
0x8e: {  	[sflag:s28] =	ssyncset.done $0x0  }
0x8f: {  	[sflag:s28] =	ssyncadd.s32 $0xFFFFD800  }
0x90: {  	_ =	swait.ge [sflag:s5], $0x2800  }
0x91: {  	[sflag:s5] =	ssyncset.done $0x0  }
0x92: {  	[sflag:s5] =	ssyncadd.s32 $0xFFFFD800  }
0x93: {  	[spmem:s2] =	stream.indirect.scatter.add.f32 [tilespmem:s26], [sflag:$0x3], $0x80, s7, s0, $0xb8;
	[tilespmem:$0x1F000] =	vst v63  }
0x94: {  	_ =	swait.ge [sflag:s28], $0x2800  }
0x95: {  	[sflag:s28] =	ssyncset.done $0x0  }
0x96: {  	s11 =	simm.s32 $0x0;
	s12 =	rddreg [dreg:$0x4];
	[sflag:s28] =	ssyncadd.s32 $0xFFFFD800  }
0x97: {  	[tilespmem:s11], [sflag:$0x3] =	stream.strided.gather [hbm4b:s12+s29], $0x2780, s30, s29, $0x38;
	[tilespmem:$0x1F000] =	vst v63  }
0x98: {  	_ =	swait.ge [sflag:s28], $0x2780  }
0x99: {  	[sflag:s28] =	ssyncset.done $0x0  }
0x9a: {  	[sflag:s28] =	ssyncadd.s32 $0xFFFFD880  }
0x9b: {  	[tilespmem:s31], [sflag:$0x3] =	stream.linear.gather [hbm4b:s16+s11], $0x3E80, $0x38;
	[tilespmem:$0x1F000] =	vst v63  }
0x9c: {  	_ =	swait.ge [sflag:s28], $0x3E80  }
0x9d: {  	[sflag:s28] =	ssyncset.done $0x0  }
0x9e: {  	[sflag:s28] =	ssyncadd.s32 $0xFFFFC180  }
0x9f: {  	[tilespmem:s26], [sflag:$0x1] =	stream.indirect.gather [hbm4b:s4+s0], $0x80, s11, s0, $0xb8;
	[tilespmem:$0x1F000] =	vst v63  }
0xa0: {  	s9 =	simm.s32 $0x50  }
0xa1: {  	[tilespmem:s1], [sflag:$0x2] =	stream.indirect.gather [hbm4b:s4+s0], $0x80, s9, s0, $0xb8;
	[tilespmem:$0x1F000] =	vst v63  }
0xa2: {  	_ =	swait.ge [sflag:s5], $0x2800  }
0xa3: {  	[sflag:s5] =	ssyncset.done $0x0  }
0xa4: {  	s10 =	simm.s32 $0x2780;
	[sflag:s5] =	ssyncadd.s32 $0xFFFFD800  }
0xa5: {  	[spmem:s2] =	stream.indirect.scatter.add.f32 [tilespmem:s26], [sflag:$0x3], $0x80, s10, s0, $0xb8;
	[tilespmem:$0x1F000] =	vst v63  }
0xa6: {  	_ =	swait.ge [sflag:s28], $0x2800  }
0xa7: {  	[sflag:s28] =	ssyncset.done $0x0  }
0xa8: {  	s11 =	simm.s32 $0xA0;
	[sflag:s28] =	ssyncadd.s32 $0xFFFFD800  }
0xa9: {  	[tilespmem:s26], [sflag:$0x1] =	stream.indirect.gather [hbm4b:s4+s0], $0x80, s11, s0, $0xb8;
	[tilespmem:$0x1F000] =	vst v63  }
0xaa: {  	_ =	swait.ge [sflag:s6], $0x2800  }
0xab: {  	[sflag:s6] =	ssyncset.done $0x0  }
0xac: {  	s12 =	simm.s32 $0x2800;
	[sflag:s6] =	ssyncadd.s32 $0xFFFFD800  }
0xad: {  	[spmem:s2] =	stream.indirect.scatter.add.f32 [tilespmem:s1], [sflag:$0x3], $0x80, s12, s0, $0xb8;
	[tilespmem:$0x1F000] =	vst v63  }
0xae: {  	s8 =	simm.s32 $0x140;
	_ =	swait.ge [sflag:s28], $0x2800  }
0xaf: {  	s9 =	simm.s32 $0x400;
	s10 =	simm.s32 $0x800;
	[sflag:s28] =	ssyncset.done $0x0  }
.LBB2_6:
0xb0: {  	p0 =	sne.s32 s10, $0xF400;
	s11 =	sadd.s32 $0xFFFFFFB0, s8;
	[sflag:s28] =	ssyncadd.s32 $0xFFFFD800  }
0xb1: {  	[tilespmem:s1], [sflag:$0x2] =	stream.indirect.gather [hbm4b:s4+s0], $0x80, s11, s0, $0xb8;
	[tilespmem:$0x1F000] =	vst v63  }
0xb2: {  	s11 =	smov.u32 s10;
	s10 =	sadd.s32 $0x400, s10;
	_ =	swait.ge [sflag:s5], $0x2800  }
0xb3: {  	s12 =	sshra.s32 s9, $0x2;
	s9 =	smov.u32 s11;
	[sflag:s5] =	ssyncset.done $0x0  }
0xb4: {  	s11 =	sadd.s32 $0x2780, s12;
	[sflag:s5] =	ssyncadd.s32 $0xFFFFD800  }
0xb5: {  	[spmem:s2] =	stream.indirect.scatter.add.f32 [tilespmem:s26], [sflag:$0x3], $0x80, s11, s0, $0xb8;
	[tilespmem:$0x1F000] =	vst v63  }
0xb6: {  	_ =	swait.ge [sflag:s28], $0x2800  }
0xb7: {  	[sflag:s28] =	ssyncset.done $0x0  }
0xb8: {  	[sflag:s28] =	ssyncadd.s32 $0xFFFFD800  }
0xb9: {  	[tilespmem:s26], [sflag:$0x1] =	stream.indirect.gather [hbm4b:s4+s0], $0x80, s8, s0, $0xb8;
	[tilespmem:$0x1F000] =	vst v63  }
0xba: {  	_ =	swait.ge [sflag:s6], $0x2800  }
.Ltmp2:
0xbb: {  	[sflag:s6] =	ssyncset.done $0x0;
	(pc) =	sbr.rel @p0 .LBB2_6-.Ltmp2, $4  }
0xbc: {  	s11 =	sadd.s32 $0x2800, s12;
	[sflag:s6] =	ssyncadd.s32 $0xFFFFD800  }
0xbd: {  	[spmem:s2] =	stream.indirect.scatter.add.f32 [tilespmem:s1], [sflag:$0x3], $0x80, s11, s0, $0xb8;
	[tilespmem:$0x1F000] =	vst v63  }
0xbe: {  	_ =	swait.ge [sflag:s28], $0x2800  }
0xbf: {  	s8 =	sadd.s32 $0xA0, s8;
	[sflag:s28] =	ssyncset.done $0x0  }
0xc0: {  	s10 =	sadd.s32 $0xFFFFFFB0, s8;
	[sflag:s28] =	ssyncadd.s32 $0xFFFFD800  }
0xc1: {  	[tilespmem:s1], [sflag:$0x2] =	stream.indirect.gather [hbm4b:s4+s0], $0x80, s10, s0, $0xb8;
	[tilespmem:$0x1F000] =	vst v63  }
0xc2: {  	_ =	swait.ge [sflag:s5], $0x2800  }
0xc3: {  	s9 =	sshra.s32 s9, $0x2;
	[sflag:s5] =	ssyncset.done $0x0  }
0xc4: {  	s12 =	sadd.s32 $0x2780, s9;
	[sflag:s5] =	ssyncadd.s32 $0xFFFFD800  }
0xc5: {  	[spmem:s2] =	stream.indirect.scatter.add.f32 [tilespmem:s26], [sflag:$0x3], $0x80, s12, s0, $0xb8;
	[tilespmem:$0x1F000] =	vst v63  }
0xc6: {  	_ =	swait.ge [sflag:s28], $0x2800  }
0xc7: {  	[sflag:s28] =	ssyncset.done $0x0  }
0xc8: {  	[sflag:s28] =	ssyncadd.s32 $0xFFFFD800  }
0xc9: {  	[tilespmem:s26], [sflag:$0x1] =	stream.indirect.gather [hbm4b:s4+s0], $0x80, s8, s0, $0xb8;
	[tilespmem:$0x1F000] =	vst v63  }
0xca: {  	_ =	swait.ge [sflag:s6], $0x2800  }
0xcb: {  	[sflag:s6] =	ssyncset.done $0x0  }
0xcc: {  	s9 =	sadd.s32 $0x2800, s9;
	[sflag:s6] =	ssyncadd.s32 $0xFFFFD800  }
0xcd: {  	[spmem:s2] =	stream.indirect.scatter.add.f32 [tilespmem:s1], [sflag:$0x3], $0x80, s9, s0, $0xb8;
	[tilespmem:$0x1F000] =	vst v63  }
0xce: {  	_ =	swait.ge [sflag:s28], $0x2800  }
0xcf: {  	[sflag:s28] =	ssyncset.done $0x0  }
0xd0: {  	[sflag:s28] =	ssyncadd.s32 $0xFFFFD800  }
0xd1: {  	_ =	swait.ge [sflag:s5], $0x2800  }
0xd2: {  	[sflag:s5] =	ssyncset.done $0x0  }
0xd3: {  	[sflag:s5] =	ssyncadd.s32 $0xFFFFD800  }
0xd4: {  	[spmem:s2] =	stream.indirect.scatter.add.f32 [tilespmem:s26], [sflag:$0x3], $0x80, s7, s0, $0xb8;
	[tilespmem:$0x1F000] =	vst v63  }
0xd5: {  	_ =	swait.ge [sflag:s28], $0x2800  }
0xd6: {  	[sflag:s28] =	ssyncset.done $0x0  }
0xd7: {  	s10 =	stileid.u32;
	[sflag:s28] =	ssyncadd.s32 $0xFFFFD800  }
0xd8: {  	s8 =	sshll.u32 s10, $0x6;
	[bflag:$0x0] =	sbarrier.arrive $0xFFFF  }
0xd9: {  	s11 =	sshrl.u32 s18, $0x3;
	s8 =	sor.u32 $0x1C03, s8;
	s12 =	rddreg [dreg:$0x5]  }
0xda: {  	[hbm:s12], [sflag:s8] =	dma.local [spmem:s11], $0x500  }
0xdb: {  	_ =	swait.ge [sflag:s28], $0x500  }
0xdc: {  	[sflag:s28] =	ssyncset.done $0x0  }
0xdd: {  	s11 =	sshrl.u32 s19, $0x3;
	s12 =	rddreg [dreg:$0x6];
	[sflag:s28] =	ssyncadd.s32 $0xFFFFFB00  }
0xde: {  	[hbm:s12], [sflag:s8] =	dma.local [spmem:s11], $0x500  }
0xdf: {  	_ =	swait.ge [sflag:s28], $0x500  }
0xe0: {  	[sflag:s28] =	ssyncset.done $0x0  }
0xe1: {  	s11 =	sshrl.u32 s20, $0x3;
	s12 =	rddreg [dreg:$0x7];
	[sflag:s28] =	ssyncadd.s32 $0xFFFFFB00  }
0xe2: {  	[hbm:s12], [sflag:s8] =	dma.local [spmem:s11], $0x500  }
0xe3: {  	_ =	swait.ge [sflag:s28], $0x500  }
0xe4: {  	[sflag:s28] =	ssyncset.done $0x0  }
0xe5: {  	s11 =	sshrl.u32 s21, $0x3;
	s12 =	rddreg [dreg:$0x8];
	[sflag:s28] =	ssyncadd.s32 $0xFFFFFB00  }
0xe6: {  	[hbm:s12], [sflag:s8] =	dma.local [spmem:s11], $0x500  }
0xe7: {  	_ =	swait.ge [sflag:s28], $0x500  }
0xe8: {  	[sflag:s28] =	ssyncset.done $0x0  }
0xe9: {  	s11 =	sshrl.u32 s22, $0x3;
	s12 =	rddreg [dreg:$0x9];
	[sflag:s28] =	ssyncadd.s32 $0xFFFFFB00  }
0xea: {  	[hbm:s12], [sflag:s8] =	dma.local [spmem:s11], $0x500  }
0xeb: {  	_ =	swait.ge [sflag:s28], $0x500  }
0xec: {  	[sflag:s28] =	ssyncset.done $0x0  }
0xed: {  	s11 =	sshrl.u32 s23, $0x3;
	s12 =	rddreg [dreg:$0xa];
	[sflag:s28] =	ssyncadd.s32 $0xFFFFFB00  }
0xee: {  	[hbm:s12], [sflag:s8] =	dma.local [spmem:s11], $0x500  }
0xef: {  	_ =	swait.ge [sflag:s28], $0x500  }
0xf0: {  	[sflag:s28] =	ssyncset.done $0x0  }
0xf1: {  	s11 =	sshrl.u32 s24, $0x3;
	[sflag:s28] =	ssyncadd.s32 $0xFFFFFB00  }
0xf2: {  	[hbm:s13], [sflag:s8] =	dma.local [spmem:s11], $0x500  }
0xf3: {  	s3 =	sadd.s32 $0x1, s3;
	_ =	swait.ge [sflag:s28], $0x500  }
0xf4: {  	p0 =	sne.s32 s3, s17;
	[sflag:s28] =	ssyncset.done $0x0  }
.Ltmp3:
0xf5: {  	s12 =	sshrl.u32 s25, $0x3;
	[sflag:s28] =	ssyncadd.s32 $0xFFFFFB00;
	(pc) =	sbr.rel @p0 .LBB2_1-.Ltmp3, $4  }
0xf6: {  	[hbm:s14], [sflag:s8] =	dma.local [spmem:s12], $0x500  }
0xf7: {  	_ =	swait.ge [sflag:s28], $0x500  }
0xf8: {  	[sflag:s28] =	ssyncset.done $0x0  }
0xf9: {  	[sflag:s28] =	ssyncadd.s32 $0xFFFFFB00  }
0xfa: {  	_ =	sfence.sel $0x180000  }
0xfb: {  	[bflag:$0x0] =	sbarrier.arrive $0xFFFF  }
0xfc: {  	_ =	strace $0x90000047  }
0xfd: {  	s0 =	stileid.u32;
	[bflag:$0x2] =	sbarrier.arrive $0xFFFF  }
0xfe: {  	p0 =	sne.s32 s0, $0x0;
	s0 =	rddreg [dreg:$0x2]  }
0xff: {  	s0 =	sadd.s32 @!p0 $0x100000, s0  }
0x100: {  	[sflag:s0] =	ssyncadd.tile.s32 @!p0 $0x1;
	_ =	shalt  }
.Lfunc_end2:
_tile_overlayer_lowered:
.L_overlay_start_2:
0x101: {  	(tag) =	ssettag $0x2  }
0x102: {  	s0 =	rddreg [dreg:$0x0];
	s2 =	stileid.u32  }
0x103: {  	s1 =	rddreg [dreg:$0x1];
	p0 =	sne.s32 s2, $0x0  }
0x104: {  	s3 =	rddreg [dreg:$0x2];
	[bflag:$0x3] =	sbarrier.arrive $0xFFFF;
	s2 =	simm.s32 @!p0 $0x1C03  }
0x105: {  	[timem:s3], [sflag:s2] =	dma.local @!p0 [hbm:s0], s1  }
0x106: {  	s0 =	simm.s32 @!p0 $0x3  }
0x107: {  	_ =	swait.ge @!p0 [sflag:s0], s1  }
0x108: {  	s1 =	ssub.s32 @!p0 $0x0, s1;
	[sflag:s0] =	ssyncset.done @!p0 $0x0  }
0x109: {  	[sflag:s0] =	ssyncadd.s32 @!p0 s1  }
0x10a: {  	[bflag:$0x3] =	sbarrier.arrive $0xFFFF  }
0x10b: {  	_ =	shalt  }

// kernel: kernel.16.cloned.1.call-start
scs
__scs_entry_jumppad:
0x0: {  	(pc) =	sbr.rel $0x88, $3  }
0x1: {  	(tag) =	ssettag $0x0;
	lr =	simm.s32 $0x1  }
0x2: {  	[smem:$0x3F62] =	sst lr;
	_ =	strace $0xD0000000  }
0x3: {  	_ = 	snop  }
0x4: {  	_ = 	snop  }
0x5: {  	_ = 	snop  }
0x6: {  	_ = 	snop  }
0x7: {  	_ = 	snop  }
__scs_overlays_trampoline_lowered:
0x8: {  	[smem:$0x3F71] =	sst s0  }
0x9: {  	[smem:$0x3F72] =	sst s1  }
0xa: {  	[smem:$0x3F73] =	sst s2  }
0xb: {  	[smem:$0x3F74] =	sst s3  }
0xc: {  	[smem:$0x3F75] =	sst s4  }
0xd: {  	[smem:$0x3F76] =	sst s5  }
0xe: {  	[smem:$0x3F77] =	sst s6  }
0xf: {  	[smem:$0x3F78] =	sst s7  }
0x10: {  	[smem:$0x3F79] =	sst s8  }
0x11: {  	[smem:$0x3F7A] =	sst s9;
	s0 =	simm.s32 @!p0 $0x0  }
0x12: {  	s1 =	sld [smem:$0x3F60];
	s0 =	simm.s32 @p0 $0x1  }
0x13: {  	[smem:$0x3F7B] =	sst s0;
	s0 =	simm.s32 @!p1 $0x0  }
0x14: {  	s2 =	sld [smem:$0x3F5F];
	s0 =	simm.s32 @p1 $0x1  }
0x15: {  	[smem:$0x3F7C] =	sst s0;
	s0 =	simm.s32 @!p2 $0x0  }
0x16: {  	s3 =	sld [smem:$0x3FDB];
	s0 =	simm.s32 @p2 $0x1  }
0x17: {  	s4 =	simm.s32 $0x1BF5;
	[smem:$0x3F7E] =	sst s0  }
0x18: {  	s0 =	sld [smem:$0x3F61];
	_ =	swait.ge [sflag:s4], $0x0  }
0x19: {  	s7 =	sld [smem:$0x3F62]  }
0x1a: {  	s8 =	sadd.s32 $0xFFFFE003, lr  }
0x1b: {  	s9 =	sadd.s32 $0xFFFFFEF7, lr;
	s5 =	simm.s32 $0xFFFFFFFF;
	p2 =	slt.u32 s8, $0xFFFFF086  }
0x1c: {  	p1 =	slt.u32 s9, $0xF7A;
	s5 =	simm.s32 @!p2 $0x0  }
0x1d: {  	s5 =	simm.s32 @p1 $0x1;
	p0 =	seq.s32 s7, s2  }
0x1e: {  	s7 =	smul.u32 @!p0 $0xF7A, s2;
	p2 =	seq.s32 @!p0 s5, $0x0  }
0x1f: {  	s9 =	smul.u32 $0xF7A, s1;
	s8 =	simm.s32 @!p0 $0x1BF5;
	p2 =	por !p2, p0  }
0x20: {  	[sflag:s8] =	ssyncset.s32 @!p0 $0xFFFFF086;
	s6 =	sadd.s32 @!p0 s3, s7;
	s7 =	simm.s32 @!p0 $0x108  }
0x21: {  	s3 =	sadd.s32 s3, s9;
	s6 =	sadd.s32 @!p0 $0x88, s6;
	s7 =	simm.s32 @p2 $0x1082  }
0x22: {  	[simem:s7], [sflag:s8] =	dma.local @!p0 [hbm:s6], $0xF7A  }
0x23: {  	s9 =	sor.u32 $0xD0000000, s2;
	s6 =	simm.s32 $0x108;
	_ =	swait.ge @!p0 [sflag:s8], $0x0  }
0x24: {  	s3 =	sadd.s32 $0x88, s3;
	s6 =	simm.s32 @!p1 $0x1082;
	[sflag:s4] =	ssyncset.s32 $0xFFFFF086  }
0x25: {  	[simem:s6], [sflag:s4] =	dma.local [hbm:s3], $0xF7A  }
0x26: {  	[smem:$0x3F62] =	sst s1;
	(tag) =	ssettag s2;
	_ =	strace s9  }
0x27: {  	s1 =	sld [smem:$0x3F72]  }
0x28: {  	s2 =	sld [smem:$0x3F73]  }
0x29: {  	s4 =	sld [smem:$0x3F75]  }
0x2a: {  	p0 =	seq.s32 s5, $0x0;
	s5 =	sld [smem:$0x3F76]  }
0x2b: {  	s6 =	sld [smem:$0x3F77]  }
0x2c: {  	s7 =	sld [smem:$0x3F78]  }
0x2d: {  	s3 =	simm.s32 $0x108;
	s8 =	sld [smem:$0x3F79]  }
0x2e: {  	s3 =	simm.s32 @!p0 $0x1082;
	s9 =	sld [smem:$0x3F7A]  }
0x2f: {  	lr =	sadd.s32 s0, s3;
	s0 =	sld [smem:$0x3F71]  }
0x30: {  	s3 =	sld [smem:$0x3F74]  }
0x31: {  	[smem:$0x3F7D] =	sst s10  }
0x32: {  	s10 =	sld [smem:$0x3F7B];
	_ =	sdelay $0x3  }
0x33: {  	p0 =	seq.s32 s10, $0x1;
	s10 =	sld [smem:$0x3F7D];
	_ =	sdelay $0x3  }
0x34: {  	[smem:$0x3F7D] =	sst s10  }
0x35: {  	s10 =	sld [smem:$0x3F7C];
	_ =	sdelay $0x3  }
0x36: {  	p1 =	seq.s32 s10, $0x1;
	s10 =	sld [smem:$0x3F7D];
	_ =	sdelay $0x3  }
0x37: {  	[smem:$0x3F7D] =	sst s10  }
0x38: {  	s10 =	sld [smem:$0x3F7E]  }
0x39: {  	_ = 	snop;
	(pc) =	sbr.ind lr, $3  }
0x3a: {  	_ = 	snop  }
0x3b: {  	_ = 	snop  }
0x3c: {  	p2 =	seq.s32 s10, $0x1;
	s10 =	sld [smem:$0x3F7D]  }
0x3d: {  	_ =	shalt  }
0x3e: {  	_ =	shalt  }
0x3f: {  	_ =	shalt  }
0x40: {  	_ =	shalt  }
0x41: {  	_ =	shalt  }
0x42: {  	_ =	shalt  }
0x43: {  	_ =	shalt  }
0x44: {  	_ =	shalt  }
0x45: {  	_ =	shalt  }
0x46: {  	_ =	shalt  }
0x47: {  	_ =	shalt  }
0x48: {  	_ =	shalt  }
0x49: {  	_ =	shalt  }
0x4a: {  	_ =	shalt  }
0x4b: {  	_ =	shalt  }
0x4c: {  	_ =	shalt  }
0x4d: {  	_ =	shalt  }
0x4e: {  	_ =	shalt  }
0x4f: {  	_ =	shalt  }
0x50: {  	_ =	shalt  }
0x51: {  	_ =	shalt  }
0x52: {  	_ =	shalt  }
0x53: {  	_ =	shalt  }
0x54: {  	_ =	shalt  }
0x55: {  	_ =	shalt  }
0x56: {  	_ =	shalt  }
0x57: {  	_ =	shalt  }
0x58: {  	_ =	shalt  }
0x59: {  	_ =	shalt  }
0x5a: {  	_ =	shalt  }
0x5b: {  	_ =	shalt  }
0x5c: {  	_ =	shalt  }
0x5d: {  	_ =	shalt  }
0x5e: {  	_ =	shalt  }
0x5f: {  	_ =	shalt  }
0x60: {  	_ =	shalt  }
0x61: {  	_ =	shalt  }
0x62: {  	_ =	shalt  }
0x63: {  	_ =	shalt  }
0x64: {  	_ =	shalt  }
0x65: {  	_ =	shalt  }
0x66: {  	_ =	shalt  }
0x67: {  	_ =	shalt  }
0x68: {  	_ =	shalt  }
0x69: {  	_ =	shalt  }
0x6a: {  	_ =	shalt  }
0x6b: {  	_ =	shalt  }
0x6c: {  	_ =	shalt  }
0x6d: {  	_ =	shalt  }
0x6e: {  	_ =	shalt  }
0x6f: {  	_ =	shalt  }
0x70: {  	_ =	shalt  }
0x71: {  	_ =	shalt  }
0x72: {  	_ =	shalt  }
0x73: {  	_ =	shalt  }
0x74: {  	_ =	shalt  }
0x75: {  	_ =	shalt  }
0x76: {  	_ =	shalt  }
0x77: {  	_ =	shalt  }
0x78: {  	_ =	shalt  }
0x79: {  	_ =	shalt  }
0x7a: {  	_ =	shalt  }
0x7b: {  	_ =	shalt  }
0x7c: {  	_ =	shalt  }
0x7d: {  	_ =	shalt  }
0x7e: {  	_ =	shalt  }
0x7f: {  	_ =	shalt  }
0x80: {  	_ =	shalt  }
0x81: {  	_ =	shalt  }
0x82: {  	_ =	shalt  }
0x83: {  	_ =	shalt  }
0x84: {  	_ =	shalt  }
0x85: {  	_ =	shalt  }
0x86: {  	_ =	shalt  }
0x87: {  	_ =	shalt  }
.Lfunc_end0:
.L_simem_size_0:
called_computation.1_lowered:
.L_overlay_start_0:
0x88: {  	s2 =	sld [smem:$0x3FD9]  }
0x89: {  	s3 =	sld [smem:$0x3FFE];
	_ =	sdelay $0x1  }
0x8a: {  	s1 =	srdreg.scid  }
0x8b: {  	s0 =	sand.u32 $0x1, s1  }
0x8c: {  	s16 =	sshll.u32 s0, $0xA;
	s2 =	sadd.s32 s3, s2  }
0x8d: {  	s2 =	sadd.s32 s2, s16  }
0x8e: {  	[smem:$0x3F89] =	sst s2  }
0x8f: {  	_ = 	snop  }
0x90: {  	(tm) =	ssettm $0x1  }
0x91: {  	s17 =	sld [smem:$0x3FFB];
	_ =	sdelay $0x3  }
0x92: {  	_ =	strace s17  }
0x93: {  	s2 =	sld [smem:$0x3FFC];
	_ =	sdelay $0x3  }
0x94: {  	_ =	strace s2  }
0x95: {  	s2 =	sld [smem:$0x3FFD];
	_ =	sdelay $0x3  }
0x96: {  	_ =	strace s2  }
0x97: {  	_ =	strace $0x8FFFFFFF  }
0x98: {  	s18 =	sld [smem:$0x3FDB];
	_ =	sdelay $0x1  }
0x99: {  	s19 =	simm.s32 $_scs_section_size  }
0x9a: {  	s4 =	simm.s32 $_size__tile_overlayer_lowered;
	s5 =	simm.s32 $_tile_overlayer_lowered  }
0x9b: {  	s22 =	simm.s32 $0x1BFF;
	s21 =	sshll.u32 s5, $0x1;
	s2 =	sadd.s32 s19, s18  }
0x9c: {  	s6 =	simm.s32 $0x0;
	s20 =	sshll.u32 s4, $0x1;
	s4 =	sadd.s32 s21, s2  }
0x9d: {  	[timem:s6], [sflag:s22] =	dma.local [hbm:s4], s20  }
0x9e: {  	_ =	swait.ge [sflag:s22], s20  }
0x9f: {  	s3 =	ssub.s32 $0x0, s20;
	[sflag:s22] =	ssyncset.done $0x0  }
0xa0: {  	[sflag:s22] =	ssyncadd.s32 s3;
	_ =	sdelay $0x1  }
0xa1: {  	s23 =	simm.s32 $0x1B8B  }
0xa2: {  	_ =	swait.ge [sflag:s23], $0x1  }
0xa3: {  	[sflag:s23] =	ssyncset.done $0x0  }
0xa4: {  	s25 =	simm.s32 $0x1B8E;
	s24 =	sld [smem:$0x3FFE];
	[sflag:s23] =	ssyncadd.s32 $0xFFFFFFFF  }
0xa5: {  	s26 =	simm.s32 $execute0_lowered;
	[smem:$0x3FD2] =	sst s25  }
0xa6: {  	s4 =	sshll.u32 s26, $0x1;
	_ =	strace $0x80000049;
	[dreg:$0x1] =	wrdreg $0xFFFFFFFF  }
0xa7: {  	s28 =	simm.s32 $_size_execute0_lowered;
	s2 =	sadd.s32 s2, s4;
	[dreg:$0x0] =	wrdreg $0x0  }
0xa8: {  	s4 =	sshll.u32 s28, $0x1;
	[dreg:$0x2] =	wrdreg s2  }
0xa9: {  	[dreg:$0x3] =	wrdreg s4  }
0xaa: {  	[dreg:$0x4] =	wrdreg $0xC0  }
0xab: {  	_ =	task [dreg:s6], $0x5FFFF  }
0xac: {  	[dreg:$0x1] =	wrdreg $0xFFFFFFFF  }
0xad: {  	[dreg:$0x0] =	wrdreg $0x60  }
0xae: {  	[dreg:$0x2] =	wrdreg s24  }
0xaf: {  	[dreg:$0x3] =	wrdreg $0xB7800  }
0xb0: {  	[dreg:$0x4] =	wrdreg $0x9  }
0xb1: {  	_ =	task.clear_ibuf [dreg:s6], $0x5FFFF;
	_ =	strace $0x90000049  }
0xb2: {  	s29 =	simm.s32 $0x9;
	_ =	strace $0x8000004B  }
0xb3: {  	_ =	swait.ge [sflag:s29], $0x1  }
0xb4: {  	[sflag:s29] =	ssyncadd.s32 $0xFFFFFFFF  }
0xb5: {  	_ =	strace $0x9000004B  }
0xb6: {  	_ =	sfence  }
0xb7: {  	s30 =	sld [smem:$0x0];
	_ =	sdelay $0x2  }
0xb8: {  	s31 =	sshll.u32 s1, $0xD;
	s1 =	sshrl.u32 s1, $0x2  }
0xb9: {  	s3 =	sand.u32 $0x4000, s31;
	s1 =	sadd.s32 s1, s30  }
0xba: {  	s0 =	sor.u32 s3, s0;
	s1 =	sshll.u32 s1, $0x11  }
0xbb: {  	s0 =	sor.u32 s1, s0  }
0xbc: {  	s0 =	sadd.s32 $0x8F2B, s0  }
0xbd: {  	[sflag:s0] =	ssyncadd.remote.s32 $0x1  }
0xbe: {  	_ =	sfence.sel $0xFFFF  }
0xbf: {  	[dreg:$0x0] =	wrdreg $0xFFFFFFFF;
	(pc) =	sbr.abs _section_cstart, $3  }
0xc0: {  	[dreg:$0x1] =	wrdreg $0xFFFFFFFF  }
0xc1: {  	_ =	task.clear_ibuf [dreg:s6], $0x2FFFF;
	_ =	strace $0x9FFFFFFF  }
0xc2: {  	(tm) =	ssettm $0x7FFFFFFF  }
0xc3: {  	_ =	shalt  }
tec
execute0_lowered:
.L_overlay_start_1:
0x0: {  	(tag) =	ssettag $0x1  }
0x1: {  	s0 =	rddreg [dreg:$0x0]  }
0x2: {  	s2 =	rddreg [dreg:$0x1]  }
0x3: {  	s1 =	srdreg.scid;
	s3 =	simm.s32 $0x0;
	s12 =	stileid.u32  }
0x4: {  	s28 =	simm.s32 $0x3;
	s29 =	simm.s32 $0x80;
	s30 =	simm.s32 $0x400  }
0x5: {  	s31 =	simm.s32 $0x2780;
	s1 =	sand.u32 $0x1, s1;
	[smem:$0x7FF] =	sst s3  }
0x6: {  	s5 =	sshll.u32 s12, $0xB;
	s6 =	sadd.s32 $0x2B000, s0;
	s18 =	smul.u32 $0x2800, s12  }
0x7: {  	s7 =	sshrl.u32 s12, $0x3;
	s11 =	sshll.u32 s12, $0x7;
	s20 =	smul.u32 $0x50, s12  }
0x8: {  	s4 =	sshll.u32 s1, $0x10;
	_ =	strace $0x8000004A;
	s8 =	smul.u32 $0x4F000, s1  }
0x9: {  	s9 =	ssub.s32 $0x2, s1;
	s7 =	smul.u32 $0x13C00, s7;
	s11 =	sand.u32 $0x380, s11  }
0xa: {  	s1 =	smul.u32 $0x138800, s1;
	s4 =	sor.u32 s5, s4;
	s10 =	sshrl.u32 s9, $0x1  }
0xb: {  	s25 =	sshll.u32 s20, $0x7;
	s5 =	sadd.s32 s4, s0;
	s4 =	sadd.s32 $0x3EC00, s0  }
0xc: {  	s0 =	sadd.s32 $0x8CE00, s0;
	s7 =	sadd.s32 s8, s7;
	s8 =	ssub.s32 s9, s10  }
0xd: {  	s9 =	sadd.s32 s1, s18;
	s21 =	sadd.s32 $0x78000, s25;
	s22 =	sadd.s32 $0xA0000, s25  }
0xe: {  	s23 =	sadd.s32 $0xC8000, s25;
	s7 =	sor.u32 s11, s7;
	s24 =	sshrl.u32 s9, $0x3  }
0xf: {  	s9 =	sadd.s32 $0x28000, s25;
	s11 =	smin.u32 s20, $0x3C0;
	s15 =	sadd.s32 s1, s21  }
0x10: {  	s21 =	sadd.s32 s21, s2;
	s19 =	sshrl.u32 s7, $0x3;
	s7 =	sadd.s32 $0x27800, s7  }
0x11: {  	s26 =	sadd.s32 s1, s9;
	s11 =	sshll.u32 s11, $0x7;
	s16 =	sshrl.u32 s15, $0x3  }
0x12: {  	s15 =	sadd.s32 $0xB000, s5;
	s10 =	sadd.s32 s6, s19;
	s7 =	sshrl.u32 s7, $0x3  }
0x13: {  	s19 =	sadd.s32 s1, s23;
	s23 =	sadd.s32 s23, s2;
	[dreg:$0x3] =	wrdreg s10  }
0x14: {  	s6 =	sadd.s32 s6, s7;
	s10 =	sadd.s32 $0x50000, s25;
	s7 =	sadd.s32 $0xF0000, s25  }
0x15: {  	s25 =	sadd.s32 $0x118000, s11;
	[dreg:$0x4] =	wrdreg s6;
	s6 =	sadd.s32 s0, s24  }
0x16: {  	s14 =	sadd.s32 s1, s10;
	s20 =	sadd.s32 s1, s7;
	[dreg:$0x5] =	wrdreg s6  }
0x17: {  	s6 =	smul.u32 $0xA000, s12;
	s12 =	sshrl.u32 s26, $0x3;
	s11 =	sshrl.u32 s14, $0x3  }
0x18: {  	s13 =	sadd.s32 s0, s12;
	s11 =	sadd.s32 s0, s11;
	s12 =	sshrl.u32 s19, $0x3  }
0x19: {  	s19 =	sadd.s32 s9, s2;
	[dreg:$0x6] =	wrdreg s13;
	s13 =	sadd.s32 s1, s22  }
0x1a: {  	[dreg:$0x7] =	wrdreg s11;
	s11 =	sadd.s32 s0, s16;
	s1 =	sadd.s32 s1, s25  }
0x1b: {  	s24 =	sadd.s32 s0, s12;
	s16 =	sadd.s32 $0x13000, s5;
	s26 =	sshrl.u32 s6, $0x2  }
0x1c: {  	s22 =	sadd.s32 s22, s2;
	s25 =	sadd.s32 s25, s2;
	s5 =	simm.s32 $0x1  }
0x1d: {  	s6 =	simm.s32 $0x2;
	s17 =	sshrl.u32 s13, $0x3;
	[dreg:$0x8] =	wrdreg s11  }
0x1e: {  	[dreg:$0xa] =	wrdreg s24;
	s13 =	sshrl.u32 s20, $0x3;
	s1 =	sshrl.u32 s1, $0x3  }
0x1f: {  	s20 =	sadd.s32 s10, s2;
	s24 =	sadd.s32 s7, s2;
	s7 =	simm.s32 $0x6580  }
0x20: {  	s18 =	sadd.s32 s0, s17;
	s13 =	sadd.s32 s0, s13;
	s14 =	sadd.s32 s0, s1  }
0x21: {  	s17 =	smax.u32 s8, $0x1;
	s0 =	simm.s32 $0x50;
	s1 =	simm.s32 $0x8F80  }
0x22: {  	v0 =	vimm.f32 $0.0e+00;
	[dreg:$0x9] =	wrdreg s18;
	s18 =	sadd.s32 s26, s2;
	s26 =	simm.s32 $0x6780  }
.LBB2_1:
0x23: {  	s8 =	simm.s32 $0x0;
	s9 =	simm.s32 $0x200  }
.LBB2_2:
0x24: {  	p0 =	sne.s32 s9, $0x9E00;
	[tilespmem:s8+$0x67F0] =	vst v0  }
0x25: {  	[tilespmem:s8+$0x6780] =	vst v0  }
0x26: {  	[tilespmem:s8+$0x6790] =	vst v0  }
.Ltmp0:
0x27: {  	[tilespmem:s8+$0x67A0] =	vst v0;
	(pc) =	sbr.rel @p0 .LBB2_2-.Ltmp0, $4  }
0x28: {  	[tilespmem:s8+$0x67B0] =	vst v0  }
0x29: {  	[tilespmem:s8+$0x67C0] =	vst v0  }
0x2a: {  	[tilespmem:s8+$0x67D0] =	vst v0  }
0x2b: {  	[tilespmem:s8+$0x67E0] =	vst v0;
	s8 =	sshra.s32 s9, $0x2;
	s9 =	sadd.s32 $0x200, s9  }
0x2c: {  	[tilespmem:s8+$0x67F0] =	vst v0  }
0x2d: {  	[tilespmem:s8+$0x6780] =	vst v0  }
0x2e: {  	[tilespmem:s8+$0x6790] =	vst v0  }
0x2f: {  	[tilespmem:s8+$0x67A0] =	vst v0  }
0x30: {  	[tilespmem:s8+$0x67B0] =	vst v0  }
0x31: {  	[tilespmem:s8+$0x67C0] =	vst v0  }
0x32: {  	[tilespmem:s8+$0x67D0] =	vst v0  }
0x33: {  	[tilespmem:s8+$0x67E0] =	vst v0  }
0x34: {  	[spmem:s18] =	stream.linear.scatter [tilespmem:s26], [sflag:$0x3], $0x2800, $0x38;
	[tilespmem:$0x1F000] =	vst v63  }
0x35: {  	_ =	swait.ge [sflag:s28], $0x2800  }
0x36: {  	[sflag:s28] =	ssyncset.done $0x0  }
0x37: {  	[sflag:s28] =	ssyncadd.s32 $0xFFFFD800  }
0x38: {  	[spmem:s19] =	stream.linear.scatter [tilespmem:s26], [sflag:$0x3], $0x2800, $0x38;
	[tilespmem:$0x1F000] =	vst v63  }
0x39: {  	_ =	swait.ge [sflag:s28], $0x2800  }
0x3a: {  	[sflag:s28] =	ssyncset.done $0x0  }
0x3b: {  	[sflag:s28] =	ssyncadd.s32 $0xFFFFD800  }
0x3c: {  	[spmem:s20] =	stream.linear.scatter [tilespmem:s26], [sflag:$0x3], $0x2800, $0x38;
	[tilespmem:$0x1F000] =	vst v63  }
0x3d: {  	_ =	swait.ge [sflag:s28], $0x2800  }
0x3e: {  	[sflag:s28] =	ssyncset.done $0x0  }
0x3f: {  	[sflag:s28] =	ssyncadd.s32 $0xFFFFD800  }
0x40: {  	[spmem:s21] =	stream.linear.scatter [tilespmem:s26], [sflag:$0x3], $0x2800, $0x38;
	[tilespmem:$0x1F000] =	vst v63  }
0x41: {  	_ =	swait.ge [sflag:s28], $0x2800  }
0x42: {  	[sflag:s28] =	ssyncset.done $0x0  }
0x43: {  	[sflag:s28] =	ssyncadd.s32 $0xFFFFD800  }
0x44: {  	[spmem:s22] =	stream.linear.scatter [tilespmem:s26], [sflag:$0x3], $0x2800, $0x38;
	[tilespmem:$0x1F000] =	vst v63  }
0x45: {  	_ =	swait.ge [sflag:s28], $0x2800  }
0x46: {  	[sflag:s28] =	ssyncset.done $0x0  }
0x47: {  	[sflag:s28] =	ssyncadd.s32 $0xFFFFD800  }
0x48: {  	[spmem:s23] =	stream.linear.scatter [tilespmem:s26], [sflag:$0x3], $0x2800, $0x38;
	[tilespmem:$0x1F000] =	vst v63  }
0x49: {  	_ =	swait.ge [sflag:s28], $0x2800  }
0x4a: {  	[sflag:s28] =	ssyncset.done $0x0  }
0x4b: {  	[sflag:s28] =	ssyncadd.s32 $0xFFFFD800  }
0x4c: {  	[spmem:s24] =	stream.linear.scatter [tilespmem:s26], [sflag:$0x3], $0x2800, $0x38;
	[tilespmem:$0x1F000] =	vst v63  }
0x4d: {  	_ =	swait.ge [sflag:s28], $0x2800  }
0x4e: {  	[sflag:s28] =	ssyncset.done $0x0  }
0x4f: {  	[sflag:s28] =	ssyncadd.s32 $0xFFFFD800  }
0x50: {  	[spmem:s25] =	stream.linear.scatter [tilespmem:s26], [sflag:$0x3], $0x2800, $0x38;
	[tilespmem:$0x1F000] =	vst v63  }
0x51: {  	_ =	swait.ge [sflag:s28], $0x2800  }
0x52: {  	[sflag:s28] =	ssyncset.done $0x0  }
0x53: {  	[sflag:s28] =	ssyncadd.s32 $0xFFFFD800  }
0x54: {  	[bflag:$0x0] =	sbarrier.arrive $0xFFFF  }
0x55: {  	s12 =	simm.s32 $0x0;
	s9 =	rddreg [dreg:$0x3]  }
0x56: {  	[tilespmem:s12], [sflag:$0x3] =	stream.strided.gather [hbm4b:s9+s29], $0x2780, s30, s29, $0x38;
	[tilespmem:$0x1F000] =	vst v63  }
0x57: {  	_ =	swait.ge [sflag:s28], $0x2780  }
0x58: {  	[sflag:s28] =	ssyncset.done $0x0  }
0x59: {  	[sflag:s28] =	ssyncadd.s32 $0xFFFFD880  }
0x5a: {  	[tilespmem:s31], [sflag:$0x3] =	stream.linear.gather [hbm4b:s15+s12], $0x3E80, $0x38;
	[tilespmem:$0x1F000] =	vst v63  }
0x5b: {  	_ =	swait.ge [sflag:s28], $0x3E80  }
0x5c: {  	[sflag:s28] =	ssyncset.done $0x0  }
0x5d: {  	[sflag:s28] =	ssyncadd.s32 $0xFFFFC180  }
0x5e: {  	[tilespmem:s26], [sflag:$0x1] =	stream.indirect.gather [hbm4b:s4+s0], $0x80, s12, s0, $0xb8;
	[tilespmem:$0x1F000] =	vst v63  }
0x5f: {  	s9 =	simm.s32 $0x50  }
0x60: {  	[tilespmem:s1], [sflag:$0x2] =	stream.indirect.gather [hbm4b:s4+s0], $0x80, s9, s0, $0xb8;
	[tilespmem:$0x1F000] =	vst v63  }
0x61: {  	_ =	swait.ge [sflag:s5], $0x2800  }
0x62: {  	[sflag:s5] =	ssyncset.done $0x0  }
0x63: {  	s10 =	simm.s32 $0x2780;
	[sflag:s5] =	ssyncadd.s32 $0xFFFFD800  }
0x64: {  	[spmem:s2] =	stream.indirect.scatter.add.f32 [tilespmem:s26], [sflag:$0x3], $0x80, s10, s0, $0xb8;
	[tilespmem:$0x1F000] =	vst v63  }
0x65: {  	_ =	swait.ge [sflag:s28], $0x2800  }
0x66: {  	[sflag:s28] =	ssyncset.done $0x0  }
0x67: {  	s11 =	simm.s32 $0xA0;
	[sflag:s28] =	ssyncadd.s32 $0xFFFFD800  }
0x68: {  	[tilespmem:s26], [sflag:$0x1] =	stream.indirect.gather [hbm4b:s4+s0], $0x80, s11, s0, $0xb8;
	[tilespmem:$0x1F000] =	vst v63  }
0x69: {  	_ =	swait.ge [sflag:s6], $0x2800  }
0x6a: {  	[sflag:s6] =	ssyncset.done $0x0  }
0x6b: {  	s12 =	simm.s32 $0x2800;
	[sflag:s6] =	ssyncadd.s32 $0xFFFFD800  }
0x6c: {  	[spmem:s2] =	stream.indirect.scatter.add.f32 [tilespmem:s1], [sflag:$0x3], $0x80, s12, s0, $0xb8;
	[tilespmem:$0x1F000] =	vst v63  }
0x6d: {  	s8 =	simm.s32 $0x140;
	_ =	swait.ge [sflag:s28], $0x2800  }
0x6e: {  	s9 =	simm.s32 $0x400;
	s10 =	simm.s32 $0x800;
	[sflag:s28] =	ssyncset.done $0x0  }
.LBB2_4:
0x6f: {  	p0 =	sne.s32 s10, $0xF400;
	s11 =	sadd.s32 $0xFFFFFFB0, s8;
	[sflag:s28] =	ssyncadd.s32 $0xFFFFD800  }
0x70: {  	[tilespmem:s1], [sflag:$0x2] =	stream.indirect.gather [hbm4b:s4+s0], $0x80, s11, s0, $0xb8;
	[tilespmem:$0x1F000] =	vst v63  }
0x71: {  	s11 =	smov.u32 s10;
	s10 =	sadd.s32 $0x400, s10;
	_ =	swait.ge [sflag:s5], $0x2800  }
0x72: {  	s12 =	sshra.s32 s9, $0x2;
	s9 =	smov.u32 s11;
	[sflag:s5] =	ssyncset.done $0x0  }
0x73: {  	s11 =	sadd.s32 $0x2780, s12;
	[sflag:s5] =	ssyncadd.s32 $0xFFFFD800  }
0x74: {  	[spmem:s2] =	stream.indirect.scatter.add.f32 [tilespmem:s26], [sflag:$0x3], $0x80, s11, s0, $0xb8;
	[tilespmem:$0x1F000] =	vst v63  }
0x75: {  	_ =	swait.ge [sflag:s28], $0x2800  }
0x76: {  	[sflag:s28] =	ssyncset.done $0x0  }
0x77: {  	[sflag:s28] =	ssyncadd.s32 $0xFFFFD800  }
0x78: {  	[tilespmem:s26], [sflag:$0x1] =	stream.indirect.gather [hbm4b:s4+s0], $0x80, s8, s0, $0xb8;
	[tilespmem:$0x1F000] =	vst v63  }
0x79: {  	_ =	swait.ge [sflag:s6], $0x2800  }
.Ltmp1:
0x7a: {  	[sflag:s6] =	ssyncset.done $0x0;
	(pc) =	sbr.rel @p0 .LBB2_4-.Ltmp1, $4  }
0x7b: {  	s11 =	sadd.s32 $0x2800, s12;
	[sflag:s6] =	ssyncadd.s32 $0xFFFFD800  }
0x7c: {  	[spmem:s2] =	stream.indirect.scatter.add.f32 [tilespmem:s1], [sflag:$0x3], $0x80, s11, s0, $0xb8;
	[tilespmem:$0x1F000] =	vst v63  }
0x7d: {  	_ =	swait.ge [sflag:s28], $0x2800  }
0x7e: {  	s8 =	sadd.s32 $0xA0, s8;
	[sflag:s28] =	ssyncset.done $0x0  }
0x7f: {  	s10 =	sadd.s32 $0xFFFFFFB0, s8;
	[sflag:s28] =	ssyncadd.s32 $0xFFFFD800  }
0x80: {  	[tilespmem:s1], [sflag:$0x2] =	stream.indirect.gather [hbm4b:s4+s0], $0x80, s10, s0, $0xb8;
	[tilespmem:$0x1F000] =	vst v63  }
0x81: {  	_ =	swait.ge [sflag:s5], $0x2800  }
0x82: {  	s9 =	sshra.s32 s9, $0x2;
	[sflag:s5] =	ssyncset.done $0x0  }
0x83: {  	s12 =	sadd.s32 $0x2780, s9;
	[sflag:s5] =	ssyncadd.s32 $0xFFFFD800  }
0x84: {  	[spmem:s2] =	stream.indirect.scatter.add.f32 [tilespmem:s26], [sflag:$0x3], $0x80, s12, s0, $0xb8;
	[tilespmem:$0x1F000] =	vst v63  }
0x85: {  	_ =	swait.ge [sflag:s28], $0x2800  }
0x86: {  	[sflag:s28] =	ssyncset.done $0x0  }
0x87: {  	[sflag:s28] =	ssyncadd.s32 $0xFFFFD800  }
0x88: {  	[tilespmem:s26], [sflag:$0x1] =	stream.indirect.gather [hbm4b:s4+s0], $0x80, s8, s0, $0xb8;
	[tilespmem:$0x1F000] =	vst v63  }
0x89: {  	_ =	swait.ge [sflag:s6], $0x2800  }
0x8a: {  	[sflag:s6] =	ssyncset.done $0x0  }
0x8b: {  	s10 =	sadd.s32 $0x2800, s9;
	[sflag:s6] =	ssyncadd.s32 $0xFFFFD800  }
0x8c: {  	[spmem:s2] =	stream.indirect.scatter.add.f32 [tilespmem:s1], [sflag:$0x3], $0x80, s10, s0, $0xb8;
	[tilespmem:$0x1F000] =	vst v63  }
0x8d: {  	_ =	swait.ge [sflag:s28], $0x2800  }
0x8e: {  	[sflag:s28] =	ssyncset.done $0x0  }
0x8f: {  	[sflag:s28] =	ssyncadd.s32 $0xFFFFD800  }
0x90: {  	_ =	swait.ge [sflag:s5], $0x2800  }
0x91: {  	[sflag:s5] =	ssyncset.done $0x0  }
0x92: {  	[sflag:s5] =	ssyncadd.s32 $0xFFFFD800  }
0x93: {  	[spmem:s2] =	stream.indirect.scatter.add.f32 [tilespmem:s26], [sflag:$0x3], $0x80, s7, s0, $0xb8;
	[tilespmem:$0x1F000] =	vst v63  }
0x94: {  	_ =	swait.ge [sflag:s28], $0x2800  }
0x95: {  	[sflag:s28] =	ssyncset.done $0x0  }
0x96: {  	s11 =	simm.s32 $0x0;
	s12 =	rddreg [dreg:$0x4];
	[sflag:s28] =	ssyncadd.s32 $0xFFFFD800  }
0x97: {  	[tilespmem:s11], [sflag:$0x3] =	stream.strided.gather [hbm4b:s12+s29], $0x2780, s30, s29, $0x38;
	[tilespmem:$0x1F000] =	vst v63  }
0x98: {  	_ =	swait.ge [sflag:s28], $0x2780  }
0x99: {  	[sflag:s28] =	ssyncset.done $0x0  }
0x9a: {  	[sflag:s28] =	ssyncadd.s32 $0xFFFFD880  }
0x9b: {  	[tilespmem:s31], [sflag:$0x3] =	stream.linear.gather [hbm4b:s16+s11], $0x3E80, $0x38;
	[tilespmem:$0x1F000] =	vst v63  }
0x9c: {  	_ =	swait.ge [sflag:s28], $0x3E80  }
0x9d: {  	[sflag:s28] =	ssyncset.done $0x0  }
0x9e: {  	[sflag:s28] =	ssyncadd.s32 $0xFFFFC180  }
0x9f: {  	[tilespmem:s26], [sflag:$0x1] =	stream.indirect.gather [hbm4b:s4+s0], $0x80, s11, s0, $0xb8;
	[tilespmem:$0x1F000] =	vst v63  }
0xa0: {  	s9 =	simm.s32 $0x50  }
0xa1: {  	[tilespmem:s1], [sflag:$0x2] =	stream.indirect.gather [hbm4b:s4+s0], $0x80, s9, s0, $0xb8;
	[tilespmem:$0x1F000] =	vst v63  }
0xa2: {  	_ =	swait.ge [sflag:s5], $0x2800  }
0xa3: {  	[sflag:s5] =	ssyncset.done $0x0  }
0xa4: {  	s10 =	simm.s32 $0x2780;
	[sflag:s5] =	ssyncadd.s32 $0xFFFFD800  }
0xa5: {  	[spmem:s2] =	stream.indirect.scatter.add.f32 [tilespmem:s26], [sflag:$0x3], $0x80, s10, s0, $0xb8;
	[tilespmem:$0x1F000] =	vst v63  }
0xa6: {  	_ =	swait.ge [sflag:s28], $0x2800  }
0xa7: {  	[sflag:s28] =	ssyncset.done $0x0  }
0xa8: {  	s11 =	simm.s32 $0xA0;
	[sflag:s28] =	ssyncadd.s32 $0xFFFFD800  }
0xa9: {  	[tilespmem:s26], [sflag:$0x1] =	stream.indirect.gather [hbm4b:s4+s0], $0x80, s11, s0, $0xb8;
	[tilespmem:$0x1F000] =	vst v63  }
0xaa: {  	_ =	swait.ge [sflag:s6], $0x2800  }
0xab: {  	[sflag:s6] =	ssyncset.done $0x0  }
0xac: {  	s12 =	simm.s32 $0x2800;
	[sflag:s6] =	ssyncadd.s32 $0xFFFFD800  }
0xad: {  	[spmem:s2] =	stream.indirect.scatter.add.f32 [tilespmem:s1], [sflag:$0x3], $0x80, s12, s0, $0xb8;
	[tilespmem:$0x1F000] =	vst v63  }
0xae: {  	s8 =	simm.s32 $0x140;
	_ =	swait.ge [sflag:s28], $0x2800  }
0xaf: {  	s9 =	simm.s32 $0x400;
	s10 =	simm.s32 $0x800;
	[sflag:s28] =	ssyncset.done $0x0  }
.LBB2_6:
0xb0: {  	p0 =	sne.s32 s10, $0xF400;
	s11 =	sadd.s32 $0xFFFFFFB0, s8;
	[sflag:s28] =	ssyncadd.s32 $0xFFFFD800  }
0xb1: {  	[tilespmem:s1], [sflag:$0x2] =	stream.indirect.gather [hbm4b:s4+s0], $0x80, s11, s0, $0xb8;
	[tilespmem:$0x1F000] =	vst v63  }
0xb2: {  	s11 =	smov.u32 s10;
	s10 =	sadd.s32 $0x400, s10;
	_ =	swait.ge [sflag:s5], $0x2800  }
0xb3: {  	s12 =	sshra.s32 s9, $0x2;
	s9 =	smov.u32 s11;
	[sflag:s5] =	ssyncset.done $0x0  }
0xb4: {  	s11 =	sadd.s32 $0x2780, s12;
	[sflag:s5] =	ssyncadd.s32 $0xFFFFD800  }
0xb5: {  	[spmem:s2] =	stream.indirect.scatter.add.f32 [tilespmem:s26], [sflag:$0x3], $0x80, s11, s0, $0xb8;
	[tilespmem:$0x1F000] =	vst v63  }
0xb6: {  	_ =	swait.ge [sflag:s28], $0x2800  }
0xb7: {  	[sflag:s28] =	ssyncset.done $0x0  }
0xb8: {  	[sflag:s28] =	ssyncadd.s32 $0xFFFFD800  }
0xb9: {  	[tilespmem:s26], [sflag:$0x1] =	stream.indirect.gather [hbm4b:s4+s0], $0x80, s8, s0, $0xb8;
	[tilespmem:$0x1F000] =	vst v63  }
0xba: {  	_ =	swait.ge [sflag:s6], $0x2800  }
.Ltmp2:
0xbb: {  	[sflag:s6] =	ssyncset.done $0x0;
	(pc) =	sbr.rel @p0 .LBB2_6-.Ltmp2, $4  }
0xbc: {  	s11 =	sadd.s32 $0x2800, s12;
	[sflag:s6] =	ssyncadd.s32 $0xFFFFD800  }
0xbd: {  	[spmem:s2] =	stream.indirect.scatter.add.f32 [tilespmem:s1], [sflag:$0x3], $0x80, s11, s0, $0xb8;
	[tilespmem:$0x1F000] =	vst v63  }
0xbe: {  	_ =	swait.ge [sflag:s28], $0x2800  }
0xbf: {  	s8 =	sadd.s32 $0xA0, s8;
	[sflag:s28] =	ssyncset.done $0x0  }
0xc0: {  	s10 =	sadd.s32 $0xFFFFFFB0, s8;
	[sflag:s28] =	ssyncadd.s32 $0xFFFFD800  }
0xc1: {  	[tilespmem:s1], [sflag:$0x2] =	stream.indirect.gather [hbm4b:s4+s0], $0x80, s10, s0, $0xb8;
	[tilespmem:$0x1F000] =	vst v63  }
0xc2: {  	_ =	swait.ge [sflag:s5], $0x2800  }
0xc3: {  	s9 =	sshra.s32 s9, $0x2;
	[sflag:s5] =	ssyncset.done $0x0  }
0xc4: {  	s12 =	sadd.s32 $0x2780, s9;
	[sflag:s5] =	ssyncadd.s32 $0xFFFFD800  }
0xc5: {  	[spmem:s2] =	stream.indirect.scatter.add.f32 [tilespmem:s26], [sflag:$0x3], $0x80, s12, s0, $0xb8;
	[tilespmem:$0x1F000] =	vst v63  }
0xc6: {  	_ =	swait.ge [sflag:s28], $0x2800  }
0xc7: {  	[sflag:s28] =	ssyncset.done $0x0  }
0xc8: {  	[sflag:s28] =	ssyncadd.s32 $0xFFFFD800  }
0xc9: {  	[tilespmem:s26], [sflag:$0x1] =	stream.indirect.gather [hbm4b:s4+s0], $0x80, s8, s0, $0xb8;
	[tilespmem:$0x1F000] =	vst v63  }
0xca: {  	_ =	swait.ge [sflag:s6], $0x2800  }
0xcb: {  	[sflag:s6] =	ssyncset.done $0x0  }
0xcc: {  	s9 =	sadd.s32 $0x2800, s9;
	[sflag:s6] =	ssyncadd.s32 $0xFFFFD800  }
0xcd: {  	[spmem:s2] =	stream.indirect.scatter.add.f32 [tilespmem:s1], [sflag:$0x3], $0x80, s9, s0, $0xb8;
	[tilespmem:$0x1F000] =	vst v63  }
0xce: {  	_ =	swait.ge [sflag:s28], $0x2800  }
0xcf: {  	[sflag:s28] =	ssyncset.done $0x0  }
0xd0: {  	[sflag:s28] =	ssyncadd.s32 $0xFFFFD800  }
0xd1: {  	_ =	swait.ge [sflag:s5], $0x2800  }
0xd2: {  	[sflag:s5] =	ssyncset.done $0x0  }
0xd3: {  	[sflag:s5] =	ssyncadd.s32 $0xFFFFD800  }
0xd4: {  	[spmem:s2] =	stream.indirect.scatter.add.f32 [tilespmem:s26], [sflag:$0x3], $0x80, s7, s0, $0xb8;
	[tilespmem:$0x1F000] =	vst v63  }
0xd5: {  	_ =	swait.ge [sflag:s28], $0x2800  }
0xd6: {  	[sflag:s28] =	ssyncset.done $0x0  }
0xd7: {  	s10 =	stileid.u32;
	[sflag:s28] =	ssyncadd.s32 $0xFFFFD800  }
0xd8: {  	s8 =	sshll.u32 s10, $0x6;
	[bflag:$0x0] =	sbarrier.arrive $0xFFFF  }
0xd9: {  	s11 =	sshrl.u32 s18, $0x3;
	s8 =	sor.u32 $0x1C03, s8;
	s12 =	rddreg [dreg:$0x5]  }
0xda: {  	[hbm:s12], [sflag:s8] =	dma.local [spmem:s11], $0x500  }
0xdb: {  	_ =	swait.ge [sflag:s28], $0x500  }
0xdc: {  	[sflag:s28] =	ssyncset.done $0x0  }
0xdd: {  	s11 =	sshrl.u32 s19, $0x3;
	s12 =	rddreg [dreg:$0x6];
	[sflag:s28] =	ssyncadd.s32 $0xFFFFFB00  }
0xde: {  	[hbm:s12], [sflag:s8] =	dma.local [spmem:s11], $0x500  }
0xdf: {  	_ =	swait.ge [sflag:s28], $0x500  }
0xe0: {  	[sflag:s28] =	ssyncset.done $0x0  }
0xe1: {  	s11 =	sshrl.u32 s20, $0x3;
	s12 =	rddreg [dreg:$0x7];
	[sflag:s28] =	ssyncadd.s32 $0xFFFFFB00  }
0xe2: {  	[hbm:s12], [sflag:s8] =	dma.local [spmem:s11], $0x500  }
0xe3: {  	_ =	swait.ge [sflag:s28], $0x500  }
0xe4: {  	[sflag:s28] =	ssyncset.done $0x0  }
0xe5: {  	s11 =	sshrl.u32 s21, $0x3;
	s12 =	rddreg [dreg:$0x8];
	[sflag:s28] =	ssyncadd.s32 $0xFFFFFB00  }
0xe6: {  	[hbm:s12], [sflag:s8] =	dma.local [spmem:s11], $0x500  }
0xe7: {  	_ =	swait.ge [sflag:s28], $0x500  }
0xe8: {  	[sflag:s28] =	ssyncset.done $0x0  }
0xe9: {  	s11 =	sshrl.u32 s22, $0x3;
	s12 =	rddreg [dreg:$0x9];
	[sflag:s28] =	ssyncadd.s32 $0xFFFFFB00  }
0xea: {  	[hbm:s12], [sflag:s8] =	dma.local [spmem:s11], $0x500  }
0xeb: {  	_ =	swait.ge [sflag:s28], $0x500  }
0xec: {  	[sflag:s28] =	ssyncset.done $0x0  }
0xed: {  	s11 =	sshrl.u32 s23, $0x3;
	s12 =	rddreg [dreg:$0xa];
	[sflag:s28] =	ssyncadd.s32 $0xFFFFFB00  }
0xee: {  	[hbm:s12], [sflag:s8] =	dma.local [spmem:s11], $0x500  }
0xef: {  	_ =	swait.ge [sflag:s28], $0x500  }
0xf0: {  	[sflag:s28] =	ssyncset.done $0x0  }
0xf1: {  	s11 =	sshrl.u32 s24, $0x3;
	[sflag:s28] =	ssyncadd.s32 $0xFFFFFB00  }
0xf2: {  	[hbm:s13], [sflag:s8] =	dma.local [spmem:s11], $0x500  }
0xf3: {  	s3 =	sadd.s32 $0x1, s3;
	_ =	swait.ge [sflag:s28], $0x500  }
0xf4: {  	p0 =	sne.s32 s3, s17;
	[sflag:s28] =	ssyncset.done $0x0  }
.Ltmp3:
0xf5: {  	s12 =	sshrl.u32 s25, $0x3;
	[sflag:s28] =	ssyncadd.s32 $0xFFFFFB00;
	(pc) =	sbr.rel @p0 .LBB2_1-.Ltmp3, $4  }
0xf6: {  	[hbm:s14], [sflag:s8] =	dma.local [spmem:s12], $0x500  }
0xf7: {  	_ =	swait.ge [sflag:s28], $0x500  }
0xf8: {  	[sflag:s28] =	ssyncset.done $0x0  }
0xf9: {  	[sflag:s28] =	ssyncadd.s32 $0xFFFFFB00  }
0xfa: {  	_ =	sfence.sel $0x180000  }
0xfb: {  	[bflag:$0x0] =	sbarrier.arrive $0xFFFF  }
0xfc: {  	_ =	strace $0x9000004A  }
0xfd: {  	s0 =	stileid.u32;
	[bflag:$0x2] =	sbarrier.arrive $0xFFFF  }
0xfe: {  	p0 =	sne.s32 s0, $0x0;
	s0 =	rddreg [dreg:$0x2]  }
0xff: {  	s0 =	sadd.s32 @!p0 $0x100000, s0  }
0x100: {  	[sflag:s0] =	ssyncadd.tile.s32 @!p0 $0x1;
	_ =	shalt  }
.Lfunc_end2:
_tile_overlayer_lowered:
.L_overlay_start_2:
0x101: {  	(tag) =	ssettag $0x2  }
0x102: {  	s0 =	rddreg [dreg:$0x0];
	s2 =	stileid.u32  }
0x103: {  	s1 =	rddreg [dreg:$0x1];
	p0 =	sne.s32 s2, $0x0  }
0x104: {  	s3 =	rddreg [dreg:$0x2];
	[bflag:$0x3] =	sbarrier.arrive $0xFFFF;
	s2 =	simm.s32 @!p0 $0x1C03  }
0x105: {  	[timem:s3], [sflag:s2] =	dma.local @!p0 [hbm:s0], s1  }
0x106: {  	s0 =	simm.s32 @!p0 $0x3  }
0x107: {  	_ =	swait.ge @!p0 [sflag:s0], s1  }
0x108: {  	s1 =	ssub.s32 @!p0 $0x0, s1;
	[sflag:s0] =	ssyncset.done @!p0 $0x0  }
0x109: {  	[sflag:s0] =	ssyncadd.s32 @!p0 s1  }
0x10a: {  	[bflag:$0x3] =	sbarrier.arrive $0xFFFF  }
0x10b: {  	_ =	shalt  }

// kernel: kernel.19.cloned.1.call-start
scs
__scs_entry_jumppad:
0x0: {  	(pc) =	sbr.rel $0x88, $3  }
0x1: {  	(tag) =	ssettag $0x0;
	lr =	simm.s32 $0x1  }
0x2: {  	[smem:$0x3F62] =	sst lr;
	_ =	strace $0xD0000000  }
0x3: {  	_ = 	snop  }
0x4: {  	_ = 	snop  }
0x5: {  	_ = 	snop  }
0x6: {  	_ = 	snop  }
0x7: {  	_ = 	snop  }
__scs_overlays_trampoline_lowered:
0x8: {  	[smem:$0x3F71] =	sst s0  }
0x9: {  	[smem:$0x3F72] =	sst s1  }
0xa: {  	[smem:$0x3F73] =	sst s2  }
0xb: {  	[smem:$0x3F74] =	sst s3  }
0xc: {  	[smem:$0x3F75] =	sst s4  }
0xd: {  	[smem:$0x3F76] =	sst s5  }
0xe: {  	[smem:$0x3F77] =	sst s6  }
0xf: {  	[smem:$0x3F78] =	sst s7  }
0x10: {  	[smem:$0x3F79] =	sst s8  }
0x11: {  	[smem:$0x3F7A] =	sst s9;
	s0 =	simm.s32 @!p0 $0x0  }
0x12: {  	s1 =	sld [smem:$0x3F60];
	s0 =	simm.s32 @p0 $0x1  }
0x13: {  	[smem:$0x3F7B] =	sst s0;
	s0 =	simm.s32 @!p1 $0x0  }
0x14: {  	s2 =	sld [smem:$0x3F5F];
	s0 =	simm.s32 @p1 $0x1  }
0x15: {  	[smem:$0x3F7C] =	sst s0;
	s0 =	simm.s32 @!p2 $0x0  }
0x16: {  	s3 =	sld [smem:$0x3FDB];
	s0 =	simm.s32 @p2 $0x1  }
0x17: {  	s4 =	simm.s32 $0x1BF5;
	[smem:$0x3F7E] =	sst s0  }
0x18: {  	s0 =	sld [smem:$0x3F61];
	_ =	swait.ge [sflag:s4], $0x0  }
0x19: {  	s7 =	sld [smem:$0x3F62]  }
0x1a: {  	s8 =	sadd.s32 $0xFFFFE003, lr  }
0x1b: {  	s9 =	sadd.s32 $0xFFFFFEF7, lr;
	s5 =	simm.s32 $0xFFFFFFFF;
	p2 =	slt.u32 s8, $0xFFFFF086  }
0x1c: {  	p1 =	slt.u32 s9, $0xF7A;
	s5 =	simm.s32 @!p2 $0x0  }
0x1d: {  	s5 =	simm.s32 @p1 $0x1;
	p0 =	seq.s32 s7, s2  }
0x1e: {  	s7 =	smul.u32 @!p0 $0xF7A, s2;
	p2 =	seq.s32 @!p0 s5, $0x0  }
0x1f: {  	s9 =	smul.u32 $0xF7A, s1;
	s8 =	simm.s32 @!p0 $0x1BF5;
	p2 =	por !p2, p0  }
0x20: {  	[sflag:s8] =	ssyncset.s32 @!p0 $0xFFFFF086;
	s6 =	sadd.s32 @!p0 s3, s7;
	s7 =	simm.s32 @!p0 $0x108  }
0x21: {  	s3 =	sadd.s32 s3, s9;
	s6 =	sadd.s32 @!p0 $0x88, s6;
	s7 =	simm.s32 @p2 $0x1082  }
0x22: {  	[simem:s7], [sflag:s8] =	dma.local @!p0 [hbm:s6], $0xF7A  }
0x23: {  	s9 =	sor.u32 $0xD0000000, s2;
	s6 =	simm.s32 $0x108;
	_ =	swait.ge @!p0 [sflag:s8], $0x0  }
0x24: {  	s3 =	sadd.s32 $0x88, s3;
	s6 =	simm.s32 @!p1 $0x1082;
	[sflag:s4] =	ssyncset.s32 $0xFFFFF086  }
0x25: {  	[simem:s6], [sflag:s4] =	dma.local [hbm:s3], $0xF7A  }
0x26: {  	[smem:$0x3F62] =	sst s1;
	(tag) =	ssettag s2;
	_ =	strace s9  }
0x27: {  	s1 =	sld [smem:$0x3F72]  }
0x28: {  	s2 =	sld [smem:$0x3F73]  }
0x29: {  	s4 =	sld [smem:$0x3F75]  }
0x2a: {  	p0 =	seq.s32 s5, $0x0;
	s5 =	sld [smem:$0x3F76]  }
0x2b: {  	s6 =	sld [smem:$0x3F77]  }
0x2c: {  	s7 =	sld [smem:$0x3F78]  }
0x2d: {  	s3 =	simm.s32 $0x108;
	s8 =	sld [smem:$0x3F79]  }
0x2e: {  	s3 =	simm.s32 @!p0 $0x1082;
	s9 =	sld [smem:$0x3F7A]  }
0x2f: {  	lr =	sadd.s32 s0, s3;
	s0 =	sld [smem:$0x3F71]  }
0x30: {  	s3 =	sld [smem:$0x3F74]  }
0x31: {  	[smem:$0x3F7D] =	sst s10  }
0x32: {  	s10 =	sld [smem:$0x3F7B];
	_ =	sdelay $0x3  }
0x33: {  	p0 =	seq.s32 s10, $0x1;
	s10 =	sld [smem:$0x3F7D];
	_ =	sdelay $0x3  }
0x34: {  	[smem:$0x3F7D] =	sst s10  }
0x35: {  	s10 =	sld [smem:$0x3F7C];
	_ =	sdelay $0x3  }
0x36: {  	p1 =	seq.s32 s10, $0x1;
	s10 =	sld [smem:$0x3F7D];
	_ =	sdelay $0x3  }
0x37: {  	[smem:$0x3F7D] =	sst s10  }
0x38: {  	s10 =	sld [smem:$0x3F7E]  }
0x39: {  	_ = 	snop;
	(pc) =	sbr.ind lr, $3  }
0x3a: {  	_ = 	snop  }
0x3b: {  	_ = 	snop  }
0x3c: {  	p2 =	seq.s32 s10, $0x1;
	s10 =	sld [smem:$0x3F7D]  }
0x3d: {  	_ =	shalt  }
0x3e: {  	_ =	shalt  }
0x3f: {  	_ =	shalt  }
0x40: {  	_ =	shalt  }
0x41: {  	_ =	shalt  }
0x42: {  	_ =	shalt  }
0x43: {  	_ =	shalt  }
0x44: {  	_ =	shalt  }
0x45: {  	_ =	shalt  }
0x46: {  	_ =	shalt  }
0x47: {  	_ =	shalt  }
0x48: {  	_ =	shalt  }
0x49: {  	_ =	shalt  }
0x4a: {  	_ =	shalt  }
0x4b: {  	_ =	shalt  }
0x4c: {  	_ =	shalt  }
0x4d: {  	_ =	shalt  }
0x4e: {  	_ =	shalt  }
0x4f: {  	_ =	shalt  }
0x50: {  	_ =	shalt  }
0x51: {  	_ =	shalt  }
0x52: {  	_ =	shalt  }
0x53: {  	_ =	shalt  }
0x54: {  	_ =	shalt  }
0x55: {  	_ =	shalt  }
0x56: {  	_ =	shalt  }
0x57: {  	_ =	shalt  }
0x58: {  	_ =	shalt  }
0x59: {  	_ =	shalt  }
0x5a: {  	_ =	shalt  }
0x5b: {  	_ =	shalt  }
0x5c: {  	_ =	shalt  }
0x5d: {  	_ =	shalt  }
0x5e: {  	_ =	shalt  }
0x5f: {  	_ =	shalt  }
0x60: {  	_ =	shalt  }
0x61: {  	_ =	shalt  }
0x62: {  	_ =	shalt  }
0x63: {  	_ =	shalt  }
0x64: {  	_ =	shalt  }
0x65: {  	_ =	shalt  }
0x66: {  	_ =	shalt  }
0x67: {  	_ =	shalt  }
0x68: {  	_ =	shalt  }
0x69: {  	_ =	shalt  }
0x6a: {  	_ =	shalt  }
0x6b: {  	_ =	shalt  }
0x6c: {  	_ =	shalt  }
0x6d: {  	_ =	shalt  }
0x6e: {  	_ =	shalt  }
0x6f: {  	_ =	shalt  }
0x70: {  	_ =	shalt  }
0x71: {  	_ =	shalt  }
0x72: {  	_ =	shalt  }
0x73: {  	_ =	shalt  }
0x74: {  	_ =	shalt  }
0x75: {  	_ =	shalt  }
0x76: {  	_ =	shalt  }
0x77: {  	_ =	shalt  }
0x78: {  	_ =	shalt  }
0x79: {  	_ =	shalt  }
0x7a: {  	_ =	shalt  }
0x7b: {  	_ =	shalt  }
0x7c: {  	_ =	shalt  }
0x7d: {  	_ =	shalt  }
0x7e: {  	_ =	shalt  }
0x7f: {  	_ =	shalt  }
0x80: {  	_ =	shalt  }
0x81: {  	_ =	shalt  }
0x82: {  	_ =	shalt  }
0x83: {  	_ =	shalt  }
0x84: {  	_ =	shalt  }
0x85: {  	_ =	shalt  }
0x86: {  	_ =	shalt  }
0x87: {  	_ =	shalt  }
.Lfunc_end0:
.L_simem_size_0:
called_computation.2_lowered:
.L_overlay_start_0:
0x88: {  	s2 =	sld [smem:$0x3FD9]  }
0x89: {  	s3 =	sld [smem:$0x3FFE];
	_ =	sdelay $0x1  }
0x8a: {  	s1 =	srdreg.scid  }
0x8b: {  	s0 =	sand.u32 $0x1, s1  }
0x8c: {  	s16 =	sshll.u32 s0, $0xA;
	s2 =	sadd.s32 s3, s2  }
0x8d: {  	s2 =	sadd.s32 s2, s16  }
0x8e: {  	[smem:$0x3F89] =	sst s2  }
0x8f: {  	_ = 	snop  }
0x90: {  	(tm) =	ssettm $0x1  }
0x91: {  	s17 =	sld [smem:$0x3FFB];
	_ =	sdelay $0x3  }
0x92: {  	_ =	strace s17  }
0x93: {  	s2 =	sld [smem:$0x3FFC];
	_ =	sdelay $0x3  }
0x94: {  	_ =	strace s2  }
0x95: {  	s2 =	sld [smem:$0x3FFD];
	_ =	sdelay $0x3  }
0x96: {  	_ =	strace s2  }
0x97: {  	_ =	strace $0x8FFFFFFF  }
0x98: {  	s18 =	sld [smem:$0x3FDB];
	_ =	sdelay $0x1  }
0x99: {  	s19 =	simm.s32 $_scs_section_size  }
0x9a: {  	s4 =	simm.s32 $_size__tile_overlayer_lowered;
	s5 =	simm.s32 $_tile_overlayer_lowered  }
0x9b: {  	s22 =	simm.s32 $0x1BFF;
	s21 =	sshll.u32 s5, $0x1;
	s2 =	sadd.s32 s19, s18  }
0x9c: {  	s6 =	simm.s32 $0x0;
	s20 =	sshll.u32 s4, $0x1;
	s4 =	sadd.s32 s21, s2  }
0x9d: {  	[timem:s6], [sflag:s22] =	dma.local [hbm:s4], s20  }
0x9e: {  	_ =	swait.ge [sflag:s22], s20  }
0x9f: {  	s3 =	ssub.s32 $0x0, s20;
	[sflag:s22] =	ssyncset.done $0x0  }
0xa0: {  	[sflag:s22] =	ssyncadd.s32 s3;
	_ =	sdelay $0x1  }
0xa1: {  	s23 =	simm.s32 $0x1B8B  }
0xa2: {  	_ =	swait.ge [sflag:s23], $0x1  }
0xa3: {  	[sflag:s23] =	ssyncset.done $0x0  }
0xa4: {  	s25 =	simm.s32 $0x1B8E;
	s24 =	sld [smem:$0x3FFE];
	[sflag:s23] =	ssyncadd.s32 $0xFFFFFFFF  }
0xa5: {  	s26 =	simm.s32 $execute0_lowered;
	[smem:$0x3FD2] =	sst s25  }
0xa6: {  	s4 =	sshll.u32 s26, $0x1;
	_ =	strace $0x8000004C;
	[dreg:$0x1] =	wrdreg $0xFFFFFFFF  }
0xa7: {  	s28 =	simm.s32 $_size_execute0_lowered;
	s2 =	sadd.s32 s2, s4;
	[dreg:$0x0] =	wrdreg $0x0  }
0xa8: {  	s4 =	sshll.u32 s28, $0x1;
	[dreg:$0x2] =	wrdreg s2  }
0xa9: {  	[dreg:$0x3] =	wrdreg s4  }
0xaa: {  	[dreg:$0x4] =	wrdreg $0xC0  }
0xab: {  	_ =	task [dreg:s6], $0x5FFFF  }
0xac: {  	[dreg:$0x1] =	wrdreg $0xFFFFFFFF  }
0xad: {  	[dreg:$0x0] =	wrdreg $0x60  }
0xae: {  	[dreg:$0x2] =	wrdreg s24  }
0xaf: {  	[dreg:$0x3] =	wrdreg $0xB7800  }
0xb0: {  	[dreg:$0x4] =	wrdreg $0x9  }
0xb1: {  	_ =	task.clear_ibuf [dreg:s6], $0x5FFFF;
	_ =	strace $0x9000004C  }
0xb2: {  	s29 =	simm.s32 $0x9;
	_ =	strace $0x8000004E  }
0xb3: {  	_ =	swait.ge [sflag:s29], $0x1  }
0xb4: {  	[sflag:s29] =	ssyncadd.s32 $0xFFFFFFFF  }
0xb5: {  	_ =	strace $0x9000004E  }
0xb6: {  	_ =	sfence  }
0xb7: {  	s30 =	sld [smem:$0x0];
	_ =	sdelay $0x2  }
0xb8: {  	s31 =	sshll.u32 s1, $0xD;
	s1 =	sshrl.u32 s1, $0x2  }
0xb9: {  	s3 =	sand.u32 $0x4000, s31;
	s1 =	sadd.s32 s1, s30  }
0xba: {  	s0 =	sor.u32 s3, s0;
	s1 =	sshll.u32 s1, $0x11  }
0xbb: {  	s0 =	sor.u32 s1, s0  }
0xbc: {  	s0 =	sadd.s32 $0x8F2B, s0  }
0xbd: {  	[sflag:s0] =	ssyncadd.remote.s32 $0x1  }
0xbe: {  	_ =	sfence.sel $0xFFFF  }
0xbf: {  	[dreg:$0x0] =	wrdreg $0xFFFFFFFF;
	(pc) =	sbr.abs _section_cstart, $3  }
0xc0: {  	[dreg:$0x1] =	wrdreg $0xFFFFFFFF  }
0xc1: {  	_ =	task.clear_ibuf [dreg:s6], $0x2FFFF;
	_ =	strace $0x9FFFFFFF  }
0xc2: {  	(tm) =	ssettm $0x7FFFFFFF  }
0xc3: {  	_ =	shalt  }
tec
execute0_lowered:
.L_overlay_start_1:
0x0: {  	(tag) =	ssettag $0x1  }
0x1: {  	s0 =	rddreg [dreg:$0x0]  }
0x2: {  	s2 =	rddreg [dreg:$0x1]  }
0x3: {  	s1 =	srdreg.scid;
	s3 =	simm.s32 $0x0;
	s12 =	stileid.u32  }
0x4: {  	s28 =	simm.s32 $0x3;
	s29 =	simm.s32 $0x80;
	s30 =	simm.s32 $0x400  }
0x5: {  	s31 =	simm.s32 $0x2780;
	s1 =	sand.u32 $0x1, s1;
	[smem:$0x7FF] =	sst s3  }
0x6: {  	s5 =	sshll.u32 s12, $0xB;
	s6 =	sadd.s32 $0x2B000, s0;
	s18 =	smul.u32 $0x2800, s12  }
0x7: {  	s7 =	sshrl.u32 s12, $0x3;
	s11 =	sshll.u32 s12, $0x7;
	s20 =	smul.u32 $0x50, s12  }
0x8: {  	s4 =	sshll.u32 s1, $0x10;
	_ =	strace $0x8000004D;
	s8 =	smul.u32 $0x4F000, s1  }
0x9: {  	s9 =	ssub.s32 $0x2, s1;
	s7 =	smul.u32 $0x13C00, s7;
	s11 =	sand.u32 $0x380, s11  }
0xa: {  	s1 =	smul.u32 $0x138800, s1;
	s4 =	sor.u32 s5, s4;
	s10 =	sshrl.u32 s9, $0x1  }
0xb: {  	s25 =	sshll.u32 s20, $0x7;
	s5 =	sadd.s32 s4, s0;
	s4 =	sadd.s32 $0x3EC00, s0  }
0xc: {  	s0 =	sadd.s32 $0x8CE00, s0;
	s7 =	sadd.s32 s8, s7;
	s8 =	ssub.s32 s9, s10  }
0xd: {  	s9 =	sadd.s32 s1, s18;
	s21 =	sadd.s32 $0x78000, s25;
	s22 =	sadd.s32 $0xA0000, s25  }
0xe: {  	s23 =	sadd.s32 $0xC8000, s25;
	s7 =	sor.u32 s11, s7;
	s24 =	sshrl.u32 s9, $0x3  }
0xf: {  	s9 =	sadd.s32 $0x28000, s25;
	s11 =	smin.u32 s20, $0x3C0;
	s15 =	sadd.s32 s1, s21  }
0x10: {  	s21 =	sadd.s32 s21, s2;
	s19 =	sshrl.u32 s7, $0x3;
	s7 =	sadd.s32 $0x27800, s7  }
0x11: {  	s26 =	sadd.s32 s1, s9;
	s11 =	sshll.u32 s11, $0x7;
	s16 =	sshrl.u32 s15, $0x3  }
0x12: {  	s15 =	sadd.s32 $0xB000, s5;
	s10 =	sadd.s32 s6, s19;
	s7 =	sshrl.u32 s7, $0x3  }
0x13: {  	s19 =	sadd.s32 s1, s23;
	s23 =	sadd.s32 s23, s2;
	[dreg:$0x3] =	wrdreg s10  }
0x14: {  	s6 =	sadd.s32 s6, s7;
	s10 =	sadd.s32 $0x50000, s25;
	s7 =	sadd.s32 $0xF0000, s25  }
0x15: {  	s25 =	sadd.s32 $0x118000, s11;
	[dreg:$0x4] =	wrdreg s6;
	s6 =	sadd.s32 s0, s24  }
0x16: {  	s14 =	sadd.s32 s1, s10;
	s20 =	sadd.s32 s1, s7;
	[dreg:$0x5] =	wrdreg s6  }
0x17: {  	s6 =	smul.u32 $0xA000, s12;
	s12 =	sshrl.u32 s26, $0x3;
	s11 =	sshrl.u32 s14, $0x3  }
0x18: {  	s13 =	sadd.s32 s0, s12;
	s11 =	sadd.s32 s0, s11;
	s12 =	sshrl.u32 s19, $0x3  }
0x19: {  	s19 =	sadd.s32 s9, s2;
	[dreg:$0x6] =	wrdreg s13;
	s13 =	sadd.s32 s1, s22  }
0x1a: {  	[dreg:$0x7] =	wrdreg s11;
	s11 =	sadd.s32 s0, s16;
	s1 =	sadd.s32 s1, s25  }
0x1b: {  	s24 =	sadd.s32 s0, s12;
	s16 =	sadd.s32 $0x13000, s5;
	s26 =	sshrl.u32 s6, $0x2  }
0x1c: {  	s22 =	sadd.s32 s22, s2;
	s25 =	sadd.s32 s25, s2;
	s5 =	simm.s32 $0x1  }
0x1d: {  	s6 =	simm.s32 $0x2;
	s17 =	sshrl.u32 s13, $0x3;
	[dreg:$0x8] =	wrdreg s11  }
0x1e: {  	[dreg:$0xa] =	wrdreg s24;
	s13 =	sshrl.u32 s20, $0x3;
	s1 =	sshrl.u32 s1, $0x3  }
0x1f: {  	s20 =	sadd.s32 s10, s2;
	s24 =	sadd.s32 s7, s2;
	s7 =	simm.s32 $0x6580  }
0x20: {  	s18 =	sadd.s32 s0, s17;
	s13 =	sadd.s32 s0, s13;
	s14 =	sadd.s32 s0, s1  }
0x21: {  	s17 =	smax.u32 s8, $0x1;
	s0 =	simm.s32 $0x50;
	s1 =	simm.s32 $0x8F80  }
0x22: {  	v0 =	vimm.f32 $0.0e+00;
	[dreg:$0x9] =	wrdreg s18;
	s18 =	sadd.s32 s26, s2;
	s26 =	simm.s32 $0x6780  }
.LBB2_1:
0x23: {  	s8 =	simm.s32 $0x0;
	s9 =	simm.s32 $0x200  }
.LBB2_2:
0x24: {  	p0 =	sne.s32 s9, $0x9E00;
	[tilespmem:s8+$0x67F0] =	vst v0  }
0x25: {  	[tilespmem:s8+$0x6780] =	vst v0  }
0x26: {  	[tilespmem:s8+$0x6790] =	vst v0  }
.Ltmp0:
0x27: {  	[tilespmem:s8+$0x67A0] =	vst v0;
	(pc) =	sbr.rel @p0 .LBB2_2-.Ltmp0, $4  }
0x28: {  	[tilespmem:s8+$0x67B0] =	vst v0  }
0x29: {  	[tilespmem:s8+$0x67C0] =	vst v0  }
0x2a: {  	[tilespmem:s8+$0x67D0] =	vst v0  }
0x2b: {  	[tilespmem:s8+$0x67E0] =	vst v0;
	s8 =	sshra.s32 s9, $0x2;
	s9 =	sadd.s32 $0x200, s9  }
0x2c: {  	[tilespmem:s8+$0x67F0] =	vst v0  }
0x2d: {  	[tilespmem:s8+$0x6780] =	vst v0  }
0x2e: {  	[tilespmem:s8+$0x6790] =	vst v0  }
0x2f: {  	[tilespmem:s8+$0x67A0] =	vst v0  }
0x30: {  	[tilespmem:s8+$0x67B0] =	vst v0  }
0x31: {  	[tilespmem:s8+$0x67C0] =	vst v0  }
0x32: {  	[tilespmem:s8+$0x67D0] =	vst v0  }
0x33: {  	[tilespmem:s8+$0x67E0] =	vst v0  }
0x34: {  	[spmem:s18] =	stream.linear.scatter [tilespmem:s26], [sflag:$0x3], $0x2800, $0x38;
	[tilespmem:$0x1F000] =	vst v63  }
0x35: {  	_ =	swait.ge [sflag:s28], $0x2800  }
0x36: {  	[sflag:s28] =	ssyncset.done $0x0  }
0x37: {  	[sflag:s28] =	ssyncadd.s32 $0xFFFFD800  }
0x38: {  	[spmem:s19] =	stream.linear.scatter [tilespmem:s26], [sflag:$0x3], $0x2800, $0x38;
	[tilespmem:$0x1F000] =	vst v63  }
0x39: {  	_ =	swait.ge [sflag:s28], $0x2800  }
0x3a: {  	[sflag:s28] =	ssyncset.done $0x0  }
0x3b: {  	[sflag:s28] =	ssyncadd.s32 $0xFFFFD800  }
0x3c: {  	[spmem:s20] =	stream.linear.scatter [tilespmem:s26], [sflag:$0x3], $0x2800, $0x38;
	[tilespmem:$0x1F000] =	vst v63  }
0x3d: {  	_ =	swait.ge [sflag:s28], $0x2800  }
0x3e: {  	[sflag:s28] =	ssyncset.done $0x0  }
0x3f: {  	[sflag:s28] =	ssyncadd.s32 $0xFFFFD800  }
0x40: {  	[spmem:s21] =	stream.linear.scatter [tilespmem:s26], [sflag:$0x3], $0x2800, $0x38;
	[tilespmem:$0x1F000] =	vst v63  }
0x41: {  	_ =	swait.ge [sflag:s28], $0x2800  }
0x42: {  	[sflag:s28] =	ssyncset.done $0x0  }
0x43: {  	[sflag:s28] =	ssyncadd.s32 $0xFFFFD800  }
0x44: {  	[spmem:s22] =	stream.linear.scatter [tilespmem:s26], [sflag:$0x3], $0x2800, $0x38;
	[tilespmem:$0x1F000] =	vst v63  }
0x45: {  	_ =	swait.ge [sflag:s28], $0x2800  }
0x46: {  	[sflag:s28] =	ssyncset.done $0x0  }
0x47: {  	[sflag:s28] =	ssyncadd.s32 $0xFFFFD800  }
0x48: {  	[spmem:s23] =	stream.linear.scatter [tilespmem:s26], [sflag:$0x3], $0x2800, $0x38;
	[tilespmem:$0x1F000] =	vst v63  }
0x49: {  	_ =	swait.ge [sflag:s28], $0x2800  }
0x4a: {  	[sflag:s28] =	ssyncset.done $0x0  }
0x4b: {  	[sflag:s28] =	ssyncadd.s32 $0xFFFFD800  }
0x4c: {  	[spmem:s24] =	stream.linear.scatter [tilespmem:s26], [sflag:$0x3], $0x2800, $0x38;
	[tilespmem:$0x1F000] =	vst v63  }
0x4d: {  	_ =	swait.ge [sflag:s28], $0x2800  }
0x4e: {  	[sflag:s28] =	ssyncset.done $0x0  }
0x4f: {  	[sflag:s28] =	ssyncadd.s32 $0xFFFFD800  }
0x50: {  	[spmem:s25] =	stream.linear.scatter [tilespmem:s26], [sflag:$0x3], $0x2800, $0x38;
	[tilespmem:$0x1F000] =	vst v63  }
0x51: {  	_ =	swait.ge [sflag:s28], $0x2800  }
0x52: {  	[sflag:s28] =	ssyncset.done $0x0  }
0x53: {  	[sflag:s28] =	ssyncadd.s32 $0xFFFFD800  }
0x54: {  	[bflag:$0x0] =	sbarrier.arrive $0xFFFF  }
0x55: {  	s12 =	simm.s32 $0x0;
	s9 =	rddreg [dreg:$0x3]  }
0x56: {  	[tilespmem:s12], [sflag:$0x3] =	stream.strided.gather [hbm4b:s9+s29], $0x2780, s30, s29, $0x38;
	[tilespmem:$0x1F000] =	vst v63  }
0x57: {  	_ =	swait.ge [sflag:s28], $0x2780  }
0x58: {  	[sflag:s28] =	ssyncset.done $0x0  }
0x59: {  	[sflag:s28] =	ssyncadd.s32 $0xFFFFD880  }
0x5a: {  	[tilespmem:s31], [sflag:$0x3] =	stream.linear.gather [hbm4b:s15+s12], $0x3E80, $0x38;
	[tilespmem:$0x1F000] =	vst v63  }
0x5b: {  	_ =	swait.ge [sflag:s28], $0x3E80  }
0x5c: {  	[sflag:s28] =	ssyncset.done $0x0  }
0x5d: {  	[sflag:s28] =	ssyncadd.s32 $0xFFFFC180  }
0x5e: {  	[tilespmem:s26], [sflag:$0x1] =	stream.indirect.gather [hbm4b:s4+s0], $0x80, s12, s0, $0xb8;
	[tilespmem:$0x1F000] =	vst v63  }
0x5f: {  	s9 =	simm.s32 $0x50  }
0x60: {  	[tilespmem:s1], [sflag:$0x2] =	stream.indirect.gather [hbm4b:s4+s0], $0x80, s9, s0, $0xb8;
	[tilespmem:$0x1F000] =	vst v63  }
0x61: {  	_ =	swait.ge [sflag:s5], $0x2800  }
0x62: {  	[sflag:s5] =	ssyncset.done $0x0  }
0x63: {  	s10 =	simm.s32 $0x2780;
	[sflag:s5] =	ssyncadd.s32 $0xFFFFD800  }
0x64: {  	[spmem:s2] =	stream.indirect.scatter.add.f32 [tilespmem:s26], [sflag:$0x3], $0x80, s10, s0, $0xb8;
	[tilespmem:$0x1F000] =	vst v63  }
0x65: {  	_ =	swait.ge [sflag:s28], $0x2800  }
0x66: {  	[sflag:s28] =	ssyncset.done $0x0  }
0x67: {  	s11 =	simm.s32 $0xA0;
	[sflag:s28] =	ssyncadd.s32 $0xFFFFD800  }
0x68: {  	[tilespmem:s26], [sflag:$0x1] =	stream.indirect.gather [hbm4b:s4+s0], $0x80, s11, s0, $0xb8;
	[tilespmem:$0x1F000] =	vst v63  }
0x69: {  	_ =	swait.ge [sflag:s6], $0x2800  }
0x6a: {  	[sflag:s6] =	ssyncset.done $0x0  }
0x6b: {  	s12 =	simm.s32 $0x2800;
	[sflag:s6] =	ssyncadd.s32 $0xFFFFD800  }
0x6c: {  	[spmem:s2] =	stream.indirect.scatter.add.f32 [tilespmem:s1], [sflag:$0x3], $0x80, s12, s0, $0xb8;
	[tilespmem:$0x1F000] =	vst v63  }
0x6d: {  	s8 =	simm.s32 $0x140;
	_ =	swait.ge [sflag:s28], $0x2800  }
0x6e: {  	s9 =	simm.s32 $0x400;
	s10 =	simm.s32 $0x800;
	[sflag:s28] =	ssyncset.done $0x0  }
.LBB2_4:
0x6f: {  	p0 =	sne.s32 s10, $0xF400;
	s11 =	sadd.s32 $0xFFFFFFB0, s8;
	[sflag:s28] =	ssyncadd.s32 $0xFFFFD800  }
0x70: {  	[tilespmem:s1], [sflag:$0x2] =	stream.indirect.gather [hbm4b:s4+s0], $0x80, s11, s0, $0xb8;
	[tilespmem:$0x1F000] =	vst v63  }
0x71: {  	s11 =	smov.u32 s10;
	s10 =	sadd.s32 $0x400, s10;
	_ =	swait.ge [sflag:s5], $0x2800  }
0x72: {  	s12 =	sshra.s32 s9, $0x2;
	s9 =	smov.u32 s11;
	[sflag:s5] =	ssyncset.done $0x0  }
0x73: {  	s11 =	sadd.s32 $0x2780, s12;
	[sflag:s5] =	ssyncadd.s32 $0xFFFFD800  }
0x74: {  	[spmem:s2] =	stream.indirect.scatter.add.f32 [tilespmem:s26], [sflag:$0x3], $0x80, s11, s0, $0xb8;
	[tilespmem:$0x1F000] =	vst v63  }
0x75: {  	_ =	swait.ge [sflag:s28], $0x2800  }
0x76: {  	[sflag:s28] =	ssyncset.done $0x0  }
0x77: {  	[sflag:s28] =	ssyncadd.s32 $0xFFFFD800  }
0x78: {  	[tilespmem:s26], [sflag:$0x1] =	stream.indirect.gather [hbm4b:s4+s0], $0x80, s8, s0, $0xb8;
	[tilespmem:$0x1F000] =	vst v63  }
0x79: {  	_ =	swait.ge [sflag:s6], $0x2800  }
.Ltmp1:
0x7a: {  	[sflag:s6] =	ssyncset.done $0x0;
	(pc) =	sbr.rel @p0 .LBB2_4-.Ltmp1, $4  }
0x7b: {  	s11 =	sadd.s32 $0x2800, s12;
	[sflag:s6] =	ssyncadd.s32 $0xFFFFD800  }
0x7c: {  	[spmem:s2] =	stream.indirect.scatter.add.f32 [tilespmem:s1], [sflag:$0x3], $0x80, s11, s0, $0xb8;
	[tilespmem:$0x1F000] =	vst v63  }
0x7d: {  	_ =	swait.ge [sflag:s28], $0x2800  }
0x7e: {  	s8 =	sadd.s32 $0xA0, s8;
	[sflag:s28] =	ssyncset.done $0x0  }
0x7f: {  	s10 =	sadd.s32 $0xFFFFFFB0, s8;
	[sflag:s28] =	ssyncadd.s32 $0xFFFFD800  }
0x80: {  	[tilespmem:s1], [sflag:$0x2] =	stream.indirect.gather [hbm4b:s4+s0], $0x80, s10, s0, $0xb8;
	[tilespmem:$0x1F000] =	vst v63  }
0x81: {  	_ =	swait.ge [sflag:s5], $0x2800  }
0x82: {  	s9 =	sshra.s32 s9, $0x2;
	[sflag:s5] =	ssyncset.done $0x0  }
0x83: {  	s12 =	sadd.s32 $0x2780, s9;
	[sflag:s5] =	ssyncadd.s32 $0xFFFFD800  }
0x84: {  	[spmem:s2] =	stream.indirect.scatter.add.f32 [tilespmem:s26], [sflag:$0x3], $0x80, s12, s0, $0xb8;
	[tilespmem:$0x1F000] =	vst v63  }
0x85: {  	_ =	swait.ge [sflag:s28], $0x2800  }
0x86: {  	[sflag:s28] =	ssyncset.done $0x0  }
0x87: {  	[sflag:s28] =	ssyncadd.s32 $0xFFFFD800  }
0x88: {  	[tilespmem:s26], [sflag:$0x1] =	stream.indirect.gather [hbm4b:s4+s0], $0x80, s8, s0, $0xb8;
	[tilespmem:$0x1F000] =	vst v63  }
0x89: {  	_ =	swait.ge [sflag:s6], $0x2800  }
0x8a: {  	[sflag:s6] =	ssyncset.done $0x0  }
0x8b: {  	s10 =	sadd.s32 $0x2800, s9;
	[sflag:s6] =	ssyncadd.s32 $0xFFFFD800  }
0x8c: {  	[spmem:s2] =	stream.indirect.scatter.add.f32 [tilespmem:s1], [sflag:$0x3], $0x80, s10, s0, $0xb8;
	[tilespmem:$0x1F000] =	vst v63  }
0x8d: {  	_ =	swait.ge [sflag:s28], $0x2800  }
0x8e: {  	[sflag:s28] =	ssyncset.done $0x0  }
0x8f: {  	[sflag:s28] =	ssyncadd.s32 $0xFFFFD800  }
0x90: {  	_ =	swait.ge [sflag:s5], $0x2800  }
0x91: {  	[sflag:s5] =	ssyncset.done $0x0  }
0x92: {  	[sflag:s5] =	ssyncadd.s32 $0xFFFFD800  }
0x93: {  	[spmem:s2] =	stream.indirect.scatter.add.f32 [tilespmem:s26], [sflag:$0x3], $0x80, s7, s0, $0xb8;
	[tilespmem:$0x1F000] =	vst v63  }
0x94: {  	_ =	swait.ge [sflag:s28], $0x2800  }
0x95: {  	[sflag:s28] =	ssyncset.done $0x0  }
0x96: {  	s11 =	simm.s32 $0x0;
	s12 =	rddreg [dreg:$0x4];
	[sflag:s28] =	ssyncadd.s32 $0xFFFFD800  }
0x97: {  	[tilespmem:s11], [sflag:$0x3] =	stream.strided.gather [hbm4b:s12+s29], $0x2780, s30, s29, $0x38;
	[tilespmem:$0x1F000] =	vst v63  }
0x98: {  	_ =	swait.ge [sflag:s28], $0x2780  }
0x99: {  	[sflag:s28] =	ssyncset.done $0x0  }
0x9a: {  	[sflag:s28] =	ssyncadd.s32 $0xFFFFD880  }
0x9b: {  	[tilespmem:s31], [sflag:$0x3] =	stream.linear.gather [hbm4b:s16+s11], $0x3E80, $0x38;
	[tilespmem:$0x1F000] =	vst v63  }
0x9c: {  	_ =	swait.ge [sflag:s28], $0x3E80  }
0x9d: {  	[sflag:s28] =	ssyncset.done $0x0  }
0x9e: {  	[sflag:s28] =	ssyncadd.s32 $0xFFFFC180  }
0x9f: {  	[tilespmem:s26], [sflag:$0x1] =	stream.indirect.gather [hbm4b:s4+s0], $0x80, s11, s0, $0xb8;
	[tilespmem:$0x1F000] =	vst v63  }
0xa0: {  	s9 =	simm.s32 $0x50  }
0xa1: {  	[tilespmem:s1], [sflag:$0x2] =	stream.indirect.gather [hbm4b:s4+s0], $0x80, s9, s0, $0xb8;
	[tilespmem:$0x1F000] =	vst v63  }
0xa2: {  	_ =	swait.ge [sflag:s5], $0x2800  }
0xa3: {  	[sflag:s5] =	ssyncset.done $0x0  }
0xa4: {  	s10 =	simm.s32 $0x2780;
	[sflag:s5] =	ssyncadd.s32 $0xFFFFD800  }
0xa5: {  	[spmem:s2] =	stream.indirect.scatter.add.f32 [tilespmem:s26], [sflag:$0x3], $0x80, s10, s0, $0xb8;
	[tilespmem:$0x1F000] =	vst v63  }
0xa6: {  	_ =	swait.ge [sflag:s28], $0x2800  }
0xa7: {  	[sflag:s28] =	ssyncset.done $0x0  }
0xa8: {  	s11 =	simm.s32 $0xA0;
	[sflag:s28] =	ssyncadd.s32 $0xFFFFD800  }
0xa9: {  	[tilespmem:s26], [sflag:$0x1] =	stream.indirect.gather [hbm4b:s4+s0], $0x80, s11, s0, $0xb8;
	[tilespmem:$0x1F000] =	vst v63  }
0xaa: {  	_ =	swait.ge [sflag:s6], $0x2800  }
0xab: {  	[sflag:s6] =	ssyncset.done $0x0  }
0xac: {  	s12 =	simm.s32 $0x2800;
	[sflag:s6] =	ssyncadd.s32 $0xFFFFD800  }
0xad: {  	[spmem:s2] =	stream.indirect.scatter.add.f32 [tilespmem:s1], [sflag:$0x3], $0x80, s12, s0, $0xb8;
	[tilespmem:$0x1F000] =	vst v63  }
0xae: {  	s8 =	simm.s32 $0x140;
	_ =	swait.ge [sflag:s28], $0x2800  }
0xaf: {  	s9 =	simm.s32 $0x400;
	s10 =	simm.s32 $0x800;
	[sflag:s28] =	ssyncset.done $0x0  }
.LBB2_6:
0xb0: {  	p0 =	sne.s32 s10, $0xF400;
	s11 =	sadd.s32 $0xFFFFFFB0, s8;
	[sflag:s28] =	ssyncadd.s32 $0xFFFFD800  }
0xb1: {  	[tilespmem:s1], [sflag:$0x2] =	stream.indirect.gather [hbm4b:s4+s0], $0x80, s11, s0, $0xb8;
	[tilespmem:$0x1F000] =	vst v63  }
0xb2: {  	s11 =	smov.u32 s10;
	s10 =	sadd.s32 $0x400, s10;
	_ =	swait.ge [sflag:s5], $0x2800  }
0xb3: {  	s12 =	sshra.s32 s9, $0x2;
	s9 =	smov.u32 s11;
	[sflag:s5] =	ssyncset.done $0x0  }
0xb4: {  	s11 =	sadd.s32 $0x2780, s12;
	[sflag:s5] =	ssyncadd.s32 $0xFFFFD800  }
0xb5: {  	[spmem:s2] =	stream.indirect.scatter.add.f32 [tilespmem:s26], [sflag:$0x3], $0x80, s11, s0, $0xb8;
	[tilespmem:$0x1F000] =	vst v63  }
0xb6: {  	_ =	swait.ge [sflag:s28], $0x2800  }
0xb7: {  	[sflag:s28] =	ssyncset.done $0x0  }
0xb8: {  	[sflag:s28] =	ssyncadd.s32 $0xFFFFD800  }
0xb9: {  	[tilespmem:s26], [sflag:$0x1] =	stream.indirect.gather [hbm4b:s4+s0], $0x80, s8, s0, $0xb8;
	[tilespmem:$0x1F000] =	vst v63  }
0xba: {  	_ =	swait.ge [sflag:s6], $0x2800  }
.Ltmp2:
0xbb: {  	[sflag:s6] =	ssyncset.done $0x0;
	(pc) =	sbr.rel @p0 .LBB2_6-.Ltmp2, $4  }
0xbc: {  	s11 =	sadd.s32 $0x2800, s12;
	[sflag:s6] =	ssyncadd.s32 $0xFFFFD800  }
0xbd: {  	[spmem:s2] =	stream.indirect.scatter.add.f32 [tilespmem:s1], [sflag:$0x3], $0x80, s11, s0, $0xb8;
	[tilespmem:$0x1F000] =	vst v63  }
0xbe: {  	_ =	swait.ge [sflag:s28], $0x2800  }
0xbf: {  	s8 =	sadd.s32 $0xA0, s8;
	[sflag:s28] =	ssyncset.done $0x0  }
0xc0: {  	s10 =	sadd.s32 $0xFFFFFFB0, s8;
	[sflag:s28] =	ssyncadd.s32 $0xFFFFD800  }
0xc1: {  	[tilespmem:s1], [sflag:$0x2] =	stream.indirect.gather [hbm4b:s4+s0], $0x80, s10, s0, $0xb8;
	[tilespmem:$0x1F000] =	vst v63  }
0xc2: {  	_ =	swait.ge [sflag:s5], $0x2800  }
0xc3: {  	s9 =	sshra.s32 s9, $0x2;
	[sflag:s5] =	ssyncset.done $0x0  }
0xc4: {  	s12 =	sadd.s32 $0x2780, s9;
	[sflag:s5] =	ssyncadd.s32 $0xFFFFD800  }
0xc5: {  	[spmem:s2] =	stream.indirect.scatter.add.f32 [tilespmem:s26], [sflag:$0x3], $0x80, s12, s0, $0xb8;
	[tilespmem:$0x1F000] =	vst v63  }
0xc6: {  	_ =	swait.ge [sflag:s28], $0x2800  }
0xc7: {  	[sflag:s28] =	ssyncset.done $0x0  }
0xc8: {  	[sflag:s28] =	ssyncadd.s32 $0xFFFFD800  }
0xc9: {  	[tilespmem:s26], [sflag:$0x1] =	stream.indirect.gather [hbm4b:s4+s0], $0x80, s8, s0, $0xb8;
	[tilespmem:$0x1F000] =	vst v63  }
0xca: {  	_ =	swait.ge [sflag:s6], $0x2800  }
0xcb: {  	[sflag:s6] =	ssyncset.done $0x0  }
0xcc: {  	s9 =	sadd.s32 $0x2800, s9;
	[sflag:s6] =	ssyncadd.s32 $0xFFFFD800  }
0xcd: {  	[spmem:s2] =	stream.indirect.scatter.add.f32 [tilespmem:s1], [sflag:$0x3], $0x80, s9, s0, $0xb8;
	[tilespmem:$0x1F000] =	vst v63  }
0xce: {  	_ =	swait.ge [sflag:s28], $0x2800  }
0xcf: {  	[sflag:s28] =	ssyncset.done $0x0  }
0xd0: {  	[sflag:s28] =	ssyncadd.s32 $0xFFFFD800  }
0xd1: {  	_ =	swait.ge [sflag:s5], $0x2800  }
0xd2: {  	[sflag:s5] =	ssyncset.done $0x0  }
0xd3: {  	[sflag:s5] =	ssyncadd.s32 $0xFFFFD800  }
0xd4: {  	[spmem:s2] =	stream.indirect.scatter.add.f32 [tilespmem:s26], [sflag:$0x3], $0x80, s7, s0, $0xb8;
	[tilespmem:$0x1F000] =	vst v63  }
0xd5: {  	_ =	swait.ge [sflag:s28], $0x2800  }
0xd6: {  	[sflag:s28] =	ssyncset.done $0x0  }
0xd7: {  	s10 =	stileid.u32;
	[sflag:s28] =	ssyncadd.s32 $0xFFFFD800  }
0xd8: {  	s8 =	sshll.u32 s10, $0x6;
	[bflag:$0x0] =	sbarrier.arrive $0xFFFF  }
0xd9: {  	s11 =	sshrl.u32 s18, $0x3;
	s8 =	sor.u32 $0x1C03, s8;
	s12 =	rddreg [dreg:$0x5]  }
0xda: {  	[hbm:s12], [sflag:s8] =	dma.local [spmem:s11], $0x500  }
0xdb: {  	_ =	swait.ge [sflag:s28], $0x500  }
0xdc: {  	[sflag:s28] =	ssyncset.done $0x0  }
0xdd: {  	s11 =	sshrl.u32 s19, $0x3;
	s12 =	rddreg [dreg:$0x6];
	[sflag:s28] =	ssyncadd.s32 $0xFFFFFB00  }
0xde: {  	[hbm:s12], [sflag:s8] =	dma.local [spmem:s11], $0x500  }
0xdf: {  	_ =	swait.ge [sflag:s28], $0x500  }
0xe0: {  	[sflag:s28] =	ssyncset.done $0x0  }
0xe1: {  	s11 =	sshrl.u32 s20, $0x3;
	s12 =	rddreg [dreg:$0x7];
	[sflag:s28] =	ssyncadd.s32 $0xFFFFFB00  }
0xe2: {  	[hbm:s12], [sflag:s8] =	dma.local [spmem:s11], $0x500  }
0xe3: {  	_ =	swait.ge [sflag:s28], $0x500  }
0xe4: {  	[sflag:s28] =	ssyncset.done $0x0  }
0xe5: {  	s11 =	sshrl.u32 s21, $0x3;
	s12 =	rddreg [dreg:$0x8];
	[sflag:s28] =	ssyncadd.s32 $0xFFFFFB00  }
0xe6: {  	[hbm:s12], [sflag:s8] =	dma.local [spmem:s11], $0x500  }
0xe7: {  	_ =	swait.ge [sflag:s28], $0x500  }
0xe8: {  	[sflag:s28] =	ssyncset.done $0x0  }
0xe9: {  	s11 =	sshrl.u32 s22, $0x3;
	s12 =	rddreg [dreg:$0x9];
	[sflag:s28] =	ssyncadd.s32 $0xFFFFFB00  }
0xea: {  	[hbm:s12], [sflag:s8] =	dma.local [spmem:s11], $0x500  }
0xeb: {  	_ =	swait.ge [sflag:s28], $0x500  }
0xec: {  	[sflag:s28] =	ssyncset.done $0x0  }
0xed: {  	s11 =	sshrl.u32 s23, $0x3;
	s12 =	rddreg [dreg:$0xa];
	[sflag:s28] =	ssyncadd.s32 $0xFFFFFB00  }
0xee: {  	[hbm:s12], [sflag:s8] =	dma.local [spmem:s11], $0x500  }
0xef: {  	_ =	swait.ge [sflag:s28], $0x500  }
0xf0: {  	[sflag:s28] =	ssyncset.done $0x0  }
0xf1: {  	s11 =	sshrl.u32 s24, $0x3;
	[sflag:s28] =	ssyncadd.s32 $0xFFFFFB00  }
0xf2: {  	[hbm:s13], [sflag:s8] =	dma.local [spmem:s11], $0x500  }
0xf3: {  	s3 =	sadd.s32 $0x1, s3;
	_ =	swait.ge [sflag:s28], $0x500  }
0xf4: {  	p0 =	sne.s32 s3, s17;
	[sflag:s28] =	ssyncset.done $0x0  }
.Ltmp3:
0xf5: {  	s12 =	sshrl.u32 s25, $0x3;
	[sflag:s28] =	ssyncadd.s32 $0xFFFFFB00;
	(pc) =	sbr.rel @p0 .LBB2_1-.Ltmp3, $4  }
0xf6: {  	[hbm:s14], [sflag:s8] =	dma.local [spmem:s12], $0x500  }
0xf7: {  	_ =	swait.ge [sflag:s28], $0x500  }
0xf8: {  	[sflag:s28] =	ssyncset.done $0x0  }
0xf9: {  	[sflag:s28] =	ssyncadd.s32 $0xFFFFFB00  }
0xfa: {  	_ =	sfence.sel $0x180000  }
0xfb: {  	[bflag:$0x0] =	sbarrier.arrive $0xFFFF  }
0xfc: {  	_ =	strace $0x9000004D  }
0xfd: {  	s0 =	stileid.u32;
	[bflag:$0x2] =	sbarrier.arrive $0xFFFF  }
0xfe: {  	p0 =	sne.s32 s0, $0x0;
	s0 =	rddreg [dreg:$0x2]  }
0xff: {  	s0 =	sadd.s32 @!p0 $0x100000, s0  }
0x100: {  	[sflag:s0] =	ssyncadd.tile.s32 @!p0 $0x1;
	_ =	shalt  }
.Lfunc_end2:
_tile_overlayer_lowered:
.L_overlay_start_2:
0x101: {  	(tag) =	ssettag $0x2  }
0x102: {  	s0 =	rddreg [dreg:$0x0];
	s2 =	stileid.u32  }
0x103: {  	s1 =	rddreg [dreg:$0x1];
	p0 =	sne.s32 s2, $0x0  }
0x104: {  	s3 =	rddreg [dreg:$0x2];
	[bflag:$0x3] =	sbarrier.arrive $0xFFFF;
	s2 =	simm.s32 @!p0 $0x1C03  }
0x105: {  	[timem:s3], [sflag:s2] =	dma.local @!p0 [hbm:s0], s1  }
0x106: {  	s0 =	simm.s32 @!p0 $0x3  }
0x107: {  	_ =	swait.ge @!p0 [sflag:s0], s1  }
0x108: {  	s1 =	ssub.s32 @!p0 $0x0, s1;
	[sflag:s0] =	ssyncset.done @!p0 $0x0  }
0x109: {  	[sflag:s0] =	ssyncadd.s32 @!p0 s1  }
0x10a: {  	[bflag:$0x3] =	sbarrier.arrive $0xFFFF  }
0x10b: {  	_ =	shalt  }

// kernel: kernel.22.cloned.1.call-start
scs
__scs_entry_jumppad:
0x0: {  	(pc) =	sbr.rel $0x88, $3  }
0x1: {  	(tag) =	ssettag $0x0;
	lr =	simm.s32 $0x1  }
0x2: {  	[smem:$0x3F62] =	sst lr;
	_ =	strace $0xD0000000  }
0x3: {  	_ = 	snop  }
0x4: {  	_ = 	snop  }
0x5: {  	_ = 	snop  }
0x6: {  	_ = 	snop  }
0x7: {  	_ = 	snop  }
__scs_overlays_trampoline_lowered:
0x8: {  	[smem:$0x3F71] =	sst s0  }
0x9: {  	[smem:$0x3F72] =	sst s1  }
0xa: {  	[smem:$0x3F73] =	sst s2  }
0xb: {  	[smem:$0x3F74] =	sst s3  }
0xc: {  	[smem:$0x3F75] =	sst s4  }
0xd: {  	[smem:$0x3F76] =	sst s5  }
0xe: {  	[smem:$0x3F77] =	sst s6  }
0xf: {  	[smem:$0x3F78] =	sst s7  }
0x10: {  	[smem:$0x3F79] =	sst s8  }
0x11: {  	[smem:$0x3F7A] =	sst s9;
	s0 =	simm.s32 @!p0 $0x0  }
0x12: {  	s1 =	sld [smem:$0x3F60];
	s0 =	simm.s32 @p0 $0x1  }
0x13: {  	[smem:$0x3F7B] =	sst s0;
	s0 =	simm.s32 @!p1 $0x0  }
0x14: {  	s2 =	sld [smem:$0x3F5F];
	s0 =	simm.s32 @p1 $0x1  }
0x15: {  	[smem:$0x3F7C] =	sst s0;
	s0 =	simm.s32 @!p2 $0x0  }
0x16: {  	s3 =	sld [smem:$0x3FDB];
	s0 =	simm.s32 @p2 $0x1  }
0x17: {  	s4 =	simm.s32 $0x1BF5;
	[smem:$0x3F7E] =	sst s0  }
0x18: {  	s0 =	sld [smem:$0x3F61];
	_ =	swait.ge [sflag:s4], $0x0  }
0x19: {  	s7 =	sld [smem:$0x3F62]  }
0x1a: {  	s8 =	sadd.s32 $0xFFFFE003, lr  }
0x1b: {  	s9 =	sadd.s32 $0xFFFFFEF7, lr;
	s5 =	simm.s32 $0xFFFFFFFF;
	p2 =	slt.u32 s8, $0xFFFFF086  }
0x1c: {  	p1 =	slt.u32 s9, $0xF7A;
	s5 =	simm.s32 @!p2 $0x0  }
0x1d: {  	s5 =	simm.s32 @p1 $0x1;
	p0 =	seq.s32 s7, s2  }
0x1e: {  	s7 =	smul.u32 @!p0 $0xF7A, s2;
	p2 =	seq.s32 @!p0 s5, $0x0  }
0x1f: {  	s9 =	smul.u32 $0xF7A, s1;
	s8 =	simm.s32 @!p0 $0x1BF5;
	p2 =	por !p2, p0  }
0x20: {  	[sflag:s8] =	ssyncset.s32 @!p0 $0xFFFFF086;
	s6 =	sadd.s32 @!p0 s3, s7;
	s7 =	simm.s32 @!p0 $0x108  }
0x21: {  	s3 =	sadd.s32 s3, s9;
	s6 =	sadd.s32 @!p0 $0x88, s6;
	s7 =	simm.s32 @p2 $0x1082  }
0x22: {  	[simem:s7], [sflag:s8] =	dma.local @!p0 [hbm:s6], $0xF7A  }
0x23: {  	s9 =	sor.u32 $0xD0000000, s2;
	s6 =	simm.s32 $0x108;
	_ =	swait.ge @!p0 [sflag:s8], $0x0  }
0x24: {  	s3 =	sadd.s32 $0x88, s3;
	s6 =	simm.s32 @!p1 $0x1082;
	[sflag:s4] =	ssyncset.s32 $0xFFFFF086  }
0x25: {  	[simem:s6], [sflag:s4] =	dma.local [hbm:s3], $0xF7A  }
0x26: {  	[smem:$0x3F62] =	sst s1;
	(tag) =	ssettag s2;
	_ =	strace s9  }
0x27: {  	s1 =	sld [smem:$0x3F72]  }
0x28: {  	s2 =	sld [smem:$0x3F73]  }
0x29: {  	s4 =	sld [smem:$0x3F75]  }
0x2a: {  	p0 =	seq.s32 s5, $0x0;
	s5 =	sld [smem:$0x3F76]  }
0x2b: {  	s6 =	sld [smem:$0x3F77]  }
0x2c: {  	s7 =	sld [smem:$0x3F78]  }
0x2d: {  	s3 =	simm.s32 $0x108;
	s8 =	sld [smem:$0x3F79]  }
0x2e: {  	s3 =	simm.s32 @!p0 $0x1082;
	s9 =	sld [smem:$0x3F7A]  }
0x2f: {  	lr =	sadd.s32 s0, s3;
	s0 =	sld [smem:$0x3F71]  }
0x30: {  	s3 =	sld [smem:$0x3F74]  }
0x31: {  	[smem:$0x3F7D] =	sst s10  }
0x32: {  	s10 =	sld [smem:$0x3F7B];
	_ =	sdelay $0x3  }
0x33: {  	p0 =	seq.s32 s10, $0x1;
	s10 =	sld [smem:$0x3F7D];
	_ =	sdelay $0x3  }
0x34: {  	[smem:$0x3F7D] =	sst s10  }
0x35: {  	s10 =	sld [smem:$0x3F7C];
	_ =	sdelay $0x3  }
0x36: {  	p1 =	seq.s32 s10, $0x1;
	s10 =	sld [smem:$0x3F7D];
	_ =	sdelay $0x3  }
0x37: {  	[smem:$0x3F7D] =	sst s10  }
0x38: {  	s10 =	sld [smem:$0x3F7E]  }
0x39: {  	_ = 	snop;
	(pc) =	sbr.ind lr, $3  }
0x3a: {  	_ = 	snop  }
0x3b: {  	_ = 	snop  }
0x3c: {  	p2 =	seq.s32 s10, $0x1;
	s10 =	sld [smem:$0x3F7D]  }
0x3d: {  	_ =	shalt  }
0x3e: {  	_ =	shalt  }
0x3f: {  	_ =	shalt  }
0x40: {  	_ =	shalt  }
0x41: {  	_ =	shalt  }
0x42: {  	_ =	shalt  }
0x43: {  	_ =	shalt  }
0x44: {  	_ =	shalt  }
0x45: {  	_ =	shalt  }
0x46: {  	_ =	shalt  }
0x47: {  	_ =	shalt  }
0x48: {  	_ =	shalt  }
0x49: {  	_ =	shalt  }
0x4a: {  	_ =	shalt  }
0x4b: {  	_ =	shalt  }
0x4c: {  	_ =	shalt  }
0x4d: {  	_ =	shalt  }
0x4e: {  	_ =	shalt  }
0x4f: {  	_ =	shalt  }
0x50: {  	_ =	shalt  }
0x51: {  	_ =	shalt  }
0x52: {  	_ =	shalt  }
0x53: {  	_ =	shalt  }
0x54: {  	_ =	shalt  }
0x55: {  	_ =	shalt  }
0x56: {  	_ =	shalt  }
0x57: {  	_ =	shalt  }
0x58: {  	_ =	shalt  }
0x59: {  	_ =	shalt  }
0x5a: {  	_ =	shalt  }
0x5b: {  	_ =	shalt  }
0x5c: {  	_ =	shalt  }
0x5d: {  	_ =	shalt  }
0x5e: {  	_ =	shalt  }
0x5f: {  	_ =	shalt  }
0x60: {  	_ =	shalt  }
0x61: {  	_ =	shalt  }
0x62: {  	_ =	shalt  }
0x63: {  	_ =	shalt  }
0x64: {  	_ =	shalt  }
0x65: {  	_ =	shalt  }
0x66: {  	_ =	shalt  }
0x67: {  	_ =	shalt  }
0x68: {  	_ =	shalt  }
0x69: {  	_ =	shalt  }
0x6a: {  	_ =	shalt  }
0x6b: {  	_ =	shalt  }
0x6c: {  	_ =	shalt  }
0x6d: {  	_ =	shalt  }
0x6e: {  	_ =	shalt  }
0x6f: {  	_ =	shalt  }
0x70: {  	_ =	shalt  }
0x71: {  	_ =	shalt  }
0x72: {  	_ =	shalt  }
0x73: {  	_ =	shalt  }
0x74: {  	_ =	shalt  }
0x75: {  	_ =	shalt  }
0x76: {  	_ =	shalt  }
0x77: {  	_ =	shalt  }
0x78: {  	_ =	shalt  }
0x79: {  	_ =	shalt  }
0x7a: {  	_ =	shalt  }
0x7b: {  	_ =	shalt  }
0x7c: {  	_ =	shalt  }
0x7d: {  	_ =	shalt  }
0x7e: {  	_ =	shalt  }
0x7f: {  	_ =	shalt  }
0x80: {  	_ =	shalt  }
0x81: {  	_ =	shalt  }
0x82: {  	_ =	shalt  }
0x83: {  	_ =	shalt  }
0x84: {  	_ =	shalt  }
0x85: {  	_ =	shalt  }
0x86: {  	_ =	shalt  }
0x87: {  	_ =	shalt  }
.Lfunc_end0:
.L_simem_size_0:
called_computation.3_lowered:
.L_overlay_start_0:
0x88: {  	s2 =	sld [smem:$0x3FD9]  }
0x89: {  	s3 =	sld [smem:$0x3FFE];
	_ =	sdelay $0x1  }
0x8a: {  	s1 =	srdreg.scid  }
0x8b: {  	s0 =	sand.u32 $0x1, s1  }
0x8c: {  	s17 =	sshll.u32 s0, $0xA;
	s2 =	sadd.s32 s3, s2  }
0x8d: {  	s2 =	sadd.s32 s2, s17  }
0x8e: {  	[smem:$0x3F89] =	sst s2  }
0x8f: {  	_ = 	snop  }
0x90: {  	s2 =	sld [smem:$0x3FD0];
	(tm) =	ssettm $0x1  }
0x91: {  	s18 =	sld [smem:$0x3FFB];
	_ =	sdelay $0x3  }
0x92: {  	_ =	strace s18  }
0x93: {  	s3 =	sld [smem:$0x3FFC];
	_ =	sdelay $0x3  }
0x94: {  	_ =	strace s3  }
0x95: {  	s3 =	sld [smem:$0x3FFD];
	_ =	sdelay $0x3  }
0x96: {  	_ =	strace s3  }
0x97: {  	_ =	strace $0x8FFFFFFF  }
0x98: {  	s19 =	sld [smem:$0x3FDB];
	_ =	sdelay $0x1  }
0x99: {  	s4 =	simm.s32 $_scs_section_size  }
0x9a: {  	s5 =	simm.s32 $_size__tile_overlayer_lowered;
	s6 =	simm.s32 $_tile_overlayer_lowered  }
0x9b: {  	s22 =	simm.s32 $0x1BFF;
	s21 =	sshll.u32 s6, $0x1;
	s3 =	sadd.s32 s4, s19  }
0x9c: {  	s7 =	simm.s32 $0x0;
	s20 =	sshll.u32 s5, $0x1;
	s5 =	sadd.s32 s21, s3  }
0x9d: {  	[timem:s7], [sflag:s22] =	dma.local [hbm:s5], s20  }
0x9e: {  	_ =	swait.ge [sflag:s22], s20  }
0x9f: {  	s4 =	ssub.s32 $0x0, s20;
	[sflag:s22] =	ssyncset.done $0x0  }
0xa0: {  	[sflag:s22] =	ssyncadd.s32 s4;
	_ =	sdelay $0x1  }
0xa1: {  	s23 =	simm.s32 $0x1B8B  }
0xa2: {  	_ =	swait.ge [sflag:s23], $0x1  }
0xa3: {  	[sflag:s23] =	ssyncset.done $0x0  }
0xa4: {  	s25 =	simm.s32 $0x1B8E;
	s24 =	sld [smem:$0x3FFE];
	[sflag:s23] =	ssyncadd.s32 $0xFFFFFFFF  }
0xa5: {  	s26 =	simm.s32 $execute0_lowered;
	[smem:$0x3FD2] =	sst s25  }
0xa6: {  	s5 =	sshll.u32 s26, $0x1;
	_ =	strace $0x8000004F;
	[dreg:$0x1] =	wrdreg $0xFFFFFFFF  }
0xa7: {  	s28 =	simm.s32 $_size_execute0_lowered;
	s3 =	sadd.s32 s3, s5;
	[dreg:$0x0] =	wrdreg $0x0  }
0xa8: {  	s5 =	sshll.u32 s28, $0x1;
	[dreg:$0x2] =	wrdreg s3  }
0xa9: {  	[dreg:$0x3] =	wrdreg s5  }
0xaa: {  	[dreg:$0x4] =	wrdreg $0xC0  }
0xab: {  	_ =	task [dreg:s7], $0x5FFFF  }
0xac: {  	[dreg:$0x1] =	wrdreg $0xFFFFFFFF  }
0xad: {  	[dreg:$0x0] =	wrdreg $0x60  }
0xae: {  	[dreg:$0x2] =	wrdreg s2  }
0xaf: {  	[dreg:$0x3] =	wrdreg s24  }
0xb0: {  	[dreg:$0x4] =	wrdreg $0x9  }
0xb1: {  	_ =	task.clear_ibuf [dreg:s7], $0x5FFFF;
	_ =	strace $0x9000004F  }
0xb2: {  	s29 =	simm.s32 $0x9;
	_ =	strace $0x80000051  }
0xb3: {  	_ =	swait.ge [sflag:s29], $0x1  }
0xb4: {  	[sflag:s29] =	ssyncadd.s32 $0xFFFFFFFF  }
0xb5: {  	_ =	strace $0x90000051  }
0xb6: {  	_ =	sfence  }
0xb7: {  	s30 =	sld [smem:$0x0];
	_ =	sdelay $0x2  }
0xb8: {  	s31 =	sshll.u32 s1, $0xD;
	s1 =	sshrl.u32 s1, $0x2  }
0xb9: {  	s3 =	sand.u32 $0x4000, s31;
	s1 =	sadd.s32 s1, s30  }
0xba: {  	s0 =	sor.u32 s3, s0;
	s1 =	sshll.u32 s1, $0x11  }
0xbb: {  	s0 =	sor.u32 s1, s0  }
0xbc: {  	s0 =	sadd.s32 $0x8F2B, s0  }
0xbd: {  	[sflag:s0] =	ssyncadd.remote.s32 $0x1  }
0xbe: {  	_ =	sfence.sel $0xFFFF  }
0xbf: {  	[dreg:$0x0] =	wrdreg $0xFFFFFFFF;
	(pc) =	sbr.abs _section_cstart, $3  }
0xc0: {  	[dreg:$0x1] =	wrdreg $0xFFFFFFFF  }
0xc1: {  	_ =	task.clear_ibuf [dreg:s7], $0x2FFFF;
	_ =	strace $0x9FFFFFFF  }
0xc2: {  	(tm) =	ssettm $0x7FFFFFFF  }
0xc3: {  	_ =	shalt  }
tec
execute0_lowered:
.L_overlay_start_1:
0x0: {  	(tag) =	ssettag $0x1  }
0x1: {  	s2 =	rddreg [dreg:$0x0]  }
0x2: {  	s1 =	srdreg.scid;
	s0 =	stileid.u32  }
0x3: {  	s4 =	rddreg [dreg:$0x1];
	s3 =	simm.s32 $0x0;
	s11 =	simm.s32 $0x100  }
0x4: {  	s12 =	simm.s32 $0x1;
	s13 =	simm.s32 $0x2780;
	s14 =	simm.s32 $0x4F00  }
0x5: {  	s15 =	simm.s32 $0x5B80;
	s16 =	simm.s32 $0x6800;
	s17 =	simm.s32 $0x7480  }
0x6: {  	s5 =	sand.u32 $0x1, s1;
	s6 =	sshll.u32 s0, $0x1;
	s1 =	rddreg [dreg:$0x2]  }
0x7: {  	s18 =	simm.s32 $0x0;
	[smem:$0x7FF] =	sst s3;
	s6 =	sor.u32 s5, s6  }
0x8: {  	s30 =	sadd.s32 $0xDB000, s4;
	s5 =	ssub.s32 $0x2, s5;
	s7 =	smul.u32 $0x320, s6  }
0x9: {  	s9 =	sadd.s32 $0xB000, s4;
	s4 =	sadd.s32 $0x10, s2;
	s8 =	sshrl.u32 s5, $0x1  }
0xa: {  	_ =	strace $0x80000050;
	s10 =	ssub.s32 s5, s8;
	s31 =	sor.u32 $0x10, s7  }
0xb: {  	s5 =	sadd.s32 s30, s7;
	s7 =	sadd.s32 s9, s7;
	s6 =	sadd.s32 s30, s31  }
0xc: {  	s8 =	sadd.s32 s9, s31;
	s9 =	smax.u32 s10, $0x1;
	s10 =	simm.s32 $0x80  }
.LBB2_1:
0xd: {  	[tilespmem:s3], [sflag:$0x1] =	stream.strided.gather [hbm4b:s2+s10], $0x2780, s11, s10, $0x38;
	[tilespmem:$0x8100] =	vst v63  }
0xe: {  	_ =	swait.ge [sflag:s12], $0x2780  }
0xf: {  	[sflag:s12] =	ssyncset.done $0x0  }
0x10: {  	[sflag:s12] =	ssyncadd.s32 $0xFFFFD880  }
0x11: {  	[tilespmem:s13], [sflag:$0x1] =	stream.strided.gather [hbm4b:s4+s10], $0x2780, s11, s10, $0x38;
	[tilespmem:$0x8100] =	vst v63  }
0x12: {  	_ =	swait.ge [sflag:s12], $0x2780  }
0x13: {  	[sflag:s12] =	ssyncset.done $0x0  }
0x14: {  	[sflag:s12] =	ssyncadd.s32 $0xFFFFD880  }
0x15: {  	[tilespmem:s14], [sflag:$0x1] =	stream.strided.gather [hbm4b:s5+s10], $0xC80, s11, s10, $0x38;
	[tilespmem:$0x8100] =	vst v63  }
0x16: {  	_ =	swait.ge [sflag:s12], $0xC80  }
0x17: {  	[sflag:s12] =	ssyncset.done $0x0  }
0x18: {  	[sflag:s12] =	ssyncadd.s32 $0xFFFFF380  }
0x19: {  	[tilespmem:s15], [sflag:$0x1] =	stream.strided.gather [hbm4b:s6+s10], $0xC80, s11, s10, $0x38;
	[tilespmem:$0x8100] =	vst v63  }
0x1a: {  	_ =	swait.ge [sflag:s12], $0xC80  }
0x1b: {  	[sflag:s12] =	ssyncset.done $0x0  }
0x1c: {  	s19 =	simm.s32 $0x0;
	[sflag:s12] =	ssyncadd.s32 $0xFFFFF380  }
0x1d: {  	v1 =	vld [tilespmem:s19+$0x4F00];
	_ =	sdelay $0x5  }
0x1e: {  	v0 =	vld [tilespmem:s19+$0x5B80];
	_ =	sdelay $0x1  }
0x1f: {  	v1 =	vld.idx.msk [tilespmem:v1+s3+$0x0], $0xffff;
	_ =	sdelay $0x3  }
0x20: {  	s20 =	simm.s32 $0x10;
	s21 =	simm.s32 $0x80  }
.LBB2_2:
0x21: {  	p0 =	sne.s32 s21, $0x31C0;
	v2 =	vld [tilespmem:s20+$0x4F00];
	[tilespmem:s19+$0x6800] =	vst v1  }
0x22: {  	v1 =	vld.idx.msk [tilespmem:v0+s13+$0x0], $0xffff;
	_ =	sdelay $0x5  }
0x23: {  	v0 =	vld [tilespmem:s20+$0x5B80];
	[tilespmem:s19+$0x7480] =	vst v1;
	s19 =	smov.u32 s20  }
0x24: {  	v1 =	vld.idx.msk [tilespmem:v2+s3+$0x0], $0xffff  }
.Ltmp0:
0x25: {  	(pc) =	sbr.rel @p0 .LBB2_2-.Ltmp0, $2  }
0x26: {  	_ =	sdelay $0x2  }
0x27: {  	s20 =	sshra.s32 s21, $0x2;
	s21 =	sadd.s32 $0x40, s21  }
0x28: {  	_ =	sdelay $0x1  }
0x29: {  	v2 =	vld [tilespmem:s20+$0x4F00]  }
0x2a: {  	[tilespmem:s19+$0x6800] =	vst v1  }
0x2b: {  	v0 =	vld.idx.msk [tilespmem:v0+s13+$0x0], $0xffff;
	_ =	sdelay $0x3  }
0x2c: {  	v1 =	vld [tilespmem:s20+$0x5B80]  }
0x2d: {  	[tilespmem:s19+$0x7480] =	vst v0  }
0x2e: {  	v0 =	vld.idx.msk [tilespmem:v2+s3+$0x0], $0xffff;
	_ =	sdelay $0x4  }
0x2f: {  	[tilespmem:s20+$0x6800] =	vst v0  }
0x30: {  	v0 =	vld.idx.msk [tilespmem:v1+s13+$0x0], $0xffff;
	_ =	sdelay $0x4  }
0x31: {  	[tilespmem:s20+$0x7480] =	vst v0  }
0x32: {  	[hbm4b:s7+s10] =	stream.strided.scatter [tilespmem:s16], [sflag:$0x1], $0xC80, s11, s10, $0x38;
	[tilespmem:$0x8100] =	vst v63  }
0x33: {  	s18 =	sadd.s32 $0x1, s18;
	_ =	swait.ge [sflag:s12], $0xC80  }
0x34: {  	p0 =	sne.s32 s18, s9;
	[sflag:s12] =	ssyncset.done $0x0  }
.Ltmp1:
0x35: {  	[sflag:s12] =	ssyncadd.s32 $0xFFFFF380;
	(pc) =	sbr.rel @p0 .LBB2_1-.Ltmp1, $4  }
0x36: {  	[hbm4b:s8+s10] =	stream.strided.scatter [tilespmem:s17], [sflag:$0x1], $0xC80, s11, s10, $0x38;
	[tilespmem:$0x8100] =	vst v63  }
0x37: {  	_ =	swait.ge [sflag:s12], $0xC80  }
0x38: {  	[sflag:s12] =	ssyncset.done $0x0  }
0x39: {  	[sflag:s12] =	ssyncadd.s32 $0xFFFFF380  }
0x3a: {  	_ =	sfence.sel $0x180000  }
0x3b: {  	[bflag:$0x0] =	sbarrier.arrive $0xFFFF  }
0x3c: {  	p0 =	sne.s32 s0, $0x0;
	_ =	strace $0x90000050  }
0x3d: {  	s0 =	sadd.s32 @!p0 $0x100000, s1;
	[bflag:$0x2] =	sbarrier.arrive $0xFFFF  }
0x3e: {  	[sflag:s0] =	ssyncadd.tile.s32 @!p0 $0x1;
	_ =	shalt  }
.Lfunc_end2:
_tile_overlayer_lowered:
.L_overlay_start_2:
0x3f: {  	(tag) =	ssettag $0x2  }
0x40: {  	s0 =	rddreg [dreg:$0x0];
	s2 =	stileid.u32  }
0x41: {  	s1 =	rddreg [dreg:$0x1];
	p0 =	sne.s32 s2, $0x0  }
0x42: {  	s3 =	rddreg [dreg:$0x2];
	[bflag:$0x3] =	sbarrier.arrive $0xFFFF;
	s2 =	simm.s32 @!p0 $0x1C01  }
0x43: {  	[timem:s3], [sflag:s2] =	dma.local @!p0 [hbm:s0], s1  }
0x44: {  	s0 =	simm.s32 @!p0 $0x1  }
0x45: {  	_ =	swait.ge @!p0 [sflag:s0], s1  }
0x46: {  	s1 =	ssub.s32 @!p0 $0x0, s1;
	[sflag:s0] =	ssyncset.done @!p0 $0x0  }
0x47: {  	[sflag:s0] =	ssyncadd.s32 @!p0 s1  }
0x48: {  	[bflag:$0x3] =	sbarrier.arrive $0xFFFF  }
0x49: {  	_ =	shalt  }

</sc_bundles>
